<compile_context>
chip_gen: v7x
topology: tpu7x:2x2x1
jax: 0.10.2.dev20260603
libtpu: 0.0.44.dev20260713+nightly
codegen_flags: <defaults>
</compile_context>

<pallas_src>
import functools

import jax
import jax.numpy as jnp
from jax import lax
from jax.experimental import pallas as pl
from jax.experimental.pallas import tpu as pltpu
from jax.experimental.pallas import tpu_sc as plsc

_N = 10000
_E = 320000
_D = 128
_G = 128
_MF = 16
_DH = 128

_NP = 10240
_EP = 327680
_CHUNK = 128
_NCHUNKS = _EP // _CHUNK
_NC, _NS = 2, 16
_CPT = _NCHUNKS // (_NC * _NS)
_CPT_A = 140
_CPT_B = 20
_ROWS_PT = _NP // _NS
_NB = _NP // 256

_SELU_ALPHA = 1.6732632423543772
_SELU_SCALE = 1.0507009873554805

_P = lax.Precision.HIGHEST
_MESH = plsc.VectorSubcoreMesh(core_axis_name="c", subcore_axis_name="s")


def _selu(z):
    return _SELU_SCALE * jnp.where(z > 0, z, _SELU_ALPHA * (jnp.exp(z) - 1.0))


def _dinv(d0, d1):
    return lax.rsqrt(1.0 + d0[:, 0:1] + d1[:, 0:1])



def _fill_rows(buf, nrows, width, value):
    vec = jnp.full((16,), value, jnp.float32)

    def body(r, carry):
        for k in range(width // 16):
            buf[r, pl.ds(k * 16, 16)] = vec
        return carry

    lax.fori_loop(0, nrows, body, 0)


def _deg_body(dst_hbm, out_hbm, db0, db1, rbuf, hist, dsem0, dsem1):
    c = lax.axis_index("c")
    s = lax.axis_index("s")
    _fill_rows(rbuf, _CHUNK, _D, 0.0)
    row0 = s * _ROWS_PT
    for k in range(_ROWS_PT // _CHUNK):
        pltpu.sync_copy(rbuf, hist.at[pl.ds(row0 + k * _CHUNK, _CHUNK)])
    plsc.subcore_barrier()
    _fill_rows(rbuf, _CHUNK, _D, 1.0)
    ebase = (c * _NS + s) * _CPT * _CHUNK
    dbufs = (db0, db1)
    dsems = (dsem0, dsem1)
    pltpu.async_copy(dst_hbm.at[pl.ds(ebase, _CHUNK)], db0, dsem0)

    def body(t, carry):
        for par in range(2):
            j = 2 * t + par
            np_ = 1 - par

            @pl.when(j + 1 < _CPT)
            def _():
                pltpu.async_copy(
                    dst_hbm.at[pl.ds(ebase + (j + 1) * _CHUNK, _CHUNK)],
                    dbufs[np_], dsems[np_])

            pltpu.make_async_copy(
                dst_hbm.at[pl.ds(ebase + j * _CHUNK, _CHUNK)], dbufs[par],
                dsems[par]).wait()
            pltpu.sync_copy(rbuf, hist.at[dbufs[par]], add=True)
        return carry

    lax.fori_loop(0, _CPT // 2, body, 0)
    plsc.subcore_barrier()
    pltpu.sync_copy(
        hist.at[pl.ds(row0, _ROWS_PT)],
        out_hbm.at[pl.ds(c * _NP + row0, _ROWS_PT)],
    )


def _sc_degree(dst_flat):
    return pl.kernel(
        _deg_body,
        out_type=jax.ShapeDtypeStruct((2 * _NP, _D), jnp.float32),
        mesh=_MESH,
        scratch_types=[
            pltpu.VMEM((_CHUNK,), jnp.int32),
            pltpu.VMEM((_CHUNK,), jnp.int32),
            pltpu.VMEM((_CHUNK, _D), jnp.float32),
            pltpu.VMEM_SHARED((_NP, _D), jnp.float32),
            pltpu.SemaphoreType.DMA,
            pltpu.SemaphoreType.DMA,
        ],
    )(dst_flat)


def _edge_body(hs_hbm, src_hbm, dst_hbm, out_hbm, sb0, sb1, db0, db1,
               gb0, gb1, acc, gsem0, gsem1, ssem0, ssem1, dsem0, dsem1):
    c = lax.axis_index("c")
    s = lax.axis_index("s")
    cpt = jnp.where(c == 0, _CPT_A, _CPT_B)
    cbase = jnp.where(c == 0, s * _CPT_A, _NS * _CPT_A + s * _CPT_B)
    row0 = s * _ROWS_PT

    _fill_rows(gb0, _CHUNK, _D, 0.0)
    for k in range(_ROWS_PT // _CHUNK):
        pltpu.sync_copy(gb0, acc.at[pl.ds(row0 + k * _CHUNK, _CHUNK)])
    plsc.subcore_barrier()

    gbufs = (gb0, gb1)
    gsems = (gsem0, gsem1)
    sbufs = (sb0, sb1)
    ssems = (ssem0, ssem1)
    dbufs = (db0, db1)
    dsems = (dsem0, dsem1)

    ebase = cbase * _CHUNK

    @pl.when(cpt > 0)
    def _():
        pltpu.sync_copy(src_hbm.at[pl.ds(ebase, _CHUNK)], sb0)
        pltpu.async_copy(hs_hbm.at[sb0], gb0, gsem0)
        pltpu.async_copy(
            src_hbm.at[pl.ds(ebase + _CHUNK, _CHUNK)], sb1, ssem1)
        pltpu.async_copy(dst_hbm.at[pl.ds(ebase, _CHUNK)], db0, dsem0)

    def body(t, carry):
        for par in range(2):
            j = 2 * t + par
            np_ = 1 - par

            pltpu.make_async_copy(
                hs_hbm.at[sbufs[par]], gbufs[par], gsems[par]).wait()

            @pl.when(j + 2 < cpt)
            def _():
                pltpu.async_copy(
                    src_hbm.at[pl.ds(ebase + (j + 2) * _CHUNK, _CHUNK)],
                    sbufs[par], ssems[par])

            @pl.when(j + 1 < cpt)
            def _():
                pltpu.make_async_copy(
                    src_hbm.at[pl.ds(ebase + (j + 1) * _CHUNK, _CHUNK)],
                    sbufs[np_], ssems[np_]).wait()
                pltpu.async_copy(
                    hs_hbm.at[sbufs[np_]], gbufs[np_], gsems[np_])
                pltpu.async_copy(
                    dst_hbm.at[pl.ds(ebase + (j + 1) * _CHUNK, _CHUNK)],
                    dbufs[np_], dsems[np_])

            pltpu.make_async_copy(
                dst_hbm.at[pl.ds(ebase + j * _CHUNK, _CHUNK)], dbufs[par],
                dsems[par]).wait()
            pltpu.sync_copy(gbufs[par], acc.at[dbufs[par]], add=True)
        return carry

    lax.fori_loop(0, cpt // 2, body, 0)
    plsc.subcore_barrier()
    pltpu.sync_copy(
        acc.at[pl.ds(row0, _ROWS_PT)],
        out_hbm.at[pl.ds(c * _NP + row0, _ROWS_PT)],
    )


def _sc_edge_scatter(hs, src2d, dst2d):
    return pl.kernel(
        _edge_body,
        out_type=jax.ShapeDtypeStruct((2 * _NP, _D), jnp.float32),
        mesh=_MESH,
        scratch_types=[
            pltpu.VMEM((_CHUNK,), jnp.int32),
            pltpu.VMEM((_CHUNK,), jnp.int32),
            pltpu.VMEM((_CHUNK,), jnp.int32),
            pltpu.VMEM((_CHUNK,), jnp.int32),
            pltpu.VMEM((_CHUNK, _D), jnp.float32),
            pltpu.VMEM((_CHUNK, _D), jnp.float32),
            pltpu.VMEM_SHARED((_NP, _D), jnp.float32),
            pltpu.SemaphoreType.DMA,
            pltpu.SemaphoreType.DMA,
            pltpu.SemaphoreType.DMA,
            pltpu.SemaphoreType.DMA,
            pltpu.SemaphoreType.DMA,
            pltpu.SemaphoreType.DMA,
        ],
    )(hs, src2d, dst2d)



def _pre_body(x_ref, w_ref, d0_ref, d1_ref, o_ref):
    dinv = _dinv(d0_ref[...], d1_ref[...])
    h = jnp.dot(x_ref[...], w_ref[...], precision=_P,
                preferred_element_type=jnp.float32)
    o_ref[...] = h * dinv


def _tc_pre(x_pad, w, degp):
    return pl.pallas_call(
        _pre_body,
        grid=(_NB,),
        in_specs=[
            pl.BlockSpec((256, _D), lambda i: (i, 0)),
            pl.BlockSpec((_D, _DH), lambda i: (0, 0)),
            pl.BlockSpec((256, _D), lambda i: (i, 0)),
            pl.BlockSpec((256, _D), lambda i: (_NB + i, 0)),
        ],
        out_specs=pl.BlockSpec((256, _DH), lambda i: (i, 0)),
        out_shape=jax.ShapeDtypeStruct((_NP, _DH), jnp.float32),
    )(x_pad, w, degp, degp)


def _postA_body(p0, p1, hs, d0, d1, b, a_ref, s_ref, acc):
    i = pl.program_id(0)
    dinv = _dinv(d0[...], d1[...])
    z = dinv * (p0[...] + p1[...] + hs[...]) + b[0:1, :]
    a = _selu(z)
    a_ref[...] = a
    rows = i * 256 + lax.broadcasted_iota(jnp.int32, (256, 1), 0)
    am = jnp.where(rows < _N, a, 0.0)

    @pl.when(i == 0)
    def _():
        acc[...] = jnp.zeros_like(acc)

    acc[0:1, :] += jnp.sum(am, axis=0, keepdims=True)
    acc[1:2, :] += jnp.sum(am * am, axis=0, keepdims=True)

    @pl.when(i == _NB - 1)
    def _():
        s_ref[...] = acc[...]


def _tc_postA(parts, hs, degp, b):
    return pl.pallas_call(
        _postA_body,
        grid=(_NB,),
        in_specs=[
            pl.BlockSpec((256, _DH), lambda i: (i, 0)),
            pl.BlockSpec((256, _DH), lambda i: (_NB + i, 0)),
            pl.BlockSpec((256, _DH), lambda i: (i, 0)),
            pl.BlockSpec((256, _D), lambda i: (i, 0)),
            pl.BlockSpec((256, _D), lambda i: (_NB + i, 0)),
            pl.BlockSpec((1, _DH), lambda i: (0, 0)),
        ],
        out_specs=[
            pl.BlockSpec((256, _DH), lambda i: (i, 0)),
            pl.BlockSpec((8, _DH), lambda i: (0, 0)),
        ],
        out_shape=[
            jax.ShapeDtypeStruct((_NP, _DH), jnp.float32),
            jax.ShapeDtypeStruct((8, _DH), jnp.float32),
        ],
        scratch_shapes=[pltpu.VMEM((8, _DH), jnp.float32)],
    )(parts, parts, hs, degp, degp, b)


def _postB_body(a, s, g, be, w, d0, d1, o_ref):
    mu = s[0:1, :] * (1.0 / _N)
    var = s[1:2, :] * (1.0 / _N) - mu * mu
    rstd = lax.rsqrt(var + 1e-5)
    h = (a[...] - mu) * rstd * g[0:1, :] + be[0:1, :]
    dinv = _dinv(d0[...], d1[...])
    o_ref[...] = jnp.dot(h, w[...], precision=_P,
                         preferred_element_type=jnp.float32) * dinv


def _tc_postB(a, sums, g, be, w, degp):
    return pl.pallas_call(
        _postB_body,
        grid=(_NB,),
        in_specs=[
            pl.BlockSpec((256, _DH), lambda i: (i, 0)),
            pl.BlockSpec((8, _DH), lambda i: (0, 0)),
            pl.BlockSpec((1, _DH), lambda i: (0, 0)),
            pl.BlockSpec((1, _DH), lambda i: (0, 0)),
            pl.BlockSpec((_DH, _DH), lambda i: (0, 0)),
            pl.BlockSpec((256, _D), lambda i: (i, 0)),
            pl.BlockSpec((256, _D), lambda i: (_NB + i, 0)),
        ],
        out_specs=pl.BlockSpec((256, _DH), lambda i: (i, 0)),
        out_shape=jax.ShapeDtypeStruct((_NP, _DH), jnp.float32),
    )(a, sums, g, be, w, degp, degp)


def _final_body(p0, p1, hs, d0, d1, b, bt, mol, wa, wb, bf1, wf2, bf2,
                o_ref, hg_acc):
    i = pl.program_id(0)
    dinv = _dinv(d0[...], d1[...])
    z = dinv * (p0[...] + p1[...] + hs[...]) + b[0:1, :]
    a = _selu(z)
    oh = (bt[...] == lax.broadcasted_iota(jnp.int32, (256, _G), 1)
          ).astype(jnp.float32)
    part = lax.dot_general(oh, a, (((0,), (0,)), ((), ())), precision=_P,
                           preferred_element_type=jnp.float32)

    @pl.when(i == 0)
    def _():
        hg_acc[...] = jnp.zeros_like(hg_acc)

    hg_acc[...] += part

    @pl.when(i == _NB - 1)
    def _():
        hg = hg_acc[...]
        h = (jnp.dot(hg, wa[...], precision=_P,
                     preferred_element_type=jnp.float32)
             + jnp.dot(mol[...], wb[...], precision=_P,
                       preferred_element_type=jnp.float32)
             + bf1[0:1, :])
        h = _selu(h)
        res = jnp.dot(h, wf2[...], precision=_P,
                      preferred_element_type=jnp.float32)
        o_ref[...] = res[:, 0:1] + bf2[0, 0]


def _tc_final(parts, hs, degp, b, batch2d, mol, wa, wb, bf1, wf2p, bf2):
    return pl.pallas_call(
        _final_body,
        grid=(_NB,),
        in_specs=[
            pl.BlockSpec((256, _DH), lambda i: (i, 0)),
            pl.BlockSpec((256, _DH), lambda i: (_NB + i, 0)),
            pl.BlockSpec((256, _DH), lambda i: (i, 0)),
            pl.BlockSpec((256, _D), lambda i: (i, 0)),
            pl.BlockSpec((256, _D), lambda i: (_NB + i, 0)),
            pl.BlockSpec((1, _DH), lambda i: (0, 0)),
            pl.BlockSpec((256, 1), lambda i: (i, 0)),
            pl.BlockSpec((_G, _MF), lambda i: (0, 0)),
            pl.BlockSpec((_DH, _DH), lambda i: (0, 0)),
            pl.BlockSpec((_MF, _DH), lambda i: (0, 0)),
            pl.BlockSpec((1, _DH), lambda i: (0, 0)),
            pl.BlockSpec((_DH, _DH), lambda i: (0, 0)),
            pl.BlockSpec((1, 1), lambda i: (0, 0)),
        ],
        out_specs=pl.BlockSpec((_G, 1), lambda i: (0, 0)),
        out_shape=jax.ShapeDtypeStruct((_G, 1), jnp.float32),
        scratch_shapes=[pltpu.VMEM((_G, _DH), jnp.float32)],
    )(parts, parts, hs, degp, degp, b, batch2d, mol, wa, wb, bf1, wf2p, bf2)



def kernel(x, edge_index, batch, mol_feats, W1, b1, g1, be1, W2, b2, g2, be2,
           W3, b3, Wf1, bf1, Wf2, bf2):
    f32 = jnp.float32
    npad = _NP - _N
    epad = _EP - _E

    src = jnp.concatenate(
        [edge_index[0], jnp.full((epad,), _N, jnp.int32)])
    dst = jnp.concatenate(
        [edge_index[1], _N + (jnp.arange(epad, dtype=jnp.int32) % 128)])
    x_pad = jnp.concatenate([x, jnp.zeros((npad, _D), f32)], axis=0)
    batch2d = jnp.concatenate(
        [batch, jnp.full((npad,), _G, jnp.int32)]).reshape(_NP, 1)

    b1r = b1.reshape(1, _DH)
    b2r = b2.reshape(1, _DH)
    b3r = b3.reshape(1, _DH)
    g1r = g1.reshape(1, _DH)
    g2r = g2.reshape(1, _DH)
    be1r = be1.reshape(1, _DH)
    be2r = be2.reshape(1, _DH)
    bf1r = bf1.reshape(1, -1)
    wa = Wf1[:_DH]
    wb = Wf1[_DH:]
    wf2p = jnp.concatenate([Wf2, jnp.zeros((Wf2.shape[0], _DH - Wf2.shape[1]),
                                           f32)], axis=1)
    bf2r = bf2.reshape(1, 1)

    degp = _sc_degree(dst)

    hs1 = _tc_pre(x_pad, W1, degp)
    p1 = _sc_edge_scatter(hs1, src, dst)
    a1, s1 = _tc_postA(p1, hs1, degp, b1r)
    hs2 = _tc_postB(a1, s1, g1r, be1r, W2, degp)

    p2 = _sc_edge_scatter(hs2, src, dst)
    a2, s2 = _tc_postA(p2, hs2, degp, b2r)
    hs3 = _tc_postB(a2, s2, g2r, be2r, W3, degp)

    p3 = _sc_edge_scatter(hs3, src, dst)
    out = _tc_final(p3, hs3, degp, b3r, batch2d, mol_feats, wa, wb, bf1r,
                    wf2p, bf2r)
    return out

# --- scband reference (transcript-rebuilt; emitter-appended) ---
"""Pipeline reference for scband-egcn-80401787781187 (READ-ONLY COPY).

The authoritative reference and input builder live on the scoring server;
editing this copy changes nothing except your own understanding.
"""

import jax, jax.numpy as jnp
import numpy as np

N = 10000
E = 320000
D = 128
G = 128
MF = 16
DH = 128
DE = 128
DO = 1


def _gcn(x, edge_index, W, b):
    h = x @ W
    loop = jnp.arange(N, dtype=edge_index.dtype)
    src = jnp.concatenate([edge_index[0], loop])
    dst = jnp.concatenate([edge_index[1], loop])
    deg = jax.ops.segment_sum(jnp.ones_like(src, dtype=h.dtype), dst, num_segments=N)
    dinv = jnp.where(deg > 0, 1.0 / jnp.sqrt(deg), 0.0)
    norm = dinv[src] * dinv[dst]
    out = jax.ops.segment_sum(h[src] * norm[:, None], dst, num_segments=N)
    return out + b


def _bn(h, gamma, beta):
    mean = jnp.mean(h, axis=0)
    var = jnp.var(h, axis=0)
    return (h - mean) / jnp.sqrt(var + 1e-5) * gamma + beta


def setup_inputs(seed: int = 0):
    key = jax.random.key(seed)
    ks = jax.random.split(key, 16)
    x = jax.random.normal(ks[0], (N, D), dtype=jnp.float32)
    edge_index = jax.random.randint(ks[1], (2, E), 0, N, dtype=jnp.int32)
    batch = jnp.sort(jax.random.randint(ks[2], (N,), 0, G, dtype=jnp.int32))
    mol_feats = jax.random.normal(ks[3], (G, MF), dtype=jnp.float32)
    W1 = jax.random.normal(ks[4], (D, DH), dtype=jnp.float32) / np.sqrt(D)
    b1 = jnp.zeros((DH,), dtype=jnp.float32)
    g1 = jnp.ones((DH,), dtype=jnp.float32)
    be1 = jnp.zeros((DH,), dtype=jnp.float32)
    W2 = jax.random.normal(ks[5], (DH, DH), dtype=jnp.float32) / np.sqrt(DH)
    b2 = jnp.zeros((DH,), dtype=jnp.float32)
    g2 = jnp.ones((DH,), dtype=jnp.float32)
    be2 = jnp.zeros((DH,), dtype=jnp.float32)
    W3 = jax.random.normal(ks[6], (DH, DH), dtype=jnp.float32) / np.sqrt(DH)
    b3 = jnp.zeros((DH,), dtype=jnp.float32)
    Wf1 = jax.random.normal(ks[7], (DH + MF, DE), dtype=jnp.float32) / np.sqrt(DH + MF)
    bf1 = jnp.zeros((DE,), dtype=jnp.float32)
    Wf2 = jax.random.normal(ks[8], (DE, DO), dtype=jnp.float32) / np.sqrt(DE)
    bf2 = jnp.zeros((DO,), dtype=jnp.float32)
    return {"x": x, "edge_index": edge_index, "batch": batch, "mol_feats": mol_feats,
            "W1": W1, "b1": b1, "g1": g1, "be1": be1,
            "W2": W2, "b2": b2, "g2": g2, "be2": be2,
            "W3": W3, "b3": b3, "Wf1": Wf1, "bf1": bf1, "Wf2": Wf2, "bf2": bf2}


def reference(x, edge_index, batch, mol_feats, W1, b1, g1, be1, W2, b2, g2, be2, W3, b3, Wf1, bf1, Wf2, bf2):
    h1 = jax.nn.selu(_gcn(x, edge_index, W1, b1))
    h1 = _bn(h1, g1, be1)
    h2 = jax.nn.selu(_gcn(h1, edge_index, W2, b2))
    h2 = _bn(h2, g2, be2)
    h3 = jax.nn.selu(_gcn(h2, edge_index, W3, b3))
    hg = jax.ops.segment_sum(h3, batch, num_segments=G)
    h = jax.nn.selu(jnp.concatenate([hg, mol_feats], axis=1) @ Wf1 + bf1)
    out = h @ Wf2 + bf2
    return out

if __name__ == "__main__":
    import jax
    _d = setup_inputs()
    print(jax.jit(kernel)(*tuple(_d.values())))

</pallas_src>

<mosaic_0001>
#map = affine_map<(d0, d1) -> (0)>
#map1 = affine_map<(d0, d1) -> (0, 0)>
module attributes {stable_mosaic.version = 14 : i64} {
  func.func @_deg_body(%arg0: i32, %arg1: i32, %arg2: memref<327680xi32, #tpu.memory_space<hbm>>, %arg3: memref<20480x128xf32, #tpu.memory_space<hbm>>, %arg4: memref<128xi32, #tpu.memory_space<vmem>>, %arg5: memref<128xi32, #tpu.memory_space<vmem>>, %arg6: memref<128x128xf32, #tpu.memory_space<vmem>>, %arg7: memref<10240x128xf32, #tpu.memory_space<vmem_shared>>, %arg8: memref<!tpu.dma_semaphore, #tpu.memory_space<semaphore_mem>>, %arg9: memref<!tpu.dma_semaphore, #tpu.memory_space<semaphore_mem>>) attributes {dimension_semantics = [#tpu.dimension_semantics<core_parallel>, #tpu.dimension_semantics<subcore_parallel>], iteration_bounds = array<i64: 2, 16>, scalar_prefetch = 0 : i64, scratch_operands = 6 : i64, tpu.core_type = #tpu.core_type<sc_vector_subcore>, window_params = [{transform_indices = #map}, {transform_indices = #map1}]} {
    %broadcast_in_dim3A = arith.constant 0.000000e+00 : f32
    %broadcast_in_dim3A_0 = vector.broadcast %broadcast_in_dim3A : f32 to vector<16xf32>
    %scan3A = arith.constant 0 : i32
    %scan3A_1 = arith.constant 0 : i32
    %scan3A_2 = arith.constant 128 : i32
    %scan3A_3 = arith.addi %scan3A_1, %scan3A_2 : i32
    %scan3A_4 = arith.constant 1 : i32
    scf.for %scan3A_42 = %scan3A_1 to %scan3A_3 step %scan3A_4  : i32 {
      %swap3A = arith.index_cast %scan3A_42 : i32 to index
      %swap3A_43 = arith.constant 0 : index
      %swap3A_44 = tpu.vector_load %arg6[%swap3A, %swap3A_43] {strides = array<i32>} : memref<128x128xf32, #tpu.memory_space<vmem>>, vector<1x16xf32>,
      %swap3A_45 = vector.shape_cast %swap3A_44 : vector<1x16xf32> to vector<16xf32>
      %swap3A_46 = vector.shape_cast %broadcast_in_dim3A_0 : vector<16xf32> to vector<1x16xf32>
      tpu.vector_store %arg6[%swap3A, %swap3A_43], %swap3A_46 {strides = array<i32>} : memref<128x128xf32, #tpu.memory_space<vmem>>, vector<1x16xf32>,
      %swap3A_47 = arith.index_cast %scan3A_42 : i32 to index
      %swap3A_48 = arith.constant 16 : index
      %swap3A_49 = tpu.vector_load %arg6[%swap3A_47, %swap3A_48] {strides = array<i32>} : memref<128x128xf32, #tpu.memory_space<vmem>>, vector<1x16xf32>,
      %swap3A_50 = vector.shape_cast %swap3A_49 : vector<1x16xf32> to vector<16xf32>
      %swap3A_51 = vector.shape_cast %broadcast_in_dim3A_0 : vector<16xf32> to vector<1x16xf32>
      tpu.vector_store %arg6[%swap3A_47, %swap3A_48], %swap3A_51 {strides = array<i32>} : memref<128x128xf32, #tpu.memory_space<vmem>>, vector<1x16xf32>,
      %swap3A_52 = arith.index_cast %scan3A_42 : i32 to index
      %swap3A_53 = arith.constant 32 : index
      %swap3A_54 = tpu.vector_load %arg6[%swap3A_52, %swap3A_53] {strides = array<i32>} : memref<128x128xf32, #tpu.memory_space<vmem>>, vector<1x16xf32>,
      %swap3A_55 = vector.shape_cast %swap3A_54 : vector<1x16xf32> to vector<16xf32>
      %swap3A_56 = vector.shape_cast %broadcast_in_dim3A_0 : vector<16xf32> to vector<1x16xf32>
      tpu.vector_store %arg6[%swap3A_52, %swap3A_53], %swap3A_56 {strides = array<i32>} : memref<128x128xf32, #tpu.memory_space<vmem>>, vector<1x16xf32>,
      %swap3A_57 = arith.index_cast %scan3A_42 : i32 to index
      %swap3A_58 = arith.constant 48 : index
      %swap3A_59 = tpu.vector_load %arg6[%swap3A_57, %swap3A_58] {strides = array<i32>} : memref<128x128xf32, #tpu.memory_space<vmem>>, vector<1x16xf32>,
      %swap3A_60 = vector.shape_cast %swap3A_59 : vector<1x16xf32> to vector<16xf32>
      %swap3A_61 = vector.shape_cast %broadcast_in_dim3A_0 : vector<16xf32> to vector<1x16xf32>
      tpu.vector_store %arg6[%swap3A_57, %swap3A_58], %swap3A_61 {strides = array<i32>} : memref<128x128xf32, #tpu.memory_space<vmem>>, vector<1x16xf32>,
      %swap3A_62 = arith.index_cast %scan3A_42 : i32 to index
      %swap3A_63 = arith.constant 64 : index
      %swap3A_64 = tpu.vector_load %arg6[%swap3A_62, %swap3A_63] {strides = array<i32>} : memref<128x128xf32, #tpu.memory_space<vmem>>, vector<1x16xf32>,
      %swap3A_65 = vector.shape_cast %swap3A_64 : vector<1x16xf32> to vector<16xf32>
      %swap3A_66 = vector.shape_cast %broadcast_in_dim3A_0 : vector<16xf32> to vector<1x16xf32>
      tpu.vector_store %arg6[%swap3A_62, %swap3A_63], %swap3A_66 {strides = array<i32>} : memref<128x128xf32, #tpu.memory_space<vmem>>, vector<1x16xf32>,
      %swap3A_67 = arith.index_cast %scan3A_42 : i32 to index
      %swap3A_68 = arith.constant 80 : index
      %swap3A_69 = tpu.vector_load %arg6[%swap3A_67, %swap3A_68] {strides = array<i32>} : memref<128x128xf32, #tpu.memory_space<vmem>>, vector<1x16xf32>,
      %swap3A_70 = vector.shape_cast %swap3A_69 : vector<1x16xf32> to vector<16xf32>
      %swap3A_71 = vector.shape_cast %broadcast_in_dim3A_0 : vector<16xf32> to vector<1x16xf32>
      tpu.vector_store %arg6[%swap3A_67, %swap3A_68], %swap3A_71 {strides = array<i32>} : memref<128x128xf32, #tpu.memory_space<vmem>>, vector<1x16xf32>,
      %swap3A_72 = arith.index_cast %scan3A_42 : i32 to index
      %swap3A_73 = arith.constant 96 : index
      %swap3A_74 = tpu.vector_load %arg6[%swap3A_72, %swap3A_73] {strides = array<i32>} : memref<128x128xf32, #tpu.memory_space<vmem>>, vector<1x16xf32>,
      %swap3A_75 = vector.shape_cast %swap3A_74 : vector<1x16xf32> to vector<16xf32>
      %swap3A_76 = vector.shape_cast %broadcast_in_dim3A_0 : vector<16xf32> to vector<1x16xf32>
      tpu.vector_store %arg6[%swap3A_72, %swap3A_73], %swap3A_76 {strides = array<i32>} : memref<128x128xf32, #tpu.memory_space<vmem>>, vector<1x16xf32>,
      %swap3A_77 = arith.index_cast %scan3A_42 : i32 to index
      %swap3A_78 = arith.constant 112 : index
      %swap3A_79 = tpu.vector_load %arg6[%swap3A_77, %swap3A_78] {strides = array<i32>} : memref<128x128xf32, #tpu.memory_space<vmem>>, vector<1x16xf32>,
      %swap3A_80 = vector.shape_cast %swap3A_79 : vector<1x16xf32> to vector<16xf32>
      %swap3A_81 = vector.shape_cast %broadcast_in_dim3A_0 : vector<16xf32> to vector<1x16xf32>
      tpu.vector_store %arg6[%swap3A_77, %swap3A_78], %swap3A_81 {strides = array<i32>} : memref<128x128xf32, #tpu.memory_space<vmem>>, vector<1x16xf32>,
    }
    %scan3A_5 = arith.constant 128 : i32
    %mul3A = arith.constant 640 : i32
    %mul3A_6 = arith.muli %arg1, %mul3A : i32
    %add3A = arith.constant 0 : i32
    %add3A_7 = arith.addi %mul3A_6, %add3A : i32
    "tpu.region"() ({
      %run_scoped3A = tpu.sem_alloc : memref<!tpu.dma_semaphore, #tpu.memory_space<semaphore_mem>>
      %dma_start3A_42 = arith.constant 0 : i32
      %dma_start3A_43 = tpu.memref_slice %arg7[%add3A_7, %dma_start3A_42] : memref<10240x128xf32, #tpu.memory_space<vmem_shared>> -> memref<128x128xf32, #tpu.memory_space<vmem_shared>>
      %dma_start3A_44 = arith.constant 0 : i32
      %dma_start3A_45 = tpu.memref_slice %arg7[%add3A_7, %dma_start3A_44] : memref<10240x128xf32, #tpu.memory_space<vmem_shared>> -> memref<128x128xf32, #tpu.memory_space<vmem_shared>>
      tpu.enqueue_dma source(%arg6 : memref<128x128xf32, #tpu.memory_space<vmem>>) target(%dma_start3A_45 : memref<128x128xf32, #tpu.memory_space<vmem_shared>>) target_semaphore(%run_scoped3A : memref<!tpu.dma_semaphore, #tpu.memory_space<semaphore_mem>>)
      %dma_wait3A = arith.constant 0 : i32
      %dma_wait3A_46 = tpu.memref_slice %arg7[%add3A_7, %dma_wait3A] : memref<10240x128xf32, #tpu.memory_space<vmem_shared>> -> memref<128x128xf32, #tpu.memory_space<vmem_shared>>
      %dma_wait3A_47 = arith.constant 0 : i32
      %dma_wait3A_48 = tpu.memref_slice %arg7[%add3A_7, %dma_wait3A_47] : memref<10240x128xf32, #tpu.memory_space<vmem_shared>> -> memref<128x128xf32, #tpu.memory_space<vmem_shared>>
      tpu.wait_dma2 semaphore(%run_scoped3A : memref<!tpu.dma_semaphore, #tpu.memory_space<semaphore_mem>>) src(%arg6 : memref<128x128xf32, #tpu.memory_space<vmem>>) dst(%dma_wait3A_48 : memref<128x128xf32, #tpu.memory_space<vmem_shared>>)
      tpu.yield
    }) : () -> ()
    %add3A_8 = arith.constant 128 : i32
    %add3A_9 = arith.addi %mul3A_6, %add3A_8 : i32
    "tpu.region"() ({
      %run_scoped3A = tpu.sem_alloc : memref<!tpu.dma_semaphore, #tpu.memory_space<semaphore_mem>>
      %dma_start3A_42 = arith.constant 0 : i32
      %dma_start3A_43 = tpu.memref_slice %arg7[%add3A_9, %dma_start3A_42] : memref<10240x128xf32, #tpu.memory_space<vmem_shared>> -> memref<128x128xf32, #tpu.memory_space<vmem_shared>>
      %dma_start3A_44 = arith.constant 0 : i32
      %dma_start3A_45 = tpu.memref_slice %arg7[%add3A_9, %dma_start3A_44] : memref<10240x128xf32, #tpu.memory_space<vmem_shared>> -> memref<128x128xf32, #tpu.memory_space<vmem_shared>>
      tpu.enqueue_dma source(%arg6 : memref<128x128xf32, #tpu.memory_space<vmem>>) target(%dma_start3A_45 : memref<128x128xf32, #tpu.memory_space<vmem_shared>>) target_semaphore(%run_scoped3A : memref<!tpu.dma_semaphore, #tpu.memory_space<semaphore_mem>>)
      %dma_wait3A = arith.constant 0 : i32
      %dma_wait3A_46 = tpu.memref_slice %arg7[%add3A_9, %dma_wait3A] : memref<10240x128xf32, #tpu.memory_space<vmem_shared>> -> memref<128x128xf32, #tpu.memory_space<vmem_shared>>
      %dma_wait3A_47 = arith.constant 0 : i32
      %dma_wait3A_48 = tpu.memref_slice %arg7[%add3A_9, %dma_wait3A_47] : memref<10240x128xf32, #tpu.memory_space<vmem_shared>> -> memref<128x128xf32, #tpu.memory_space<vmem_shared>>
      tpu.wait_dma2 semaphore(%run_scoped3A : memref<!tpu.dma_semaphore, #tpu.memory_space<semaphore_mem>>) src(%arg6 : memref<128x128xf32, #tpu.memory_space<vmem>>) dst(%dma_wait3A_48 : memref<128x128xf32, #tpu.memory_space<vmem_shared>>)
      tpu.yield
    }) : () -> ()
    %add3A_10 = arith.constant 256 : i32
    %add3A_11 = arith.addi %mul3A_6, %add3A_10 : i32
    "tpu.region"() ({
      %run_scoped3A = tpu.sem_alloc : memref<!tpu.dma_semaphore, #tpu.memory_space<semaphore_mem>>
      %dma_start3A_42 = arith.constant 0 : i32
      %dma_start3A_43 = tpu.memref_slice %arg7[%add3A_11, %dma_start3A_42] : memref<10240x128xf32, #tpu.memory_space<vmem_shared>> -> memref<128x128xf32, #tpu.memory_space<vmem_shared>>
      %dma_start3A_44 = arith.constant 0 : i32
      %dma_start3A_45 = tpu.memref_slice %arg7[%add3A_11, %dma_start3A_44] : memref<10240x128xf32, #tpu.memory_space<vmem_shared>> -> memref<128x128xf32, #tpu.memory_space<vmem_shared>>
      tpu.enqueue_dma source(%arg6 : memref<128x128xf32, #tpu.memory_space<vmem>>) target(%dma_start3A_45 : memref<128x128xf32, #tpu.memory_space<vmem_shared>>) target_semaphore(%run_scoped3A : memref<!tpu.dma_semaphore, #tpu.memory_space<semaphore_mem>>)
      %dma_wait3A = arith.constant 0 : i32
      %dma_wait3A_46 = tpu.memref_slice %arg7[%add3A_11, %dma_wait3A] : memref<10240x128xf32, #tpu.memory_space<vmem_shared>> -> memref<128x128xf32, #tpu.memory_space<vmem_shared>>
      %dma_wait3A_47 = arith.constant 0 : i32
      %dma_wait3A_48 = tpu.memref_slice %arg7[%add3A_11, %dma_wait3A_47] : memref<10240x128xf32, #tpu.memory_space<vmem_shared>> -> memref<128x128xf32, #tpu.memory_space<vmem_shared>>
      tpu.wait_dma2 semaphore(%run_scoped3A : memref<!tpu.dma_semaphore, #tpu.memory_space<semaphore_mem>>) src(%arg6 : memref<128x128xf32, #tpu.memory_space<vmem>>) dst(%dma_wait3A_48 : memref<128x128xf32, #tpu.memory_space<vmem_shared>>)
      tpu.yield
    }) : () -> ()
    %add3A_12 = arith.constant 384 : i32
    %add3A_13 = arith.addi %mul3A_6, %add3A_12 : i32
    "tpu.region"() ({
      %run_scoped3A = tpu.sem_alloc : memref<!tpu.dma_semaphore, #tpu.memory_space<semaphore_mem>>
      %dma_start3A_42 = arith.constant 0 : i32
      %dma_start3A_43 = tpu.memref_slice %arg7[%add3A_13, %dma_start3A_42] : memref<10240x128xf32, #tpu.memory_space<vmem_shared>> -> memref<128x128xf32, #tpu.memory_space<vmem_shared>>
      %dma_start3A_44 = arith.constant 0 : i32
      %dma_start3A_45 = tpu.memref_slice %arg7[%add3A_13, %dma_start3A_44] : memref<10240x128xf32, #tpu.memory_space<vmem_shared>> -> memref<128x128xf32, #tpu.memory_space<vmem_shared>>
      tpu.enqueue_dma source(%arg6 : memref<128x128xf32, #tpu.memory_space<vmem>>) target(%dma_start3A_45 : memref<128x128xf32, #tpu.memory_space<vmem_shared>>) target_semaphore(%run_scoped3A : memref<!tpu.dma_semaphore, #tpu.memory_space<semaphore_mem>>)
      %dma_wait3A = arith.constant 0 : i32
      %dma_wait3A_46 = tpu.memref_slice %arg7[%add3A_13, %dma_wait3A] : memref<10240x128xf32, #tpu.memory_space<vmem_shared>> -> memref<128x128xf32, #tpu.memory_space<vmem_shared>>
      %dma_wait3A_47 = arith.constant 0 : i32
      %dma_wait3A_48 = tpu.memref_slice %arg7[%add3A_13, %dma_wait3A_47] : memref<10240x128xf32, #tpu.memory_space<vmem_shared>> -> memref<128x128xf32, #tpu.memory_space<vmem_shared>>
      tpu.wait_dma2 semaphore(%run_scoped3A : memref<!tpu.dma_semaphore, #tpu.memory_space<semaphore_mem>>) src(%arg6 : memref<128x128xf32, #tpu.memory_space<vmem>>) dst(%dma_wait3A_48 : memref<128x128xf32, #tpu.memory_space<vmem_shared>>)
      tpu.yield
    }) : () -> ()
    %add3A_14 = arith.constant 512 : i32
    %add3A_15 = arith.addi %mul3A_6, %add3A_14 : i32
    "tpu.region"() ({
      %run_scoped3A = tpu.sem_alloc : memref<!tpu.dma_semaphore, #tpu.memory_space<semaphore_mem>>
      %dma_start3A_42 = arith.constant 0 : i32
      %dma_start3A_43 = tpu.memref_slice %arg7[%add3A_15, %dma_start3A_42] : memref<10240x128xf32, #tpu.memory_space<vmem_shared>> -> memref<128x128xf32, #tpu.memory_space<vmem_shared>>
      %dma_start3A_44 = arith.constant 0 : i32
      %dma_start3A_45 = tpu.memref_slice %arg7[%add3A_15, %dma_start3A_44] : memref<10240x128xf32, #tpu.memory_space<vmem_shared>> -> memref<128x128xf32, #tpu.memory_space<vmem_shared>>
      tpu.enqueue_dma source(%arg6 : memref<128x128xf32, #tpu.memory_space<vmem>>) target(%dma_start3A_45 : memref<128x128xf32, #tpu.memory_space<vmem_shared>>) target_semaphore(%run_scoped3A : memref<!tpu.dma_semaphore, #tpu.memory_space<semaphore_mem>>)
      %dma_wait3A = arith.constant 0 : i32
      %dma_wait3A_46 = tpu.memref_slice %arg7[%add3A_15, %dma_wait3A] : memref<10240x128xf32, #tpu.memory_space<vmem_shared>> -> memref<128x128xf32, #tpu.memory_space<vmem_shared>>
      %dma_wait3A_47 = arith.constant 0 : i32
      %dma_wait3A_48 = tpu.memref_slice %arg7[%add3A_15, %dma_wait3A_47] : memref<10240x128xf32, #tpu.memory_space<vmem_shared>> -> memref<128x128xf32, #tpu.memory_space<vmem_shared>>
      tpu.wait_dma2 semaphore(%run_scoped3A : memref<!tpu.dma_semaphore, #tpu.memory_space<semaphore_mem>>) src(%arg6 : memref<128x128xf32, #tpu.memory_space<vmem>>) dst(%dma_wait3A_48 : memref<128x128xf32, #tpu.memory_space<vmem_shared>>)
      tpu.yield
    }) : () -> ()
    %barrier3A = arith.constant 0 : index
    tpu.barrier barrier_id(%barrier3A)
    %broadcast_in_dim3A_16 = arith.constant 1.000000e+00 : f32
    %broadcast_in_dim3A_17 = vector.broadcast %broadcast_in_dim3A_16 : f32 to vector<16xf32>
    %scan3A_18 = arith.constant 0 : i32
    %scan3A_19 = arith.constant 0 : i32
    %scan3A_20 = arith.constant 128 : i32
    %scan3A_21 = arith.addi %scan3A_19, %scan3A_20 : i32
    %scan3A_22 = arith.constant 1 : i32
    scf.for %scan3A_42 = %scan3A_19 to %scan3A_21 step %scan3A_22  : i32 {
      %swap3A = arith.index_cast %scan3A_42 : i32 to index
      %swap3A_43 = arith.constant 0 : index
      %swap3A_44 = tpu.vector_load %arg6[%swap3A, %swap3A_43] {strides = array<i32>} : memref<128x128xf32, #tpu.memory_space<vmem>>, vector<1x16xf32>,
      %swap3A_45 = vector.shape_cast %swap3A_44 : vector<1x16xf32> to vector<16xf32>
      %swap3A_46 = vector.shape_cast %broadcast_in_dim3A_17 : vector<16xf32> to vector<1x16xf32>
      tpu.vector_store %arg6[%swap3A, %swap3A_43], %swap3A_46 {strides = array<i32>} : memref<128x128xf32, #tpu.memory_space<vmem>>, vector<1x16xf32>,
      %swap3A_47 = arith.index_cast %scan3A_42 : i32 to index
      %swap3A_48 = arith.constant 16 : index
      %swap3A_49 = tpu.vector_load %arg6[%swap3A_47, %swap3A_48] {strides = array<i32>} : memref<128x128xf32, #tpu.memory_space<vmem>>, vector<1x16xf32>,
      %swap3A_50 = vector.shape_cast %swap3A_49 : vector<1x16xf32> to vector<16xf32>
      %swap3A_51 = vector.shape_cast %broadcast_in_dim3A_17 : vector<16xf32> to vector<1x16xf32>
      tpu.vector_store %arg6[%swap3A_47, %swap3A_48], %swap3A_51 {strides = array<i32>} : memref<128x128xf32, #tpu.memory_space<vmem>>, vector<1x16xf32>,
      %swap3A_52 = arith.index_cast %scan3A_42 : i32 to index
      %swap3A_53 = arith.constant 32 : index
      %swap3A_54 = tpu.vector_load %arg6[%swap3A_52, %swap3A_53] {strides = array<i32>} : memref<128x128xf32, #tpu.memory_space<vmem>>, vector<1x16xf32>,
      %swap3A_55 = vector.shape_cast %swap3A_54 : vector<1x16xf32> to vector<16xf32>
      %swap3A_56 = vector.shape_cast %broadcast_in_dim3A_17 : vector<16xf32> to vector<1x16xf32>
      tpu.vector_store %arg6[%swap3A_52, %swap3A_53], %swap3A_56 {strides = array<i32>} : memref<128x128xf32, #tpu.memory_space<vmem>>, vector<1x16xf32>,
      %swap3A_57 = arith.index_cast %scan3A_42 : i32 to index
      %swap3A_58 = arith.constant 48 : index
      %swap3A_59 = tpu.vector_load %arg6[%swap3A_57, %swap3A_58] {strides = array<i32>} : memref<128x128xf32, #tpu.memory_space<vmem>>, vector<1x16xf32>,
      %swap3A_60 = vector.shape_cast %swap3A_59 : vector<1x16xf32> to vector<16xf32>
      %swap3A_61 = vector.shape_cast %broadcast_in_dim3A_17 : vector<16xf32> to vector<1x16xf32>
      tpu.vector_store %arg6[%swap3A_57, %swap3A_58], %swap3A_61 {strides = array<i32>} : memref<128x128xf32, #tpu.memory_space<vmem>>, vector<1x16xf32>,
      %swap3A_62 = arith.index_cast %scan3A_42 : i32 to index
      %swap3A_63 = arith.constant 64 : index
      %swap3A_64 = tpu.vector_load %arg6[%swap3A_62, %swap3A_63] {strides = array<i32>} : memref<128x128xf32, #tpu.memory_space<vmem>>, vector<1x16xf32>,
      %swap3A_65 = vector.shape_cast %swap3A_64 : vector<1x16xf32> to vector<16xf32>
      %swap3A_66 = vector.shape_cast %broadcast_in_dim3A_17 : vector<16xf32> to vector<1x16xf32>
      tpu.vector_store %arg6[%swap3A_62, %swap3A_63], %swap3A_66 {strides = array<i32>} : memref<128x128xf32, #tpu.memory_space<vmem>>, vector<1x16xf32>,
      %swap3A_67 = arith.index_cast %scan3A_42 : i32 to index
      %swap3A_68 = arith.constant 80 : index
      %swap3A_69 = tpu.vector_load %arg6[%swap3A_67, %swap3A_68] {strides = array<i32>} : memref<128x128xf32, #tpu.memory_space<vmem>>, vector<1x16xf32>,
      %swap3A_70 = vector.shape_cast %swap3A_69 : vector<1x16xf32> to vector<16xf32>
      %swap3A_71 = vector.shape_cast %broadcast_in_dim3A_17 : vector<16xf32> to vector<1x16xf32>
      tpu.vector_store %arg6[%swap3A_67, %swap3A_68], %swap3A_71 {strides = array<i32>} : memref<128x128xf32, #tpu.memory_space<vmem>>, vector<1x16xf32>,
      %swap3A_72 = arith.index_cast %scan3A_42 : i32 to index
      %swap3A_73 = arith.constant 96 : index
      %swap3A_74 = tpu.vector_load %arg6[%swap3A_72, %swap3A_73] {strides = array<i32>} : memref<128x128xf32, #tpu.memory_space<vmem>>, vector<1x16xf32>,
      %swap3A_75 = vector.shape_cast %swap3A_74 : vector<1x16xf32> to vector<16xf32>
      %swap3A_76 = vector.shape_cast %broadcast_in_dim3A_17 : vector<16xf32> to vector<1x16xf32>
      tpu.vector_store %arg6[%swap3A_72, %swap3A_73], %swap3A_76 {strides = array<i32>} : memref<128x128xf32, #tpu.memory_space<vmem>>, vector<1x16xf32>,
      %swap3A_77 = arith.index_cast %scan3A_42 : i32 to index
      %swap3A_78 = arith.constant 112 : index
      %swap3A_79 = tpu.vector_load %arg6[%swap3A_77, %swap3A_78] {strides = array<i32>} : memref<128x128xf32, #tpu.memory_space<vmem>>, vector<1x16xf32>,
      %swap3A_80 = vector.shape_cast %swap3A_79 : vector<1x16xf32> to vector<16xf32>
      %swap3A_81 = vector.shape_cast %broadcast_in_dim3A_17 : vector<16xf32> to vector<1x16xf32>
      tpu.vector_store %arg6[%swap3A_77, %swap3A_78], %swap3A_81 {strides = array<i32>} : memref<128x128xf32, #tpu.memory_space<vmem>>, vector<1x16xf32>,
    }
    %scan3A_23 = arith.constant 128 : i32
    %mul3A_24 = arith.constant 16 : i32
    %mul3A_25 = arith.muli %arg0, %mul3A_24 : i32
    %add3A_26 = arith.addi %mul3A_25, %arg1 : i32
    %mul3A_27 = arith.constant 80 : i32
    %mul3A_28 = arith.muli %add3A_26, %mul3A_27 : i32
    %mul3A_29 = arith.constant 128 : i32
    %mul3A_30 = arith.muli %mul3A_28, %mul3A_29 : i32
    %dma_start3A = tpu.memref_slice %arg2[%mul3A_30] : memref<327680xi32, #tpu.memory_space<hbm>> -> memref<128xi32, #tpu.memory_space<hbm>>
    %dma_start3A_31 = tpu.memref_slice %arg2[%mul3A_30] : memref<327680xi32, #tpu.memory_space<hbm>> -> memref<128xi32, #tpu.memory_space<hbm>>
    tpu.enqueue_dma source(%dma_start3A_31 : memref<128xi32, #tpu.memory_space<hbm>>) target(%arg4 : memref<128xi32, #tpu.memory_space<vmem>>) target_semaphore(%arg8 : memref<!tpu.dma_semaphore, #tpu.memory_space<semaphore_mem>>)
    %scan3A_32 = arith.constant 0 : i32
    %scan3A_33 = arith.constant 0 : i32
    %scan3A_34 = arith.constant 40 : i32
    %scan3A_35 = arith.addi %scan3A_33, %scan3A_34 : i32
    %scan3A_36 = arith.constant 1 : i32
    scf.for %scan3A_42 = %scan3A_33 to %scan3A_35 step %scan3A_36  : i32 {
      %mul3A_43 = arith.constant 2 : i32
      %mul3A_44 = arith.muli %mul3A_43, %scan3A_42 : i32
      %add3A_45 = arith.constant 0 : i32
      %add3A_46 = arith.addi %mul3A_44, %add3A_45 : i32
      %add3A_47 = arith.constant 1 : i32
      %add3A_48 = arith.addi %add3A_46, %add3A_47 : i32
      %lt3A = arith.constant 80 : i32
      %lt3A_49 = arith.cmpi slt, %add3A_48, %lt3A : i32
      %convert_element_type3A = arith.extui %lt3A_49 : i1 to i32
      %cond3A = arith.constant 0 : i32
      %cond3A_50 = arith.cmpi ne, %convert_element_type3A, %cond3A : i32
      scf.if %cond3A_50 {
        %add3A_71 = arith.constant 1 : i32
        %add3A_72 = arith.addi %add3A_46, %add3A_71 : i32
        %mul3A_73 = arith.constant 128 : i32
        %mul3A_74 = arith.muli %add3A_72, %mul3A_73 : i32
        %add3A_75 = arith.addi %mul3A_30, %mul3A_74 : i32
        %dma_start3A_76 = tpu.memref_slice %arg2[%add3A_75] : memref<327680xi32, #tpu.memory_space<hbm>> -> memref<128xi32, #tpu.memory_space<hbm>>
        %dma_start3A_77 = tpu.memref_slice %arg2[%add3A_75] : memref<327680xi32, #tpu.memory_space<hbm>> -> memref<128xi32, #tpu.memory_space<hbm>>
        tpu.enqueue_dma source(%dma_start3A_77 : memref<128xi32, #tpu.memory_space<hbm>>) target(%arg5 : memref<128xi32, #tpu.memory_space<vmem>>) target_semaphore(%arg9 : memref<!tpu.dma_semaphore, #tpu.memory_space<semaphore_mem>>)
      } else {
      }
      %mul3A_51 = arith.constant 128 : i32
      %mul3A_52 = arith.muli %add3A_46, %mul3A_51 : i32
      %add3A_53 = arith.addi %mul3A_30, %mul3A_52 : i32
      %dma_wait3A = tpu.memref_slice %arg2[%add3A_53] : memref<327680xi32, #tpu.memory_space<hbm>> -> memref<128xi32, #tpu.memory_space<hbm>>
      %dma_wait3A_54 = tpu.memref_slice %arg2[%add3A_53] : memref<327680xi32, #tpu.memory_space<hbm>> -> memref<128xi32, #tpu.memory_space<hbm>>
      tpu.wait_dma2 semaphore(%arg8 : memref<!tpu.dma_semaphore, #tpu.memory_space<semaphore_mem>>) src(%dma_wait3A_54 : memref<128xi32, #tpu.memory_space<hbm>>) dst(%arg4 : memref<128xi32, #tpu.memory_space<vmem>>)
      "tpu.region"() ({
        %run_scoped3A = tpu.sem_alloc : memref<!tpu.dma_semaphore, #tpu.memory_space<semaphore_mem>>
        %dma_start3A_71 = arith.constant 0 : i32
        %dma_start3A_72 = arith.constant 0 : i32
        %dma_start3A_73 = tpu.memref_slice %arg7[%dma_start3A_71, %dma_start3A_72] : memref<10240x128xf32, #tpu.memory_space<vmem_shared>> -> memref<10240x128xf32, #tpu.memory_space<vmem_shared>>
        tpu.enqueue_indirect_dma source(%arg6 : memref<128x128xf32, #tpu.memory_space<vmem>>) target(%dma_start3A_73 : memref<10240x128xf32, #tpu.memory_space<vmem_shared>>) offsets(%arg4 : memref<128xi32, #tpu.memory_space<vmem>>) semaphore(%run_scoped3A : memref<!tpu.dma_semaphore, #tpu.memory_space<semaphore_mem>>) {add = true}
        %dma_wait3A_74 = arith.constant 0 : i32
        %dma_wait3A_75 = arith.constant 0 : i32
        %dma_wait3A_76 = tpu.memref_slice %arg7[%dma_wait3A_74, %dma_wait3A_75] : memref<10240x128xf32, #tpu.memory_space<vmem_shared>> -> memref<10240x128xf32, #tpu.memory_space<vmem_shared>>
        tpu.wait_indirect_dma semaphore(%run_scoped3A : memref<!tpu.dma_semaphore, #tpu.memory_space<semaphore_mem>>) src(%arg6 : memref<128x128xf32, #tpu.memory_space<vmem>>) dst(%dma_wait3A_76 : memref<10240x128xf32, #tpu.memory_space<vmem_shared>>)
        tpu.yield
      }) : () -> ()
      %mul3A_55 = arith.constant 2 : i32
      %mul3A_56 = arith.muli %mul3A_55, %scan3A_42 : i32
      %add3A_57 = arith.constant 1 : i32
      %add3A_58 = arith.addi %mul3A_56, %add3A_57 : i32
      %add3A_59 = arith.constant 1 : i32
      %add3A_60 = arith.addi %add3A_58, %add3A_59 : i32
      %lt3A_61 = arith.constant 80 : i32
      %lt3A_62 = arith.cmpi slt, %add3A_60, %lt3A_61 : i32
      %convert_element_type3A_63 = arith.extui %lt3A_62 : i1 to i32
      %cond3A_64 = arith.constant 0 : i32
      %cond3A_65 = arith.cmpi ne, %convert_element_type3A_63, %cond3A_64 : i32
      scf.if %cond3A_65 {
        %add3A_71 = arith.constant 1 : i32
        %add3A_72 = arith.addi %add3A_58, %add3A_71 : i32
        %mul3A_73 = arith.constant 128 : i32
        %mul3A_74 = arith.muli %add3A_72, %mul3A_73 : i32
        %add3A_75 = arith.addi %mul3A_30, %mul3A_74 : i32
        %dma_start3A_76 = tpu.memref_slice %arg2[%add3A_75] : memref<327680xi32, #tpu.memory_space<hbm>> -> memref<128xi32, #tpu.memory_space<hbm>>
        %dma_start3A_77 = tpu.memref_slice %arg2[%add3A_75] : memref<327680xi32, #tpu.memory_space<hbm>> -> memref<128xi32, #tpu.memory_space<hbm>>
        tpu.enqueue_dma source(%dma_start3A_77 : memref<128xi32, #tpu.memory_space<hbm>>) target(%arg4 : memref<128xi32, #tpu.memory_space<vmem>>) target_semaphore(%arg8 : memref<!tpu.dma_semaphore, #tpu.memory_space<semaphore_mem>>)
      } else {
      }
      %mul3A_66 = arith.constant 128 : i32
      %mul3A_67 = arith.muli %add3A_58, %mul3A_66 : i32
      %add3A_68 = arith.addi %mul3A_30, %mul3A_67 : i32
      %dma_wait3A_69 = tpu.memref_slice %arg2[%add3A_68] : memref<327680xi32, #tpu.memory_space<hbm>> -> memref<128xi32, #tpu.memory_space<hbm>>
      %dma_wait3A_70 = tpu.memref_slice %arg2[%add3A_68] : memref<327680xi32, #tpu.memory_space<hbm>> -> memref<128xi32, #tpu.memory_space<hbm>>
      tpu.wait_dma2 semaphore(%arg9 : memref<!tpu.dma_semaphore, #tpu.memory_space<semaphore_mem>>) src(%dma_wait3A_70 : memref<128xi32, #tpu.memory_space<hbm>>) dst(%arg5 : memref<128xi32, #tpu.memory_space<vmem>>)
      "tpu.region"() ({
        %run_scoped3A = tpu.sem_alloc : memref<!tpu.dma_semaphore, #tpu.memory_space<semaphore_mem>>
        %dma_start3A_71 = arith.constant 0 : i32
        %dma_start3A_72 = arith.constant 0 : i32
        %dma_start3A_73 = tpu.memref_slice %arg7[%dma_start3A_71, %dma_start3A_72] : memref<10240x128xf32, #tpu.memory_space<vmem_shared>> -> memref<10240x128xf32, #tpu.memory_space<vmem_shared>>
        tpu.enqueue_indirect_dma source(%arg6 : memref<128x128xf32, #tpu.memory_space<vmem>>) target(%dma_start3A_73 : memref<10240x128xf32, #tpu.memory_space<vmem_shared>>) offsets(%arg5 : memref<128xi32, #tpu.memory_space<vmem>>) semaphore(%run_scoped3A : memref<!tpu.dma_semaphore, #tpu.memory_space<semaphore_mem>>) {add = true}
        %dma_wait3A_74 = arith.constant 0 : i32
        %dma_wait3A_75 = arith.constant 0 : i32
        %dma_wait3A_76 = tpu.memref_slice %arg7[%dma_wait3A_74, %dma_wait3A_75] : memref<10240x128xf32, #tpu.memory_space<vmem_shared>> -> memref<10240x128xf32, #tpu.memory_space<vmem_shared>>
        tpu.wait_indirect_dma semaphore(%run_scoped3A : memref<!tpu.dma_semaphore, #tpu.memory_space<semaphore_mem>>) src(%arg6 : memref<128x128xf32, #tpu.memory_space<vmem>>) dst(%dma_wait3A_76 : memref<10240x128xf32, #tpu.memory_space<vmem_shared>>)
        tpu.yield
      }) : () -> ()
    }
    %scan3A_37 = arith.constant 40 : i32
    %barrier3A_38 = arith.constant 0 : index
    tpu.barrier barrier_id(%barrier3A_38)
    %mul3A_39 = arith.constant 10240 : i32
    %mul3A_40 = arith.muli %arg0, %mul3A_39 : i32
    %add3A_41 = arith.addi %mul3A_40, %mul3A_6 : i32
    "tpu.region"() ({
      %run_scoped3A = tpu.sem_alloc : memref<!tpu.dma_semaphore, #tpu.memory_space<semaphore_mem>>
      %dma_start3A_42 = arith.constant 0 : i32
      %dma_start3A_43 = tpu.memref_slice %arg3[%add3A_41, %dma_start3A_42] : memref<20480x128xf32, #tpu.memory_space<hbm>> -> memref<640x128xf32, #tpu.memory_space<hbm>>
      %dma_start3A_44 = arith.constant 0 : i32
      %dma_start3A_45 = tpu.memref_slice %arg7[%mul3A_6, %dma_start3A_44] : memref<10240x128xf32, #tpu.memory_space<vmem_shared>> -> memref<640x128xf32, #tpu.memory_space<vmem_shared>>
      tpu.enqueue_dma source(%dma_start3A_45 : memref<640x128xf32, #tpu.memory_space<vmem_shared>>) target(%dma_start3A_43 : memref<640x128xf32, #tpu.memory_space<hbm>>) target_semaphore(%run_scoped3A : memref<!tpu.dma_semaphore, #tpu.memory_space<semaphore_mem>>)
      %dma_wait3A = arith.constant 0 : i32
      %dma_wait3A_46 = tpu.memref_slice %arg3[%add3A_41, %dma_wait3A] : memref<20480x128xf32, #tpu.memory_space<hbm>> -> memref<640x128xf32, #tpu.memory_space<hbm>>
      %dma_wait3A_47 = arith.constant 0 : i32
      %dma_wait3A_48 = tpu.memref_slice %arg7[%mul3A_6, %dma_wait3A_47] : memref<10240x128xf32, #tpu.memory_space<vmem_shared>> -> memref<640x128xf32, #tpu.memory_space<vmem_shared>>
      tpu.wait_dma2 semaphore(%run_scoped3A : memref<!tpu.dma_semaphore, #tpu.memory_space<semaphore_mem>>) src(%dma_wait3A_48 : memref<640x128xf32, #tpu.memory_space<vmem_shared>>) dst(%dma_wait3A_46 : memref<640x128xf32, #tpu.memory_space<hbm>>)
      tpu.yield
    }) : () -> ()
    return
  }
}

#map = affine_map<(d0, d1) -> (0, 0)>
#map1 = affine_map<(d0, d1) -> (0)>
module attributes {stable_mosaic.version = 14 : i64} {
  func.func @_edge_body(%arg0: i32, %arg1: i32, %arg2: memref<10240x128xf32, #tpu.memory_space<hbm>>, %arg3: memref<327680xi32, #tpu.memory_space<hbm>>, %arg4: memref<327680xi32, #tpu.memory_space<hbm>>, %arg5: memref<20480x128xf32, #tpu.memory_space<hbm>>, %arg6: memref<128xi32, #tpu.memory_space<vmem>>, %arg7: memref<128xi32, #tpu.memory_space<vmem>>, %arg8: memref<128xi32, #tpu.memory_space<vmem>>, %arg9: memref<128xi32, #tpu.memory_space<vmem>>, %arg10: memref<128x128xf32, #tpu.memory_space<vmem>>, %arg11: memref<128x128xf32, #tpu.memory_space<vmem>>, %arg12: memref<10240x128xf32, #tpu.memory_space<vmem_shared>>, %arg13: memref<!tpu.dma_semaphore, #tpu.memory_space<semaphore_mem>>, %arg14: memref<!tpu.dma_semaphore, #tpu.memory_space<semaphore_mem>>, %arg15: memref<!tpu.dma_semaphore, #tpu.memory_space<semaphore_mem>>, %arg16: memref<!tpu.dma_semaphore, #tpu.memory_space<semaphore_mem>>, %arg17: memref<!tpu.dma_semaphore, #tpu.memory_space<semaphore_mem>>, %arg18: memref<!tpu.dma_semaphore, #tpu.memory_space<semaphore_mem>>) attributes {dimension_semantics = [#tpu.dimension_semantics<core_parallel>, #tpu.dimension_semantics<subcore_parallel>], iteration_bounds = array<i64: 2, 16>, scalar_prefetch = 0 : i64, scratch_operands = 13 : i64, tpu.core_type = #tpu.core_type<sc_vector_subcore>, window_params = [{transform_indices = #map}, {transform_indices = #map1}, {transform_indices = #map1}, {transform_indices = #map}]} {
    %eq3A = arith.constant 0 : i32
    %eq3A_0 = arith.cmpi eq, %arg0, %eq3A : i32
    %jit3A = arith.constant 140 : i32
    %jit3A_1 = arith.constant 20 : i32
    %select_n3A = arith.select %eq3A_0, %jit3A, %jit3A_1 : i32
    %eq3A_2 = arith.constant 0 : i32
    %eq3A_3 = arith.cmpi eq, %arg0, %eq3A_2 : i32
    %mul3A = arith.constant 140 : i32
    %mul3A_4 = arith.muli %arg1, %mul3A : i32
    %mul3A_5 = arith.constant 20 : i32
    %mul3A_6 = arith.muli %arg1, %mul3A_5 : i32
    %add3A = arith.constant 2240 : i32
    %add3A_7 = arith.addi %add3A, %mul3A_6 : i32
    %select_n3A_8 = arith.select %eq3A_3, %mul3A_4, %add3A_7 : i32
    %mul3A_9 = arith.constant 640 : i32
    %mul3A_10 = arith.muli %arg1, %mul3A_9 : i32
    %broadcast_in_dim3A = arith.constant 0.000000e+00 : f32
    %broadcast_in_dim3A_11 = vector.broadcast %broadcast_in_dim3A : f32 to vector<16xf32>
    %scan3A = arith.constant 0 : i32
    %scan3A_12 = arith.constant 0 : i32
    %scan3A_13 = arith.constant 128 : i32
    %scan3A_14 = arith.addi %scan3A_12, %scan3A_13 : i32
    %scan3A_15 = arith.constant 1 : i32
    scf.for %scan3A_62 = %scan3A_12 to %scan3A_14 step %scan3A_15  : i32 {
      %swap3A = arith.index_cast %scan3A_62 : i32 to index
      %swap3A_63 = arith.constant 0 : index
      %swap3A_64 = tpu.vector_load %arg10[%swap3A, %swap3A_63] {strides = array<i32>} : memref<128x128xf32, #tpu.memory_space<vmem>>, vector<1x16xf32>,
      %swap3A_65 = vector.shape_cast %swap3A_64 : vector<1x16xf32> to vector<16xf32>
      %swap3A_66 = vector.shape_cast %broadcast_in_dim3A_11 : vector<16xf32> to vector<1x16xf32>
      tpu.vector_store %arg10[%swap3A, %swap3A_63], %swap3A_66 {strides = array<i32>} : memref<128x128xf32, #tpu.memory_space<vmem>>, vector<1x16xf32>,
      %swap3A_67 = arith.index_cast %scan3A_62 : i32 to index
      %swap3A_68 = arith.constant 16 : index
      %swap3A_69 = tpu.vector_load %arg10[%swap3A_67, %swap3A_68] {strides = array<i32>} : memref<128x128xf32, #tpu.memory_space<vmem>>, vector<1x16xf32>,
      %swap3A_70 = vector.shape_cast %swap3A_69 : vector<1x16xf32> to vector<16xf32>
      %swap3A_71 = vector.shape_cast %broadcast_in_dim3A_11 : vector<16xf32> to vector<1x16xf32>
      tpu.vector_store %arg10[%swap3A_67, %swap3A_68], %swap3A_71 {strides = array<i32>} : memref<128x128xf32, #tpu.memory_space<vmem>>, vector<1x16xf32>,
      %swap3A_72 = arith.index_cast %scan3A_62 : i32 to index
      %swap3A_73 = arith.constant 32 : index
      %swap3A_74 = tpu.vector_load %arg10[%swap3A_72, %swap3A_73] {strides = array<i32>} : memref<128x128xf32, #tpu.memory_space<vmem>>, vector<1x16xf32>,
      %swap3A_75 = vector.shape_cast %swap3A_74 : vector<1x16xf32> to vector<16xf32>
      %swap3A_76 = vector.shape_cast %broadcast_in_dim3A_11 : vector<16xf32> to vector<1x16xf32>
      tpu.vector_store %arg10[%swap3A_72, %swap3A_73], %swap3A_76 {strides = array<i32>} : memref<128x128xf32, #tpu.memory_space<vmem>>, vector<1x16xf32>,
      %swap3A_77 = arith.index_cast %scan3A_62 : i32 to index
      %swap3A_78 = arith.constant 48 : index
      %swap3A_79 = tpu.vector_load %arg10[%swap3A_77, %swap3A_78] {strides = array<i32>} : memref<128x128xf32, #tpu.memory_space<vmem>>, vector<1x16xf32>,
      %swap3A_80 = vector.shape_cast %swap3A_79 : vector<1x16xf32> to vector<16xf32>
      %swap3A_81 = vector.shape_cast %broadcast_in_dim3A_11 : vector<16xf32> to vector<1x16xf32>
      tpu.vector_store %arg10[%swap3A_77, %swap3A_78], %swap3A_81 {strides = array<i32>} : memref<128x128xf32, #tpu.memory_space<vmem>>, vector<1x16xf32>,
      %swap3A_82 = arith.index_cast %scan3A_62 : i32 to index
      %swap3A_83 = arith.constant 64 : index
      %swap3A_84 = tpu.vector_load %arg10[%swap3A_82, %swap3A_83] {strides = array<i32>} : memref<128x128xf32, #tpu.memory_space<vmem>>, vector<1x16xf32>,
      %swap3A_85 = vector.shape_cast %swap3A_84 : vector<1x16xf32> to vector<16xf32>
      %swap3A_86 = vector.shape_cast %broadcast_in_dim3A_11 : vector<16xf32> to vector<1x16xf32>
      tpu.vector_store %arg10[%swap3A_82, %swap3A_83], %swap3A_86 {strides = array<i32>} : memref<128x128xf32, #tpu.memory_space<vmem>>, vector<1x16xf32>,
      %swap3A_87 = arith.index_cast %scan3A_62 : i32 to index
      %swap3A_88 = arith.constant 80 : index
      %swap3A_89 = tpu.vector_load %arg10[%swap3A_87, %swap3A_88] {strides = array<i32>} : memref<128x128xf32, #tpu.memory_space<vmem>>, vector<1x16xf32>,
      %swap3A_90 = vector.shape_cast %swap3A_89 : vector<1x16xf32> to vector<16xf32>
      %swap3A_91 = vector.shape_cast %broadcast_in_dim3A_11 : vector<16xf32> to vector<1x16xf32>
      tpu.vector_store %arg10[%swap3A_87, %swap3A_88], %swap3A_91 {strides = array<i32>} : memref<128x128xf32, #tpu.memory_space<vmem>>, vector<1x16xf32>,
      %swap3A_92 = arith.index_cast %scan3A_62 : i32 to index
      %swap3A_93 = arith.constant 96 : index
      %swap3A_94 = tpu.vector_load %arg10[%swap3A_92, %swap3A_93] {strides = array<i32>} : memref<128x128xf32, #tpu.memory_space<vmem>>, vector<1x16xf32>,
      %swap3A_95 = vector.shape_cast %swap3A_94 : vector<1x16xf32> to vector<16xf32>
      %swap3A_96 = vector.shape_cast %broadcast_in_dim3A_11 : vector<16xf32> to vector<1x16xf32>
      tpu.vector_store %arg10[%swap3A_92, %swap3A_93], %swap3A_96 {strides = array<i32>} : memref<128x128xf32, #tpu.memory_space<vmem>>, vector<1x16xf32>,
      %swap3A_97 = arith.index_cast %scan3A_62 : i32 to index
      %swap3A_98 = arith.constant 112 : index
      %swap3A_99 = tpu.vector_load %arg10[%swap3A_97, %swap3A_98] {strides = array<i32>} : memref<128x128xf32, #tpu.memory_space<vmem>>, vector<1x16xf32>,
      %swap3A_100 = vector.shape_cast %swap3A_99 : vector<1x16xf32> to vector<16xf32>
      %swap3A_101 = vector.shape_cast %broadcast_in_dim3A_11 : vector<16xf32> to vector<1x16xf32>
      tpu.vector_store %arg10[%swap3A_97, %swap3A_98], %swap3A_101 {strides = array<i32>} : memref<128x128xf32, #tpu.memory_space<vmem>>, vector<1x16xf32>,
    }
    %scan3A_16 = arith.constant 128 : i32
    %add3A_17 = arith.constant 0 : i32
    %add3A_18 = arith.addi %mul3A_10, %add3A_17 : i32
    "tpu.region"() ({
      %run_scoped3A = tpu.sem_alloc : memref<!tpu.dma_semaphore, #tpu.memory_space<semaphore_mem>>
      %dma_start3A = arith.constant 0 : i32
      %dma_start3A_62 = tpu.memref_slice %arg12[%add3A_18, %dma_start3A] : memref<10240x128xf32, #tpu.memory_space<vmem_shared>> -> memref<128x128xf32, #tpu.memory_space<vmem_shared>>
      %dma_start3A_63 = arith.constant 0 : i32
      %dma_start3A_64 = tpu.memref_slice %arg12[%add3A_18, %dma_start3A_63] : memref<10240x128xf32, #tpu.memory_space<vmem_shared>> -> memref<128x128xf32, #tpu.memory_space<vmem_shared>>
      tpu.enqueue_dma source(%arg10 : memref<128x128xf32, #tpu.memory_space<vmem>>) target(%dma_start3A_64 : memref<128x128xf32, #tpu.memory_space<vmem_shared>>) target_semaphore(%run_scoped3A : memref<!tpu.dma_semaphore, #tpu.memory_space<semaphore_mem>>)
      %dma_wait3A = arith.constant 0 : i32
      %dma_wait3A_65 = tpu.memref_slice %arg12[%add3A_18, %dma_wait3A] : memref<10240x128xf32, #tpu.memory_space<vmem_shared>> -> memref<128x128xf32, #tpu.memory_space<vmem_shared>>
      %dma_wait3A_66 = arith.constant 0 : i32
      %dma_wait3A_67 = tpu.memref_slice %arg12[%add3A_18, %dma_wait3A_66] : memref<10240x128xf32, #tpu.memory_space<vmem_shared>> -> memref<128x128xf32, #tpu.memory_space<vmem_shared>>
      tpu.wait_dma2 semaphore(%run_scoped3A : memref<!tpu.dma_semaphore, #tpu.memory_space<semaphore_mem>>) src(%arg10 : memref<128x128xf32, #tpu.memory_space<vmem>>) dst(%dma_wait3A_67 : memref<128x128xf32, #tpu.memory_space<vmem_shared>>)
      tpu.yield
    }) : () -> ()
    %add3A_19 = arith.constant 128 : i32
    %add3A_20 = arith.addi %mul3A_10, %add3A_19 : i32
    "tpu.region"() ({
      %run_scoped3A = tpu.sem_alloc : memref<!tpu.dma_semaphore, #tpu.memory_space<semaphore_mem>>
      %dma_start3A = arith.constant 0 : i32
      %dma_start3A_62 = tpu.memref_slice %arg12[%add3A_20, %dma_start3A] : memref<10240x128xf32, #tpu.memory_space<vmem_shared>> -> memref<128x128xf32, #tpu.memory_space<vmem_shared>>
      %dma_start3A_63 = arith.constant 0 : i32
      %dma_start3A_64 = tpu.memref_slice %arg12[%add3A_20, %dma_start3A_63] : memref<10240x128xf32, #tpu.memory_space<vmem_shared>> -> memref<128x128xf32, #tpu.memory_space<vmem_shared>>
      tpu.enqueue_dma source(%arg10 : memref<128x128xf32, #tpu.memory_space<vmem>>) target(%dma_start3A_64 : memref<128x128xf32, #tpu.memory_space<vmem_shared>>) target_semaphore(%run_scoped3A : memref<!tpu.dma_semaphore, #tpu.memory_space<semaphore_mem>>)
      %dma_wait3A = arith.constant 0 : i32
      %dma_wait3A_65 = tpu.memref_slice %arg12[%add3A_20, %dma_wait3A] : memref<10240x128xf32, #tpu.memory_space<vmem_shared>> -> memref<128x128xf32, #tpu.memory_space<vmem_shared>>
      %dma_wait3A_66 = arith.constant 0 : i32
      %dma_wait3A_67 = tpu.memref_slice %arg12[%add3A_20, %dma_wait3A_66] : memref<10240x128xf32, #tpu.memory_space<vmem_shared>> -> memref<128x128xf32, #tpu.memory_space<vmem_shared>>
      tpu.wait_dma2 semaphore(%run_scoped3A : memref<!tpu.dma_semaphore, #tpu.memory_space<semaphore_mem>>) src(%arg10 : memref<128x128xf32, #tpu.memory_space<vmem>>) dst(%dma_wait3A_67 : memref<128x128xf32, #tpu.memory_space<vmem_shared>>)
      tpu.yield
    }) : () -> ()
    %add3A_21 = arith.constant 256 : i32
    %add3A_22 = arith.addi %mul3A_10, %add3A_21 : i32
    "tpu.region"() ({
      %run_scoped3A = tpu.sem_alloc : memref<!tpu.dma_semaphore, #tpu.memory_space<semaphore_mem>>
      %dma_start3A = arith.constant 0 : i32
      %dma_start3A_62 = tpu.memref_slice %arg12[%add3A_22, %dma_start3A] : memref<10240x128xf32, #tpu.memory_space<vmem_shared>> -> memref<128x128xf32, #tpu.memory_space<vmem_shared>>
      %dma_start3A_63 = arith.constant 0 : i32
      %dma_start3A_64 = tpu.memref_slice %arg12[%add3A_22, %dma_start3A_63] : memref<10240x128xf32, #tpu.memory_space<vmem_shared>> -> memref<128x128xf32, #tpu.memory_space<vmem_shared>>
      tpu.enqueue_dma source(%arg10 : memref<128x128xf32, #tpu.memory_space<vmem>>) target(%dma_start3A_64 : memref<128x128xf32, #tpu.memory_space<vmem_shared>>) target_semaphore(%run_scoped3A : memref<!tpu.dma_semaphore, #tpu.memory_space<semaphore_mem>>)
      %dma_wait3A = arith.constant 0 : i32
      %dma_wait3A_65 = tpu.memref_slice %arg12[%add3A_22, %dma_wait3A] : memref<10240x128xf32, #tpu.memory_space<vmem_shared>> -> memref<128x128xf32, #tpu.memory_space<vmem_shared>>
      %dma_wait3A_66 = arith.constant 0 : i32
      %dma_wait3A_67 = tpu.memref_slice %arg12[%add3A_22, %dma_wait3A_66] : memref<10240x128xf32, #tpu.memory_space<vmem_shared>> -> memref<128x128xf32, #tpu.memory_space<vmem_shared>>
      tpu.wait_dma2 semaphore(%run_scoped3A : memref<!tpu.dma_semaphore, #tpu.memory_space<semaphore_mem>>) src(%arg10 : memref<128x128xf32, #tpu.memory_space<vmem>>) dst(%dma_wait3A_67 : memref<128x128xf32, #tpu.memory_space<vmem_shared>>)
      tpu.yield
    }) : () -> ()
    %add3A_23 = arith.constant 384 : i32
    %add3A_24 = arith.addi %mul3A_10, %add3A_23 : i32
    "tpu.region"() ({
      %run_scoped3A = tpu.sem_alloc : memref<!tpu.dma_semaphore, #tpu.memory_space<semaphore_mem>>
      %dma_start3A = arith.constant 0 : i32
      %dma_start3A_62 = tpu.memref_slice %arg12[%add3A_24, %dma_start3A] : memref<10240x128xf32, #tpu.memory_space<vmem_shared>> -> memref<128x128xf32, #tpu.memory_space<vmem_shared>>
      %dma_start3A_63 = arith.constant 0 : i32
      %dma_start3A_64 = tpu.memref_slice %arg12[%add3A_24, %dma_start3A_63] : memref<10240x128xf32, #tpu.memory_space<vmem_shared>> -> memref<128x128xf32, #tpu.memory_space<vmem_shared>>
      tpu.enqueue_dma source(%arg10 : memref<128x128xf32, #tpu.memory_space<vmem>>) target(%dma_start3A_64 : memref<128x128xf32, #tpu.memory_space<vmem_shared>>) target_semaphore(%run_scoped3A : memref<!tpu.dma_semaphore, #tpu.memory_space<semaphore_mem>>)
      %dma_wait3A = arith.constant 0 : i32
      %dma_wait3A_65 = tpu.memref_slice %arg12[%add3A_24, %dma_wait3A] : memref<10240x128xf32, #tpu.memory_space<vmem_shared>> -> memref<128x128xf32, #tpu.memory_space<vmem_shared>>
      %dma_wait3A_66 = arith.constant 0 : i32
      %dma_wait3A_67 = tpu.memref_slice %arg12[%add3A_24, %dma_wait3A_66] : memref<10240x128xf32, #tpu.memory_space<vmem_shared>> -> memref<128x128xf32, #tpu.memory_space<vmem_shared>>
      tpu.wait_dma2 semaphore(%run_scoped3A : memref<!tpu.dma_semaphore, #tpu.memory_space<semaphore_mem>>) src(%arg10 : memref<128x128xf32, #tpu.memory_space<vmem>>) dst(%dma_wait3A_67 : memref<128x128xf32, #tpu.memory_space<vmem_shared>>)
      tpu.yield
    }) : () -> ()
    %add3A_25 = arith.constant 512 : i32
    %add3A_26 = arith.addi %mul3A_10, %add3A_25 : i32
    "tpu.region"() ({
      %run_scoped3A = tpu.sem_alloc : memref<!tpu.dma_semaphore, #tpu.memory_space<semaphore_mem>>
      %dma_start3A = arith.constant 0 : i32
      %dma_start3A_62 = tpu.memref_slice %arg12[%add3A_26, %dma_start3A] : memref<10240x128xf32, #tpu.memory_space<vmem_shared>> -> memref<128x128xf32, #tpu.memory_space<vmem_shared>>
      %dma_start3A_63 = arith.constant 0 : i32
      %dma_start3A_64 = tpu.memref_slice %arg12[%add3A_26, %dma_start3A_63] : memref<10240x128xf32, #tpu.memory_space<vmem_shared>> -> memref<128x128xf32, #tpu.memory_space<vmem_shared>>
      tpu.enqueue_dma source(%arg10 : memref<128x128xf32, #tpu.memory_space<vmem>>) target(%dma_start3A_64 : memref<128x128xf32, #tpu.memory_space<vmem_shared>>) target_semaphore(%run_scoped3A : memref<!tpu.dma_semaphore, #tpu.memory_space<semaphore_mem>>)
      %dma_wait3A = arith.constant 0 : i32
      %dma_wait3A_65 = tpu.memref_slice %arg12[%add3A_26, %dma_wait3A] : memref<10240x128xf32, #tpu.memory_space<vmem_shared>> -> memref<128x128xf32, #tpu.memory_space<vmem_shared>>
      %dma_wait3A_66 = arith.constant 0 : i32
      %dma_wait3A_67 = tpu.memref_slice %arg12[%add3A_26, %dma_wait3A_66] : memref<10240x128xf32, #tpu.memory_space<vmem_shared>> -> memref<128x128xf32, #tpu.memory_space<vmem_shared>>
      tpu.wait_dma2 semaphore(%run_scoped3A : memref<!tpu.dma_semaphore, #tpu.memory_space<semaphore_mem>>) src(%arg10 : memref<128x128xf32, #tpu.memory_space<vmem>>) dst(%dma_wait3A_67 : memref<128x128xf32, #tpu.memory_space<vmem_shared>>)
      tpu.yield
    }) : () -> ()
    %barrier3A = arith.constant 0 : index
    tpu.barrier barrier_id(%barrier3A)
    %mul3A_27 = arith.constant 128 : i32
    %mul3A_28 = arith.muli %select_n3A_8, %mul3A_27 : i32
    %gt3A = arith.constant 0 : i32
    %gt3A_29 = arith.cmpi sgt, %select_n3A, %gt3A : i32
    %convert_element_type3A = arith.extui %gt3A_29 : i1 to i32
    %cond3A = arith.constant 0 : i32
    %cond3A_30 = arith.cmpi ne, %convert_element_type3A, %cond3A : i32
    scf.if %cond3A_30 {
      "tpu.region"() ({
        %run_scoped3A = tpu.sem_alloc : memref<!tpu.dma_semaphore, #tpu.memory_space<semaphore_mem>>
        %dma_start3A_70 = tpu.memref_slice %arg3[%mul3A_28] : memref<327680xi32, #tpu.memory_space<hbm>> -> memref<128xi32, #tpu.memory_space<hbm>>
        %dma_start3A_71 = tpu.memref_slice %arg3[%mul3A_28] : memref<327680xi32, #tpu.memory_space<hbm>> -> memref<128xi32, #tpu.memory_space<hbm>>
        tpu.enqueue_dma source(%dma_start3A_71 : memref<128xi32, #tpu.memory_space<hbm>>) target(%arg6 : memref<128xi32, #tpu.memory_space<vmem>>) target_semaphore(%run_scoped3A : memref<!tpu.dma_semaphore, #tpu.memory_space<semaphore_mem>>)
        %dma_wait3A = tpu.memref_slice %arg3[%mul3A_28] : memref<327680xi32, #tpu.memory_space<hbm>> -> memref<128xi32, #tpu.memory_space<hbm>>
        %dma_wait3A_72 = tpu.memref_slice %arg3[%mul3A_28] : memref<327680xi32, #tpu.memory_space<hbm>> -> memref<128xi32, #tpu.memory_space<hbm>>
        tpu.wait_dma2 semaphore(%run_scoped3A : memref<!tpu.dma_semaphore, #tpu.memory_space<semaphore_mem>>) src(%dma_wait3A_72 : memref<128xi32, #tpu.memory_space<hbm>>) dst(%arg6 : memref<128xi32, #tpu.memory_space<vmem>>)
        tpu.yield
      }) : () -> ()
      %dma_start3A = arith.constant 0 : i32
      %dma_start3A_62 = arith.constant 0 : i32
      %dma_start3A_63 = tpu.memref_slice %arg2[%dma_start3A, %dma_start3A_62] : memref<10240x128xf32, #tpu.memory_space<hbm>> -> memref<10240x128xf32, #tpu.memory_space<hbm>>
      tpu.enqueue_indirect_dma source(%dma_start3A_63 : memref<10240x128xf32, #tpu.memory_space<hbm>>) target(%arg10 : memref<128x128xf32, #tpu.memory_space<vmem>>) offsets(%arg6 : memref<128xi32, #tpu.memory_space<vmem>>) semaphore(%arg13 : memref<!tpu.dma_semaphore, #tpu.memory_space<semaphore_mem>>)
      %add3A_64 = arith.constant 128 : i32
      %add3A_65 = arith.addi %mul3A_28, %add3A_64 : i32
      %dma_start3A_66 = tpu.memref_slice %arg3[%add3A_65] : memref<327680xi32, #tpu.memory_space<hbm>> -> memref<128xi32, #tpu.memory_space<hbm>>
      %dma_start3A_67 = tpu.memref_slice %arg3[%add3A_65] : memref<327680xi32, #tpu.memory_space<hbm>> -> memref<128xi32, #tpu.memory_space<hbm>>
      tpu.enqueue_dma source(%dma_start3A_67 : memref<128xi32, #tpu.memory_space<hbm>>) target(%arg7 : memref<128xi32, #tpu.memory_space<vmem>>) target_semaphore(%arg16 : memref<!tpu.dma_semaphore, #tpu.memory_space<semaphore_mem>>)
      %dma_start3A_68 = tpu.memref_slice %arg4[%mul3A_28] : memref<327680xi32, #tpu.memory_space<hbm>> -> memref<128xi32, #tpu.memory_space<hbm>>
      %dma_start3A_69 = tpu.memref_slice %arg4[%mul3A_28] : memref<327680xi32, #tpu.memory_space<hbm>> -> memref<128xi32, #tpu.memory_space<hbm>>
      tpu.enqueue_dma source(%dma_start3A_69 : memref<128xi32, #tpu.memory_space<hbm>>) target(%arg8 : memref<128xi32, #tpu.memory_space<vmem>>) target_semaphore(%arg17 : memref<!tpu.dma_semaphore, #tpu.memory_space<semaphore_mem>>)
    } else {
    }
    %jit3A_31 = arith.constant 2 : i32
    %div3A = arith.divsi %select_n3A, %jit3A_31 : i32
    %sign3A = arith.constant 0 : i32
    %sign3A_32 = arith.cmpi sgt, %select_n3A, %sign3A : i32
    %sign3A_33 = arith.extui %sign3A_32 : i1 to i32
    %sign3A_34 = arith.constant 0 : i32
    %sign3A_35 = arith.cmpi slt, %select_n3A, %sign3A_34 : i32
    %sign3A_36 = arith.extui %sign3A_35 : i1 to i32
    %sign3A_37 = arith.subi %sign3A_33, %sign3A_36 : i32
    %sign3A_38 = arith.constant 0 : i32
    %sign3A_39 = arith.cmpi sgt, %jit3A_31, %sign3A_38 : i32
    %sign3A_40 = arith.extui %sign3A_39 : i1 to i32
    %sign3A_41 = arith.constant 0 : i32
    %sign3A_42 = arith.cmpi slt, %jit3A_31, %sign3A_41 : i32
    %sign3A_43 = arith.extui %sign3A_42 : i1 to i32
    %sign3A_44 = arith.subi %sign3A_40, %sign3A_43 : i32
    %ne3A = arith.cmpi ne, %sign3A_37, %sign3A_44 : i32
    %rem3A = arith.remsi %select_n3A, %jit3A_31 : i32
    %ne3A_45 = arith.constant 0 : i32
    %ne3A_46 = arith.cmpi ne, %rem3A, %ne3A_45 : i32
    %and3A = arith.andi %ne3A, %ne3A_46 : i1
    %sub3A = arith.constant 1 : i32
    %sub3A_47 = arith.subi %div3A, %sub3A : i32
    %select_n3A_48 = arith.select %and3A, %sub3A_47, %div3A : i32
    %while3A = arith.constant 0 : i32
    %while3A_49 = arith.constant 0 : i32
    %while3A_50 = arith.subi %select_n3A_48, %while3A_49 : i32
    %while3A_51 = arith.addi %while3A_49, %while3A_50 : i32
    %while3A_52 = arith.constant 1 : i32
    %while3A_53 = arith.divsi %while3A_50, %while3A_52 : i32
    %while3A_54 = arith.muli %while3A_53, %while3A_52 : i32
    %while3A_55 = arith.addi %while3A_49, %while3A_54 : i32
    %while3A_56 = arith.constant 1 : i32
    scf.for %while3A_62 = %while3A_49 to %while3A_55 step %while3A_56  : i32 {
      %mul3A_63 = arith.constant 2 : i32
      %mul3A_64 = arith.muli %mul3A_63, %while3A_62 : i32
      %add3A_65 = arith.constant 0 : i32
      %add3A_66 = arith.addi %mul3A_64, %add3A_65 : i32
      %dma_wait3A = arith.constant 0 : i32
      %dma_wait3A_67 = arith.constant 0 : i32
      %dma_wait3A_68 = tpu.memref_slice %arg2[%dma_wait3A, %dma_wait3A_67] : memref<10240x128xf32, #tpu.memory_space<hbm>> -> memref<10240x128xf32, #tpu.memory_space<hbm>>
      tpu.wait_indirect_dma semaphore(%arg13 : memref<!tpu.dma_semaphore, #tpu.memory_space<semaphore_mem>>) src(%dma_wait3A_68 : memref<10240x128xf32, #tpu.memory_space<hbm>>) dst(%arg10 : memref<128x128xf32, #tpu.memory_space<vmem>>)
      %add3A_69 = arith.constant 2 : i32
      %add3A_70 = arith.addi %add3A_66, %add3A_69 : i32
      %lt3A = arith.cmpi slt, %add3A_70, %select_n3A : i32
      %convert_element_type3A_71 = arith.extui %lt3A : i1 to i32
      %cond3A_72 = arith.constant 0 : i32
      %cond3A_73 = arith.cmpi ne, %convert_element_type3A_71, %cond3A_72 : i32
      scf.if %cond3A_73 {
        %add3A_109 = arith.constant 2 : i32
        %add3A_110 = arith.addi %add3A_66, %add3A_109 : i32
        %mul3A_111 = arith.constant 128 : i32
        %mul3A_112 = arith.muli %add3A_110, %mul3A_111 : i32
        %add3A_113 = arith.addi %mul3A_28, %mul3A_112 : i32
        %dma_start3A = tpu.memref_slice %arg3[%add3A_113] : memref<327680xi32, #tpu.memory_space<hbm>> -> memref<128xi32, #tpu.memory_space<hbm>>
        %dma_start3A_114 = tpu.memref_slice %arg3[%add3A_113] : memref<327680xi32, #tpu.memory_space<hbm>> -> memref<128xi32, #tpu.memory_space<hbm>>
        tpu.enqueue_dma source(%dma_start3A_114 : memref<128xi32, #tpu.memory_space<hbm>>) target(%arg6 : memref<128xi32, #tpu.memory_space<vmem>>) target_semaphore(%arg15 : memref<!tpu.dma_semaphore, #tpu.memory_space<semaphore_mem>>)
      } else {
      }
      %add3A_74 = arith.constant 1 : i32
      %add3A_75 = arith.addi %add3A_66, %add3A_74 : i32
      %lt3A_76 = arith.cmpi slt, %add3A_75, %select_n3A : i32
      %convert_element_type3A_77 = arith.extui %lt3A_76 : i1 to i32
      %cond3A_78 = arith.constant 0 : i32
      %cond3A_79 = arith.cmpi ne, %convert_element_type3A_77, %cond3A_78 : i32
      scf.if %cond3A_79 {
        %add3A_109 = arith.constant 1 : i32
        %add3A_110 = arith.addi %add3A_66, %add3A_109 : i32
        %mul3A_111 = arith.constant 128 : i32
        %mul3A_112 = arith.muli %add3A_110, %mul3A_111 : i32
        %add3A_113 = arith.addi %mul3A_28, %mul3A_112 : i32
        %dma_wait3A_114 = tpu.memref_slice %arg3[%add3A_113] : memref<327680xi32, #tpu.memory_space<hbm>> -> memref<128xi32, #tpu.memory_space<hbm>>
        %dma_wait3A_115 = tpu.memref_slice %arg3[%add3A_113] : memref<327680xi32, #tpu.memory_space<hbm>> -> memref<128xi32, #tpu.memory_space<hbm>>
        tpu.wait_dma2 semaphore(%arg16 : memref<!tpu.dma_semaphore, #tpu.memory_space<semaphore_mem>>) src(%dma_wait3A_115 : memref<128xi32, #tpu.memory_space<hbm>>) dst(%arg7 : memref<128xi32, #tpu.memory_space<vmem>>)
        %dma_start3A = arith.constant 0 : i32
        %dma_start3A_116 = arith.constant 0 : i32
        %dma_start3A_117 = tpu.memref_slice %arg2[%dma_start3A, %dma_start3A_116] : memref<10240x128xf32, #tpu.memory_space<hbm>> -> memref<10240x128xf32, #tpu.memory_space<hbm>>
        tpu.enqueue_indirect_dma source(%dma_start3A_117 : memref<10240x128xf32, #tpu.memory_space<hbm>>) target(%arg11 : memref<128x128xf32, #tpu.memory_space<vmem>>) offsets(%arg7 : memref<128xi32, #tpu.memory_space<vmem>>) semaphore(%arg14 : memref<!tpu.dma_semaphore, #tpu.memory_space<semaphore_mem>>)
        %add3A_118 = arith.constant 1 : i32
        %add3A_119 = arith.addi %add3A_66, %add3A_118 : i32
        %mul3A_120 = arith.constant 128 : i32
        %mul3A_121 = arith.muli %add3A_119, %mul3A_120 : i32
        %add3A_122 = arith.addi %mul3A_28, %mul3A_121 : i32
        %dma_start3A_123 = tpu.memref_slice %arg4[%add3A_122] : memref<327680xi32, #tpu.memory_space<hbm>> -> memref<128xi32, #tpu.memory_space<hbm>>
        %dma_start3A_124 = tpu.memref_slice %arg4[%add3A_122] : memref<327680xi32, #tpu.memory_space<hbm>> -> memref<128xi32, #tpu.memory_space<hbm>>
        tpu.enqueue_dma source(%dma_start3A_124 : memref<128xi32, #tpu.memory_space<hbm>>) target(%arg9 : memref<128xi32, #tpu.memory_space<vmem>>) target_semaphore(%arg18 : memref<!tpu.dma_semaphore, #tpu.memory_space<semaphore_mem>>)
      } else {
      }
      %mul3A_80 = arith.constant 128 : i32
      %mul3A_81 = arith.muli %add3A_66, %mul3A_80 : i32
      %add3A_82 = arith.addi %mul3A_28, %mul3A_81 : i32
      %dma_wait3A_83 = tpu.memref_slice %arg4[%add3A_82] : memref<327680xi32, #tpu.memory_space<hbm>> -> memref<128xi32, #tpu.memory_space<hbm>>
      %dma_wait3A_84 = tpu.memref_slice %arg4[%add3A_82] : memref<327680xi32, #tpu.memory_space<hbm>> -> memref<128xi32, #tpu.memory_space<hbm>>
      tpu.wait_dma2 semaphore(%arg17 : memref<!tpu.dma_semaphore, #tpu.memory_space<semaphore_mem>>) src(%dma_wait3A_84 : memref<128xi32, #tpu.memory_space<hbm>>) dst(%arg8 : memref<128xi32, #tpu.memory_space<vmem>>)
      "tpu.region"() ({
        %run_scoped3A = tpu.sem_alloc : memref<!tpu.dma_semaphore, #tpu.memory_space<semaphore_mem>>
        %dma_start3A = arith.constant 0 : i32
        %dma_start3A_109 = arith.constant 0 : i32
        %dma_start3A_110 = tpu.memref_slice %arg12[%dma_start3A, %dma_start3A_109] : memref<10240x128xf32, #tpu.memory_space<vmem_shared>> -> memref<10240x128xf32, #tpu.memory_space<vmem_shared>>
        tpu.enqueue_indirect_dma source(%arg10 : memref<128x128xf32, #tpu.memory_space<vmem>>) target(%dma_start3A_110 : memref<10240x128xf32, #tpu.memory_space<vmem_shared>>) offsets(%arg8 : memref<128xi32, #tpu.memory_space<vmem>>) semaphore(%run_scoped3A : memref<!tpu.dma_semaphore, #tpu.memory_space<semaphore_mem>>) {add = true}
        %dma_wait3A_111 = arith.constant 0 : i32
        %dma_wait3A_112 = arith.constant 0 : i32
        %dma_wait3A_113 = tpu.memref_slice %arg12[%dma_wait3A_111, %dma_wait3A_112] : memref<10240x128xf32, #tpu.memory_space<vmem_shared>> -> memref<10240x128xf32, #tpu.memory_space<vmem_shared>>
        tpu.wait_indirect_dma semaphore(%run_scoped3A : memref<!tpu.dma_semaphore, #tpu.memory_space<semaphore_mem>>) src(%arg10 : memref<128x128xf32, #tpu.memory_space<vmem>>) dst(%dma_wait3A_113 : memref<10240x128xf32, #tpu.memory_space<vmem_shared>>)
        tpu.yield
      }) : () -> ()
      %mul3A_85 = arith.constant 2 : i32
      %mul3A_86 = arith.muli %mul3A_85, %while3A_62 : i32
      %add3A_87 = arith.constant 1 : i32
      %add3A_88 = arith.addi %mul3A_86, %add3A_87 : i32
      %dma_wait3A_89 = arith.constant 0 : i32
      %dma_wait3A_90 = arith.constant 0 : i32
      %dma_wait3A_91 = tpu.memref_slice %arg2[%dma_wait3A_89, %dma_wait3A_90] : memref<10240x128xf32, #tpu.memory_space<hbm>> -> memref<10240x128xf32, #tpu.memory_space<hbm>>
      tpu.wait_indirect_dma semaphore(%arg14 : memref<!tpu.dma_semaphore, #tpu.memory_space<semaphore_mem>>) src(%dma_wait3A_91 : memref<10240x128xf32, #tpu.memory_space<hbm>>) dst(%arg11 : memref<128x128xf32, #tpu.memory_space<vmem>>)
      %add3A_92 = arith.constant 2 : i32
      %add3A_93 = arith.addi %add3A_88, %add3A_92 : i32
      %lt3A_94 = arith.cmpi slt, %add3A_93, %select_n3A : i32
      %convert_element_type3A_95 = arith.extui %lt3A_94 : i1 to i32
      %cond3A_96 = arith.constant 0 : i32
      %cond3A_97 = arith.cmpi ne, %convert_element_type3A_95, %cond3A_96 : i32
      scf.if %cond3A_97 {
        %add3A_109 = arith.constant 2 : i32
        %add3A_110 = arith.addi %add3A_88, %add3A_109 : i32
        %mul3A_111 = arith.constant 128 : i32
        %mul3A_112 = arith.muli %add3A_110, %mul3A_111 : i32
        %add3A_113 = arith.addi %mul3A_28, %mul3A_112 : i32
        %dma_start3A = tpu.memref_slice %arg3[%add3A_113] : memref<327680xi32, #tpu.memory_space<hbm>> -> memref<128xi32, #tpu.memory_space<hbm>>
        %dma_start3A_114 = tpu.memref_slice %arg3[%add3A_113] : memref<327680xi32, #tpu.memory_space<hbm>> -> memref<128xi32, #tpu.memory_space<hbm>>
        tpu.enqueue_dma source(%dma_start3A_114 : memref<128xi32, #tpu.memory_space<hbm>>) target(%arg7 : memref<128xi32, #tpu.memory_space<vmem>>) target_semaphore(%arg16 : memref<!tpu.dma_semaphore, #tpu.memory_space<semaphore_mem>>)
      } else {
      }
      %add3A_98 = arith.constant 1 : i32
      %add3A_99 = arith.addi %add3A_88, %add3A_98 : i32
      %lt3A_100 = arith.cmpi slt, %add3A_99, %select_n3A : i32
      %convert_element_type3A_101 = arith.extui %lt3A_100 : i1 to i32
      %cond3A_102 = arith.constant 0 : i32
      %cond3A_103 = arith.cmpi ne, %convert_element_type3A_101, %cond3A_102 : i32
      scf.if %cond3A_103 {
        %add3A_109 = arith.constant 1 : i32
        %add3A_110 = arith.addi %add3A_88, %add3A_109 : i32
        %mul3A_111 = arith.constant 128 : i32
        %mul3A_112 = arith.muli %add3A_110, %mul3A_111 : i32
        %add3A_113 = arith.addi %mul3A_28, %mul3A_112 : i32
        %dma_wait3A_114 = tpu.memref_slice %arg3[%add3A_113] : memref<327680xi32, #tpu.memory_space<hbm>> -> memref<128xi32, #tpu.memory_space<hbm>>
        %dma_wait3A_115 = tpu.memref_slice %arg3[%add3A_113] : memref<327680xi32, #tpu.memory_space<hbm>> -> memref<128xi32, #tpu.memory_space<hbm>>
        tpu.wait_dma2 semaphore(%arg15 : memref<!tpu.dma_semaphore, #tpu.memory_space<semaphore_mem>>) src(%dma_wait3A_115 : memref<128xi32, #tpu.memory_space<hbm>>) dst(%arg6 : memref<128xi32, #tpu.memory_space<vmem>>)
        %dma_start3A = arith.constant 0 : i32
        %dma_start3A_116 = arith.constant 0 : i32
        %dma_start3A_117 = tpu.memref_slice %arg2[%dma_start3A, %dma_start3A_116] : memref<10240x128xf32, #tpu.memory_space<hbm>> -> memref<10240x128xf32, #tpu.memory_space<hbm>>
        tpu.enqueue_indirect_dma source(%dma_start3A_117 : memref<10240x128xf32, #tpu.memory_space<hbm>>) target(%arg10 : memref<128x128xf32, #tpu.memory_space<vmem>>) offsets(%arg6 : memref<128xi32, #tpu.memory_space<vmem>>) semaphore(%arg13 : memref<!tpu.dma_semaphore, #tpu.memory_space<semaphore_mem>>)
        %add3A_118 = arith.constant 1 : i32
        %add3A_119 = arith.addi %add3A_88, %add3A_118 : i32
        %mul3A_120 = arith.constant 128 : i32
        %mul3A_121 = arith.muli %add3A_119, %mul3A_120 : i32
        %add3A_122 = arith.addi %mul3A_28, %mul3A_121 : i32
        %dma_start3A_123 = tpu.memref_slice %arg4[%add3A_122] : memref<327680xi32, #tpu.memory_space<hbm>> -> memref<128xi32, #tpu.memory_space<hbm>>
        %dma_start3A_124 = tpu.memref_slice %arg4[%add3A_122] : memref<327680xi32, #tpu.memory_space<hbm>> -> memref<128xi32, #tpu.memory_space<hbm>>
        tpu.enqueue_dma source(%dma_start3A_124 : memref<128xi32, #tpu.memory_space<hbm>>) target(%arg8 : memref<128xi32, #tpu.memory_space<vmem>>) target_semaphore(%arg17 : memref<!tpu.dma_semaphore, #tpu.memory_space<semaphore_mem>>)
      } else {
      }
      %mul3A_104 = arith.constant 128 : i32
      %mul3A_105 = arith.muli %add3A_88, %mul3A_104 : i32
      %add3A_106 = arith.addi %mul3A_28, %mul3A_105 : i32
      %dma_wait3A_107 = tpu.memref_slice %arg4[%add3A_106] : memref<327680xi32, #tpu.memory_space<hbm>> -> memref<128xi32, #tpu.memory_space<hbm>>
      %dma_wait3A_108 = tpu.memref_slice %arg4[%add3A_106] : memref<327680xi32, #tpu.memory_space<hbm>> -> memref<128xi32, #tpu.memory_space<hbm>>
      tpu.wait_dma2 semaphore(%arg18 : memref<!tpu.dma_semaphore, #tpu.memory_space<semaphore_mem>>) src(%dma_wait3A_108 : memref<128xi32, #tpu.memory_space<hbm>>) dst(%arg9 : memref<128xi32, #tpu.memory_space<vmem>>)
      "tpu.region"() ({
        %run_scoped3A = tpu.sem_alloc : memref<!tpu.dma_semaphore, #tpu.memory_space<semaphore_mem>>
        %dma_start3A = arith.constant 0 : i32
        %dma_start3A_109 = arith.constant 0 : i32
        %dma_start3A_110 = tpu.memref_slice %arg12[%dma_start3A, %dma_start3A_109] : memref<10240x128xf32, #tpu.memory_space<vmem_shared>> -> memref<10240x128xf32, #tpu.memory_space<vmem_shared>>
        tpu.enqueue_indirect_dma source(%arg11 : memref<128x128xf32, #tpu.memory_space<vmem>>) target(%dma_start3A_110 : memref<10240x128xf32, #tpu.memory_space<vmem_shared>>) offsets(%arg9 : memref<128xi32, #tpu.memory_space<vmem>>) semaphore(%run_scoped3A : memref<!tpu.dma_semaphore, #tpu.memory_space<semaphore_mem>>) {add = true}
        %dma_wait3A_111 = arith.constant 0 : i32
        %dma_wait3A_112 = arith.constant 0 : i32
        %dma_wait3A_113 = tpu.memref_slice %arg12[%dma_wait3A_111, %dma_wait3A_112] : memref<10240x128xf32, #tpu.memory_space<vmem_shared>> -> memref<10240x128xf32, #tpu.memory_space<vmem_shared>>
        tpu.wait_indirect_dma semaphore(%run_scoped3A : memref<!tpu.dma_semaphore, #tpu.memory_space<semaphore_mem>>) src(%arg11 : memref<128x128xf32, #tpu.memory_space<vmem>>) dst(%dma_wait3A_113 : memref<10240x128xf32, #tpu.memory_space<vmem_shared>>)
        tpu.yield
      }) : () -> ()
    }
    %while3A_57 = arith.constant 1 : i32
    scf.for %while3A_62 = %while3A_55 to %while3A_51 step %while3A_57  : i32 {
      %mul3A_63 = arith.constant 2 : i32
      %mul3A_64 = arith.muli %mul3A_63, %while3A_62 : i32
      %add3A_65 = arith.constant 0 : i32
      %add3A_66 = arith.addi %mul3A_64, %add3A_65 : i32
      %dma_wait3A = arith.constant 0 : i32
      %dma_wait3A_67 = arith.constant 0 : i32
      %dma_wait3A_68 = tpu.memref_slice %arg2[%dma_wait3A, %dma_wait3A_67] : memref<10240x128xf32, #tpu.memory_space<hbm>> -> memref<10240x128xf32, #tpu.memory_space<hbm>>
      tpu.wait_indirect_dma semaphore(%arg13 : memref<!tpu.dma_semaphore, #tpu.memory_space<semaphore_mem>>) src(%dma_wait3A_68 : memref<10240x128xf32, #tpu.memory_space<hbm>>) dst(%arg10 : memref<128x128xf32, #tpu.memory_space<vmem>>)
      %add3A_69 = arith.constant 2 : i32
      %add3A_70 = arith.addi %add3A_66, %add3A_69 : i32
      %lt3A = arith.cmpi slt, %add3A_70, %select_n3A : i32
      %convert_element_type3A_71 = arith.extui %lt3A : i1 to i32
      %cond3A_72 = arith.constant 0 : i32
      %cond3A_73 = arith.cmpi ne, %convert_element_type3A_71, %cond3A_72 : i32
      scf.if %cond3A_73 {
        %add3A_109 = arith.constant 2 : i32
        %add3A_110 = arith.addi %add3A_66, %add3A_109 : i32
        %mul3A_111 = arith.constant 128 : i32
        %mul3A_112 = arith.muli %add3A_110, %mul3A_111 : i32
        %add3A_113 = arith.addi %mul3A_28, %mul3A_112 : i32
        %dma_start3A = tpu.memref_slice %arg3[%add3A_113] : memref<327680xi32, #tpu.memory_space<hbm>> -> memref<128xi32, #tpu.memory_space<hbm>>
        %dma_start3A_114 = tpu.memref_slice %arg3[%add3A_113] : memref<327680xi32, #tpu.memory_space<hbm>> -> memref<128xi32, #tpu.memory_space<hbm>>
        tpu.enqueue_dma source(%dma_start3A_114 : memref<128xi32, #tpu.memory_space<hbm>>) target(%arg6 : memref<128xi32, #tpu.memory_space<vmem>>) target_semaphore(%arg15 : memref<!tpu.dma_semaphore, #tpu.memory_space<semaphore_mem>>)
      } else {
      }
      %add3A_74 = arith.constant 1 : i32
      %add3A_75 = arith.addi %add3A_66, %add3A_74 : i32
      %lt3A_76 = arith.cmpi slt, %add3A_75, %select_n3A : i32
      %convert_element_type3A_77 = arith.extui %lt3A_76 : i1 to i32
      %cond3A_78 = arith.constant 0 : i32
      %cond3A_79 = arith.cmpi ne, %convert_element_type3A_77, %cond3A_78 : i32
      scf.if %cond3A_79 {
        %add3A_109 = arith.constant 1 : i32
        %add3A_110 = arith.addi %add3A_66, %add3A_109 : i32
        %mul3A_111 = arith.constant 128 : i32
        %mul3A_112 = arith.muli %add3A_110, %mul3A_111 : i32
        %add3A_113 = arith.addi %mul3A_28, %mul3A_112 : i32
        %dma_wait3A_114 = tpu.memref_slice %arg3[%add3A_113] : memref<327680xi32, #tpu.memory_space<hbm>> -> memref<128xi32, #tpu.memory_space<hbm>>
        %dma_wait3A_115 = tpu.memref_slice %arg3[%add3A_113] : memref<327680xi32, #tpu.memory_space<hbm>> -> memref<128xi32, #tpu.memory_space<hbm>>
        tpu.wait_dma2 semaphore(%arg16 : memref<!tpu.dma_semaphore, #tpu.memory_space<semaphore_mem>>) src(%dma_wait3A_115 : memref<128xi32, #tpu.memory_space<hbm>>) dst(%arg7 : memref<128xi32, #tpu.memory_space<vmem>>)
        %dma_start3A = arith.constant 0 : i32
        %dma_start3A_116 = arith.constant 0 : i32
        %dma_start3A_117 = tpu.memref_slice %arg2[%dma_start3A, %dma_start3A_116] : memref<10240x128xf32, #tpu.memory_space<hbm>> -> memref<10240x128xf32, #tpu.memory_space<hbm>>
        tpu.enqueue_indirect_dma source(%dma_start3A_117 : memref<10240x128xf32, #tpu.memory_space<hbm>>) target(%arg11 : memref<128x128xf32, #tpu.memory_space<vmem>>) offsets(%arg7 : memref<128xi32, #tpu.memory_space<vmem>>) semaphore(%arg14 : memref<!tpu.dma_semaphore, #tpu.memory_space<semaphore_mem>>)
        %add3A_118 = arith.constant 1 : i32
        %add3A_119 = arith.addi %add3A_66, %add3A_118 : i32
        %mul3A_120 = arith.constant 128 : i32
        %mul3A_121 = arith.muli %add3A_119, %mul3A_120 : i32
        %add3A_122 = arith.addi %mul3A_28, %mul3A_121 : i32
        %dma_start3A_123 = tpu.memref_slice %arg4[%add3A_122] : memref<327680xi32, #tpu.memory_space<hbm>> -> memref<128xi32, #tpu.memory_space<hbm>>
        %dma_start3A_124 = tpu.memref_slice %arg4[%add3A_122] : memref<327680xi32, #tpu.memory_space<hbm>> -> memref<128xi32, #tpu.memory_space<hbm>>
        tpu.enqueue_dma source(%dma_start3A_124 : memref<128xi32, #tpu.memory_space<hbm>>) target(%arg9 : memref<128xi32, #tpu.memory_space<vmem>>) target_semaphore(%arg18 : memref<!tpu.dma_semaphore, #tpu.memory_space<semaphore_mem>>)
      } else {
      }
      %mul3A_80 = arith.constant 128 : i32
      %mul3A_81 = arith.muli %add3A_66, %mul3A_80 : i32
      %add3A_82 = arith.addi %mul3A_28, %mul3A_81 : i32
      %dma_wait3A_83 = tpu.memref_slice %arg4[%add3A_82] : memref<327680xi32, #tpu.memory_space<hbm>> -> memref<128xi32, #tpu.memory_space<hbm>>
      %dma_wait3A_84 = tpu.memref_slice %arg4[%add3A_82] : memref<327680xi32, #tpu.memory_space<hbm>> -> memref<128xi32, #tpu.memory_space<hbm>>
      tpu.wait_dma2 semaphore(%arg17 : memref<!tpu.dma_semaphore, #tpu.memory_space<semaphore_mem>>) src(%dma_wait3A_84 : memref<128xi32, #tpu.memory_space<hbm>>) dst(%arg8 : memref<128xi32, #tpu.memory_space<vmem>>)
      "tpu.region"() ({
        %run_scoped3A = tpu.sem_alloc : memref<!tpu.dma_semaphore, #tpu.memory_space<semaphore_mem>>
        %dma_start3A = arith.constant 0 : i32
        %dma_start3A_109 = arith.constant 0 : i32
        %dma_start3A_110 = tpu.memref_slice %arg12[%dma_start3A, %dma_start3A_109] : memref<10240x128xf32, #tpu.memory_space<vmem_shared>> -> memref<10240x128xf32, #tpu.memory_space<vmem_shared>>
        tpu.enqueue_indirect_dma source(%arg10 : memref<128x128xf32, #tpu.memory_space<vmem>>) target(%dma_start3A_110 : memref<10240x128xf32, #tpu.memory_space<vmem_shared>>) offsets(%arg8 : memref<128xi32, #tpu.memory_space<vmem>>) semaphore(%run_scoped3A : memref<!tpu.dma_semaphore, #tpu.memory_space<semaphore_mem>>) {add = true}
        %dma_wait3A_111 = arith.constant 0 : i32
        %dma_wait3A_112 = arith.constant 0 : i32
        %dma_wait3A_113 = tpu.memref_slice %arg12[%dma_wait3A_111, %dma_wait3A_112] : memref<10240x128xf32, #tpu.memory_space<vmem_shared>> -> memref<10240x128xf32, #tpu.memory_space<vmem_shared>>
        tpu.wait_indirect_dma semaphore(%run_scoped3A : memref<!tpu.dma_semaphore, #tpu.memory_space<semaphore_mem>>) src(%arg10 : memref<128x128xf32, #tpu.memory_space<vmem>>) dst(%dma_wait3A_113 : memref<10240x128xf32, #tpu.memory_space<vmem_shared>>)
        tpu.yield
      }) : () -> ()
      %mul3A_85 = arith.constant 2 : i32
      %mul3A_86 = arith.muli %mul3A_85, %while3A_62 : i32
      %add3A_87 = arith.constant 1 : i32
      %add3A_88 = arith.addi %mul3A_86, %add3A_87 : i32
      %dma_wait3A_89 = arith.constant 0 : i32
      %dma_wait3A_90 = arith.constant 0 : i32
      %dma_wait3A_91 = tpu.memref_slice %arg2[%dma_wait3A_89, %dma_wait3A_90] : memref<10240x128xf32, #tpu.memory_space<hbm>> -> memref<10240x128xf32, #tpu.memory_space<hbm>>
      tpu.wait_indirect_dma semaphore(%arg14 : memref<!tpu.dma_semaphore, #tpu.memory_space<semaphore_mem>>) src(%dma_wait3A_91 : memref<10240x128xf32, #tpu.memory_space<hbm>>) dst(%arg11 : memref<128x128xf32, #tpu.memory_space<vmem>>)
      %add3A_92 = arith.constant 2 : i32
      %add3A_93 = arith.addi %add3A_88, %add3A_92 : i32
      %lt3A_94 = arith.cmpi slt, %add3A_93, %select_n3A : i32
      %convert_element_type3A_95 = arith.extui %lt3A_94 : i1 to i32
      %cond3A_96 = arith.constant 0 : i32
      %cond3A_97 = arith.cmpi ne, %convert_element_type3A_95, %cond3A_96 : i32
      scf.if %cond3A_97 {
        %add3A_109 = arith.constant 2 : i32
        %add3A_110 = arith.addi %add3A_88, %add3A_109 : i32
        %mul3A_111 = arith.constant 128 : i32
        %mul3A_112 = arith.muli %add3A_110, %mul3A_111 : i32
        %add3A_113 = arith.addi %mul3A_28, %mul3A_112 : i32
        %dma_start3A = tpu.memref_slice %arg3[%add3A_113] : memref<327680xi32, #tpu.memory_space<hbm>> -> memref<128xi32, #tpu.memory_space<hbm>>
        %dma_start3A_114 = tpu.memref_slice %arg3[%add3A_113] : memref<327680xi32, #tpu.memory_space<hbm>> -> memref<128xi32, #tpu.memory_space<hbm>>
        tpu.enqueue_dma source(%dma_start3A_114 : memref<128xi32, #tpu.memory_space<hbm>>) target(%arg7 : memref<128xi32, #tpu.memory_space<vmem>>) target_semaphore(%arg16 : memref<!tpu.dma_semaphore, #tpu.memory_space<semaphore_mem>>)
      } else {
      }
      %add3A_98 = arith.constant 1 : i32
      %add3A_99 = arith.addi %add3A_88, %add3A_98 : i32
      %lt3A_100 = arith.cmpi slt, %add3A_99, %select_n3A : i32
      %convert_element_type3A_101 = arith.extui %lt3A_100 : i1 to i32
      %cond3A_102 = arith.constant 0 : i32
      %cond3A_103 = arith.cmpi ne, %convert_element_type3A_101, %cond3A_102 : i32
      scf.if %cond3A_103 {
        %add3A_109 = arith.constant 1 : i32
        %add3A_110 = arith.addi %add3A_88, %add3A_109 : i32
        %mul3A_111 = arith.constant 128 : i32
        %mul3A_112 = arith.muli %add3A_110, %mul3A_111 : i32
        %add3A_113 = arith.addi %mul3A_28, %mul3A_112 : i32
        %dma_wait3A_114 = tpu.memref_slice %arg3[%add3A_113] : memref<327680xi32, #tpu.memory_space<hbm>> -> memref<128xi32, #tpu.memory_space<hbm>>
        %dma_wait3A_115 = tpu.memref_slice %arg3[%add3A_113] : memref<327680xi32, #tpu.memory_space<hbm>> -> memref<128xi32, #tpu.memory_space<hbm>>
        tpu.wait_dma2 semaphore(%arg15 : memref<!tpu.dma_semaphore, #tpu.memory_space<semaphore_mem>>) src(%dma_wait3A_115 : memref<128xi32, #tpu.memory_space<hbm>>) dst(%arg6 : memref<128xi32, #tpu.memory_space<vmem>>)
        %dma_start3A = arith.constant 0 : i32
        %dma_start3A_116 = arith.constant 0 : i32
        %dma_start3A_117 = tpu.memref_slice %arg2[%dma_start3A, %dma_start3A_116] : memref<10240x128xf32, #tpu.memory_space<hbm>> -> memref<10240x128xf32, #tpu.memory_space<hbm>>
        tpu.enqueue_indirect_dma source(%dma_start3A_117 : memref<10240x128xf32, #tpu.memory_space<hbm>>) target(%arg10 : memref<128x128xf32, #tpu.memory_space<vmem>>) offsets(%arg6 : memref<128xi32, #tpu.memory_space<vmem>>) semaphore(%arg13 : memref<!tpu.dma_semaphore, #tpu.memory_space<semaphore_mem>>)
        %add3A_118 = arith.constant 1 : i32
        %add3A_119 = arith.addi %add3A_88, %add3A_118 : i32
        %mul3A_120 = arith.constant 128 : i32
        %mul3A_121 = arith.muli %add3A_119, %mul3A_120 : i32
        %add3A_122 = arith.addi %mul3A_28, %mul3A_121 : i32
        %dma_start3A_123 = tpu.memref_slice %arg4[%add3A_122] : memref<327680xi32, #tpu.memory_space<hbm>> -> memref<128xi32, #tpu.memory_space<hbm>>
        %dma_start3A_124 = tpu.memref_slice %arg4[%add3A_122] : memref<327680xi32, #tpu.memory_space<hbm>> -> memref<128xi32, #tpu.memory_space<hbm>>
        tpu.enqueue_dma source(%dma_start3A_124 : memref<128xi32, #tpu.memory_space<hbm>>) target(%arg8 : memref<128xi32, #tpu.memory_space<vmem>>) target_semaphore(%arg17 : memref<!tpu.dma_semaphore, #tpu.memory_space<semaphore_mem>>)
      } else {
      }
      %mul3A_104 = arith.constant 128 : i32
      %mul3A_105 = arith.muli %add3A_88, %mul3A_104 : i32
      %add3A_106 = arith.addi %mul3A_28, %mul3A_105 : i32
      %dma_wait3A_107 = tpu.memref_slice %arg4[%add3A_106] : memref<327680xi32, #tpu.memory_space<hbm>> -> memref<128xi32, #tpu.memory_space<hbm>>
      %dma_wait3A_108 = tpu.memref_slice %arg4[%add3A_106] : memref<327680xi32, #tpu.memory_space<hbm>> -> memref<128xi32, #tpu.memory_space<hbm>>
      tpu.wait_dma2 semaphore(%arg18 : memref<!tpu.dma_semaphore, #tpu.memory_space<semaphore_mem>>) src(%dma_wait3A_108 : memref<128xi32, #tpu.memory_space<hbm>>) dst(%arg9 : memref<128xi32, #tpu.memory_space<vmem>>)
      "tpu.region"() ({
        %run_scoped3A = tpu.sem_alloc : memref<!tpu.dma_semaphore, #tpu.memory_space<semaphore_mem>>
        %dma_start3A = arith.constant 0 : i32
        %dma_start3A_109 = arith.constant 0 : i32
        %dma_start3A_110 = tpu.memref_slice %arg12[%dma_start3A, %dma_start3A_109] : memref<10240x128xf32, #tpu.memory_space<vmem_shared>> -> memref<10240x128xf32, #tpu.memory_space<vmem_shared>>
        tpu.enqueue_indirect_dma source(%arg11 : memref<128x128xf32, #tpu.memory_space<vmem>>) target(%dma_start3A_110 : memref<10240x128xf32, #tpu.memory_space<vmem_shared>>) offsets(%arg9 : memref<128xi32, #tpu.memory_space<vmem>>) semaphore(%run_scoped3A : memref<!tpu.dma_semaphore, #tpu.memory_space<semaphore_mem>>) {add = true}
        %dma_wait3A_111 = arith.constant 0 : i32
        %dma_wait3A_112 = arith.constant 0 : i32
        %dma_wait3A_113 = tpu.memref_slice %arg12[%dma_wait3A_111, %dma_wait3A_112] : memref<10240x128xf32, #tpu.memory_space<vmem_shared>> -> memref<10240x128xf32, #tpu.memory_space<vmem_shared>>
        tpu.wait_indirect_dma semaphore(%run_scoped3A : memref<!tpu.dma_semaphore, #tpu.memory_space<semaphore_mem>>) src(%arg11 : memref<128x128xf32, #tpu.memory_space<vmem>>) dst(%dma_wait3A_113 : memref<10240x128xf32, #tpu.memory_space<vmem_shared>>)
        tpu.yield
      }) : () -> ()
    }
    %barrier3A_58 = arith.constant 0 : index
    tpu.barrier barrier_id(%barrier3A_58)
    %mul3A_59 = arith.constant 10240 : i32
    %mul3A_60 = arith.muli %arg0, %mul3A_59 : i32
    %add3A_61 = arith.addi %mul3A_60, %mul3A_10 : i32
    "tpu.region"() ({
      %run_scoped3A = tpu.sem_alloc : memref<!tpu.dma_semaphore, #tpu.memory_space<semaphore_mem>>
      %dma_start3A = arith.constant 0 : i32
      %dma_start3A_62 = tpu.memref_slice %arg5[%add3A_61, %dma_start3A] : memref<20480x128xf32, #tpu.memory_space<hbm>> -> memref<640x128xf32, #tpu.memory_space<hbm>>
      %dma_start3A_63 = arith.constant 0 : i32
      %dma_start3A_64 = tpu.memref_slice %arg12[%mul3A_10, %dma_start3A_63] : memref<10240x128xf32, #tpu.memory_space<vmem_shared>> -> memref<640x128xf32, #tpu.memory_space<vmem_shared>>
      tpu.enqueue_dma source(%dma_start3A_64 : memref<640x128xf32, #tpu.memory_space<vmem_shared>>) target(%dma_start3A_62 : memref<640x128xf32, #tpu.memory_space<hbm>>) target_semaphore(%run_scoped3A : memref<!tpu.dma_semaphore, #tpu.memory_space<semaphore_mem>>)
      %dma_wait3A = arith.constant 0 : i32
      %dma_wait3A_65 = tpu.memref_slice %arg5[%add3A_61, %dma_wait3A] : memref<20480x128xf32, #tpu.memory_space<hbm>> -> memref<640x128xf32, #tpu.memory_space<hbm>>
      %dma_wait3A_66 = arith.constant 0 : i32
      %dma_wait3A_67 = tpu.memref_slice %arg12[%mul3A_10, %dma_wait3A_66] : memref<10240x128xf32, #tpu.memory_space<vmem_shared>> -> memref<640x128xf32, #tpu.memory_space<vmem_shared>>
      tpu.wait_dma2 semaphore(%run_scoped3A : memref<!tpu.dma_semaphore, #tpu.memory_space<semaphore_mem>>) src(%dma_wait3A_67 : memref<640x128xf32, #tpu.memory_space<vmem_shared>>) dst(%dma_wait3A_65 : memref<640x128xf32, #tpu.memory_space<hbm>>)
      tpu.yield
    }) : () -> ()
    return
  }
}

#map = affine_map<(d0, d1) -> (0, 0)>
#map1 = affine_map<(d0, d1) -> (0)>
module attributes {stable_mosaic.version = 14 : i64} {
  func.func @_edge_body(%arg0: i32, %arg1: i32, %arg2: memref<10240x128xf32, #tpu.memory_space<hbm>>, %arg3: memref<327680xi32, #tpu.memory_space<hbm>>, %arg4: memref<327680xi32, #tpu.memory_space<hbm>>, %arg5: memref<20480x128xf32, #tpu.memory_space<hbm>>, %arg6: memref<128xi32, #tpu.memory_space<vmem>>, %arg7: memref<128xi32, #tpu.memory_space<vmem>>, %arg8: memref<128xi32, #tpu.memory_space<vmem>>, %arg9: memref<128xi32, #tpu.memory_space<vmem>>, %arg10: memref<128x128xf32, #tpu.memory_space<vmem>>, %arg11: memref<128x128xf32, #tpu.memory_space<vmem>>, %arg12: memref<10240x128xf32, #tpu.memory_space<vmem_shared>>, %arg13: memref<!tpu.dma_semaphore, #tpu.memory_space<semaphore_mem>>, %arg14: memref<!tpu.dma_semaphore, #tpu.memory_space<semaphore_mem>>, %arg15: memref<!tpu.dma_semaphore, #tpu.memory_space<semaphore_mem>>, %arg16: memref<!tpu.dma_semaphore, #tpu.memory_space<semaphore_mem>>, %arg17: memref<!tpu.dma_semaphore, #tpu.memory_space<semaphore_mem>>, %arg18: memref<!tpu.dma_semaphore, #tpu.memory_space<semaphore_mem>>) attributes {dimension_semantics = [#tpu.dimension_semantics<core_parallel>, #tpu.dimension_semantics<subcore_parallel>], iteration_bounds = array<i64: 2, 16>, scalar_prefetch = 0 : i64, scratch_operands = 13 : i64, tpu.core_type = #tpu.core_type<sc_vector_subcore>, window_params = [{transform_indices = #map}, {transform_indices = #map1}, {transform_indices = #map1}, {transform_indices = #map}]} {
    %eq3A = arith.constant 0 : i32
    %eq3A_0 = arith.cmpi eq, %arg0, %eq3A : i32
    %jit3A = arith.constant 140 : i32
    %jit3A_1 = arith.constant 20 : i32
    %select_n3A = arith.select %eq3A_0, %jit3A, %jit3A_1 : i32
    %eq3A_2 = arith.constant 0 : i32
    %eq3A_3 = arith.cmpi eq, %arg0, %eq3A_2 : i32
    %mul3A = arith.constant 140 : i32
    %mul3A_4 = arith.muli %arg1, %mul3A : i32
    %mul3A_5 = arith.constant 20 : i32
    %mul3A_6 = arith.muli %arg1, %mul3A_5 : i32
    %add3A = arith.constant 2240 : i32
    %add3A_7 = arith.addi %add3A, %mul3A_6 : i32
    %select_n3A_8 = arith.select %eq3A_3, %mul3A_4, %add3A_7 : i32
    %mul3A_9 = arith.constant 640 : i32
    %mul3A_10 = arith.muli %arg1, %mul3A_9 : i32
    %broadcast_in_dim3A = arith.constant 0.000000e+00 : f32
    %broadcast_in_dim3A_11 = vector.broadcast %broadcast_in_dim3A : f32 to vector<16xf32>
    %scan3A = arith.constant 0 : i32
    %scan3A_12 = arith.constant 0 : i32
    %scan3A_13 = arith.constant 128 : i32
    %scan3A_14 = arith.addi %scan3A_12, %scan3A_13 : i32
    %scan3A_15 = arith.constant 1 : i32
    scf.for %scan3A_62 = %scan3A_12 to %scan3A_14 step %scan3A_15  : i32 {
      %swap3A = arith.index_cast %scan3A_62 : i32 to index
      %swap3A_63 = arith.constant 0 : index
      %swap3A_64 = tpu.vector_load %arg10[%swap3A, %swap3A_63] {strides = array<i32>} : memref<128x128xf32, #tpu.memory_space<vmem>>, vector<1x16xf32>,
      %swap3A_65 = vector.shape_cast %swap3A_64 : vector<1x16xf32> to vector<16xf32>
      %swap3A_66 = vector.shape_cast %broadcast_in_dim3A_11 : vector<16xf32> to vector<1x16xf32>
      tpu.vector_store %arg10[%swap3A, %swap3A_63], %swap3A_66 {strides = array<i32>} : memref<128x128xf32, #tpu.memory_space<vmem>>, vector<1x16xf32>,
      %swap3A_67 = arith.index_cast %scan3A_62 : i32 to index
      %swap3A_68 = arith.constant 16 : index
      %swap3A_69 = tpu.vector_load %arg10[%swap3A_67, %swap3A_68] {strides = array<i32>} : memref<128x128xf32, #tpu.memory_space<vmem>>, vector<1x16xf32>,
      %swap3A_70 = vector.shape_cast %swap3A_69 : vector<1x16xf32> to vector<16xf32>
      %swap3A_71 = vector.shape_cast %broadcast_in_dim3A_11 : vector<16xf32> to vector<1x16xf32>
      tpu.vector_store %arg10[%swap3A_67, %swap3A_68], %swap3A_71 {strides = array<i32>} : memref<128x128xf32, #tpu.memory_space<vmem>>, vector<1x16xf32>,
      %swap3A_72 = arith.index_cast %scan3A_62 : i32 to index
      %swap3A_73 = arith.constant 32 : index
      %swap3A_74 = tpu.vector_load %arg10[%swap3A_72, %swap3A_73] {strides = array<i32>} : memref<128x128xf32, #tpu.memory_space<vmem>>, vector<1x16xf32>,
      %swap3A_75 = vector.shape_cast %swap3A_74 : vector<1x16xf32> to vector<16xf32>
      %swap3A_76 = vector.shape_cast %broadcast_in_dim3A_11 : vector<16xf32> to vector<1x16xf32>
      tpu.vector_store %arg10[%swap3A_72, %swap3A_73], %swap3A_76 {strides = array<i32>} : memref<128x128xf32, #tpu.memory_space<vmem>>, vector<1x16xf32>,
      %swap3A_77 = arith.index_cast %scan3A_62 : i32 to index
      %swap3A_78 = arith.constant 48 : index
      %swap3A_79 = tpu.vector_load %arg10[%swap3A_77, %swap3A_78] {strides = array<i32>} : memref<128x128xf32, #tpu.memory_space<vmem>>, vector<1x16xf32>,
      %swap3A_80 = vector.shape_cast %swap3A_79 : vector<1x16xf32> to vector<16xf32>
      %swap3A_81 = vector.shape_cast %broadcast_in_dim3A_11 : vector<16xf32> to vector<1x16xf32>
      tpu.vector_store %arg10[%swap3A_77, %swap3A_78], %swap3A_81 {strides = array<i32>} : memref<128x128xf32, #tpu.memory_space<vmem>>, vector<1x16xf32>,
      %swap3A_82 = arith.index_cast %scan3A_62 : i32 to index
      %swap3A_83 = arith.constant 64 : index
      %swap3A_84 = tpu.vector_load %arg10[%swap3A_82, %swap3A_83] {strides = array<i32>} : memref<128x128xf32, #tpu.memory_space<vmem>>, vector<1x16xf32>,
      %swap3A_85 = vector.shape_cast %swap3A_84 : vector<1x16xf32> to vector<16xf32>
      %swap3A_86 = vector.shape_cast %broadcast_in_dim3A_11 : vector<16xf32> to vector<1x16xf32>
      tpu.vector_store %arg10[%swap3A_82, %swap3A_83], %swap3A_86 {strides = array<i32>} : memref<128x128xf32, #tpu.memory_space<vmem>>, vector<1x16xf32>,
      %swap3A_87 = arith.index_cast %scan3A_62 : i32 to index
      %swap3A_88 = arith.constant 80 : index
      %swap3A_89 = tpu.vector_load %arg10[%swap3A_87, %swap3A_88] {strides = array<i32>} : memref<128x128xf32, #tpu.memory_space<vmem>>, vector<1x16xf32>,
      %swap3A_90 = vector.shape_cast %swap3A_89 : vector<1x16xf32> to vector<16xf32>
      %swap3A_91 = vector.shape_cast %broadcast_in_dim3A_11 : vector<16xf32> to vector<1x16xf32>
      tpu.vector_store %arg10[%swap3A_87, %swap3A_88], %swap3A_91 {strides = array<i32>} : memref<128x128xf32, #tpu.memory_space<vmem>>, vector<1x16xf32>,
      %swap3A_92 = arith.index_cast %scan3A_62 : i32 to index
      %swap3A_93 = arith.constant 96 : index
      %swap3A_94 = tpu.vector_load %arg10[%swap3A_92, %swap3A_93] {strides = array<i32>} : memref<128x128xf32, #tpu.memory_space<vmem>>, vector<1x16xf32>,
      %swap3A_95 = vector.shape_cast %swap3A_94 : vector<1x16xf32> to vector<16xf32>
      %swap3A_96 = vector.shape_cast %broadcast_in_dim3A_11 : vector<16xf32> to vector<1x16xf32>
      tpu.vector_store %arg10[%swap3A_92, %swap3A_93], %swap3A_96 {strides = array<i32>} : memref<128x128xf32, #tpu.memory_space<vmem>>, vector<1x16xf32>,
      %swap3A_97 = arith.index_cast %scan3A_62 : i32 to index
      %swap3A_98 = arith.constant 112 : index
      %swap3A_99 = tpu.vector_load %arg10[%swap3A_97, %swap3A_98] {strides = array<i32>} : memref<128x128xf32, #tpu.memory_space<vmem>>, vector<1x16xf32>,
      %swap3A_100 = vector.shape_cast %swap3A_99 : vector<1x16xf32> to vector<16xf32>
      %swap3A_101 = vector.shape_cast %broadcast_in_dim3A_11 : vector<16xf32> to vector<1x16xf32>
      tpu.vector_store %arg10[%swap3A_97, %swap3A_98], %swap3A_101 {strides = array<i32>} : memref<128x128xf32, #tpu.memory_space<vmem>>, vector<1x16xf32>,
    }
    %scan3A_16 = arith.constant 128 : i32
    %add3A_17 = arith.constant 0 : i32
    %add3A_18 = arith.addi %mul3A_10, %add3A_17 : i32
    "tpu.region"() ({
      %run_scoped3A = tpu.sem_alloc : memref<!tpu.dma_semaphore, #tpu.memory_space<semaphore_mem>>
      %dma_start3A = arith.constant 0 : i32
      %dma_start3A_62 = tpu.memref_slice %arg12[%add3A_18, %dma_start3A] : memref<10240x128xf32, #tpu.memory_space<vmem_shared>> -> memref<128x128xf32, #tpu.memory_space<vmem_shared>>
      %dma_start3A_63 = arith.constant 0 : i32
      %dma_start3A_64 = tpu.memref_slice %arg12[%add3A_18, %dma_start3A_63] : memref<10240x128xf32, #tpu.memory_space<vmem_shared>> -> memref<128x128xf32, #tpu.memory_space<vmem_shared>>
      tpu.enqueue_dma source(%arg10 : memref<128x128xf32, #tpu.memory_space<vmem>>) target(%dma_start3A_64 : memref<128x128xf32, #tpu.memory_space<vmem_shared>>) target_semaphore(%run_scoped3A : memref<!tpu.dma_semaphore, #tpu.memory_space<semaphore_mem>>)
      %dma_wait3A = arith.constant 0 : i32
      %dma_wait3A_65 = tpu.memref_slice %arg12[%add3A_18, %dma_wait3A] : memref<10240x128xf32, #tpu.memory_space<vmem_shared>> -> memref<128x128xf32, #tpu.memory_space<vmem_shared>>
      %dma_wait3A_66 = arith.constant 0 : i32
      %dma_wait3A_67 = tpu.memref_slice %arg12[%add3A_18, %dma_wait3A_66] : memref<10240x128xf32, #tpu.memory_space<vmem_shared>> -> memref<128x128xf32, #tpu.memory_space<vmem_shared>>
      tpu.wait_dma2 semaphore(%run_scoped3A : memref<!tpu.dma_semaphore, #tpu.memory_space<semaphore_mem>>) src(%arg10 : memref<128x128xf32, #tpu.memory_space<vmem>>) dst(%dma_wait3A_67 : memref<128x128xf32, #tpu.memory_space<vmem_shared>>)
      tpu.yield
    }) : () -> ()
    %add3A_19 = arith.constant 128 : i32
    %add3A_20 = arith.addi %mul3A_10, %add3A_19 : i32
    "tpu.region"() ({
      %run_scoped3A = tpu.sem_alloc : memref<!tpu.dma_semaphore, #tpu.memory_space<semaphore_mem>>
      %dma_start3A = arith.constant 0 : i32
      %dma_start3A_62 = tpu.memref_slice %arg12[%add3A_20, %dma_start3A] : memref<10240x128xf32, #tpu.memory_space<vmem_shared>> -> memref<128x128xf32, #tpu.memory_space<vmem_shared>>
      %dma_start3A_63 = arith.constant 0 : i32
      %dma_start3A_64 = tpu.memref_slice %arg12[%add3A_20, %dma_start3A_63] : memref<10240x128xf32, #tpu.memory_space<vmem_shared>> -> memref<128x128xf32, #tpu.memory_space<vmem_shared>>
      tpu.enqueue_dma source(%arg10 : memref<128x128xf32, #tpu.memory_space<vmem>>) target(%dma_start3A_64 : memref<128x128xf32, #tpu.memory_space<vmem_shared>>) target_semaphore(%run_scoped3A : memref<!tpu.dma_semaphore, #tpu.memory_space<semaphore_mem>>)
      %dma_wait3A = arith.constant 0 : i32
      %dma_wait3A_65 = tpu.memref_slice %arg12[%add3A_20, %dma_wait3A] : memref<10240x128xf32, #tpu.memory_space<vmem_shared>> -> memref<128x128xf32, #tpu.memory_space<vmem_shared>>
      %dma_wait3A_66 = arith.constant 0 : i32
      %dma_wait3A_67 = tpu.memref_slice %arg12[%add3A_20, %dma_wait3A_66] : memref<10240x128xf32, #tpu.memory_space<vmem_shared>> -> memref<128x128xf32, #tpu.memory_space<vmem_shared>>
      tpu.wait_dma2 semaphore(%run_scoped3A : memref<!tpu.dma_semaphore, #tpu.memory_space<semaphore_mem>>) src(%arg10 : memref<128x128xf32, #tpu.memory_space<vmem>>) dst(%dma_wait3A_67 : memref<128x128xf32, #tpu.memory_space<vmem_shared>>)
      tpu.yield
    }) : () -> ()
    %add3A_21 = arith.constant 256 : i32
    %add3A_22 = arith.addi %mul3A_10, %add3A_21 : i32
    "tpu.region"() ({
      %run_scoped3A = tpu.sem_alloc : memref<!tpu.dma_semaphore, #tpu.memory_space<semaphore_mem>>
      %dma_start3A = arith.constant 0 : i32
      %dma_start3A_62 = tpu.memref_slice %arg12[%add3A_22, %dma_start3A] : memref<10240x128xf32, #tpu.memory_space<vmem_shared>> -> memref<128x128xf32, #tpu.memory_space<vmem_shared>>
      %dma_start3A_63 = arith.constant 0 : i32
      %dma_start3A_64 = tpu.memref_slice %arg12[%add3A_22, %dma_start3A_63] : memref<10240x128xf32, #tpu.memory_space<vmem_shared>> -> memref<128x128xf32, #tpu.memory_space<vmem_shared>>
      tpu.enqueue_dma source(%arg10 : memref<128x128xf32, #tpu.memory_space<vmem>>) target(%dma_start3A_64 : memref<128x128xf32, #tpu.memory_space<vmem_shared>>) target_semaphore(%run_scoped3A : memref<!tpu.dma_semaphore, #tpu.memory_space<semaphore_mem>>)
      %dma_wait3A = arith.constant 0 : i32
      %dma_wait3A_65 = tpu.memref_slice %arg12[%add3A_22, %dma_wait3A] : memref<10240x128xf32, #tpu.memory_space<vmem_shared>> -> memref<128x128xf32, #tpu.memory_space<vmem_shared>>
      %dma_wait3A_66 = arith.constant 0 : i32
      %dma_wait3A_67 = tpu.memref_slice %arg12[%add3A_22, %dma_wait3A_66] : memref<10240x128xf32, #tpu.memory_space<vmem_shared>> -> memref<128x128xf32, #tpu.memory_space<vmem_shared>>
      tpu.wait_dma2 semaphore(%run_scoped3A : memref<!tpu.dma_semaphore, #tpu.memory_space<semaphore_mem>>) src(%arg10 : memref<128x128xf32, #tpu.memory_space<vmem>>) dst(%dma_wait3A_67 : memref<128x128xf32, #tpu.memory_space<vmem_shared>>)
      tpu.yield
    }) : () -> ()
    %add3A_23 = arith.constant 384 : i32
    %add3A_24 = arith.addi %mul3A_10, %add3A_23 : i32
    "tpu.region"() ({
      %run_scoped3A = tpu.sem_alloc : memref<!tpu.dma_semaphore, #tpu.memory_space<semaphore_mem>>
      %dma_start3A = arith.constant 0 : i32
      %dma_start3A_62 = tpu.memref_slice %arg12[%add3A_24, %dma_start3A] : memref<10240x128xf32, #tpu.memory_space<vmem_shared>> -> memref<128x128xf32, #tpu.memory_space<vmem_shared>>
      %dma_start3A_63 = arith.constant 0 : i32
      %dma_start3A_64 = tpu.memref_slice %arg12[%add3A_24, %dma_start3A_63] : memref<10240x128xf32, #tpu.memory_space<vmem_shared>> -> memref<128x128xf32, #tpu.memory_space<vmem_shared>>
      tpu.enqueue_dma source(%arg10 : memref<128x128xf32, #tpu.memory_space<vmem>>) target(%dma_start3A_64 : memref<128x128xf32, #tpu.memory_space<vmem_shared>>) target_semaphore(%run_scoped3A : memref<!tpu.dma_semaphore, #tpu.memory_space<semaphore_mem>>)
      %dma_wait3A = arith.constant 0 : i32
      %dma_wait3A_65 = tpu.memref_slice %arg12[%add3A_24, %dma_wait3A] : memref<10240x128xf32, #tpu.memory_space<vmem_shared>> -> memref<128x128xf32, #tpu.memory_space<vmem_shared>>
      %dma_wait3A_66 = arith.constant 0 : i32
      %dma_wait3A_67 = tpu.memref_slice %arg12[%add3A_24, %dma_wait3A_66] : memref<10240x128xf32, #tpu.memory_space<vmem_shared>> -> memref<128x128xf32, #tpu.memory_space<vmem_shared>>
      tpu.wait_dma2 semaphore(%run_scoped3A : memref<!tpu.dma_semaphore, #tpu.memory_space<semaphore_mem>>) src(%arg10 : memref<128x128xf32, #tpu.memory_space<vmem>>) dst(%dma_wait3A_67 : memref<128x128xf32, #tpu.memory_space<vmem_shared>>)
      tpu.yield
    }) : () -> ()
    %add3A_25 = arith.constant 512 : i32
    %add3A_26 = arith.addi %mul3A_10, %add3A_25 : i32
    "tpu.region"() ({
      %run_scoped3A = tpu.sem_alloc : memref<!tpu.dma_semaphore, #tpu.memory_space<semaphore_mem>>
      %dma_start3A = arith.constant 0 : i32
      %dma_start3A_62 = tpu.memref_slice %arg12[%add3A_26, %dma_start3A] : memref<10240x128xf32, #tpu.memory_space<vmem_shared>> -> memref<128x128xf32, #tpu.memory_space<vmem_shared>>
      %dma_start3A_63 = arith.constant 0 : i32
      %dma_start3A_64 = tpu.memref_slice %arg12[%add3A_26, %dma_start3A_63] : memref<10240x128xf32, #tpu.memory_space<vmem_shared>> -> memref<128x128xf32, #tpu.memory_space<vmem_shared>>
      tpu.enqueue_dma source(%arg10 : memref<128x128xf32, #tpu.memory_space<vmem>>) target(%dma_start3A_64 : memref<128x128xf32, #tpu.memory_space<vmem_shared>>) target_semaphore(%run_scoped3A : memref<!tpu.dma_semaphore, #tpu.memory_space<semaphore_mem>>)
      %dma_wait3A = arith.constant 0 : i32
      %dma_wait3A_65 = tpu.memref_slice %arg12[%add3A_26, %dma_wait3A] : memref<10240x128xf32, #tpu.memory_space<vmem_shared>> -> memref<128x128xf32, #tpu.memory_space<vmem_shared>>
      %dma_wait3A_66 = arith.constant 0 : i32
      %dma_wait3A_67 = tpu.memref_slice %arg12[%add3A_26, %dma_wait3A_66] : memref<10240x128xf32, #tpu.memory_space<vmem_shared>> -> memref<128x128xf32, #tpu.memory_space<vmem_shared>>
      tpu.wait_dma2 semaphore(%run_scoped3A : memref<!tpu.dma_semaphore, #tpu.memory_space<semaphore_mem>>) src(%arg10 : memref<128x128xf32, #tpu.memory_space<vmem>>) dst(%dma_wait3A_67 : memref<128x128xf32, #tpu.memory_space<vmem_shared>>)
      tpu.yield
    }) : () -> ()
    %barrier3A = arith.constant 0 : index
    tpu.barrier barrier_id(%barrier3A)
    %mul3A_27 = arith.constant 128 : i32
    %mul3A_28 = arith.muli %select_n3A_8, %mul3A_27 : i32
    %gt3A = arith.constant 0 : i32
    %gt3A_29 = arith.cmpi sgt, %select_n3A, %gt3A : i32
    %convert_element_type3A = arith.extui %gt3A_29 : i1 to i32
    %cond3A = arith.constant 0 : i32
    %cond3A_30 = arith.cmpi ne, %convert_element_type3A, %cond3A : i32
    scf.if %cond3A_30 {
      "tpu.region"() ({
        %run_scoped3A = tpu.sem_alloc : memref<!tpu.dma_semaphore, #tpu.memory_space<semaphore_mem>>
        %dma_start3A_70 = tpu.memref_slice %arg3[%mul3A_28] : memref<327680xi32, #tpu.memory_space<hbm>> -> memref<128xi32, #tpu.memory_space<hbm>>
        %dma_start3A_71 = tpu.memref_slice %arg3[%mul3A_28] : memref<327680xi32, #tpu.memory_space<hbm>> -> memref<128xi32, #tpu.memory_space<hbm>>
        tpu.enqueue_dma source(%dma_start3A_71 : memref<128xi32, #tpu.memory_space<hbm>>) target(%arg6 : memref<128xi32, #tpu.memory_space<vmem>>) target_semaphore(%run_scoped3A : memref<!tpu.dma_semaphore, #tpu.memory_space<semaphore_mem>>)
        %dma_wait3A = tpu.memref_slice %arg3[%mul3A_28] : memref<327680xi32, #tpu.memory_space<hbm>> -> memref<128xi32, #tpu.memory_space<hbm>>
        %dma_wait3A_72 = tpu.memref_slice %arg3[%mul3A_28] : memref<327680xi32, #tpu.memory_space<hbm>> -> memref<128xi32, #tpu.memory_space<hbm>>
        tpu.wait_dma2 semaphore(%run_scoped3A : memref<!tpu.dma_semaphore, #tpu.memory_space<semaphore_mem>>) src(%dma_wait3A_72 : memref<128xi32, #tpu.memory_space<hbm>>) dst(%arg6 : memref<128xi32, #tpu.memory_space<vmem>>)
        tpu.yield
      }) : () -> ()
      %dma_start3A = arith.constant 0 : i32
      %dma_start3A_62 = arith.constant 0 : i32
      %dma_start3A_63 = tpu.memref_slice %arg2[%dma_start3A, %dma_start3A_62] : memref<10240x128xf32, #tpu.memory_space<hbm>> -> memref<10240x128xf32, #tpu.memory_space<hbm>>
      tpu.enqueue_indirect_dma source(%dma_start3A_63 : memref<10240x128xf32, #tpu.memory_space<hbm>>) target(%arg10 : memref<128x128xf32, #tpu.memory_space<vmem>>) offsets(%arg6 : memref<128xi32, #tpu.memory_space<vmem>>) semaphore(%arg13 : memref<!tpu.dma_semaphore, #tpu.memory_space<semaphore_mem>>)
      %add3A_64 = arith.constant 128 : i32
      %add3A_65 = arith.addi %mul3A_28, %add3A_64 : i32
      %dma_start3A_66 = tpu.memref_slice %arg3[%add3A_65] : memref<327680xi32, #tpu.memory_space<hbm>> -> memref<128xi32, #tpu.memory_space<hbm>>
      %dma_start3A_67 = tpu.memref_slice %arg3[%add3A_65] : memref<327680xi32, #tpu.memory_space<hbm>> -> memref<128xi32, #tpu.memory_space<hbm>>
      tpu.enqueue_dma source(%dma_start3A_67 : memref<128xi32, #tpu.memory_space<hbm>>) target(%arg7 : memref<128xi32, #tpu.memory_space<vmem>>) target_semaphore(%arg16 : memref<!tpu.dma_semaphore, #tpu.memory_space<semaphore_mem>>)
      %dma_start3A_68 = tpu.memref_slice %arg4[%mul3A_28] : memref<327680xi32, #tpu.memory_space<hbm>> -> memref<128xi32, #tpu.memory_space<hbm>>
      %dma_start3A_69 = tpu.memref_slice %arg4[%mul3A_28] : memref<327680xi32, #tpu.memory_space<hbm>> -> memref<128xi32, #tpu.memory_space<hbm>>
      tpu.enqueue_dma source(%dma_start3A_69 : memref<128xi32, #tpu.memory_space<hbm>>) target(%arg8 : memref<128xi32, #tpu.memory_space<vmem>>) target_semaphore(%arg17 : memref<!tpu.dma_semaphore, #tpu.memory_space<semaphore_mem>>)
    } else {
    }
    %jit3A_31 = arith.constant 2 : i32
    %div3A = arith.divsi %select_n3A, %jit3A_31 : i32
    %sign3A = arith.constant 0 : i32
    %sign3A_32 = arith.cmpi sgt, %select_n3A, %sign3A : i32
    %sign3A_33 = arith.extui %sign3A_32 : i1 to i32
    %sign3A_34 = arith.constant 0 : i32
    %sign3A_35 = arith.cmpi slt, %select_n3A, %sign3A_34 : i32
    %sign3A_36 = arith.extui %sign3A_35 : i1 to i32
    %sign3A_37 = arith.subi %sign3A_33, %sign3A_36 : i32
    %sign3A_38 = arith.constant 0 : i32
    %sign3A_39 = arith.cmpi sgt, %jit3A_31, %sign3A_38 : i32
    %sign3A_40 = arith.extui %sign3A_39 : i1 to i32
    %sign3A_41 = arith.constant 0 : i32
    %sign3A_42 = arith.cmpi slt, %jit3A_31, %sign3A_41 : i32
    %sign3A_43 = arith.extui %sign3A_42 : i1 to i32
    %sign3A_44 = arith.subi %sign3A_40, %sign3A_43 : i32
    %ne3A = arith.cmpi ne, %sign3A_37, %sign3A_44 : i32
    %rem3A = arith.remsi %select_n3A, %jit3A_31 : i32
    %ne3A_45 = arith.constant 0 : i32
    %ne3A_46 = arith.cmpi ne, %rem3A, %ne3A_45 : i32
    %and3A = arith.andi %ne3A, %ne3A_46 : i1
    %sub3A = arith.constant 1 : i32
    %sub3A_47 = arith.subi %div3A, %sub3A : i32
    %select_n3A_48 = arith.select %and3A, %sub3A_47, %div3A : i32
    %while3A = arith.constant 0 : i32
    %while3A_49 = arith.constant 0 : i32
    %while3A_50 = arith.subi %select_n3A_48, %while3A_49 : i32
    %while3A_51 = arith.addi %while3A_49, %while3A_50 : i32
    %while3A_52 = arith.constant 1 : i32
    %while3A_53 = arith.divsi %while3A_50, %while3A_52 : i32
    %while3A_54 = arith.muli %while3A_53, %while3A_52 : i32
    %while3A_55 = arith.addi %while3A_49, %while3A_54 : i32
    %while3A_56 = arith.constant 1 : i32
    scf.for %while3A_62 = %while3A_49 to %while3A_55 step %while3A_56  : i32 {
      %mul3A_63 = arith.constant 2 : i32
      %mul3A_64 = arith.muli %mul3A_63, %while3A_62 : i32
      %add3A_65 = arith.constant 0 : i32
      %add3A_66 = arith.addi %mul3A_64, %add3A_65 : i32
      %dma_wait3A = arith.constant 0 : i32
      %dma_wait3A_67 = arith.constant 0 : i32
      %dma_wait3A_68 = tpu.memref_slice %arg2[%dma_wait3A, %dma_wait3A_67] : memref<10240x128xf32, #tpu.memory_space<hbm>> -> memref<10240x128xf32, #tpu.memory_space<hbm>>
      tpu.wait_indirect_dma semaphore(%arg13 : memref<!tpu.dma_semaphore, #tpu.memory_space<semaphore_mem>>) src(%dma_wait3A_68 : memref<10240x128xf32, #tpu.memory_space<hbm>>) dst(%arg10 : memref<128x128xf32, #tpu.memory_space<vmem>>)
      %add3A_69 = arith.constant 2 : i32
      %add3A_70 = arith.addi %add3A_66, %add3A_69 : i32
      %lt3A = arith.cmpi slt, %add3A_70, %select_n3A : i32
      %convert_element_type3A_71 = arith.extui %lt3A : i1 to i32
      %cond3A_72 = arith.constant 0 : i32
      %cond3A_73 = arith.cmpi ne, %convert_element_type3A_71, %cond3A_72 : i32
      scf.if %cond3A_73 {
        %add3A_109 = arith.constant 2 : i32
        %add3A_110 = arith.addi %add3A_66, %add3A_109 : i32
        %mul3A_111 = arith.constant 128 : i32
        %mul3A_112 = arith.muli %add3A_110, %mul3A_111 : i32
        %add3A_113 = arith.addi %mul3A_28, %mul3A_112 : i32
        %dma_start3A = tpu.memref_slice %arg3[%add3A_113] : memref<327680xi32, #tpu.memory_space<hbm>> -> memref<128xi32, #tpu.memory_space<hbm>>
        %dma_start3A_114 = tpu.memref_slice %arg3[%add3A_113] : memref<327680xi32, #tpu.memory_space<hbm>> -> memref<128xi32, #tpu.memory_space<hbm>>
        tpu.enqueue_dma source(%dma_start3A_114 : memref<128xi32, #tpu.memory_space<hbm>>) target(%arg6 : memref<128xi32, #tpu.memory_space<vmem>>) target_semaphore(%arg15 : memref<!tpu.dma_semaphore, #tpu.memory_space<semaphore_mem>>)
      } else {
      }
      %add3A_74 = arith.constant 1 : i32
      %add3A_75 = arith.addi %add3A_66, %add3A_74 : i32
      %lt3A_76 = arith.cmpi slt, %add3A_75, %select_n3A : i32
      %convert_element_type3A_77 = arith.extui %lt3A_76 : i1 to i32
      %cond3A_78 = arith.constant 0 : i32
      %cond3A_79 = arith.cmpi ne, %convert_element_type3A_77, %cond3A_78 : i32
      scf.if %cond3A_79 {
        %add3A_109 = arith.constant 1 : i32
        %add3A_110 = arith.addi %add3A_66, %add3A_109 : i32
        %mul3A_111 = arith.constant 128 : i32
        %mul3A_112 = arith.muli %add3A_110, %mul3A_111 : i32
        %add3A_113 = arith.addi %mul3A_28, %mul3A_112 : i32
        %dma_wait3A_114 = tpu.memref_slice %arg3[%add3A_113] : memref<327680xi32, #tpu.memory_space<hbm>> -> memref<128xi32, #tpu.memory_space<hbm>>
        %dma_wait3A_115 = tpu.memref_slice %arg3[%add3A_113] : memref<327680xi32, #tpu.memory_space<hbm>> -> memref<128xi32, #tpu.memory_space<hbm>>
        tpu.wait_dma2 semaphore(%arg16 : memref<!tpu.dma_semaphore, #tpu.memory_space<semaphore_mem>>) src(%dma_wait3A_115 : memref<128xi32, #tpu.memory_space<hbm>>) dst(%arg7 : memref<128xi32, #tpu.memory_space<vmem>>)
        %dma_start3A = arith.constant 0 : i32
        %dma_start3A_116 = arith.constant 0 : i32
        %dma_start3A_117 = tpu.memref_slice %arg2[%dma_start3A, %dma_start3A_116] : memref<10240x128xf32, #tpu.memory_space<hbm>> -> memref<10240x128xf32, #tpu.memory_space<hbm>>
        tpu.enqueue_indirect_dma source(%dma_start3A_117 : memref<10240x128xf32, #tpu.memory_space<hbm>>) target(%arg11 : memref<128x128xf32, #tpu.memory_space<vmem>>) offsets(%arg7 : memref<128xi32, #tpu.memory_space<vmem>>) semaphore(%arg14 : memref<!tpu.dma_semaphore, #tpu.memory_space<semaphore_mem>>)
        %add3A_118 = arith.constant 1 : i32
        %add3A_119 = arith.addi %add3A_66, %add3A_118 : i32
        %mul3A_120 = arith.constant 128 : i32
        %mul3A_121 = arith.muli %add3A_119, %mul3A_120 : i32
        %add3A_122 = arith.addi %mul3A_28, %mul3A_121 : i32
        %dma_start3A_123 = tpu.memref_slice %arg4[%add3A_122] : memref<327680xi32, #tpu.memory_space<hbm>> -> memref<128xi32, #tpu.memory_space<hbm>>
        %dma_start3A_124 = tpu.memref_slice %arg4[%add3A_122] : memref<327680xi32, #tpu.memory_space<hbm>> -> memref<128xi32, #tpu.memory_space<hbm>>
        tpu.enqueue_dma source(%dma_start3A_124 : memref<128xi32, #tpu.memory_space<hbm>>) target(%arg9 : memref<128xi32, #tpu.memory_space<vmem>>) target_semaphore(%arg18 : memref<!tpu.dma_semaphore, #tpu.memory_space<semaphore_mem>>)
      } else {
      }
      %mul3A_80 = arith.constant 128 : i32
      %mul3A_81 = arith.muli %add3A_66, %mul3A_80 : i32
      %add3A_82 = arith.addi %mul3A_28, %mul3A_81 : i32
      %dma_wait3A_83 = tpu.memref_slice %arg4[%add3A_82] : memref<327680xi32, #tpu.memory_space<hbm>> -> memref<128xi32, #tpu.memory_space<hbm>>
      %dma_wait3A_84 = tpu.memref_slice %arg4[%add3A_82] : memref<327680xi32, #tpu.memory_space<hbm>> -> memref<128xi32, #tpu.memory_space<hbm>>
      tpu.wait_dma2 semaphore(%arg17 : memref<!tpu.dma_semaphore, #tpu.memory_space<semaphore_mem>>) src(%dma_wait3A_84 : memref<128xi32, #tpu.memory_space<hbm>>) dst(%arg8 : memref<128xi32, #tpu.memory_space<vmem>>)
      "tpu.region"() ({
        %run_scoped3A = tpu.sem_alloc : memref<!tpu.dma_semaphore, #tpu.memory_space<semaphore_mem>>
        %dma_start3A = arith.constant 0 : i32
        %dma_start3A_109 = arith.constant 0 : i32
        %dma_start3A_110 = tpu.memref_slice %arg12[%dma_start3A, %dma_start3A_109] : memref<10240x128xf32, #tpu.memory_space<vmem_shared>> -> memref<10240x128xf32, #tpu.memory_space<vmem_shared>>
        tpu.enqueue_indirect_dma source(%arg10 : memref<128x128xf32, #tpu.memory_space<vmem>>) target(%dma_start3A_110 : memref<10240x128xf32, #tpu.memory_space<vmem_shared>>) offsets(%arg8 : memref<128xi32, #tpu.memory_space<vmem>>) semaphore(%run_scoped3A : memref<!tpu.dma_semaphore, #tpu.memory_space<semaphore_mem>>) {add = true}
        %dma_wait3A_111 = arith.constant 0 : i32
        %dma_wait3A_112 = arith.constant 0 : i32
        %dma_wait3A_113 = tpu.memref_slice %arg12[%dma_wait3A_111, %dma_wait3A_112] : memref<10240x128xf32, #tpu.memory_space<vmem_shared>> -> memref<10240x128xf32, #tpu.memory_space<vmem_shared>>
        tpu.wait_indirect_dma semaphore(%run_scoped3A : memref<!tpu.dma_semaphore, #tpu.memory_space<semaphore_mem>>) src(%arg10 : memref<128x128xf32, #tpu.memory_space<vmem>>) dst(%dma_wait3A_113 : memref<10240x128xf32, #tpu.memory_space<vmem_shared>>)
        tpu.yield
      }) : () -> ()
      %mul3A_85 = arith.constant 2 : i32
      %mul3A_86 = arith.muli %mul3A_85, %while3A_62 : i32
      %add3A_87 = arith.constant 1 : i32
      %add3A_88 = arith.addi %mul3A_86, %add3A_87 : i32
      %dma_wait3A_89 = arith.constant 0 : i32
      %dma_wait3A_90 = arith.constant 0 : i32
      %dma_wait3A_91 = tpu.memref_slice %arg2[%dma_wait3A_89, %dma_wait3A_90] : memref<10240x128xf32, #tpu.memory_space<hbm>> -> memref<10240x128xf32, #tpu.memory_space<hbm>>
      tpu.wait_indirect_dma semaphore(%arg14 : memref<!tpu.dma_semaphore, #tpu.memory_space<semaphore_mem>>) src(%dma_wait3A_91 : memref<10240x128xf32, #tpu.memory_space<hbm>>) dst(%arg11 : memref<128x128xf32, #tpu.memory_space<vmem>>)
      %add3A_92 = arith.constant 2 : i32
      %add3A_93 = arith.addi %add3A_88, %add3A_92 : i32
      %lt3A_94 = arith.cmpi slt, %add3A_93, %select_n3A : i32
      %convert_element_type3A_95 = arith.extui %lt3A_94 : i1 to i32
      %cond3A_96 = arith.constant 0 : i32
      %cond3A_97 = arith.cmpi ne, %convert_element_type3A_95, %cond3A_96 : i32
      scf.if %cond3A_97 {
        %add3A_109 = arith.constant 2 : i32
        %add3A_110 = arith.addi %add3A_88, %add3A_109 : i32
        %mul3A_111 = arith.constant 128 : i32
        %mul3A_112 = arith.muli %add3A_110, %mul3A_111 : i32
        %add3A_113 = arith.addi %mul3A_28, %mul3A_112 : i32
        %dma_start3A = tpu.memref_slice %arg3[%add3A_113] : memref<327680xi32, #tpu.memory_space<hbm>> -> memref<128xi32, #tpu.memory_space<hbm>>
        %dma_start3A_114 = tpu.memref_slice %arg3[%add3A_113] : memref<327680xi32, #tpu.memory_space<hbm>> -> memref<128xi32, #tpu.memory_space<hbm>>
        tpu.enqueue_dma source(%dma_start3A_114 : memref<128xi32, #tpu.memory_space<hbm>>) target(%arg7 : memref<128xi32, #tpu.memory_space<vmem>>) target_semaphore(%arg16 : memref<!tpu.dma_semaphore, #tpu.memory_space<semaphore_mem>>)
      } else {
      }
      %add3A_98 = arith.constant 1 : i32
      %add3A_99 = arith.addi %add3A_88, %add3A_98 : i32
      %lt3A_100 = arith.cmpi slt, %add3A_99, %select_n3A : i32
      %convert_element_type3A_101 = arith.extui %lt3A_100 : i1 to i32
      %cond3A_102 = arith.constant 0 : i32
      %cond3A_103 = arith.cmpi ne, %convert_element_type3A_101, %cond3A_102 : i32
      scf.if %cond3A_103 {
        %add3A_109 = arith.constant 1 : i32
        %add3A_110 = arith.addi %add3A_88, %add3A_109 : i32
        %mul3A_111 = arith.constant 128 : i32
        %mul3A_112 = arith.muli %add3A_110, %mul3A_111 : i32
        %add3A_113 = arith.addi %mul3A_28, %mul3A_112 : i32
        %dma_wait3A_114 = tpu.memref_slice %arg3[%add3A_113] : memref<327680xi32, #tpu.memory_space<hbm>> -> memref<128xi32, #tpu.memory_space<hbm>>
        %dma_wait3A_115 = tpu.memref_slice %arg3[%add3A_113] : memref<327680xi32, #tpu.memory_space<hbm>> -> memref<128xi32, #tpu.memory_space<hbm>>
        tpu.wait_dma2 semaphore(%arg15 : memref<!tpu.dma_semaphore, #tpu.memory_space<semaphore_mem>>) src(%dma_wait3A_115 : memref<128xi32, #tpu.memory_space<hbm>>) dst(%arg6 : memref<128xi32, #tpu.memory_space<vmem>>)
        %dma_start3A = arith.constant 0 : i32
        %dma_start3A_116 = arith.constant 0 : i32
        %dma_start3A_117 = tpu.memref_slice %arg2[%dma_start3A, %dma_start3A_116] : memref<10240x128xf32, #tpu.memory_space<hbm>> -> memref<10240x128xf32, #tpu.memory_space<hbm>>
        tpu.enqueue_indirect_dma source(%dma_start3A_117 : memref<10240x128xf32, #tpu.memory_space<hbm>>) target(%arg10 : memref<128x128xf32, #tpu.memory_space<vmem>>) offsets(%arg6 : memref<128xi32, #tpu.memory_space<vmem>>) semaphore(%arg13 : memref<!tpu.dma_semaphore, #tpu.memory_space<semaphore_mem>>)
        %add3A_118 = arith.constant 1 : i32
        %add3A_119 = arith.addi %add3A_88, %add3A_118 : i32
        %mul3A_120 = arith.constant 128 : i32
        %mul3A_121 = arith.muli %add3A_119, %mul3A_120 : i32
        %add3A_122 = arith.addi %mul3A_28, %mul3A_121 : i32
        %dma_start3A_123 = tpu.memref_slice %arg4[%add3A_122] : memref<327680xi32, #tpu.memory_space<hbm>> -> memref<128xi32, #tpu.memory_space<hbm>>
        %dma_start3A_124 = tpu.memref_slice %arg4[%add3A_122] : memref<327680xi32, #tpu.memory_space<hbm>> -> memref<128xi32, #tpu.memory_space<hbm>>
        tpu.enqueue_dma source(%dma_start3A_124 : memref<128xi32, #tpu.memory_space<hbm>>) target(%arg8 : memref<128xi32, #tpu.memory_space<vmem>>) target_semaphore(%arg17 : memref<!tpu.dma_semaphore, #tpu.memory_space<semaphore_mem>>)
      } else {
      }
      %mul3A_104 = arith.constant 128 : i32
      %mul3A_105 = arith.muli %add3A_88, %mul3A_104 : i32
      %add3A_106 = arith.addi %mul3A_28, %mul3A_105 : i32
      %dma_wait3A_107 = tpu.memref_slice %arg4[%add3A_106] : memref<327680xi32, #tpu.memory_space<hbm>> -> memref<128xi32, #tpu.memory_space<hbm>>
      %dma_wait3A_108 = tpu.memref_slice %arg4[%add3A_106] : memref<327680xi32, #tpu.memory_space<hbm>> -> memref<128xi32, #tpu.memory_space<hbm>>
      tpu.wait_dma2 semaphore(%arg18 : memref<!tpu.dma_semaphore, #tpu.memory_space<semaphore_mem>>) src(%dma_wait3A_108 : memref<128xi32, #tpu.memory_space<hbm>>) dst(%arg9 : memref<128xi32, #tpu.memory_space<vmem>>)
      "tpu.region"() ({
        %run_scoped3A = tpu.sem_alloc : memref<!tpu.dma_semaphore, #tpu.memory_space<semaphore_mem>>
        %dma_start3A = arith.constant 0 : i32
        %dma_start3A_109 = arith.constant 0 : i32
        %dma_start3A_110 = tpu.memref_slice %arg12[%dma_start3A, %dma_start3A_109] : memref<10240x128xf32, #tpu.memory_space<vmem_shared>> -> memref<10240x128xf32, #tpu.memory_space<vmem_shared>>
        tpu.enqueue_indirect_dma source(%arg11 : memref<128x128xf32, #tpu.memory_space<vmem>>) target(%dma_start3A_110 : memref<10240x128xf32, #tpu.memory_space<vmem_shared>>) offsets(%arg9 : memref<128xi32, #tpu.memory_space<vmem>>) semaphore(%run_scoped3A : memref<!tpu.dma_semaphore, #tpu.memory_space<semaphore_mem>>) {add = true}
        %dma_wait3A_111 = arith.constant 0 : i32
        %dma_wait3A_112 = arith.constant 0 : i32
        %dma_wait3A_113 = tpu.memref_slice %arg12[%dma_wait3A_111, %dma_wait3A_112] : memref<10240x128xf32, #tpu.memory_space<vmem_shared>> -> memref<10240x128xf32, #tpu.memory_space<vmem_shared>>
        tpu.wait_indirect_dma semaphore(%run_scoped3A : memref<!tpu.dma_semaphore, #tpu.memory_space<semaphore_mem>>) src(%arg11 : memref<128x128xf32, #tpu.memory_space<vmem>>) dst(%dma_wait3A_113 : memref<10240x128xf32, #tpu.memory_space<vmem_shared>>)
        tpu.yield
      }) : () -> ()
    }
    %while3A_57 = arith.constant 1 : i32
    scf.for %while3A_62 = %while3A_55 to %while3A_51 step %while3A_57  : i32 {
      %mul3A_63 = arith.constant 2 : i32
      %mul3A_64 = arith.muli %mul3A_63, %while3A_62 : i32
      %add3A_65 = arith.constant 0 : i32
      %add3A_66 = arith.addi %mul3A_64, %add3A_65 : i32
      %dma_wait3A = arith.constant 0 : i32
      %dma_wait3A_67 = arith.constant 0 : i32
      %dma_wait3A_68 = tpu.memref_slice %arg2[%dma_wait3A, %dma_wait3A_67] : memref<10240x128xf32, #tpu.memory_space<hbm>> -> memref<10240x128xf32, #tpu.memory_space<hbm>>
      tpu.wait_indirect_dma semaphore(%arg13 : memref<!tpu.dma_semaphore, #tpu.memory_space<semaphore_mem>>) src(%dma_wait3A_68 : memref<10240x128xf32, #tpu.memory_space<hbm>>) dst(%arg10 : memref<128x128xf32, #tpu.memory_space<vmem>>)
      %add3A_69 = arith.constant 2 : i32
      %add3A_70 = arith.addi %add3A_66, %add3A_69 : i32
      %lt3A = arith.cmpi slt, %add3A_70, %select_n3A : i32
      %convert_element_type3A_71 = arith.extui %lt3A : i1 to i32
      %cond3A_72 = arith.constant 0 : i32
      %cond3A_73 = arith.cmpi ne, %convert_element_type3A_71, %cond3A_72 : i32
      scf.if %cond3A_73 {
        %add3A_109 = arith.constant 2 : i32
        %add3A_110 = arith.addi %add3A_66, %add3A_109 : i32
        %mul3A_111 = arith.constant 128 : i32
        %mul3A_112 = arith.muli %add3A_110, %mul3A_111 : i32
        %add3A_113 = arith.addi %mul3A_28, %mul3A_112 : i32
        %dma_start3A = tpu.memref_slice %arg3[%add3A_113] : memref<327680xi32, #tpu.memory_space<hbm>> -> memref<128xi32, #tpu.memory_space<hbm>>
        %dma_start3A_114 = tpu.memref_slice %arg3[%add3A_113] : memref<327680xi32, #tpu.memory_space<hbm>> -> memref<128xi32, #tpu.memory_space<hbm>>
        tpu.enqueue_dma source(%dma_start3A_114 : memref<128xi32, #tpu.memory_space<hbm>>) target(%arg6 : memref<128xi32, #tpu.memory_space<vmem>>) target_semaphore(%arg15 : memref<!tpu.dma_semaphore, #tpu.memory_space<semaphore_mem>>)
      } else {
      }
      %add3A_74 = arith.constant 1 : i32
      %add3A_75 = arith.addi %add3A_66, %add3A_74 : i32
      %lt3A_76 = arith.cmpi slt, %add3A_75, %select_n3A : i32
      %convert_element_type3A_77 = arith.extui %lt3A_76 : i1 to i32
      %cond3A_78 = arith.constant 0 : i32
      %cond3A_79 = arith.cmpi ne, %convert_element_type3A_77, %cond3A_78 : i32
      scf.if %cond3A_79 {
        %add3A_109 = arith.constant 1 : i32
        %add3A_110 = arith.addi %add3A_66, %add3A_109 : i32
        %mul3A_111 = arith.constant 128 : i32
        %mul3A_112 = arith.muli %add3A_110, %mul3A_111 : i32
        %add3A_113 = arith.addi %mul3A_28, %mul3A_112 : i32
        %dma_wait3A_114 = tpu.memref_slice %arg3[%add3A_113] : memref<327680xi32, #tpu.memory_space<hbm>> -> memref<128xi32, #tpu.memory_space<hbm>>
        %dma_wait3A_115 = tpu.memref_slice %arg3[%add3A_113] : memref<327680xi32, #tpu.memory_space<hbm>> -> memref<128xi32, #tpu.memory_space<hbm>>
        tpu.wait_dma2 semaphore(%arg16 : memref<!tpu.dma_semaphore, #tpu.memory_space<semaphore_mem>>) src(%dma_wait3A_115 : memref<128xi32, #tpu.memory_space<hbm>>) dst(%arg7 : memref<128xi32, #tpu.memory_space<vmem>>)
        %dma_start3A = arith.constant 0 : i32
        %dma_start3A_116 = arith.constant 0 : i32
        %dma_start3A_117 = tpu.memref_slice %arg2[%dma_start3A, %dma_start3A_116] : memref<10240x128xf32, #tpu.memory_space<hbm>> -> memref<10240x128xf32, #tpu.memory_space<hbm>>
        tpu.enqueue_indirect_dma source(%dma_start3A_117 : memref<10240x128xf32, #tpu.memory_space<hbm>>) target(%arg11 : memref<128x128xf32, #tpu.memory_space<vmem>>) offsets(%arg7 : memref<128xi32, #tpu.memory_space<vmem>>) semaphore(%arg14 : memref<!tpu.dma_semaphore, #tpu.memory_space<semaphore_mem>>)
        %add3A_118 = arith.constant 1 : i32
        %add3A_119 = arith.addi %add3A_66, %add3A_118 : i32
        %mul3A_120 = arith.constant 128 : i32
        %mul3A_121 = arith.muli %add3A_119, %mul3A_120 : i32
        %add3A_122 = arith.addi %mul3A_28, %mul3A_121 : i32
        %dma_start3A_123 = tpu.memref_slice %arg4[%add3A_122] : memref<327680xi32, #tpu.memory_space<hbm>> -> memref<128xi32, #tpu.memory_space<hbm>>
        %dma_start3A_124 = tpu.memref_slice %arg4[%add3A_122] : memref<327680xi32, #tpu.memory_space<hbm>> -> memref<128xi32, #tpu.memory_space<hbm>>
        tpu.enqueue_dma source(%dma_start3A_124 : memref<128xi32, #tpu.memory_space<hbm>>) target(%arg9 : memref<128xi32, #tpu.memory_space<vmem>>) target_semaphore(%arg18 : memref<!tpu.dma_semaphore, #tpu.memory_space<semaphore_mem>>)
      } else {
      }
      %mul3A_80 = arith.constant 128 : i32
      %mul3A_81 = arith.muli %add3A_66, %mul3A_80 : i32
      %add3A_82 = arith.addi %mul3A_28, %mul3A_81 : i32
      %dma_wait3A_83 = tpu.memref_slice %arg4[%add3A_82] : memref<327680xi32, #tpu.memory_space<hbm>> -> memref<128xi32, #tpu.memory_space<hbm>>
      %dma_wait3A_84 = tpu.memref_slice %arg4[%add3A_82] : memref<327680xi32, #tpu.memory_space<hbm>> -> memref<128xi32, #tpu.memory_space<hbm>>
      tpu.wait_dma2 semaphore(%arg17 : memref<!tpu.dma_semaphore, #tpu.memory_space<semaphore_mem>>) src(%dma_wait3A_84 : memref<128xi32, #tpu.memory_space<hbm>>) dst(%arg8 : memref<128xi32, #tpu.memory_space<vmem>>)
      "tpu.region"() ({
        %run_scoped3A = tpu.sem_alloc : memref<!tpu.dma_semaphore, #tpu.memory_space<semaphore_mem>>
        %dma_start3A = arith.constant 0 : i32
        %dma_start3A_109 = arith.constant 0 : i32
        %dma_start3A_110 = tpu.memref_slice %arg12[%dma_start3A, %dma_start3A_109] : memref<10240x128xf32, #tpu.memory_space<vmem_shared>> -> memref<10240x128xf32, #tpu.memory_space<vmem_shared>>
        tpu.enqueue_indirect_dma source(%arg10 : memref<128x128xf32, #tpu.memory_space<vmem>>) target(%dma_start3A_110 : memref<10240x128xf32, #tpu.memory_space<vmem_shared>>) offsets(%arg8 : memref<128xi32, #tpu.memory_space<vmem>>) semaphore(%run_scoped3A : memref<!tpu.dma_semaphore, #tpu.memory_space<semaphore_mem>>) {add = true}
        %dma_wait3A_111 = arith.constant 0 : i32
        %dma_wait3A_112 = arith.constant 0 : i32
        %dma_wait3A_113 = tpu.memref_slice %arg12[%dma_wait3A_111, %dma_wait3A_112] : memref<10240x128xf32, #tpu.memory_space<vmem_shared>> -> memref<10240x128xf32, #tpu.memory_space<vmem_shared>>
        tpu.wait_indirect_dma semaphore(%run_scoped3A : memref<!tpu.dma_semaphore, #tpu.memory_space<semaphore_mem>>) src(%arg10 : memref<128x128xf32, #tpu.memory_space<vmem>>) dst(%dma_wait3A_113 : memref<10240x128xf32, #tpu.memory_space<vmem_shared>>)
        tpu.yield
      }) : () -> ()
      %mul3A_85 = arith.constant 2 : i32
      %mul3A_86 = arith.muli %mul3A_85, %while3A_62 : i32
      %add3A_87 = arith.constant 1 : i32
      %add3A_88 = arith.addi %mul3A_86, %add3A_87 : i32
      %dma_wait3A_89 = arith.constant 0 : i32
      %dma_wait3A_90 = arith.constant 0 : i32
      %dma_wait3A_91 = tpu.memref_slice %arg2[%dma_wait3A_89, %dma_wait3A_90] : memref<10240x128xf32, #tpu.memory_space<hbm>> -> memref<10240x128xf32, #tpu.memory_space<hbm>>
      tpu.wait_indirect_dma semaphore(%arg14 : memref<!tpu.dma_semaphore, #tpu.memory_space<semaphore_mem>>) src(%dma_wait3A_91 : memref<10240x128xf32, #tpu.memory_space<hbm>>) dst(%arg11 : memref<128x128xf32, #tpu.memory_space<vmem>>)
      %add3A_92 = arith.constant 2 : i32
      %add3A_93 = arith.addi %add3A_88, %add3A_92 : i32
      %lt3A_94 = arith.cmpi slt, %add3A_93, %select_n3A : i32
      %convert_element_type3A_95 = arith.extui %lt3A_94 : i1 to i32
      %cond3A_96 = arith.constant 0 : i32
      %cond3A_97 = arith.cmpi ne, %convert_element_type3A_95, %cond3A_96 : i32
      scf.if %cond3A_97 {
        %add3A_109 = arith.constant 2 : i32
        %add3A_110 = arith.addi %add3A_88, %add3A_109 : i32
        %mul3A_111 = arith.constant 128 : i32
        %mul3A_112 = arith.muli %add3A_110, %mul3A_111 : i32
        %add3A_113 = arith.addi %mul3A_28, %mul3A_112 : i32
        %dma_start3A = tpu.memref_slice %arg3[%add3A_113] : memref<327680xi32, #tpu.memory_space<hbm>> -> memref<128xi32, #tpu.memory_space<hbm>>
        %dma_start3A_114 = tpu.memref_slice %arg3[%add3A_113] : memref<327680xi32, #tpu.memory_space<hbm>> -> memref<128xi32, #tpu.memory_space<hbm>>
        tpu.enqueue_dma source(%dma_start3A_114 : memref<128xi32, #tpu.memory_space<hbm>>) target(%arg7 : memref<128xi32, #tpu.memory_space<vmem>>) target_semaphore(%arg16 : memref<!tpu.dma_semaphore, #tpu.memory_space<semaphore_mem>>)
      } else {
      }
      %add3A_98 = arith.constant 1 : i32
      %add3A_99 = arith.addi %add3A_88, %add3A_98 : i32
      %lt3A_100 = arith.cmpi slt, %add3A_99, %select_n3A : i32
      %convert_element_type3A_101 = arith.extui %lt3A_100 : i1 to i32
      %cond3A_102 = arith.constant 0 : i32
      %cond3A_103 = arith.cmpi ne, %convert_element_type3A_101, %cond3A_102 : i32
      scf.if %cond3A_103 {
        %add3A_109 = arith.constant 1 : i32
        %add3A_110 = arith.addi %add3A_88, %add3A_109 : i32
        %mul3A_111 = arith.constant 128 : i32
        %mul3A_112 = arith.muli %add3A_110, %mul3A_111 : i32
        %add3A_113 = arith.addi %mul3A_28, %mul3A_112 : i32
        %dma_wait3A_114 = tpu.memref_slice %arg3[%add3A_113] : memref<327680xi32, #tpu.memory_space<hbm>> -> memref<128xi32, #tpu.memory_space<hbm>>
        %dma_wait3A_115 = tpu.memref_slice %arg3[%add3A_113] : memref<327680xi32, #tpu.memory_space<hbm>> -> memref<128xi32, #tpu.memory_space<hbm>>
        tpu.wait_dma2 semaphore(%arg15 : memref<!tpu.dma_semaphore, #tpu.memory_space<semaphore_mem>>) src(%dma_wait3A_115 : memref<128xi32, #tpu.memory_space<hbm>>) dst(%arg6 : memref<128xi32, #tpu.memory_space<vmem>>)
        %dma_start3A = arith.constant 0 : i32
        %dma_start3A_116 = arith.constant 0 : i32
        %dma_start3A_117 = tpu.memref_slice %arg2[%dma_start3A, %dma_start3A_116] : memref<10240x128xf32, #tpu.memory_space<hbm>> -> memref<10240x128xf32, #tpu.memory_space<hbm>>
        tpu.enqueue_indirect_dma source(%dma_start3A_117 : memref<10240x128xf32, #tpu.memory_space<hbm>>) target(%arg10 : memref<128x128xf32, #tpu.memory_space<vmem>>) offsets(%arg6 : memref<128xi32, #tpu.memory_space<vmem>>) semaphore(%arg13 : memref<!tpu.dma_semaphore, #tpu.memory_space<semaphore_mem>>)
        %add3A_118 = arith.constant 1 : i32
        %add3A_119 = arith.addi %add3A_88, %add3A_118 : i32
        %mul3A_120 = arith.constant 128 : i32
        %mul3A_121 = arith.muli %add3A_119, %mul3A_120 : i32
        %add3A_122 = arith.addi %mul3A_28, %mul3A_121 : i32
        %dma_start3A_123 = tpu.memref_slice %arg4[%add3A_122] : memref<327680xi32, #tpu.memory_space<hbm>> -> memref<128xi32, #tpu.memory_space<hbm>>
        %dma_start3A_124 = tpu.memref_slice %arg4[%add3A_122] : memref<327680xi32, #tpu.memory_space<hbm>> -> memref<128xi32, #tpu.memory_space<hbm>>
        tpu.enqueue_dma source(%dma_start3A_124 : memref<128xi32, #tpu.memory_space<hbm>>) target(%arg8 : memref<128xi32, #tpu.memory_space<vmem>>) target_semaphore(%arg17 : memref<!tpu.dma_semaphore, #tpu.memory_space<semaphore_mem>>)
      } else {
      }
      %mul3A_104 = arith.constant 128 : i32
      %mul3A_105 = arith.muli %add3A_88, %mul3A_104 : i32
      %add3A_106 = arith.addi %mul3A_28, %mul3A_105 : i32
      %dma_wait3A_107 = tpu.memref_slice %arg4[%add3A_106] : memref<327680xi32, #tpu.memory_space<hbm>> -> memref<128xi32, #tpu.memory_space<hbm>>
      %dma_wait3A_108 = tpu.memref_slice %arg4[%add3A_106] : memref<327680xi32, #tpu.memory_space<hbm>> -> memref<128xi32, #tpu.memory_space<hbm>>
      tpu.wait_dma2 semaphore(%arg18 : memref<!tpu.dma_semaphore, #tpu.memory_space<semaphore_mem>>) src(%dma_wait3A_108 : memref<128xi32, #tpu.memory_space<hbm>>) dst(%arg9 : memref<128xi32, #tpu.memory_space<vmem>>)
      "tpu.region"() ({
        %run_scoped3A = tpu.sem_alloc : memref<!tpu.dma_semaphore, #tpu.memory_space<semaphore_mem>>
        %dma_start3A = arith.constant 0 : i32
        %dma_start3A_109 = arith.constant 0 : i32
        %dma_start3A_110 = tpu.memref_slice %arg12[%dma_start3A, %dma_start3A_109] : memref<10240x128xf32, #tpu.memory_space<vmem_shared>> -> memref<10240x128xf32, #tpu.memory_space<vmem_shared>>
        tpu.enqueue_indirect_dma source(%arg11 : memref<128x128xf32, #tpu.memory_space<vmem>>) target(%dma_start3A_110 : memref<10240x128xf32, #tpu.memory_space<vmem_shared>>) offsets(%arg9 : memref<128xi32, #tpu.memory_space<vmem>>) semaphore(%run_scoped3A : memref<!tpu.dma_semaphore, #tpu.memory_space<semaphore_mem>>) {add = true}
        %dma_wait3A_111 = arith.constant 0 : i32
        %dma_wait3A_112 = arith.constant 0 : i32
        %dma_wait3A_113 = tpu.memref_slice %arg12[%dma_wait3A_111, %dma_wait3A_112] : memref<10240x128xf32, #tpu.memory_space<vmem_shared>> -> memref<10240x128xf32, #tpu.memory_space<vmem_shared>>
        tpu.wait_indirect_dma semaphore(%run_scoped3A : memref<!tpu.dma_semaphore, #tpu.memory_space<semaphore_mem>>) src(%arg11 : memref<128x128xf32, #tpu.memory_space<vmem>>) dst(%dma_wait3A_113 : memref<10240x128xf32, #tpu.memory_space<vmem_shared>>)
        tpu.yield
      }) : () -> ()
    }
    %barrier3A_58 = arith.constant 0 : index
    tpu.barrier barrier_id(%barrier3A_58)
    %mul3A_59 = arith.constant 10240 : i32
    %mul3A_60 = arith.muli %arg0, %mul3A_59 : i32
    %add3A_61 = arith.addi %mul3A_60, %mul3A_10 : i32
    "tpu.region"() ({
      %run_scoped3A = tpu.sem_alloc : memref<!tpu.dma_semaphore, #tpu.memory_space<semaphore_mem>>
      %dma_start3A = arith.constant 0 : i32
      %dma_start3A_62 = tpu.memref_slice %arg5[%add3A_61, %dma_start3A] : memref<20480x128xf32, #tpu.memory_space<hbm>> -> memref<640x128xf32, #tpu.memory_space<hbm>>
      %dma_start3A_63 = arith.constant 0 : i32
      %dma_start3A_64 = tpu.memref_slice %arg12[%mul3A_10, %dma_start3A_63] : memref<10240x128xf32, #tpu.memory_space<vmem_shared>> -> memref<640x128xf32, #tpu.memory_space<vmem_shared>>
      tpu.enqueue_dma source(%dma_start3A_64 : memref<640x128xf32, #tpu.memory_space<vmem_shared>>) target(%dma_start3A_62 : memref<640x128xf32, #tpu.memory_space<hbm>>) target_semaphore(%run_scoped3A : memref<!tpu.dma_semaphore, #tpu.memory_space<semaphore_mem>>)
      %dma_wait3A = arith.constant 0 : i32
      %dma_wait3A_65 = tpu.memref_slice %arg5[%add3A_61, %dma_wait3A] : memref<20480x128xf32, #tpu.memory_space<hbm>> -> memref<640x128xf32, #tpu.memory_space<hbm>>
      %dma_wait3A_66 = arith.constant 0 : i32
      %dma_wait3A_67 = tpu.memref_slice %arg12[%mul3A_10, %dma_wait3A_66] : memref<10240x128xf32, #tpu.memory_space<vmem_shared>> -> memref<640x128xf32, #tpu.memory_space<vmem_shared>>
      tpu.wait_dma2 semaphore(%run_scoped3A : memref<!tpu.dma_semaphore, #tpu.memory_space<semaphore_mem>>) src(%dma_wait3A_67 : memref<640x128xf32, #tpu.memory_space<vmem_shared>>) dst(%dma_wait3A_65 : memref<640x128xf32, #tpu.memory_space<hbm>>)
      tpu.yield
    }) : () -> ()
    return
  }
}

#map = affine_map<(d0, d1) -> (0, 0)>
#map1 = affine_map<(d0, d1) -> (0)>
module attributes {stable_mosaic.version = 14 : i64} {
  func.func @_edge_body(%arg0: i32, %arg1: i32, %arg2: memref<10240x128xf32, #tpu.memory_space<hbm>>, %arg3: memref<327680xi32, #tpu.memory_space<hbm>>, %arg4: memref<327680xi32, #tpu.memory_space<hbm>>, %arg5: memref<20480x128xf32, #tpu.memory_space<hbm>>, %arg6: memref<128xi32, #tpu.memory_space<vmem>>, %arg7: memref<128xi32, #tpu.memory_space<vmem>>, %arg8: memref<128xi32, #tpu.memory_space<vmem>>, %arg9: memref<128xi32, #tpu.memory_space<vmem>>, %arg10: memref<128x128xf32, #tpu.memory_space<vmem>>, %arg11: memref<128x128xf32, #tpu.memory_space<vmem>>, %arg12: memref<10240x128xf32, #tpu.memory_space<vmem_shared>>, %arg13: memref<!tpu.dma_semaphore, #tpu.memory_space<semaphore_mem>>, %arg14: memref<!tpu.dma_semaphore, #tpu.memory_space<semaphore_mem>>, %arg15: memref<!tpu.dma_semaphore, #tpu.memory_space<semaphore_mem>>, %arg16: memref<!tpu.dma_semaphore, #tpu.memory_space<semaphore_mem>>, %arg17: memref<!tpu.dma_semaphore, #tpu.memory_space<semaphore_mem>>, %arg18: memref<!tpu.dma_semaphore, #tpu.memory_space<semaphore_mem>>) attributes {dimension_semantics = [#tpu.dimension_semantics<core_parallel>, #tpu.dimension_semantics<subcore_parallel>], iteration_bounds = array<i64: 2, 16>, scalar_prefetch = 0 : i64, scratch_operands = 13 : i64, tpu.core_type = #tpu.core_type<sc_vector_subcore>, window_params = [{transform_indices = #map}, {transform_indices = #map1}, {transform_indices = #map1}, {transform_indices = #map}]} {
    %eq3A = arith.constant 0 : i32
    %eq3A_0 = arith.cmpi eq, %arg0, %eq3A : i32
    %jit3A = arith.constant 140 : i32
    %jit3A_1 = arith.constant 20 : i32
    %select_n3A = arith.select %eq3A_0, %jit3A, %jit3A_1 : i32
    %eq3A_2 = arith.constant 0 : i32
    %eq3A_3 = arith.cmpi eq, %arg0, %eq3A_2 : i32
    %mul3A = arith.constant 140 : i32
    %mul3A_4 = arith.muli %arg1, %mul3A : i32
    %mul3A_5 = arith.constant 20 : i32
    %mul3A_6 = arith.muli %arg1, %mul3A_5 : i32
    %add3A = arith.constant 2240 : i32
    %add3A_7 = arith.addi %add3A, %mul3A_6 : i32
    %select_n3A_8 = arith.select %eq3A_3, %mul3A_4, %add3A_7 : i32
    %mul3A_9 = arith.constant 640 : i32
    %mul3A_10 = arith.muli %arg1, %mul3A_9 : i32
    %broadcast_in_dim3A = arith.constant 0.000000e+00 : f32
    %broadcast_in_dim3A_11 = vector.broadcast %broadcast_in_dim3A : f32 to vector<16xf32>
    %scan3A = arith.constant 0 : i32
    %scan3A_12 = arith.constant 0 : i32
    %scan3A_13 = arith.constant 128 : i32
    %scan3A_14 = arith.addi %scan3A_12, %scan3A_13 : i32
    %scan3A_15 = arith.constant 1 : i32
    scf.for %scan3A_62 = %scan3A_12 to %scan3A_14 step %scan3A_15  : i32 {
      %swap3A = arith.index_cast %scan3A_62 : i32 to index
      %swap3A_63 = arith.constant 0 : index
      %swap3A_64 = tpu.vector_load %arg10[%swap3A, %swap3A_63] {strides = array<i32>} : memref<128x128xf32, #tpu.memory_space<vmem>>, vector<1x16xf32>,
      %swap3A_65 = vector.shape_cast %swap3A_64 : vector<1x16xf32> to vector<16xf32>
      %swap3A_66 = vector.shape_cast %broadcast_in_dim3A_11 : vector<16xf32> to vector<1x16xf32>
      tpu.vector_store %arg10[%swap3A, %swap3A_63], %swap3A_66 {strides = array<i32>} : memref<128x128xf32, #tpu.memory_space<vmem>>, vector<1x16xf32>,
      %swap3A_67 = arith.index_cast %scan3A_62 : i32 to index
      %swap3A_68 = arith.constant 16 : index
      %swap3A_69 = tpu.vector_load %arg10[%swap3A_67, %swap3A_68] {strides = array<i32>} : memref<128x128xf32, #tpu.memory_space<vmem>>, vector<1x16xf32>,
      %swap3A_70 = vector.shape_cast %swap3A_69 : vector<1x16xf32> to vector<16xf32>
      %swap3A_71 = vector.shape_cast %broadcast_in_dim3A_11 : vector<16xf32> to vector<1x16xf32>
      tpu.vector_store %arg10[%swap3A_67, %swap3A_68], %swap3A_71 {strides = array<i32>} : memref<128x128xf32, #tpu.memory_space<vmem>>, vector<1x16xf32>,
      %swap3A_72 = arith.index_cast %scan3A_62 : i32 to index
      %swap3A_73 = arith.constant 32 : index
      %swap3A_74 = tpu.vector_load %arg10[%swap3A_72, %swap3A_73] {strides = array<i32>} : memref<128x128xf32, #tpu.memory_space<vmem>>, vector<1x16xf32>,
      %swap3A_75 = vector.shape_cast %swap3A_74 : vector<1x16xf32> to vector<16xf32>
      %swap3A_76 = vector.shape_cast %broadcast_in_dim3A_11 : vector<16xf32> to vector<1x16xf32>
      tpu.vector_store %arg10[%swap3A_72, %swap3A_73], %swap3A_76 {strides = array<i32>} : memref<128x128xf32, #tpu.memory_space<vmem>>, vector<1x16xf32>,
      %swap3A_77 = arith.index_cast %scan3A_62 : i32 to index
      %swap3A_78 = arith.constant 48 : index
      %swap3A_79 = tpu.vector_load %arg10[%swap3A_77, %swap3A_78] {strides = array<i32>} : memref<128x128xf32, #tpu.memory_space<vmem>>, vector<1x16xf32>,
      %swap3A_80 = vector.shape_cast %swap3A_79 : vector<1x16xf32> to vector<16xf32>
      %swap3A_81 = vector.shape_cast %broadcast_in_dim3A_11 : vector<16xf32> to vector<1x16xf32>
      tpu.vector_store %arg10[%swap3A_77, %swap3A_78], %swap3A_81 {strides = array<i32>} : memref<128x128xf32, #tpu.memory_space<vmem>>, vector<1x16xf32>,
      %swap3A_82 = arith.index_cast %scan3A_62 : i32 to index
      %swap3A_83 = arith.constant 64 : index
      %swap3A_84 = tpu.vector_load %arg10[%swap3A_82, %swap3A_83] {strides = array<i32>} : memref<128x128xf32, #tpu.memory_space<vmem>>, vector<1x16xf32>,
      %swap3A_85 = vector.shape_cast %swap3A_84 : vector<1x16xf32> to vector<16xf32>
      %swap3A_86 = vector.shape_cast %broadcast_in_dim3A_11 : vector<16xf32> to vector<1x16xf32>
      tpu.vector_store %arg10[%swap3A_82, %swap3A_83], %swap3A_86 {strides = array<i32>} : memref<128x128xf32, #tpu.memory_space<vmem>>, vector<1x16xf32>,
      %swap3A_87 = arith.index_cast %scan3A_62 : i32 to index
      %swap3A_88 = arith.constant 80 : index
      %swap3A_89 = tpu.vector_load %arg10[%swap3A_87, %swap3A_88] {strides = array<i32>} : memref<128x128xf32, #tpu.memory_space<vmem>>, vector<1x16xf32>,
      %swap3A_90 = vector.shape_cast %swap3A_89 : vector<1x16xf32> to vector<16xf32>
      %swap3A_91 = vector.shape_cast %broadcast_in_dim3A_11 : vector<16xf32> to vector<1x16xf32>
      tpu.vector_store %arg10[%swap3A_87, %swap3A_88], %swap3A_91 {strides = array<i32>} : memref<128x128xf32, #tpu.memory_space<vmem>>, vector<1x16xf32>,
      %swap3A_92 = arith.index_cast %scan3A_62 : i32 to index
      %swap3A_93 = arith.constant 96 : index
      %swap3A_94 = tpu.vector_load %arg10[%swap3A_92, %swap3A_93] {strides = array<i32>} : memref<128x128xf32, #tpu.memory_space<vmem>>, vector<1x16xf32>,
      %swap3A_95 = vector.shape_cast %swap3A_94 : vector<1x16xf32> to vector<16xf32>
      %swap3A_96 = vector.shape_cast %broadcast_in_dim3A_11 : vector<16xf32> to vector<1x16xf32>
      tpu.vector_store %arg10[%swap3A_92, %swap3A_93], %swap3A_96 {strides = array<i32>} : memref<128x128xf32, #tpu.memory_space<vmem>>, vector<1x16xf32>,
      %swap3A_97 = arith.index_cast %scan3A_62 : i32 to index
      %swap3A_98 = arith.constant 112 : index
      %swap3A_99 = tpu.vector_load %arg10[%swap3A_97, %swap3A_98] {strides = array<i32>} : memref<128x128xf32, #tpu.memory_space<vmem>>, vector<1x16xf32>,
      %swap3A_100 = vector.shape_cast %swap3A_99 : vector<1x16xf32> to vector<16xf32>
      %swap3A_101 = vector.shape_cast %broadcast_in_dim3A_11 : vector<16xf32> to vector<1x16xf32>
      tpu.vector_store %arg10[%swap3A_97, %swap3A_98], %swap3A_101 {strides = array<i32>} : memref<128x128xf32, #tpu.memory_space<vmem>>, vector<1x16xf32>,
    }
    %scan3A_16 = arith.constant 128 : i32
    %add3A_17 = arith.constant 0 : i32
    %add3A_18 = arith.addi %mul3A_10, %add3A_17 : i32
    "tpu.region"() ({
      %run_scoped3A = tpu.sem_alloc : memref<!tpu.dma_semaphore, #tpu.memory_space<semaphore_mem>>
      %dma_start3A = arith.constant 0 : i32
      %dma_start3A_62 = tpu.memref_slice %arg12[%add3A_18, %dma_start3A] : memref<10240x128xf32, #tpu.memory_space<vmem_shared>> -> memref<128x128xf32, #tpu.memory_space<vmem_shared>>
      %dma_start3A_63 = arith.constant 0 : i32
      %dma_start3A_64 = tpu.memref_slice %arg12[%add3A_18, %dma_start3A_63] : memref<10240x128xf32, #tpu.memory_space<vmem_shared>> -> memref<128x128xf32, #tpu.memory_space<vmem_shared>>
      tpu.enqueue_dma source(%arg10 : memref<128x128xf32, #tpu.memory_space<vmem>>) target(%dma_start3A_64 : memref<128x128xf32, #tpu.memory_space<vmem_shared>>) target_semaphore(%run_scoped3A : memref<!tpu.dma_semaphore, #tpu.memory_space<semaphore_mem>>)
      %dma_wait3A = arith.constant 0 : i32
      %dma_wait3A_65 = tpu.memref_slice %arg12[%add3A_18, %dma_wait3A] : memref<10240x128xf32, #tpu.memory_space<vmem_shared>> -> memref<128x128xf32, #tpu.memory_space<vmem_shared>>
      %dma_wait3A_66 = arith.constant 0 : i32
      %dma_wait3A_67 = tpu.memref_slice %arg12[%add3A_18, %dma_wait3A_66] : memref<10240x128xf32, #tpu.memory_space<vmem_shared>> -> memref<128x128xf32, #tpu.memory_space<vmem_shared>>
      tpu.wait_dma2 semaphore(%run_scoped3A : memref<!tpu.dma_semaphore, #tpu.memory_space<semaphore_mem>>) src(%arg10 : memref<128x128xf32, #tpu.memory_space<vmem>>) dst(%dma_wait3A_67 : memref<128x128xf32, #tpu.memory_space<vmem_shared>>)
      tpu.yield
    }) : () -> ()
    %add3A_19 = arith.constant 128 : i32
    %add3A_20 = arith.addi %mul3A_10, %add3A_19 : i32
    "tpu.region"() ({
      %run_scoped3A = tpu.sem_alloc : memref<!tpu.dma_semaphore, #tpu.memory_space<semaphore_mem>>
      %dma_start3A = arith.constant 0 : i32
      %dma_start3A_62 = tpu.memref_slice %arg12[%add3A_20, %dma_start3A] : memref<10240x128xf32, #tpu.memory_space<vmem_shared>> -> memref<128x128xf32, #tpu.memory_space<vmem_shared>>
      %dma_start3A_63 = arith.constant 0 : i32
      %dma_start3A_64 = tpu.memref_slice %arg12[%add3A_20, %dma_start3A_63] : memref<10240x128xf32, #tpu.memory_space<vmem_shared>> -> memref<128x128xf32, #tpu.memory_space<vmem_shared>>
      tpu.enqueue_dma source(%arg10 : memref<128x128xf32, #tpu.memory_space<vmem>>) target(%dma_start3A_64 : memref<128x128xf32, #tpu.memory_space<vmem_shared>>) target_semaphore(%run_scoped3A : memref<!tpu.dma_semaphore, #tpu.memory_space<semaphore_mem>>)
      %dma_wait3A = arith.constant 0 : i32
      %dma_wait3A_65 = tpu.memref_slice %arg12[%add3A_20, %dma_wait3A] : memref<10240x128xf32, #tpu.memory_space<vmem_shared>> -> memref<128x128xf32, #tpu.memory_space<vmem_shared>>
      %dma_wait3A_66 = arith.constant 0 : i32
      %dma_wait3A_67 = tpu.memref_slice %arg12[%add3A_20, %dma_wait3A_66] : memref<10240x128xf32, #tpu.memory_space<vmem_shared>> -> memref<128x128xf32, #tpu.memory_space<vmem_shared>>
      tpu.wait_dma2 semaphore(%run_scoped3A : memref<!tpu.dma_semaphore, #tpu.memory_space<semaphore_mem>>) src(%arg10 : memref<128x128xf32, #tpu.memory_space<vmem>>) dst(%dma_wait3A_67 : memref<128x128xf32, #tpu.memory_space<vmem_shared>>)
      tpu.yield
    }) : () -> ()
    %add3A_21 = arith.constant 256 : i32
    %add3A_22 = arith.addi %mul3A_10, %add3A_21 : i32
    "tpu.region"() ({
      %run_scoped3A = tpu.sem_alloc : memref<!tpu.dma_semaphore, #tpu.memory_space<semaphore_mem>>
      %dma_start3A = arith.constant 0 : i32
      %dma_start3A_62 = tpu.memref_slice %arg12[%add3A_22, %dma_start3A] : memref<10240x128xf32, #tpu.memory_space<vmem_shared>> -> memref<128x128xf32, #tpu.memory_space<vmem_shared>>
      %dma_start3A_63 = arith.constant 0 : i32
      %dma_start3A_64 = tpu.memref_slice %arg12[%add3A_22, %dma_start3A_63] : memref<10240x128xf32, #tpu.memory_space<vmem_shared>> -> memref<128x128xf32, #tpu.memory_space<vmem_shared>>
      tpu.enqueue_dma source(%arg10 : memref<128x128xf32, #tpu.memory_space<vmem>>) target(%dma_start3A_64 : memref<128x128xf32, #tpu.memory_space<vmem_shared>>) target_semaphore(%run_scoped3A : memref<!tpu.dma_semaphore, #tpu.memory_space<semaphore_mem>>)
      %dma_wait3A = arith.constant 0 : i32
      %dma_wait3A_65 = tpu.memref_slice %arg12[%add3A_22, %dma_wait3A] : memref<10240x128xf32, #tpu.memory_space<vmem_shared>> -> memref<128x128xf32, #tpu.memory_space<vmem_shared>>
      %dma_wait3A_66 = arith.constant 0 : i32
      %dma_wait3A_67 = tpu.memref_slice %arg12[%add3A_22, %dma_wait3A_66] : memref<10240x128xf32, #tpu.memory_space<vmem_shared>> -> memref<128x128xf32, #tpu.memory_space<vmem_shared>>
      tpu.wait_dma2 semaphore(%run_scoped3A : memref<!tpu.dma_semaphore, #tpu.memory_space<semaphore_mem>>) src(%arg10 : memref<128x128xf32, #tpu.memory_space<vmem>>) dst(%dma_wait3A_67 : memref<128x128xf32, #tpu.memory_space<vmem_shared>>)
      tpu.yield
    }) : () -> ()
    %add3A_23 = arith.constant 384 : i32
    %add3A_24 = arith.addi %mul3A_10, %add3A_23 : i32
    "tpu.region"() ({
      %run_scoped3A = tpu.sem_alloc : memref<!tpu.dma_semaphore, #tpu.memory_space<semaphore_mem>>
      %dma_start3A = arith.constant 0 : i32
      %dma_start3A_62 = tpu.memref_slice %arg12[%add3A_24, %dma_start3A] : memref<10240x128xf32, #tpu.memory_space<vmem_shared>> -> memref<128x128xf32, #tpu.memory_space<vmem_shared>>
      %dma_start3A_63 = arith.constant 0 : i32
      %dma_start3A_64 = tpu.memref_slice %arg12[%add3A_24, %dma_start3A_63] : memref<10240x128xf32, #tpu.memory_space<vmem_shared>> -> memref<128x128xf32, #tpu.memory_space<vmem_shared>>
      tpu.enqueue_dma source(%arg10 : memref<128x128xf32, #tpu.memory_space<vmem>>) target(%dma_start3A_64 : memref<128x128xf32, #tpu.memory_space<vmem_shared>>) target_semaphore(%run_scoped3A : memref<!tpu.dma_semaphore, #tpu.memory_space<semaphore_mem>>)
      %dma_wait3A = arith.constant 0 : i32
      %dma_wait3A_65 = tpu.memref_slice %arg12[%add3A_24, %dma_wait3A] : memref<10240x128xf32, #tpu.memory_space<vmem_shared>> -> memref<128x128xf32, #tpu.memory_space<vmem_shared>>
      %dma_wait3A_66 = arith.constant 0 : i32
      %dma_wait3A_67 = tpu.memref_slice %arg12[%add3A_24, %dma_wait3A_66] : memref<10240x128xf32, #tpu.memory_space<vmem_shared>> -> memref<128x128xf32, #tpu.memory_space<vmem_shared>>
      tpu.wait_dma2 semaphore(%run_scoped3A : memref<!tpu.dma_semaphore, #tpu.memory_space<semaphore_mem>>) src(%arg10 : memref<128x128xf32, #tpu.memory_space<vmem>>) dst(%dma_wait3A_67 : memref<128x128xf32, #tpu.memory_space<vmem_shared>>)
      tpu.yield
    }) : () -> ()
    %add3A_25 = arith.constant 512 : i32
    %add3A_26 = arith.addi %mul3A_10, %add3A_25 : i32
    "tpu.region"() ({
      %run_scoped3A = tpu.sem_alloc : memref<!tpu.dma_semaphore, #tpu.memory_space<semaphore_mem>>
      %dma_start3A = arith.constant 0 : i32
      %dma_start3A_62 = tpu.memref_slice %arg12[%add3A_26, %dma_start3A] : memref<10240x128xf32, #tpu.memory_space<vmem_shared>> -> memref<128x128xf32, #tpu.memory_space<vmem_shared>>
      %dma_start3A_63 = arith.constant 0 : i32
      %dma_start3A_64 = tpu.memref_slice %arg12[%add3A_26, %dma_start3A_63] : memref<10240x128xf32, #tpu.memory_space<vmem_shared>> -> memref<128x128xf32, #tpu.memory_space<vmem_shared>>
      tpu.enqueue_dma source(%arg10 : memref<128x128xf32, #tpu.memory_space<vmem>>) target(%dma_start3A_64 : memref<128x128xf32, #tpu.memory_space<vmem_shared>>) target_semaphore(%run_scoped3A : memref<!tpu.dma_semaphore, #tpu.memory_space<semaphore_mem>>)
      %dma_wait3A = arith.constant 0 : i32
      %dma_wait3A_65 = tpu.memref_slice %arg12[%add3A_26, %dma_wait3A] : memref<10240x128xf32, #tpu.memory_space<vmem_shared>> -> memref<128x128xf32, #tpu.memory_space<vmem_shared>>
      %dma_wait3A_66 = arith.constant 0 : i32
      %dma_wait3A_67 = tpu.memref_slice %arg12[%add3A_26, %dma_wait3A_66] : memref<10240x128xf32, #tpu.memory_space<vmem_shared>> -> memref<128x128xf32, #tpu.memory_space<vmem_shared>>
      tpu.wait_dma2 semaphore(%run_scoped3A : memref<!tpu.dma_semaphore, #tpu.memory_space<semaphore_mem>>) src(%arg10 : memref<128x128xf32, #tpu.memory_space<vmem>>) dst(%dma_wait3A_67 : memref<128x128xf32, #tpu.memory_space<vmem_shared>>)
      tpu.yield
    }) : () -> ()
    %barrier3A = arith.constant 0 : index
    tpu.barrier barrier_id(%barrier3A)
    %mul3A_27 = arith.constant 128 : i32
    %mul3A_28 = arith.muli %select_n3A_8, %mul3A_27 : i32
    %gt3A = arith.constant 0 : i32
    %gt3A_29 = arith.cmpi sgt, %select_n3A, %gt3A : i32
    %convert_element_type3A = arith.extui %gt3A_29 : i1 to i32
    %cond3A = arith.constant 0 : i32
    %cond3A_30 = arith.cmpi ne, %convert_element_type3A, %cond3A : i32
    scf.if %cond3A_30 {
      "tpu.region"() ({
        %run_scoped3A = tpu.sem_alloc : memref<!tpu.dma_semaphore, #tpu.memory_space<semaphore_mem>>
        %dma_start3A_70 = tpu.memref_slice %arg3[%mul3A_28] : memref<327680xi32, #tpu.memory_space<hbm>> -> memref<128xi32, #tpu.memory_space<hbm>>
        %dma_start3A_71 = tpu.memref_slice %arg3[%mul3A_28] : memref<327680xi32, #tpu.memory_space<hbm>> -> memref<128xi32, #tpu.memory_space<hbm>>
        tpu.enqueue_dma source(%dma_start3A_71 : memref<128xi32, #tpu.memory_space<hbm>>) target(%arg6 : memref<128xi32, #tpu.memory_space<vmem>>) target_semaphore(%run_scoped3A : memref<!tpu.dma_semaphore, #tpu.memory_space<semaphore_mem>>)
        %dma_wait3A = tpu.memref_slice %arg3[%mul3A_28] : memref<327680xi32, #tpu.memory_space<hbm>> -> memref<128xi32, #tpu.memory_space<hbm>>
        %dma_wait3A_72 = tpu.memref_slice %arg3[%mul3A_28] : memref<327680xi32, #tpu.memory_space<hbm>> -> memref<128xi32, #tpu.memory_space<hbm>>
        tpu.wait_dma2 semaphore(%run_scoped3A : memref<!tpu.dma_semaphore, #tpu.memory_space<semaphore_mem>>) src(%dma_wait3A_72 : memref<128xi32, #tpu.memory_space<hbm>>) dst(%arg6 : memref<128xi32, #tpu.memory_space<vmem>>)
        tpu.yield
      }) : () -> ()
      %dma_start3A = arith.constant 0 : i32
      %dma_start3A_62 = arith.constant 0 : i32
      %dma_start3A_63 = tpu.memref_slice %arg2[%dma_start3A, %dma_start3A_62] : memref<10240x128xf32, #tpu.memory_space<hbm>> -> memref<10240x128xf32, #tpu.memory_space<hbm>>
      tpu.enqueue_indirect_dma source(%dma_start3A_63 : memref<10240x128xf32, #tpu.memory_space<hbm>>) target(%arg10 : memref<128x128xf32, #tpu.memory_space<vmem>>) offsets(%arg6 : memref<128xi32, #tpu.memory_space<vmem>>) semaphore(%arg13 : memref<!tpu.dma_semaphore, #tpu.memory_space<semaphore_mem>>)
      %add3A_64 = arith.constant 128 : i32
      %add3A_65 = arith.addi %mul3A_28, %add3A_64 : i32
      %dma_start3A_66 = tpu.memref_slice %arg3[%add3A_65] : memref<327680xi32, #tpu.memory_space<hbm>> -> memref<128xi32, #tpu.memory_space<hbm>>
      %dma_start3A_67 = tpu.memref_slice %arg3[%add3A_65] : memref<327680xi32, #tpu.memory_space<hbm>> -> memref<128xi32, #tpu.memory_space<hbm>>
      tpu.enqueue_dma source(%dma_start3A_67 : memref<128xi32, #tpu.memory_space<hbm>>) target(%arg7 : memref<128xi32, #tpu.memory_space<vmem>>) target_semaphore(%arg16 : memref<!tpu.dma_semaphore, #tpu.memory_space<semaphore_mem>>)
      %dma_start3A_68 = tpu.memref_slice %arg4[%mul3A_28] : memref<327680xi32, #tpu.memory_space<hbm>> -> memref<128xi32, #tpu.memory_space<hbm>>
      %dma_start3A_69 = tpu.memref_slice %arg4[%mul3A_28] : memref<327680xi32, #tpu.memory_space<hbm>> -> memref<128xi32, #tpu.memory_space<hbm>>
      tpu.enqueue_dma source(%dma_start3A_69 : memref<128xi32, #tpu.memory_space<hbm>>) target(%arg8 : memref<128xi32, #tpu.memory_space<vmem>>) target_semaphore(%arg17 : memref<!tpu.dma_semaphore, #tpu.memory_space<semaphore_mem>>)
    } else {
    }
    %jit3A_31 = arith.constant 2 : i32
    %div3A = arith.divsi %select_n3A, %jit3A_31 : i32
    %sign3A = arith.constant 0 : i32
    %sign3A_32 = arith.cmpi sgt, %select_n3A, %sign3A : i32
    %sign3A_33 = arith.extui %sign3A_32 : i1 to i32
    %sign3A_34 = arith.constant 0 : i32
    %sign3A_35 = arith.cmpi slt, %select_n3A, %sign3A_34 : i32
    %sign3A_36 = arith.extui %sign3A_35 : i1 to i32
    %sign3A_37 = arith.subi %sign3A_33, %sign3A_36 : i32
    %sign3A_38 = arith.constant 0 : i32
    %sign3A_39 = arith.cmpi sgt, %jit3A_31, %sign3A_38 : i32
    %sign3A_40 = arith.extui %sign3A_39 : i1 to i32
    %sign3A_41 = arith.constant 0 : i32
    %sign3A_42 = arith.cmpi slt, %jit3A_31, %sign3A_41 : i32
    %sign3A_43 = arith.extui %sign3A_42 : i1 to i32
    %sign3A_44 = arith.subi %sign3A_40, %sign3A_43 : i32
    %ne3A = arith.cmpi ne, %sign3A_37, %sign3A_44 : i32
    %rem3A = arith.remsi %select_n3A, %jit3A_31 : i32
    %ne3A_45 = arith.constant 0 : i32
    %ne3A_46 = arith.cmpi ne, %rem3A, %ne3A_45 : i32
    %and3A = arith.andi %ne3A, %ne3A_46 : i1
    %sub3A = arith.constant 1 : i32
    %sub3A_47 = arith.subi %div3A, %sub3A : i32
    %select_n3A_48 = arith.select %and3A, %sub3A_47, %div3A : i32
    %while3A = arith.constant 0 : i32
    %while3A_49 = arith.constant 0 : i32
    %while3A_50 = arith.subi %select_n3A_48, %while3A_49 : i32
    %while3A_51 = arith.addi %while3A_49, %while3A_50 : i32
    %while3A_52 = arith.constant 1 : i32
    %while3A_53 = arith.divsi %while3A_50, %while3A_52 : i32
    %while3A_54 = arith.muli %while3A_53, %while3A_52 : i32
    %while3A_55 = arith.addi %while3A_49, %while3A_54 : i32
    %while3A_56 = arith.constant 1 : i32
    scf.for %while3A_62 = %while3A_49 to %while3A_55 step %while3A_56  : i32 {
      %mul3A_63 = arith.constant 2 : i32
      %mul3A_64 = arith.muli %mul3A_63, %while3A_62 : i32
      %add3A_65 = arith.constant 0 : i32
      %add3A_66 = arith.addi %mul3A_64, %add3A_65 : i32
      %dma_wait3A = arith.constant 0 : i32
      %dma_wait3A_67 = arith.constant 0 : i32
      %dma_wait3A_68 = tpu.memref_slice %arg2[%dma_wait3A, %dma_wait3A_67] : memref<10240x128xf32, #tpu.memory_space<hbm>> -> memref<10240x128xf32, #tpu.memory_space<hbm>>
      tpu.wait_indirect_dma semaphore(%arg13 : memref<!tpu.dma_semaphore, #tpu.memory_space<semaphore_mem>>) src(%dma_wait3A_68 : memref<10240x128xf32, #tpu.memory_space<hbm>>) dst(%arg10 : memref<128x128xf32, #tpu.memory_space<vmem>>)
      %add3A_69 = arith.constant 2 : i32
      %add3A_70 = arith.addi %add3A_66, %add3A_69 : i32
      %lt3A = arith.cmpi slt, %add3A_70, %select_n3A : i32
      %convert_element_type3A_71 = arith.extui %lt3A : i1 to i32
      %cond3A_72 = arith.constant 0 : i32
      %cond3A_73 = arith.cmpi ne, %convert_element_type3A_71, %cond3A_72 : i32
      scf.if %cond3A_73 {
        %add3A_109 = arith.constant 2 : i32
        %add3A_110 = arith.addi %add3A_66, %add3A_109 : i32
        %mul3A_111 = arith.constant 128 : i32
        %mul3A_112 = arith.muli %add3A_110, %mul3A_111 : i32
        %add3A_113 = arith.addi %mul3A_28, %mul3A_112 : i32
        %dma_start3A = tpu.memref_slice %arg3[%add3A_113] : memref<327680xi32, #tpu.memory_space<hbm>> -> memref<128xi32, #tpu.memory_space<hbm>>
        %dma_start3A_114 = tpu.memref_slice %arg3[%add3A_113] : memref<327680xi32, #tpu.memory_space<hbm>> -> memref<128xi32, #tpu.memory_space<hbm>>
        tpu.enqueue_dma source(%dma_start3A_114 : memref<128xi32, #tpu.memory_space<hbm>>) target(%arg6 : memref<128xi32, #tpu.memory_space<vmem>>) target_semaphore(%arg15 : memref<!tpu.dma_semaphore, #tpu.memory_space<semaphore_mem>>)
      } else {
      }
      %add3A_74 = arith.constant 1 : i32
      %add3A_75 = arith.addi %add3A_66, %add3A_74 : i32
      %lt3A_76 = arith.cmpi slt, %add3A_75, %select_n3A : i32
      %convert_element_type3A_77 = arith.extui %lt3A_76 : i1 to i32
      %cond3A_78 = arith.constant 0 : i32
      %cond3A_79 = arith.cmpi ne, %convert_element_type3A_77, %cond3A_78 : i32
      scf.if %cond3A_79 {
        %add3A_109 = arith.constant 1 : i32
        %add3A_110 = arith.addi %add3A_66, %add3A_109 : i32
        %mul3A_111 = arith.constant 128 : i32
        %mul3A_112 = arith.muli %add3A_110, %mul3A_111 : i32
        %add3A_113 = arith.addi %mul3A_28, %mul3A_112 : i32
        %dma_wait3A_114 = tpu.memref_slice %arg3[%add3A_113] : memref<327680xi32, #tpu.memory_space<hbm>> -> memref<128xi32, #tpu.memory_space<hbm>>
        %dma_wait3A_115 = tpu.memref_slice %arg3[%add3A_113] : memref<327680xi32, #tpu.memory_space<hbm>> -> memref<128xi32, #tpu.memory_space<hbm>>
        tpu.wait_dma2 semaphore(%arg16 : memref<!tpu.dma_semaphore, #tpu.memory_space<semaphore_mem>>) src(%dma_wait3A_115 : memref<128xi32, #tpu.memory_space<hbm>>) dst(%arg7 : memref<128xi32, #tpu.memory_space<vmem>>)
        %dma_start3A = arith.constant 0 : i32
        %dma_start3A_116 = arith.constant 0 : i32
        %dma_start3A_117 = tpu.memref_slice %arg2[%dma_start3A, %dma_start3A_116] : memref<10240x128xf32, #tpu.memory_space<hbm>> -> memref<10240x128xf32, #tpu.memory_space<hbm>>
        tpu.enqueue_indirect_dma source(%dma_start3A_117 : memref<10240x128xf32, #tpu.memory_space<hbm>>) target(%arg11 : memref<128x128xf32, #tpu.memory_space<vmem>>) offsets(%arg7 : memref<128xi32, #tpu.memory_space<vmem>>) semaphore(%arg14 : memref<!tpu.dma_semaphore, #tpu.memory_space<semaphore_mem>>)
        %add3A_118 = arith.constant 1 : i32
        %add3A_119 = arith.addi %add3A_66, %add3A_118 : i32
        %mul3A_120 = arith.constant 128 : i32
        %mul3A_121 = arith.muli %add3A_119, %mul3A_120 : i32
        %add3A_122 = arith.addi %mul3A_28, %mul3A_121 : i32
        %dma_start3A_123 = tpu.memref_slice %arg4[%add3A_122] : memref<327680xi32, #tpu.memory_space<hbm>> -> memref<128xi32, #tpu.memory_space<hbm>>
        %dma_start3A_124 = tpu.memref_slice %arg4[%add3A_122] : memref<327680xi32, #tpu.memory_space<hbm>> -> memref<128xi32, #tpu.memory_space<hbm>>
        tpu.enqueue_dma source(%dma_start3A_124 : memref<128xi32, #tpu.memory_space<hbm>>) target(%arg9 : memref<128xi32, #tpu.memory_space<vmem>>) target_semaphore(%arg18 : memref<!tpu.dma_semaphore, #tpu.memory_space<semaphore_mem>>)
      } else {
      }
      %mul3A_80 = arith.constant 128 : i32
      %mul3A_81 = arith.muli %add3A_66, %mul3A_80 : i32
      %add3A_82 = arith.addi %mul3A_28, %mul3A_81 : i32
      %dma_wait3A_83 = tpu.memref_slice %arg4[%add3A_82] : memref<327680xi32, #tpu.memory_space<hbm>> -> memref<128xi32, #tpu.memory_space<hbm>>
      %dma_wait3A_84 = tpu.memref_slice %arg4[%add3A_82] : memref<327680xi32, #tpu.memory_space<hbm>> -> memref<128xi32, #tpu.memory_space<hbm>>
      tpu.wait_dma2 semaphore(%arg17 : memref<!tpu.dma_semaphore, #tpu.memory_space<semaphore_mem>>) src(%dma_wait3A_84 : memref<128xi32, #tpu.memory_space<hbm>>) dst(%arg8 : memref<128xi32, #tpu.memory_space<vmem>>)
      "tpu.region"() ({
        %run_scoped3A = tpu.sem_alloc : memref<!tpu.dma_semaphore, #tpu.memory_space<semaphore_mem>>
        %dma_start3A = arith.constant 0 : i32
        %dma_start3A_109 = arith.constant 0 : i32
        %dma_start3A_110 = tpu.memref_slice %arg12[%dma_start3A, %dma_start3A_109] : memref<10240x128xf32, #tpu.memory_space<vmem_shared>> -> memref<10240x128xf32, #tpu.memory_space<vmem_shared>>
        tpu.enqueue_indirect_dma source(%arg10 : memref<128x128xf32, #tpu.memory_space<vmem>>) target(%dma_start3A_110 : memref<10240x128xf32, #tpu.memory_space<vmem_shared>>) offsets(%arg8 : memref<128xi32, #tpu.memory_space<vmem>>) semaphore(%run_scoped3A : memref<!tpu.dma_semaphore, #tpu.memory_space<semaphore_mem>>) {add = true}
        %dma_wait3A_111 = arith.constant 0 : i32
        %dma_wait3A_112 = arith.constant 0 : i32
        %dma_wait3A_113 = tpu.memref_slice %arg12[%dma_wait3A_111, %dma_wait3A_112] : memref<10240x128xf32, #tpu.memory_space<vmem_shared>> -> memref<10240x128xf32, #tpu.memory_space<vmem_shared>>
        tpu.wait_indirect_dma semaphore(%run_scoped3A : memref<!tpu.dma_semaphore, #tpu.memory_space<semaphore_mem>>) src(%arg10 : memref<128x128xf32, #tpu.memory_space<vmem>>) dst(%dma_wait3A_113 : memref<10240x128xf32, #tpu.memory_space<vmem_shared>>)
        tpu.yield
      }) : () -> ()
      %mul3A_85 = arith.constant 2 : i32
      %mul3A_86 = arith.muli %mul3A_85, %while3A_62 : i32
      %add3A_87 = arith.constant 1 : i32
      %add3A_88 = arith.addi %mul3A_86, %add3A_87 : i32
      %dma_wait3A_89 = arith.constant 0 : i32
      %dma_wait3A_90 = arith.constant 0 : i32
      %dma_wait3A_91 = tpu.memref_slice %arg2[%dma_wait3A_89, %dma_wait3A_90] : memref<10240x128xf32, #tpu.memory_space<hbm>> -> memref<10240x128xf32, #tpu.memory_space<hbm>>
      tpu.wait_indirect_dma semaphore(%arg14 : memref<!tpu.dma_semaphore, #tpu.memory_space<semaphore_mem>>) src(%dma_wait3A_91 : memref<10240x128xf32, #tpu.memory_space<hbm>>) dst(%arg11 : memref<128x128xf32, #tpu.memory_space<vmem>>)
      %add3A_92 = arith.constant 2 : i32
      %add3A_93 = arith.addi %add3A_88, %add3A_92 : i32
      %lt3A_94 = arith.cmpi slt, %add3A_93, %select_n3A : i32
      %convert_element_type3A_95 = arith.extui %lt3A_94 : i1 to i32
      %cond3A_96 = arith.constant 0 : i32
      %cond3A_97 = arith.cmpi ne, %convert_element_type3A_95, %cond3A_96 : i32
      scf.if %cond3A_97 {
        %add3A_109 = arith.constant 2 : i32
        %add3A_110 = arith.addi %add3A_88, %add3A_109 : i32
        %mul3A_111 = arith.constant 128 : i32
        %mul3A_112 = arith.muli %add3A_110, %mul3A_111 : i32
        %add3A_113 = arith.addi %mul3A_28, %mul3A_112 : i32
        %dma_start3A = tpu.memref_slice %arg3[%add3A_113] : memref<327680xi32, #tpu.memory_space<hbm>> -> memref<128xi32, #tpu.memory_space<hbm>>
        %dma_start3A_114 = tpu.memref_slice %arg3[%add3A_113] : memref<327680xi32, #tpu.memory_space<hbm>> -> memref<128xi32, #tpu.memory_space<hbm>>
        tpu.enqueue_dma source(%dma_start3A_114 : memref<128xi32, #tpu.memory_space<hbm>>) target(%arg7 : memref<128xi32, #tpu.memory_space<vmem>>) target_semaphore(%arg16 : memref<!tpu.dma_semaphore, #tpu.memory_space<semaphore_mem>>)
      } else {
      }
      %add3A_98 = arith.constant 1 : i32
      %add3A_99 = arith.addi %add3A_88, %add3A_98 : i32
      %lt3A_100 = arith.cmpi slt, %add3A_99, %select_n3A : i32
      %convert_element_type3A_101 = arith.extui %lt3A_100 : i1 to i32
      %cond3A_102 = arith.constant 0 : i32
      %cond3A_103 = arith.cmpi ne, %convert_element_type3A_101, %cond3A_102 : i32
      scf.if %cond3A_103 {
        %add3A_109 = arith.constant 1 : i32
        %add3A_110 = arith.addi %add3A_88, %add3A_109 : i32
        %mul3A_111 = arith.constant 128 : i32
        %mul3A_112 = arith.muli %add3A_110, %mul3A_111 : i32
        %add3A_113 = arith.addi %mul3A_28, %mul3A_112 : i32
        %dma_wait3A_114 = tpu.memref_slice %arg3[%add3A_113] : memref<327680xi32, #tpu.memory_space<hbm>> -> memref<128xi32, #tpu.memory_space<hbm>>
        %dma_wait3A_115 = tpu.memref_slice %arg3[%add3A_113] : memref<327680xi32, #tpu.memory_space<hbm>> -> memref<128xi32, #tpu.memory_space<hbm>>
        tpu.wait_dma2 semaphore(%arg15 : memref<!tpu.dma_semaphore, #tpu.memory_space<semaphore_mem>>) src(%dma_wait3A_115 : memref<128xi32, #tpu.memory_space<hbm>>) dst(%arg6 : memref<128xi32, #tpu.memory_space<vmem>>)
        %dma_start3A = arith.constant 0 : i32
        %dma_start3A_116 = arith.constant 0 : i32
        %dma_start3A_117 = tpu.memref_slice %arg2[%dma_start3A, %dma_start3A_116] : memref<10240x128xf32, #tpu.memory_space<hbm>> -> memref<10240x128xf32, #tpu.memory_space<hbm>>
        tpu.enqueue_indirect_dma source(%dma_start3A_117 : memref<10240x128xf32, #tpu.memory_space<hbm>>) target(%arg10 : memref<128x128xf32, #tpu.memory_space<vmem>>) offsets(%arg6 : memref<128xi32, #tpu.memory_space<vmem>>) semaphore(%arg13 : memref<!tpu.dma_semaphore, #tpu.memory_space<semaphore_mem>>)
        %add3A_118 = arith.constant 1 : i32
        %add3A_119 = arith.addi %add3A_88, %add3A_118 : i32
        %mul3A_120 = arith.constant 128 : i32
        %mul3A_121 = arith.muli %add3A_119, %mul3A_120 : i32
        %add3A_122 = arith.addi %mul3A_28, %mul3A_121 : i32
        %dma_start3A_123 = tpu.memref_slice %arg4[%add3A_122] : memref<327680xi32, #tpu.memory_space<hbm>> -> memref<128xi32, #tpu.memory_space<hbm>>
        %dma_start3A_124 = tpu.memref_slice %arg4[%add3A_122] : memref<327680xi32, #tpu.memory_space<hbm>> -> memref<128xi32, #tpu.memory_space<hbm>>
        tpu.enqueue_dma source(%dma_start3A_124 : memref<128xi32, #tpu.memory_space<hbm>>) target(%arg8 : memref<128xi32, #tpu.memory_space<vmem>>) target_semaphore(%arg17 : memref<!tpu.dma_semaphore, #tpu.memory_space<semaphore_mem>>)
      } else {
      }
      %mul3A_104 = arith.constant 128 : i32
      %mul3A_105 = arith.muli %add3A_88, %mul3A_104 : i32
      %add3A_106 = arith.addi %mul3A_28, %mul3A_105 : i32
      %dma_wait3A_107 = tpu.memref_slice %arg4[%add3A_106] : memref<327680xi32, #tpu.memory_space<hbm>> -> memref<128xi32, #tpu.memory_space<hbm>>
      %dma_wait3A_108 = tpu.memref_slice %arg4[%add3A_106] : memref<327680xi32, #tpu.memory_space<hbm>> -> memref<128xi32, #tpu.memory_space<hbm>>
      tpu.wait_dma2 semaphore(%arg18 : memref<!tpu.dma_semaphore, #tpu.memory_space<semaphore_mem>>) src(%dma_wait3A_108 : memref<128xi32, #tpu.memory_space<hbm>>) dst(%arg9 : memref<128xi32, #tpu.memory_space<vmem>>)
      "tpu.region"() ({
        %run_scoped3A = tpu.sem_alloc : memref<!tpu.dma_semaphore, #tpu.memory_space<semaphore_mem>>
        %dma_start3A = arith.constant 0 : i32
        %dma_start3A_109 = arith.constant 0 : i32
        %dma_start3A_110 = tpu.memref_slice %arg12[%dma_start3A, %dma_start3A_109] : memref<10240x128xf32, #tpu.memory_space<vmem_shared>> -> memref<10240x128xf32, #tpu.memory_space<vmem_shared>>
        tpu.enqueue_indirect_dma source(%arg11 : memref<128x128xf32, #tpu.memory_space<vmem>>) target(%dma_start3A_110 : memref<10240x128xf32, #tpu.memory_space<vmem_shared>>) offsets(%arg9 : memref<128xi32, #tpu.memory_space<vmem>>) semaphore(%run_scoped3A : memref<!tpu.dma_semaphore, #tpu.memory_space<semaphore_mem>>) {add = true}
        %dma_wait3A_111 = arith.constant 0 : i32
        %dma_wait3A_112 = arith.constant 0 : i32
        %dma_wait3A_113 = tpu.memref_slice %arg12[%dma_wait3A_111, %dma_wait3A_112] : memref<10240x128xf32, #tpu.memory_space<vmem_shared>> -> memref<10240x128xf32, #tpu.memory_space<vmem_shared>>
        tpu.wait_indirect_dma semaphore(%run_scoped3A : memref<!tpu.dma_semaphore, #tpu.memory_space<semaphore_mem>>) src(%arg11 : memref<128x128xf32, #tpu.memory_space<vmem>>) dst(%dma_wait3A_113 : memref<10240x128xf32, #tpu.memory_space<vmem_shared>>)
        tpu.yield
      }) : () -> ()
    }
    %while3A_57 = arith.constant 1 : i32
    scf.for %while3A_62 = %while3A_55 to %while3A_51 step %while3A_57  : i32 {
      %mul3A_63 = arith.constant 2 : i32
      %mul3A_64 = arith.muli %mul3A_63, %while3A_62 : i32
      %add3A_65 = arith.constant 0 : i32
      %add3A_66 = arith.addi %mul3A_64, %add3A_65 : i32
      %dma_wait3A = arith.constant 0 : i32
      %dma_wait3A_67 = arith.constant 0 : i32
      %dma_wait3A_68 = tpu.memref_slice %arg2[%dma_wait3A, %dma_wait3A_67] : memref<10240x128xf32, #tpu.memory_space<hbm>> -> memref<10240x128xf32, #tpu.memory_space<hbm>>
      tpu.wait_indirect_dma semaphore(%arg13 : memref<!tpu.dma_semaphore, #tpu.memory_space<semaphore_mem>>) src(%dma_wait3A_68 : memref<10240x128xf32, #tpu.memory_space<hbm>>) dst(%arg10 : memref<128x128xf32, #tpu.memory_space<vmem>>)
      %add3A_69 = arith.constant 2 : i32
      %add3A_70 = arith.addi %add3A_66, %add3A_69 : i32
      %lt3A = arith.cmpi slt, %add3A_70, %select_n3A : i32
      %convert_element_type3A_71 = arith.extui %lt3A : i1 to i32
      %cond3A_72 = arith.constant 0 : i32
      %cond3A_73 = arith.cmpi ne, %convert_element_type3A_71, %cond3A_72 : i32
      scf.if %cond3A_73 {
        %add3A_109 = arith.constant 2 : i32
        %add3A_110 = arith.addi %add3A_66, %add3A_109 : i32
        %mul3A_111 = arith.constant 128 : i32
        %mul3A_112 = arith.muli %add3A_110, %mul3A_111 : i32
        %add3A_113 = arith.addi %mul3A_28, %mul3A_112 : i32
        %dma_start3A = tpu.memref_slice %arg3[%add3A_113] : memref<327680xi32, #tpu.memory_space<hbm>> -> memref<128xi32, #tpu.memory_space<hbm>>
        %dma_start3A_114 = tpu.memref_slice %arg3[%add3A_113] : memref<327680xi32, #tpu.memory_space<hbm>> -> memref<128xi32, #tpu.memory_space<hbm>>
        tpu.enqueue_dma source(%dma_start3A_114 : memref<128xi32, #tpu.memory_space<hbm>>) target(%arg6 : memref<128xi32, #tpu.memory_space<vmem>>) target_semaphore(%arg15 : memref<!tpu.dma_semaphore, #tpu.memory_space<semaphore_mem>>)
      } else {
      }
      %add3A_74 = arith.constant 1 : i32
      %add3A_75 = arith.addi %add3A_66, %add3A_74 : i32
      %lt3A_76 = arith.cmpi slt, %add3A_75, %select_n3A : i32
      %convert_element_type3A_77 = arith.extui %lt3A_76 : i1 to i32
      %cond3A_78 = arith.constant 0 : i32
      %cond3A_79 = arith.cmpi ne, %convert_element_type3A_77, %cond3A_78 : i32
      scf.if %cond3A_79 {
        %add3A_109 = arith.constant 1 : i32
        %add3A_110 = arith.addi %add3A_66, %add3A_109 : i32
        %mul3A_111 = arith.constant 128 : i32
        %mul3A_112 = arith.muli %add3A_110, %mul3A_111 : i32
        %add3A_113 = arith.addi %mul3A_28, %mul3A_112 : i32
        %dma_wait3A_114 = tpu.memref_slice %arg3[%add3A_113] : memref<327680xi32, #tpu.memory_space<hbm>> -> memref<128xi32, #tpu.memory_space<hbm>>
        %dma_wait3A_115 = tpu.memref_slice %arg3[%add3A_113] : memref<327680xi32, #tpu.memory_space<hbm>> -> memref<128xi32, #tpu.memory_space<hbm>>
        tpu.wait_dma2 semaphore(%arg16 : memref<!tpu.dma_semaphore, #tpu.memory_space<semaphore_mem>>) src(%dma_wait3A_115 : memref<128xi32, #tpu.memory_space<hbm>>) dst(%arg7 : memref<128xi32, #tpu.memory_space<vmem>>)
        %dma_start3A = arith.constant 0 : i32
        %dma_start3A_116 = arith.constant 0 : i32
        %dma_start3A_117 = tpu.memref_slice %arg2[%dma_start3A, %dma_start3A_116] : memref<10240x128xf32, #tpu.memory_space<hbm>> -> memref<10240x128xf32, #tpu.memory_space<hbm>>
        tpu.enqueue_indirect_dma source(%dma_start3A_117 : memref<10240x128xf32, #tpu.memory_space<hbm>>) target(%arg11 : memref<128x128xf32, #tpu.memory_space<vmem>>) offsets(%arg7 : memref<128xi32, #tpu.memory_space<vmem>>) semaphore(%arg14 : memref<!tpu.dma_semaphore, #tpu.memory_space<semaphore_mem>>)
        %add3A_118 = arith.constant 1 : i32
        %add3A_119 = arith.addi %add3A_66, %add3A_118 : i32
        %mul3A_120 = arith.constant 128 : i32
        %mul3A_121 = arith.muli %add3A_119, %mul3A_120 : i32
        %add3A_122 = arith.addi %mul3A_28, %mul3A_121 : i32
        %dma_start3A_123 = tpu.memref_slice %arg4[%add3A_122] : memref<327680xi32, #tpu.memory_space<hbm>> -> memref<128xi32, #tpu.memory_space<hbm>>
        %dma_start3A_124 = tpu.memref_slice %arg4[%add3A_122] : memref<327680xi32, #tpu.memory_space<hbm>> -> memref<128xi32, #tpu.memory_space<hbm>>
        tpu.enqueue_dma source(%dma_start3A_124 : memref<128xi32, #tpu.memory_space<hbm>>) target(%arg9 : memref<128xi32, #tpu.memory_space<vmem>>) target_semaphore(%arg18 : memref<!tpu.dma_semaphore, #tpu.memory_space<semaphore_mem>>)
      } else {
      }
      %mul3A_80 = arith.constant 128 : i32
      %mul3A_81 = arith.muli %add3A_66, %mul3A_80 : i32
      %add3A_82 = arith.addi %mul3A_28, %mul3A_81 : i32
      %dma_wait3A_83 = tpu.memref_slice %arg4[%add3A_82] : memref<327680xi32, #tpu.memory_space<hbm>> -> memref<128xi32, #tpu.memory_space<hbm>>
      %dma_wait3A_84 = tpu.memref_slice %arg4[%add3A_82] : memref<327680xi32, #tpu.memory_space<hbm>> -> memref<128xi32, #tpu.memory_space<hbm>>
      tpu.wait_dma2 semaphore(%arg17 : memref<!tpu.dma_semaphore, #tpu.memory_space<semaphore_mem>>) src(%dma_wait3A_84 : memref<128xi32, #tpu.memory_space<hbm>>) dst(%arg8 : memref<128xi32, #tpu.memory_space<vmem>>)
      "tpu.region"() ({
        %run_scoped3A = tpu.sem_alloc : memref<!tpu.dma_semaphore, #tpu.memory_space<semaphore_mem>>
        %dma_start3A = arith.constant 0 : i32
        %dma_start3A_109 = arith.constant 0 : i32
        %dma_start3A_110 = tpu.memref_slice %arg12[%dma_start3A, %dma_start3A_109] : memref<10240x128xf32, #tpu.memory_space<vmem_shared>> -> memref<10240x128xf32, #tpu.memory_space<vmem_shared>>
        tpu.enqueue_indirect_dma source(%arg10 : memref<128x128xf32, #tpu.memory_space<vmem>>) target(%dma_start3A_110 : memref<10240x128xf32, #tpu.memory_space<vmem_shared>>) offsets(%arg8 : memref<128xi32, #tpu.memory_space<vmem>>) semaphore(%run_scoped3A : memref<!tpu.dma_semaphore, #tpu.memory_space<semaphore_mem>>) {add = true}
        %dma_wait3A_111 = arith.constant 0 : i32
        %dma_wait3A_112 = arith.constant 0 : i32
        %dma_wait3A_113 = tpu.memref_slice %arg12[%dma_wait3A_111, %dma_wait3A_112] : memref<10240x128xf32, #tpu.memory_space<vmem_shared>> -> memref<10240x128xf32, #tpu.memory_space<vmem_shared>>
        tpu.wait_indirect_dma semaphore(%run_scoped3A : memref<!tpu.dma_semaphore, #tpu.memory_space<semaphore_mem>>) src(%arg10 : memref<128x128xf32, #tpu.memory_space<vmem>>) dst(%dma_wait3A_113 : memref<10240x128xf32, #tpu.memory_space<vmem_shared>>)
        tpu.yield
      }) : () -> ()
      %mul3A_85 = arith.constant 2 : i32
      %mul3A_86 = arith.muli %mul3A_85, %while3A_62 : i32
      %add3A_87 = arith.constant 1 : i32
      %add3A_88 = arith.addi %mul3A_86, %add3A_87 : i32
      %dma_wait3A_89 = arith.constant 0 : i32
      %dma_wait3A_90 = arith.constant 0 : i32
      %dma_wait3A_91 = tpu.memref_slice %arg2[%dma_wait3A_89, %dma_wait3A_90] : memref<10240x128xf32, #tpu.memory_space<hbm>> -> memref<10240x128xf32, #tpu.memory_space<hbm>>
      tpu.wait_indirect_dma semaphore(%arg14 : memref<!tpu.dma_semaphore, #tpu.memory_space<semaphore_mem>>) src(%dma_wait3A_91 : memref<10240x128xf32, #tpu.memory_space<hbm>>) dst(%arg11 : memref<128x128xf32, #tpu.memory_space<vmem>>)
      %add3A_92 = arith.constant 2 : i32
      %add3A_93 = arith.addi %add3A_88, %add3A_92 : i32
      %lt3A_94 = arith.cmpi slt, %add3A_93, %select_n3A : i32
      %convert_element_type3A_95 = arith.extui %lt3A_94 : i1 to i32
      %cond3A_96 = arith.constant 0 : i32
      %cond3A_97 = arith.cmpi ne, %convert_element_type3A_95, %cond3A_96 : i32
      scf.if %cond3A_97 {
        %add3A_109 = arith.constant 2 : i32
        %add3A_110 = arith.addi %add3A_88, %add3A_109 : i32
        %mul3A_111 = arith.constant 128 : i32
        %mul3A_112 = arith.muli %add3A_110, %mul3A_111 : i32
        %add3A_113 = arith.addi %mul3A_28, %mul3A_112 : i32
        %dma_start3A = tpu.memref_slice %arg3[%add3A_113] : memref<327680xi32, #tpu.memory_space<hbm>> -> memref<128xi32, #tpu.memory_space<hbm>>
        %dma_start3A_114 = tpu.memref_slice %arg3[%add3A_113] : memref<327680xi32, #tpu.memory_space<hbm>> -> memref<128xi32, #tpu.memory_space<hbm>>
        tpu.enqueue_dma source(%dma_start3A_114 : memref<128xi32, #tpu.memory_space<hbm>>) target(%arg7 : memref<128xi32, #tpu.memory_space<vmem>>) target_semaphore(%arg16 : memref<!tpu.dma_semaphore, #tpu.memory_space<semaphore_mem>>)
      } else {
      }
      %add3A_98 = arith.constant 1 : i32
      %add3A_99 = arith.addi %add3A_88, %add3A_98 : i32
      %lt3A_100 = arith.cmpi slt, %add3A_99, %select_n3A : i32
      %convert_element_type3A_101 = arith.extui %lt3A_100 : i1 to i32
      %cond3A_102 = arith.constant 0 : i32
      %cond3A_103 = arith.cmpi ne, %convert_element_type3A_101, %cond3A_102 : i32
      scf.if %cond3A_103 {
        %add3A_109 = arith.constant 1 : i32
        %add3A_110 = arith.addi %add3A_88, %add3A_109 : i32
        %mul3A_111 = arith.constant 128 : i32
        %mul3A_112 = arith.muli %add3A_110, %mul3A_111 : i32
        %add3A_113 = arith.addi %mul3A_28, %mul3A_112 : i32
        %dma_wait3A_114 = tpu.memref_slice %arg3[%add3A_113] : memref<327680xi32, #tpu.memory_space<hbm>> -> memref<128xi32, #tpu.memory_space<hbm>>
        %dma_wait3A_115 = tpu.memref_slice %arg3[%add3A_113] : memref<327680xi32, #tpu.memory_space<hbm>> -> memref<128xi32, #tpu.memory_space<hbm>>
        tpu.wait_dma2 semaphore(%arg15 : memref<!tpu.dma_semaphore, #tpu.memory_space<semaphore_mem>>) src(%dma_wait3A_115 : memref<128xi32, #tpu.memory_space<hbm>>) dst(%arg6 : memref<128xi32, #tpu.memory_space<vmem>>)
        %dma_start3A = arith.constant 0 : i32
        %dma_start3A_116 = arith.constant 0 : i32
        %dma_start3A_117 = tpu.memref_slice %arg2[%dma_start3A, %dma_start3A_116] : memref<10240x128xf32, #tpu.memory_space<hbm>> -> memref<10240x128xf32, #tpu.memory_space<hbm>>
        tpu.enqueue_indirect_dma source(%dma_start3A_117 : memref<10240x128xf32, #tpu.memory_space<hbm>>) target(%arg10 : memref<128x128xf32, #tpu.memory_space<vmem>>) offsets(%arg6 : memref<128xi32, #tpu.memory_space<vmem>>) semaphore(%arg13 : memref<!tpu.dma_semaphore, #tpu.memory_space<semaphore_mem>>)
        %add3A_118 = arith.constant 1 : i32
        %add3A_119 = arith.addi %add3A_88, %add3A_118 : i32
        %mul3A_120 = arith.constant 128 : i32
        %mul3A_121 = arith.muli %add3A_119, %mul3A_120 : i32
        %add3A_122 = arith.addi %mul3A_28, %mul3A_121 : i32
        %dma_start3A_123 = tpu.memref_slice %arg4[%add3A_122] : memref<327680xi32, #tpu.memory_space<hbm>> -> memref<128xi32, #tpu.memory_space<hbm>>
        %dma_start3A_124 = tpu.memref_slice %arg4[%add3A_122] : memref<327680xi32, #tpu.memory_space<hbm>> -> memref<128xi32, #tpu.memory_space<hbm>>
        tpu.enqueue_dma source(%dma_start3A_124 : memref<128xi32, #tpu.memory_space<hbm>>) target(%arg8 : memref<128xi32, #tpu.memory_space<vmem>>) target_semaphore(%arg17 : memref<!tpu.dma_semaphore, #tpu.memory_space<semaphore_mem>>)
      } else {
      }
      %mul3A_104 = arith.constant 128 : i32
      %mul3A_105 = arith.muli %add3A_88, %mul3A_104 : i32
      %add3A_106 = arith.addi %mul3A_28, %mul3A_105 : i32
      %dma_wait3A_107 = tpu.memref_slice %arg4[%add3A_106] : memref<327680xi32, #tpu.memory_space<hbm>> -> memref<128xi32, #tpu.memory_space<hbm>>
      %dma_wait3A_108 = tpu.memref_slice %arg4[%add3A_106] : memref<327680xi32, #tpu.memory_space<hbm>> -> memref<128xi32, #tpu.memory_space<hbm>>
      tpu.wait_dma2 semaphore(%arg18 : memref<!tpu.dma_semaphore, #tpu.memory_space<semaphore_mem>>) src(%dma_wait3A_108 : memref<128xi32, #tpu.memory_space<hbm>>) dst(%arg9 : memref<128xi32, #tpu.memory_space<vmem>>)
      "tpu.region"() ({
        %run_scoped3A = tpu.sem_alloc : memref<!tpu.dma_semaphore, #tpu.memory_space<semaphore_mem>>
        %dma_start3A = arith.constant 0 : i32
        %dma_start3A_109 = arith.constant 0 : i32
        %dma_start3A_110 = tpu.memref_slice %arg12[%dma_start3A, %dma_start3A_109] : memref<10240x128xf32, #tpu.memory_space<vmem_shared>> -> memref<10240x128xf32, #tpu.memory_space<vmem_shared>>
        tpu.enqueue_indirect_dma source(%arg11 : memref<128x128xf32, #tpu.memory_space<vmem>>) target(%dma_start3A_110 : memref<10240x128xf32, #tpu.memory_space<vmem_shared>>) offsets(%arg9 : memref<128xi32, #tpu.memory_space<vmem>>) semaphore(%run_scoped3A : memref<!tpu.dma_semaphore, #tpu.memory_space<semaphore_mem>>) {add = true}
        %dma_wait3A_111 = arith.constant 0 : i32
        %dma_wait3A_112 = arith.constant 0 : i32
        %dma_wait3A_113 = tpu.memref_slice %arg12[%dma_wait3A_111, %dma_wait3A_112] : memref<10240x128xf32, #tpu.memory_space<vmem_shared>> -> memref<10240x128xf32, #tpu.memory_space<vmem_shared>>
        tpu.wait_indirect_dma semaphore(%run_scoped3A : memref<!tpu.dma_semaphore, #tpu.memory_space<semaphore_mem>>) src(%arg11 : memref<128x128xf32, #tpu.memory_space<vmem>>) dst(%dma_wait3A_113 : memref<10240x128xf32, #tpu.memory_space<vmem_shared>>)
        tpu.yield
      }) : () -> ()
    }
    %barrier3A_58 = arith.constant 0 : index
    tpu.barrier barrier_id(%barrier3A_58)
    %mul3A_59 = arith.constant 10240 : i32
    %mul3A_60 = arith.muli %arg0, %mul3A_59 : i32
    %add3A_61 = arith.addi %mul3A_60, %mul3A_10 : i32
    "tpu.region"() ({
      %run_scoped3A = tpu.sem_alloc : memref<!tpu.dma_semaphore, #tpu.memory_space<semaphore_mem>>
      %dma_start3A = arith.constant 0 : i32
      %dma_start3A_62 = tpu.memref_slice %arg5[%add3A_61, %dma_start3A] : memref<20480x128xf32, #tpu.memory_space<hbm>> -> memref<640x128xf32, #tpu.memory_space<hbm>>
      %dma_start3A_63 = arith.constant 0 : i32
      %dma_start3A_64 = tpu.memref_slice %arg12[%mul3A_10, %dma_start3A_63] : memref<10240x128xf32, #tpu.memory_space<vmem_shared>> -> memref<640x128xf32, #tpu.memory_space<vmem_shared>>
      tpu.enqueue_dma source(%dma_start3A_64 : memref<640x128xf32, #tpu.memory_space<vmem_shared>>) target(%dma_start3A_62 : memref<640x128xf32, #tpu.memory_space<hbm>>) target_semaphore(%run_scoped3A : memref<!tpu.dma_semaphore, #tpu.memory_space<semaphore_mem>>)
      %dma_wait3A = arith.constant 0 : i32
      %dma_wait3A_65 = tpu.memref_slice %arg5[%add3A_61, %dma_wait3A] : memref<20480x128xf32, #tpu.memory_space<hbm>> -> memref<640x128xf32, #tpu.memory_space<hbm>>
      %dma_wait3A_66 = arith.constant 0 : i32
      %dma_wait3A_67 = tpu.memref_slice %arg12[%mul3A_10, %dma_wait3A_66] : memref<10240x128xf32, #tpu.memory_space<vmem_shared>> -> memref<640x128xf32, #tpu.memory_space<vmem_shared>>
      tpu.wait_dma2 semaphore(%run_scoped3A : memref<!tpu.dma_semaphore, #tpu.memory_space<semaphore_mem>>) src(%dma_wait3A_67 : memref<640x128xf32, #tpu.memory_space<vmem_shared>>) dst(%dma_wait3A_65 : memref<640x128xf32, #tpu.memory_space<hbm>>)
      tpu.yield
    }) : () -> ()
    return
  }
}

module attributes {stable_mosaic.version = 14 : i64} {
  func.func @_postA_body(%arg0: i32, %arg1: memref<256x128xf32, #tpu.memory_space<vmem>>, %arg2: memref<256x128xf32, #tpu.memory_space<vmem>>, %arg3: memref<256x128xf32, #tpu.memory_space<vmem>>, %arg4: memref<256x128xf32, #tpu.memory_space<vmem>>, %arg5: memref<256x128xf32, #tpu.memory_space<vmem>>, %arg6: memref<1x128xf32, #tpu.memory_space<vmem>>, %arg7: memref<256x128xf32, #tpu.memory_space<vmem>>, %arg8: memref<8x128xf32, #tpu.memory_space<vmem>>, %arg9: memref<8x128xf32, #tpu.memory_space<vmem>>) attributes {dimension_semantics = [#tpu.dimension_semantics<arbitrary>], iteration_bounds = array<i64: 40>, scalar_prefetch = 0 : i64, scratch_operands = 1 : i64, tpu.core_type = #tpu.core_type<tc>, window_params = [{transform_indices = @transform_0, window_bounds = array<i64: 256, 128>}, {transform_indices = @transform_1, window_bounds = array<i64: 256, 128>}, {transform_indices = @transform_2, window_bounds = array<i64: 256, 128>}, {transform_indices = @transform_3, window_bounds = array<i64: 256, 128>}, {transform_indices = @transform_4, window_bounds = array<i64: 256, 128>}, {pipeline_mode = #tpu.pipeline_mode<synchronous>, transform_indices = @transform_5, window_bounds = array<i64: 1, 128>}, {transform_indices = @transform_6, window_bounds = array<i64: 256, 128>}, {pipeline_mode = #tpu.pipeline_mode<synchronous>, transform_indices = @transform_7, window_bounds = array<i64: 8, 128>}]} {
    %get3A = arith.constant 0 : index
    %get3A_0 = arith.constant 0 : index
    %get3A_1 = vector.load %arg4[%get3A, %get3A_0] : memref<256x128xf32, #tpu.memory_space<vmem>>, vector<256x128xf32>
    %get3A_2 = arith.constant 0 : index
    %get3A_3 = arith.constant 0 : index
    %get3A_4 = vector.load %arg5[%get3A_2, %get3A_3] : memref<256x128xf32, #tpu.memory_space<vmem>>, vector<256x128xf32>
    %slice3A = vector.extract_strided_slice %get3A_1 {offsets = [0, 0], sizes = [256, 1], strides = [1, 1]} : vector<256x128xf32> to vector<256x1xf32>
    %add3A = arith.constant 1.000000e+00 : f32
    %add3A_5 = vector.broadcast %add3A : f32 to vector<256x1xf32>
    %add3A_6 = arith.addf %add3A_5, %slice3A : vector<256x1xf32>
    %slice3A_7 = vector.extract_strided_slice %get3A_4 {offsets = [0, 0], sizes = [256, 1], strides = [1, 1]} : vector<256x128xf32> to vector<256x1xf32>
    %add3A_8 = arith.addf %add3A_6, %slice3A_7 : vector<256x1xf32>
    %rsqrt3A = math.rsqrt %add3A_8 : vector<256x1xf32>
    %get3A_9 = arith.constant 0 : index
    %get3A_10 = arith.constant 0 : index
    %get3A_11 = vector.load %arg1[%get3A_9, %get3A_10] : memref<256x128xf32, #tpu.memory_space<vmem>>, vector<256x128xf32>
    %get3A_12 = arith.constant 0 : index
    %get3A_13 = arith.constant 0 : index
    %get3A_14 = vector.load %arg2[%get3A_12, %get3A_13] : memref<256x128xf32, #tpu.memory_space<vmem>>, vector<256x128xf32>
    %add3A_15 = arith.addf %get3A_11, %get3A_14 : vector<256x128xf32>
    %get3A_16 = arith.constant 0 : index
    %get3A_17 = arith.constant 0 : index
    %get3A_18 = vector.load %arg3[%get3A_16, %get3A_17] : memref<256x128xf32, #tpu.memory_space<vmem>>, vector<256x128xf32>
    %add3A_19 = arith.addf %add3A_15, %get3A_18 : vector<256x128xf32>
    %mul3A = vector.broadcast %rsqrt3A : vector<256x1xf32> to vector<256x128xf32>
    %mul3A_20 = arith.mulf %mul3A, %add3A_19 : vector<256x128xf32>
    %get3A_21 = arith.constant 0 : index
    %get3A_22 = arith.constant 0 : index
    %get3A_23 = vector.load %arg6[%get3A_21, %get3A_22] : memref<1x128xf32, #tpu.memory_space<vmem>>, vector<1x128xf32>
    %add3A_24 = vector.broadcast %get3A_23 : vector<1x128xf32> to vector<256x128xf32>
    %add3A_25 = arith.addf %mul3A_20, %add3A_24 : vector<256x128xf32>
    %gt3A = arith.constant 0.000000e+00 : f32
    %gt3A_26 = vector.broadcast %gt3A : f32 to vector<256x128xf32>
    %gt3A_27 = arith.cmpf ogt, %add3A_25, %gt3A_26 : vector<256x128xf32>
    %exp3A = math.exp %add3A_25 : vector<256x128xf32>
    %sub3A = arith.constant 1.000000e+00 : f32
    %sub3A_28 = vector.broadcast %sub3A : f32 to vector<256x128xf32>
    %sub3A_29 = arith.subf %exp3A, %sub3A_28 : vector<256x128xf32>
    %mul3A_30 = arith.constant 1.67326319 : f32
    %mul3A_31 = vector.broadcast %mul3A_30 : f32 to vector<256x128xf32>
    %mul3A_32 = arith.mulf %mul3A_31, %sub3A_29 : vector<256x128xf32>
    %select_n3A = arith.select %gt3A_27, %add3A_25, %mul3A_32 : vector<256x128xi1>, vector<256x128xf32>
    %mul3A_33 = arith.constant 1.05070102 : f32
    %mul3A_34 = vector.broadcast %mul3A_33 : f32 to vector<256x128xf32>
    %mul3A_35 = arith.mulf %mul3A_34, %select_n3A : vector<256x128xf32>
    %swap3A = arith.constant 0 : index
    %swap3A_36 = arith.constant 0 : index
    %swap3A_37 = vector.load %arg7[%swap3A, %swap3A_36] : memref<256x128xf32, #tpu.memory_space<vmem>>, vector<256x128xf32>
    tpu.vector_store %arg7[%swap3A, %swap3A_36], %mul3A_35 {strides = array<i32>} : memref<256x128xf32, #tpu.memory_space<vmem>>, vector<256x128xf32>,
    %mul3A_38 = arith.constant 256 : i32
    %mul3A_39 = arith.muli %arg0, %mul3A_38 : i32
    %iota3A = tpu.iota {dimensions = array<i32: 0>} : vector<256x1xi32>
    %add3A_40 = vector.broadcast %mul3A_39 : i32 to vector<256x1xi32>
    %add3A_41 = arith.addi %add3A_40, %iota3A : vector<256x1xi32>
    %lt3A = arith.constant 10000 : i32
    %lt3A_42 = vector.broadcast %lt3A : i32 to vector<256x1xi32>
    %lt3A_43 = arith.cmpi slt, %add3A_41, %lt3A_42 : vector<256x1xi32>
    %jit3A = arith.constant 0.000000e+00 : f32
    %broadcast_in_dim3A = vector.shape_cast %lt3A_43 : vector<256x1xi1> to vector<256x1xi1>
    %broadcast_in_dim3A_44 = vector.broadcast %broadcast_in_dim3A : vector<256x1xi1> to vector<256x128xi1>
    %broadcast_in_dim3A_45 = vector.broadcast %jit3A : f32 to vector<256x128xf32>
    %select_n3A_46 = arith.select %broadcast_in_dim3A_44, %mul3A_35, %broadcast_in_dim3A_45 : vector<256x128xi1>, vector<256x128xf32>
    %eq3A = arith.constant 0 : i32
    %eq3A_47 = arith.cmpi eq, %arg0, %eq3A : i32
    %convert_element_type3A = arith.extui %eq3A_47 : i1 to i32
    %cond3A = arith.constant 0 : i32
    %cond3A_48 = arith.cmpi ne, %convert_element_type3A, %cond3A : i32
    scf.if %cond3A_48 {
      %broadcast_in_dim3A_74 = arith.constant 0.000000e+00 : f32
      %broadcast_in_dim3A_75 = vector.broadcast %broadcast_in_dim3A_74 : f32 to vector<8x128xf32>
      %swap3A_76 = arith.constant 0 : index
      %swap3A_77 = arith.constant 0 : index
      %swap3A_78 = vector.load %arg9[%swap3A_76, %swap3A_77] : memref<8x128xf32, #tpu.memory_space<vmem>>, vector<8x128xf32>
      tpu.vector_store %arg9[%swap3A_76, %swap3A_77], %broadcast_in_dim3A_75 {strides = array<i32>} : memref<8x128xf32, #tpu.memory_space<vmem>>, vector<8x128xf32>,
    } else {
    }
    %get3A_49 = arith.constant 0 : index
    %get3A_50 = arith.constant 0 : index
    %get3A_51 = vector.load %arg9[%get3A_49, %get3A_50] : memref<8x128xf32, #tpu.memory_space<vmem>>, vector<1x128xf32>
    %reduce_sum3A = arith.constant dense<0.000000e+00> : vector<128xf32>
    %reduce_sum3A_52 = vector.multi_reduction <add>, %select_n3A_46, %reduce_sum3A [0] : vector<256x128xf32> to vector<128xf32>
    %broadcast_in_dim3A_53 = vector.shape_cast %reduce_sum3A_52 : vector<128xf32> to vector<1x128xf32>
    %add3A_54 = arith.addf %get3A_51, %broadcast_in_dim3A_53 : vector<1x128xf32>
    %swap3A_55 = arith.constant 0 : index
    %swap3A_56 = arith.constant 0 : index
    %swap3A_57 = vector.load %arg9[%swap3A_55, %swap3A_56] : memref<8x128xf32, #tpu.memory_space<vmem>>, vector<1x128xf32>
    tpu.vector_store %arg9[%swap3A_55, %swap3A_56], %add3A_54 {strides = array<i32>} : memref<8x128xf32, #tpu.memory_space<vmem>>, vector<1x128xf32>,
    %get3A_58 = arith.constant 1 : index
    %get3A_59 = arith.constant 0 : index
    %get3A_60 = vector.load %arg9[%get3A_58, %get3A_59] : memref<8x128xf32, #tpu.memory_space<vmem>>, vector<1x128xf32>
    %mul3A_61 = arith.mulf %select_n3A_46, %select_n3A_46 : vector<256x128xf32>
    %reduce_sum3A_62 = arith.constant dense<0.000000e+00> : vector<128xf32>
    %reduce_sum3A_63 = vector.multi_reduction <add>, %mul3A_61, %reduce_sum3A_62 [0] : vector<256x128xf32> to vector<128xf32>
    %broadcast_in_dim3A_64 = vector.shape_cast %reduce_sum3A_63 : vector<128xf32> to vector<1x128xf32>
    %add3A_65 = arith.addf %get3A_60, %broadcast_in_dim3A_64 : vector<1x128xf32>
    %swap3A_66 = arith.constant 1 : index
    %swap3A_67 = arith.constant 0 : index
    %swap3A_68 = vector.load %arg9[%swap3A_66, %swap3A_67] : memref<8x128xf32, #tpu.memory_space<vmem>>, vector<1x128xf32>
    tpu.vector_store %arg9[%swap3A_66, %swap3A_67], %add3A_65 {strides = array<i32>} : memref<8x128xf32, #tpu.memory_space<vmem>>, vector<1x128xf32>,
    %eq3A_69 = arith.constant 39 : i32
    %eq3A_70 = arith.cmpi eq, %arg0, %eq3A_69 : i32
    %convert_element_type3A_71 = arith.extui %eq3A_70 : i1 to i32
    %cond3A_72 = arith.constant 0 : i32
    %cond3A_73 = arith.cmpi ne, %convert_element_type3A_71, %cond3A_72 : i32
    scf.if %cond3A_73 {
      %get3A_74 = arith.constant 0 : index
      %get3A_75 = arith.constant 0 : index
      %get3A_76 = vector.load %arg9[%get3A_74, %get3A_75] : memref<8x128xf32, #tpu.memory_space<vmem>>, vector<8x128xf32>
      %swap3A_77 = arith.constant 0 : index
      %swap3A_78 = arith.constant 0 : index
      %swap3A_79 = vector.load %arg8[%swap3A_77, %swap3A_78] : memref<8x128xf32, #tpu.memory_space<vmem>>, vector<8x128xf32>
      tpu.vector_store %arg8[%swap3A_77, %swap3A_78], %get3A_76 {strides = array<i32>} : memref<8x128xf32, #tpu.memory_space<vmem>>, vector<8x128xf32>,
    } else {
    }
    return
  }
  func.func @transform_0(%arg0: i32) -> (i32, i32) {
    %c0_i32 = arith.constant 0 : i32
    %c0_i32_0 = arith.constant 0 : i32
    return %arg0, %c0_i32 : i32, i32
  }
  func.func @transform_1(%arg0: i32) -> (i32, i32) {
    %add3A = arith.constant 40 : i32
    %add3A_0 = arith.addi %add3A, %arg0 : i32
    %c0_i32 = arith.constant 0 : i32
    %c0_i32_1 = arith.constant 0 : i32
    return %add3A_0, %c0_i32 : i32, i32
  }
  func.func @transform_2(%arg0: i32) -> (i32, i32) {
    %c0_i32 = arith.constant 0 : i32
    %c0_i32_0 = arith.constant 0 : i32
    return %arg0, %c0_i32 : i32, i32
  }
  func.func @transform_3(%arg0: i32) -> (i32, i32) {
    %c0_i32 = arith.constant 0 : i32
    %c0_i32_0 = arith.constant 0 : i32
    return %arg0, %c0_i32 : i32, i32
  }
  func.func @transform_4(%arg0: i32) -> (i32, i32) {
    %add3A = arith.constant 40 : i32
    %add3A_0 = arith.addi %add3A, %arg0 : i32
    %c0_i32 = arith.constant 0 : i32
    %c0_i32_1 = arith.constant 0 : i32
    return %add3A_0, %c0_i32 : i32, i32
  }
  func.func @transform_5(%arg0: i32) -> (i32, i32) {
    %c0_i32 = arith.constant 0 : i32
    %c0_i32_0 = arith.constant 0 : i32
    %c0_i32_1 = arith.constant 0 : i32
    return %c0_i32, %c0_i32_0 : i32, i32
  }
  func.func @transform_6(%arg0: i32) -> (i32, i32) {
    %c0_i32 = arith.constant 0 : i32
    %c0_i32_0 = arith.constant 0 : i32
    return %arg0, %c0_i32 : i32, i32
  }
  func.func @transform_7(%arg0: i32) -> (i32, i32) {
    %c0_i32 = arith.constant 0 : i32
    %c0_i32_0 = arith.constant 0 : i32
    %c0_i32_1 = arith.constant 0 : i32
    return %c0_i32, %c0_i32_0 : i32, i32
  }
}

module attributes {stable_mosaic.version = 14 : i64} {
  func.func @_pre_body(%arg0: i32, %arg1: memref<256x128xf32, #tpu.memory_space<vmem>>, %arg2: memref<128x128xf32, #tpu.memory_space<vmem>>, %arg3: memref<256x128xf32, #tpu.memory_space<vmem>>, %arg4: memref<256x128xf32, #tpu.memory_space<vmem>>, %arg5: memref<256x128xf32, #tpu.memory_space<vmem>>) attributes {dimension_semantics = [#tpu.dimension_semantics<arbitrary>], iteration_bounds = array<i64: 40>, scalar_prefetch = 0 : i64, scratch_operands = 0 : i64, tpu.core_type = #tpu.core_type<tc>, window_params = [{transform_indices = @transform_0, window_bounds = array<i64: 256, 128>}, {pipeline_mode = #tpu.pipeline_mode<synchronous>, transform_indices = @transform_1, window_bounds = array<i64: 128, 128>}, {transform_indices = @transform_2, window_bounds = array<i64: 256, 128>}, {transform_indices = @transform_3, window_bounds = array<i64: 256, 128>}, {transform_indices = @transform_4, window_bounds = array<i64: 256, 128>}]} {
    %get3A = arith.constant 0 : index
    %get3A_0 = arith.constant 0 : index
    %get3A_1 = vector.load %arg3[%get3A, %get3A_0] : memref<256x128xf32, #tpu.memory_space<vmem>>, vector<256x128xf32>
    %get3A_2 = arith.constant 0 : index
    %get3A_3 = arith.constant 0 : index
    %get3A_4 = vector.load %arg4[%get3A_2, %get3A_3] : memref<256x128xf32, #tpu.memory_space<vmem>>, vector<256x128xf32>
    %slice3A = vector.extract_strided_slice %get3A_1 {offsets = [0, 0], sizes = [256, 1], strides = [1, 1]} : vector<256x128xf32> to vector<256x1xf32>
    %add3A = arith.constant 1.000000e+00 : f32
    %add3A_5 = vector.broadcast %add3A : f32 to vector<256x1xf32>
    %add3A_6 = arith.addf %add3A_5, %slice3A : vector<256x1xf32>
    %slice3A_7 = vector.extract_strided_slice %get3A_4 {offsets = [0, 0], sizes = [256, 1], strides = [1, 1]} : vector<256x128xf32> to vector<256x1xf32>
    %add3A_8 = arith.addf %add3A_6, %slice3A_7 : vector<256x1xf32>
    %rsqrt3A = math.rsqrt %add3A_8 : vector<256x1xf32>
    %get3A_9 = arith.constant 0 : index
    %get3A_10 = arith.constant 0 : index
    %get3A_11 = vector.load %arg1[%get3A_9, %get3A_10] : memref<256x128xf32, #tpu.memory_space<vmem>>, vector<256x128xf32>
    %get3A_12 = arith.constant 0 : index
    %get3A_13 = arith.constant 0 : index
    %get3A_14 = vector.load %arg2[%get3A_12, %get3A_13] : memref<128x128xf32, #tpu.memory_space<vmem>>, vector<128x128xf32>
    %dot_general3A = arith.constant dense<0.000000e+00> : vector<256x128xf32>
    %dot_general3A_15 = tpu.matmul %get3A_11, %get3A_14, %dot_general3A {dimension_numbers = #tpu.dot_dimension_numbers<[1], [0], [0], [1], [0, 0, 1, 1], [], []>, precision = #tpu.contract_precision<fp32>, transpose_lhs_hint = false} : vector<256x128xf32>, vector<128x128xf32>, vector<256x128xf32> -> vector<256x128xf32>
    %mul3A = vector.broadcast %rsqrt3A : vector<256x1xf32> to vector<256x128xf32>
    %mul3A_16 = arith.mulf %dot_general3A_15, %mul3A : vector<256x128xf32>
    %swap3A = arith.constant 0 : index
    %swap3A_17 = arith.constant 0 : index
    %swap3A_18 = vector.load %arg5[%swap3A, %swap3A_17] : memref<256x128xf32, #tpu.memory_space<vmem>>, vector<256x128xf32>
    tpu.vector_store %arg5[%swap3A, %swap3A_17], %mul3A_16 {strides = array<i32>} : memref<256x128xf32, #tpu.memory_space<vmem>>, vector<256x128xf32>,
    return
  }
  func.func @transform_0(%arg0: i32) -> (i32, i32) {
    %c0_i32 = arith.constant 0 : i32
    %c0_i32_0 = arith.constant 0 : i32
    return %arg0, %c0_i32 : i32, i32
  }
  func.func @transform_1(%arg0: i32) -> (i32, i32) {
    %c0_i32 = arith.constant 0 : i32
    %c0_i32_0 = arith.constant 0 : i32
    %c0_i32_1 = arith.constant 0 : i32
    return %c0_i32, %c0_i32_0 : i32, i32
  }
  func.func @transform_2(%arg0: i32) -> (i32, i32) {
    %c0_i32 = arith.constant 0 : i32
    %c0_i32_0 = arith.constant 0 : i32
    return %arg0, %c0_i32 : i32, i32
  }
  func.func @transform_3(%arg0: i32) -> (i32, i32) {
    %add3A = arith.constant 40 : i32
    %add3A_0 = arith.addi %add3A, %arg0 : i32
    %c0_i32 = arith.constant 0 : i32
    %c0_i32_1 = arith.constant 0 : i32
    return %add3A_0, %c0_i32 : i32, i32
  }
  func.func @transform_4(%arg0: i32) -> (i32, i32) {
    %c0_i32 = arith.constant 0 : i32
    %c0_i32_0 = arith.constant 0 : i32
    return %arg0, %c0_i32 : i32, i32
  }
}

module attributes {stable_mosaic.version = 14 : i64} {
  func.func @_postB_body(%arg0: i32, %arg1: memref<256x128xf32, #tpu.memory_space<vmem>>, %arg2: memref<8x128xf32, #tpu.memory_space<vmem>>, %arg3: memref<1x128xf32, #tpu.memory_space<vmem>>, %arg4: memref<1x128xf32, #tpu.memory_space<vmem>>, %arg5: memref<128x128xf32, #tpu.memory_space<vmem>>, %arg6: memref<256x128xf32, #tpu.memory_space<vmem>>, %arg7: memref<256x128xf32, #tpu.memory_space<vmem>>, %arg8: memref<256x128xf32, #tpu.memory_space<vmem>>) attributes {dimension_semantics = [#tpu.dimension_semantics<arbitrary>], iteration_bounds = array<i64: 40>, scalar_prefetch = 0 : i64, scratch_operands = 0 : i64, tpu.core_type = #tpu.core_type<tc>, window_params = [{transform_indices = @transform_0, window_bounds = array<i64: 256, 128>}, {pipeline_mode = #tpu.pipeline_mode<synchronous>, transform_indices = @transform_1, window_bounds = array<i64: 8, 128>}, {pipeline_mode = #tpu.pipeline_mode<synchronous>, transform_indices = @transform_2, window_bounds = array<i64: 1, 128>}, {pipeline_mode = #tpu.pipeline_mode<synchronous>, transform_indices = @transform_3, window_bounds = array<i64: 1, 128>}, {pipeline_mode = #tpu.pipeline_mode<synchronous>, transform_indices = @transform_4, window_bounds = array<i64: 128, 128>}, {transform_indices = @transform_5, window_bounds = array<i64: 256, 128>}, {transform_indices = @transform_6, window_bounds = array<i64: 256, 128>}, {transform_indices = @transform_7, window_bounds = array<i64: 256, 128>}]} {
    %get3A = arith.constant 0 : index
    %get3A_0 = arith.constant 0 : index
    %get3A_1 = vector.load %arg2[%get3A, %get3A_0] : memref<8x128xf32, #tpu.memory_space<vmem>>, vector<1x128xf32>
    %mul3A = arith.constant 9.99999974E-5 : f32
    %mul3A_2 = vector.broadcast %mul3A : f32 to vector<1x128xf32>
    %mul3A_3 = arith.mulf %get3A_1, %mul3A_2 : vector<1x128xf32>
    %get3A_4 = arith.constant 1 : index
    %get3A_5 = arith.constant 0 : index
    %get3A_6 = vector.load %arg2[%get3A_4, %get3A_5] : memref<8x128xf32, #tpu.memory_space<vmem>>, vector<1x128xf32>
    %mul3A_7 = arith.constant 9.99999974E-5 : f32
    %mul3A_8 = vector.broadcast %mul3A_7 : f32 to vector<1x128xf32>
    %mul3A_9 = arith.mulf %get3A_6, %mul3A_8 : vector<1x128xf32>
    %mul3A_10 = arith.mulf %mul3A_3, %mul3A_3 : vector<1x128xf32>
    %sub3A = arith.subf %mul3A_9, %mul3A_10 : vector<1x128xf32>
    %add3A = arith.constant 9.99999974E-6 : f32
    %add3A_11 = vector.broadcast %add3A : f32 to vector<1x128xf32>
    %add3A_12 = arith.addf %sub3A, %add3A_11 : vector<1x128xf32>
    %rsqrt3A = math.rsqrt %add3A_12 : vector<1x128xf32>
    %get3A_13 = arith.constant 0 : index
    %get3A_14 = arith.constant 0 : index
    %get3A_15 = vector.load %arg1[%get3A_13, %get3A_14] : memref<256x128xf32, #tpu.memory_space<vmem>>, vector<256x128xf32>
    %sub3A_16 = vector.broadcast %mul3A_3 : vector<1x128xf32> to vector<256x128xf32>
    %sub3A_17 = arith.subf %get3A_15, %sub3A_16 : vector<256x128xf32>
    %mul3A_18 = vector.broadcast %rsqrt3A : vector<1x128xf32> to vector<256x128xf32>
    %mul3A_19 = arith.mulf %sub3A_17, %mul3A_18 : vector<256x128xf32>
    %get3A_20 = arith.constant 0 : index
    %get3A_21 = arith.constant 0 : index
    %get3A_22 = vector.load %arg3[%get3A_20, %get3A_21] : memref<1x128xf32, #tpu.memory_space<vmem>>, vector<1x128xf32>
    %mul3A_23 = vector.broadcast %get3A_22 : vector<1x128xf32> to vector<256x128xf32>
    %mul3A_24 = arith.mulf %mul3A_19, %mul3A_23 : vector<256x128xf32>
    %get3A_25 = arith.constant 0 : index
    %get3A_26 = arith.constant 0 : index
    %get3A_27 = vector.load %arg4[%get3A_25, %get3A_26] : memref<1x128xf32, #tpu.memory_space<vmem>>, vector<1x128xf32>
    %add3A_28 = vector.broadcast %get3A_27 : vector<1x128xf32> to vector<256x128xf32>
    %add3A_29 = arith.addf %mul3A_24, %add3A_28 : vector<256x128xf32>
    %get3A_30 = arith.constant 0 : index
    %get3A_31 = arith.constant 0 : index
    %get3A_32 = vector.load %arg6[%get3A_30, %get3A_31] : memref<256x128xf32, #tpu.memory_space<vmem>>, vector<256x128xf32>
    %get3A_33 = arith.constant 0 : index
    %get3A_34 = arith.constant 0 : index
    %get3A_35 = vector.load %arg7[%get3A_33, %get3A_34] : memref<256x128xf32, #tpu.memory_space<vmem>>, vector<256x128xf32>
    %slice3A = vector.extract_strided_slice %get3A_32 {offsets = [0, 0], sizes = [256, 1], strides = [1, 1]} : vector<256x128xf32> to vector<256x1xf32>
    %add3A_36 = arith.constant 1.000000e+00 : f32
    %add3A_37 = vector.broadcast %add3A_36 : f32 to vector<256x1xf32>
    %add3A_38 = arith.addf %add3A_37, %slice3A : vector<256x1xf32>
    %slice3A_39 = vector.extract_strided_slice %get3A_35 {offsets = [0, 0], sizes = [256, 1], strides = [1, 1]} : vector<256x128xf32> to vector<256x1xf32>
    %add3A_40 = arith.addf %add3A_38, %slice3A_39 : vector<256x1xf32>
    %rsqrt3A_41 = math.rsqrt %add3A_40 : vector<256x1xf32>
    %get3A_42 = arith.constant 0 : index
    %get3A_43 = arith.constant 0 : index
    %get3A_44 = vector.load %arg5[%get3A_42, %get3A_43] : memref<128x128xf32, #tpu.memory_space<vmem>>, vector<128x128xf32>
    %dot_general3A = arith.constant dense<0.000000e+00> : vector<256x128xf32>
    %dot_general3A_45 = tpu.matmul %add3A_29, %get3A_44, %dot_general3A {dimension_numbers = #tpu.dot_dimension_numbers<[1], [0], [0], [1], [0, 0, 1, 1], [], []>, precision = #tpu.contract_precision<fp32>, transpose_lhs_hint = false} : vector<256x128xf32>, vector<128x128xf32>, vector<256x128xf32> -> vector<256x128xf32>
    %mul3A_46 = vector.broadcast %rsqrt3A_41 : vector<256x1xf32> to vector<256x128xf32>
    %mul3A_47 = arith.mulf %dot_general3A_45, %mul3A_46 : vector<256x128xf32>
    %swap3A = arith.constant 0 : index
    %swap3A_48 = arith.constant 0 : index
    %swap3A_49 = vector.load %arg8[%swap3A, %swap3A_48] : memref<256x128xf32, #tpu.memory_space<vmem>>, vector<256x128xf32>
    tpu.vector_store %arg8[%swap3A, %swap3A_48], %mul3A_47 {strides = array<i32>} : memref<256x128xf32, #tpu.memory_space<vmem>>, vector<256x128xf32>,
    return
  }
  func.func @transform_0(%arg0: i32) -> (i32, i32) {
    %c0_i32 = arith.constant 0 : i32
    %c0_i32_0 = arith.constant 0 : i32
    return %arg0, %c0_i32 : i32, i32
  }
  func.func @transform_1(%arg0: i32) -> (i32, i32) {
    %c0_i32 = arith.constant 0 : i32
    %c0_i32_0 = arith.constant 0 : i32
    %c0_i32_1 = arith.constant 0 : i32
    return %c0_i32, %c0_i32_0 : i32, i32
  }
  func.func @transform_2(%arg0: i32) -> (i32, i32) {
    %c0_i32 = arith.constant 0 : i32
    %c0_i32_0 = arith.constant 0 : i32
    %c0_i32_1 = arith.constant 0 : i32
    return %c0_i32, %c0_i32_0 : i32, i32
  }
  func.func @transform_3(%arg0: i32) -> (i32, i32) {
    %c0_i32 = arith.constant 0 : i32
    %c0_i32_0 = arith.constant 0 : i32
    %c0_i32_1 = arith.constant 0 : i32
    return %c0_i32, %c0_i32_0 : i32, i32
  }
  func.func @transform_4(%arg0: i32) -> (i32, i32) {
    %c0_i32 = arith.constant 0 : i32
    %c0_i32_0 = arith.constant 0 : i32
    %c0_i32_1 = arith.constant 0 : i32
    return %c0_i32, %c0_i32_0 : i32, i32
  }
  func.func @transform_5(%arg0: i32) -> (i32, i32) {
    %c0_i32 = arith.constant 0 : i32
    %c0_i32_0 = arith.constant 0 : i32
    return %arg0, %c0_i32 : i32, i32
  }
  func.func @transform_6(%arg0: i32) -> (i32, i32) {
    %add3A = arith.constant 40 : i32
    %add3A_0 = arith.addi %add3A, %arg0 : i32
    %c0_i32 = arith.constant 0 : i32
    %c0_i32_1 = arith.constant 0 : i32
    return %add3A_0, %c0_i32 : i32, i32
  }
  func.func @transform_7(%arg0: i32) -> (i32, i32) {
    %c0_i32 = arith.constant 0 : i32
    %c0_i32_0 = arith.constant 0 : i32
    return %arg0, %c0_i32 : i32, i32
  }
}

module attributes {stable_mosaic.version = 14 : i64} {
  func.func @_final_body(%arg0: i32, %arg1: memref<256x128xf32, #tpu.memory_space<vmem>>, %arg2: memref<256x128xf32, #tpu.memory_space<vmem>>, %arg3: memref<256x128xf32, #tpu.memory_space<vmem>>, %arg4: memref<256x128xf32, #tpu.memory_space<vmem>>, %arg5: memref<256x128xf32, #tpu.memory_space<vmem>>, %arg6: memref<1x128xf32, #tpu.memory_space<vmem>>, %arg7: memref<256x1xi32, #tpu.memory_space<vmem>>, %arg8: memref<128x16xf32, #tpu.memory_space<vmem>>, %arg9: memref<128x128xf32, #tpu.memory_space<vmem>>, %arg10: memref<16x128xf32, #tpu.memory_space<vmem>>, %arg11: memref<1x128xf32, #tpu.memory_space<vmem>>, %arg12: memref<128x128xf32, #tpu.memory_space<vmem>>, %arg13: memref<1x1xf32, #tpu.memory_space<vmem>>, %arg14: memref<128x1xf32, #tpu.memory_space<vmem>>, %arg15: memref<128x128xf32, #tpu.memory_space<vmem>>) attributes {dimension_semantics = [#tpu.dimension_semantics<arbitrary>], iteration_bounds = array<i64: 40>, scalar_prefetch = 0 : i64, scratch_operands = 1 : i64, tpu.core_type = #tpu.core_type<tc>, window_params = [{transform_indices = @transform_0, window_bounds = array<i64: 256, 128>}, {transform_indices = @transform_1, window_bounds = array<i64: 256, 128>}, {transform_indices = @transform_2, window_bounds = array<i64: 256, 128>}, {transform_indices = @transform_3, window_bounds = array<i64: 256, 128>}, {transform_indices = @transform_4, window_bounds = array<i64: 256, 128>}, {pipeline_mode = #tpu.pipeline_mode<synchronous>, transform_indices = @transform_5, window_bounds = array<i64: 1, 128>}, {transform_indices = @transform_6, window_bounds = array<i64: 256, 1>}, {pipeline_mode = #tpu.pipeline_mode<synchronous>, transform_indices = @transform_7, window_bounds = array<i64: 128, 16>}, {pipeline_mode = #tpu.pipeline_mode<synchronous>, transform_indices = @transform_8, window_bounds = array<i64: 128, 128>}, {pipeline_mode = #tpu.pipeline_mode<synchronous>, transform_indices = @transform_9, window_bounds = array<i64: 16, 128>}, {pipeline_mode = #tpu.pipeline_mode<synchronous>, transform_indices = @transform_10, window_bounds = array<i64: 1, 128>}, {pipeline_mode = #tpu.pipeline_mode<synchronous>, transform_indices = @transform_11, window_bounds = array<i64: 128, 128>}, {pipeline_mode = #tpu.pipeline_mode<synchronous>, transform_indices = @transform_12, window_bounds = array<i64: 1, 1>}, {pipeline_mode = #tpu.pipeline_mode<synchronous>, transform_indices = @transform_13, window_bounds = array<i64: 128, 1>}]} {
    %get3A = arith.constant 0 : index
    %get3A_0 = arith.constant 0 : index
    %get3A_1 = vector.load %arg4[%get3A, %get3A_0] : memref<256x128xf32, #tpu.memory_space<vmem>>, vector<256x128xf32>
    %get3A_2 = arith.constant 0 : index
    %get3A_3 = arith.constant 0 : index
    %get3A_4 = vector.load %arg5[%get3A_2, %get3A_3] : memref<256x128xf32, #tpu.memory_space<vmem>>, vector<256x128xf32>
    %slice3A = vector.extract_strided_slice %get3A_1 {offsets = [0, 0], sizes = [256, 1], strides = [1, 1]} : vector<256x128xf32> to vector<256x1xf32>
    %add3A = arith.constant 1.000000e+00 : f32
    %add3A_5 = vector.broadcast %add3A : f32 to vector<256x1xf32>
    %add3A_6 = arith.addf %add3A_5, %slice3A : vector<256x1xf32>
    %slice3A_7 = vector.extract_strided_slice %get3A_4 {offsets = [0, 0], sizes = [256, 1], strides = [1, 1]} : vector<256x128xf32> to vector<256x1xf32>
    %add3A_8 = arith.addf %add3A_6, %slice3A_7 : vector<256x1xf32>
    %rsqrt3A = math.rsqrt %add3A_8 : vector<256x1xf32>
    %get3A_9 = arith.constant 0 : index
    %get3A_10 = arith.constant 0 : index
    %get3A_11 = vector.load %arg1[%get3A_9, %get3A_10] : memref<256x128xf32, #tpu.memory_space<vmem>>, vector<256x128xf32>
    %get3A_12 = arith.constant 0 : index
    %get3A_13 = arith.constant 0 : index
    %get3A_14 = vector.load %arg2[%get3A_12, %get3A_13] : memref<256x128xf32, #tpu.memory_space<vmem>>, vector<256x128xf32>
    %add3A_15 = arith.addf %get3A_11, %get3A_14 : vector<256x128xf32>
    %get3A_16 = arith.constant 0 : index
    %get3A_17 = arith.constant 0 : index
    %get3A_18 = vector.load %arg3[%get3A_16, %get3A_17] : memref<256x128xf32, #tpu.memory_space<vmem>>, vector<256x128xf32>
    %add3A_19 = arith.addf %add3A_15, %get3A_18 : vector<256x128xf32>
    %mul3A = vector.broadcast %rsqrt3A : vector<256x1xf32> to vector<256x128xf32>
    %mul3A_20 = arith.mulf %mul3A, %add3A_19 : vector<256x128xf32>
    %get3A_21 = arith.constant 0 : index
    %get3A_22 = arith.constant 0 : index
    %get3A_23 = vector.load %arg6[%get3A_21, %get3A_22] : memref<1x128xf32, #tpu.memory_space<vmem>>, vector<1x128xf32>
    %add3A_24 = vector.broadcast %get3A_23 : vector<1x128xf32> to vector<256x128xf32>
    %add3A_25 = arith.addf %mul3A_20, %add3A_24 : vector<256x128xf32>
    %gt3A = arith.constant 0.000000e+00 : f32
    %gt3A_26 = vector.broadcast %gt3A : f32 to vector<256x128xf32>
    %gt3A_27 = arith.cmpf ogt, %add3A_25, %gt3A_26 : vector<256x128xf32>
    %exp3A = math.exp %add3A_25 : vector<256x128xf32>
    %sub3A = arith.constant 1.000000e+00 : f32
    %sub3A_28 = vector.broadcast %sub3A : f32 to vector<256x128xf32>
    %sub3A_29 = arith.subf %exp3A, %sub3A_28 : vector<256x128xf32>
    %mul3A_30 = arith.constant 1.67326319 : f32
    %mul3A_31 = vector.broadcast %mul3A_30 : f32 to vector<256x128xf32>
    %mul3A_32 = arith.mulf %mul3A_31, %sub3A_29 : vector<256x128xf32>
    %select_n3A = arith.select %gt3A_27, %add3A_25, %mul3A_32 : vector<256x128xi1>, vector<256x128xf32>
    %mul3A_33 = arith.constant 1.05070102 : f32
    %mul3A_34 = vector.broadcast %mul3A_33 : f32 to vector<256x128xf32>
    %mul3A_35 = arith.mulf %mul3A_34, %select_n3A : vector<256x128xf32>
    %get3A_36 = arith.constant 0 : index
    %get3A_37 = arith.constant 0 : index
    %get3A_38 = vector.load %arg7[%get3A_36, %get3A_37] : memref<256x1xi32, #tpu.memory_space<vmem>>, vector<256x1xi32>
    %iota3A = tpu.iota {dimensions = array<i32: 1>} : vector<256x128xi32>
    %eq3A = vector.broadcast %get3A_38 : vector<256x1xi32> to vector<256x128xi32>
    %eq3A_39 = arith.cmpi eq, %eq3A, %iota3A : vector<256x128xi32>
    %convert_element_type3A = arith.extui %eq3A_39 : vector<256x128xi1> to vector<256x128xi32>
    %convert_element_type3A_40 = arith.sitofp %convert_element_type3A : vector<256x128xi32> to vector<256x128xf32>
    %dot_general3A = arith.constant dense<0.000000e+00> : vector<128x128xf32>
    %dot_general3A_41 = tpu.matmul %convert_element_type3A_40, %mul3A_35, %dot_general3A {dimension_numbers = #tpu.dot_dimension_numbers<[0], [0], [1], [1], [0, 1, 1, 1], [], []>, precision = #tpu.contract_precision<fp32>, transpose_lhs_hint = false} : vector<256x128xf32>, vector<256x128xf32>, vector<128x128xf32> -> vector<128x128xf32>
    %eq3A_42 = arith.constant 0 : i32
    %eq3A_43 = arith.cmpi eq, %arg0, %eq3A_42 : i32
    %convert_element_type3A_44 = arith.extui %eq3A_43 : i1 to i32
    %cond3A = arith.constant 0 : i32
    %cond3A_45 = arith.cmpi ne, %convert_element_type3A_44, %cond3A : i32
    scf.if %cond3A_45 {
      %broadcast_in_dim3A = arith.constant 0.000000e+00 : f32
      %broadcast_in_dim3A_57 = vector.broadcast %broadcast_in_dim3A : f32 to vector<128x128xf32>
      %swap3A_58 = arith.constant 0 : index
      %swap3A_59 = arith.constant 0 : index
      %swap3A_60 = vector.load %arg15[%swap3A_58, %swap3A_59] : memref<128x128xf32, #tpu.memory_space<vmem>>, vector<128x128xf32>
      tpu.vector_store %arg15[%swap3A_58, %swap3A_59], %broadcast_in_dim3A_57 {strides = array<i32>} : memref<128x128xf32, #tpu.memory_space<vmem>>, vector<128x128xf32>,
    } else {
    }
    %get3A_46 = arith.constant 0 : index
    %get3A_47 = arith.constant 0 : index
    %get3A_48 = vector.load %arg15[%get3A_46, %get3A_47] : memref<128x128xf32, #tpu.memory_space<vmem>>, vector<128x128xf32>
    %add3A_49 = arith.addf %get3A_48, %dot_general3A_41 : vector<128x128xf32>
    %swap3A = arith.constant 0 : index
    %swap3A_50 = arith.constant 0 : index
    %swap3A_51 = vector.load %arg15[%swap3A, %swap3A_50] : memref<128x128xf32, #tpu.memory_space<vmem>>, vector<128x128xf32>
    tpu.vector_store %arg15[%swap3A, %swap3A_50], %add3A_49 {strides = array<i32>} : memref<128x128xf32, #tpu.memory_space<vmem>>, vector<128x128xf32>,
    %eq3A_52 = arith.constant 39 : i32
    %eq3A_53 = arith.cmpi eq, %arg0, %eq3A_52 : i32
    %convert_element_type3A_54 = arith.extui %eq3A_53 : i1 to i32
    %cond3A_55 = arith.constant 0 : i32
    %cond3A_56 = arith.cmpi ne, %convert_element_type3A_54, %cond3A_55 : i32
    scf.if %cond3A_56 {
      %get3A_57 = arith.constant 0 : index
      %get3A_58 = arith.constant 0 : index
      %get3A_59 = vector.load %arg15[%get3A_57, %get3A_58] : memref<128x128xf32, #tpu.memory_space<vmem>>, vector<128x128xf32>
      %get3A_60 = arith.constant 0 : index
      %get3A_61 = arith.constant 0 : index
      %get3A_62 = vector.load %arg9[%get3A_60, %get3A_61] : memref<128x128xf32, #tpu.memory_space<vmem>>, vector<128x128xf32>
      %dot_general3A_63 = arith.constant dense<0.000000e+00> : vector<128x128xf32>
      %dot_general3A_64 = tpu.matmul %get3A_59, %get3A_62, %dot_general3A_63 {dimension_numbers = #tpu.dot_dimension_numbers<[1], [0], [0], [1], [0, 0, 1, 1], [], []>, precision = #tpu.contract_precision<fp32>, transpose_lhs_hint = false} : vector<128x128xf32>, vector<128x128xf32>, vector<128x128xf32> -> vector<128x128xf32>
      %get3A_65 = arith.constant 0 : index
      %get3A_66 = arith.constant 0 : index
      %get3A_67 = vector.load %arg8[%get3A_65, %get3A_66] : memref<128x16xf32, #tpu.memory_space<vmem>>, vector<128x16xf32>
      %get3A_68 = arith.constant 0 : index
      %get3A_69 = arith.constant 0 : index
      %get3A_70 = vector.load %arg10[%get3A_68, %get3A_69] : memref<16x128xf32, #tpu.memory_space<vmem>>, vector<16x128xf32>
      %dot_general3A_71 = arith.constant dense<0.000000e+00> : vector<128x128xf32>
      %dot_general3A_72 = tpu.matmul %get3A_67, %get3A_70, %dot_general3A_71 {dimension_numbers = #tpu.dot_dimension_numbers<[1], [0], [0], [1], [0, 0, 1, 1], [], []>, precision = #tpu.contract_precision<fp32>, transpose_lhs_hint = false} : vector<128x16xf32>, vector<16x128xf32>, vector<128x128xf32> -> vector<128x128xf32>
      %add3A_73 = arith.addf %dot_general3A_64, %dot_general3A_72 : vector<128x128xf32>
      %get3A_74 = arith.constant 0 : index
      %get3A_75 = arith.constant 0 : index
      %get3A_76 = vector.load %arg11[%get3A_74, %get3A_75] : memref<1x128xf32, #tpu.memory_space<vmem>>, vector<1x128xf32>
      %add3A_77 = vector.broadcast %get3A_76 : vector<1x128xf32> to vector<128x128xf32>
      %add3A_78 = arith.addf %add3A_73, %add3A_77 : vector<128x128xf32>
      %gt3A_79 = arith.constant 0.000000e+00 : f32
      %gt3A_80 = vector.broadcast %gt3A_79 : f32 to vector<128x128xf32>
      %gt3A_81 = arith.cmpf ogt, %add3A_78, %gt3A_80 : vector<128x128xf32>
      %exp3A_82 = math.exp %add3A_78 : vector<128x128xf32>
      %sub3A_83 = arith.constant 1.000000e+00 : f32
      %sub3A_84 = vector.broadcast %sub3A_83 : f32 to vector<128x128xf32>
      %sub3A_85 = arith.subf %exp3A_82, %sub3A_84 : vector<128x128xf32>
      %mul3A_86 = arith.constant 1.67326319 : f32
      %mul3A_87 = vector.broadcast %mul3A_86 : f32 to vector<128x128xf32>
      %mul3A_88 = arith.mulf %mul3A_87, %sub3A_85 : vector<128x128xf32>
      %select_n3A_89 = arith.select %gt3A_81, %add3A_78, %mul3A_88 : vector<128x128xi1>, vector<128x128xf32>
      %mul3A_90 = arith.constant 1.05070102 : f32
      %mul3A_91 = vector.broadcast %mul3A_90 : f32 to vector<128x128xf32>
      %mul3A_92 = arith.mulf %mul3A_91, %select_n3A_89 : vector<128x128xf32>
      %get3A_93 = arith.constant 0 : index
      %get3A_94 = arith.constant 0 : index
      %get3A_95 = vector.load %arg12[%get3A_93, %get3A_94] : memref<128x128xf32, #tpu.memory_space<vmem>>, vector<128x128xf32>
      %dot_general3A_96 = arith.constant dense<0.000000e+00> : vector<128x128xf32>
      %dot_general3A_97 = tpu.matmul %mul3A_92, %get3A_95, %dot_general3A_96 {dimension_numbers = #tpu.dot_dimension_numbers<[1], [0], [0], [1], [0, 0, 1, 1], [], []>, precision = #tpu.contract_precision<fp32>, transpose_lhs_hint = false} : vector<128x128xf32>, vector<128x128xf32>, vector<128x128xf32> -> vector<128x128xf32>
      %slice3A_98 = vector.extract_strided_slice %dot_general3A_97 {offsets = [0, 0], sizes = [128, 1], strides = [1, 1]} : vector<128x128xf32> to vector<128x1xf32>
      %get3A_99 = arith.constant 0 : index
      %get3A_100 = arith.constant 0 : index
      %get3A_101 = vector.load %arg13[%get3A_99, %get3A_100] : memref<1x1xf32, #tpu.memory_space<vmem>>, vector<1x1xf32>
      %get3A_102 = vector.extract %get3A_101[0, 0] : f32 from vector<1x1xf32>
      %add3A_103 = vector.broadcast %get3A_102 : f32 to vector<128x1xf32>
      %add3A_104 = arith.addf %slice3A_98, %add3A_103 : vector<128x1xf32>
      %swap3A_105 = arith.constant 0 : index
      %swap3A_106 = arith.constant 0 : index
      %swap3A_107 = vector.load %arg14[%swap3A_105, %swap3A_106] : memref<128x1xf32, #tpu.memory_space<vmem>>, vector<128x1xf32>
      tpu.vector_store %arg14[%swap3A_105, %swap3A_106], %add3A_104 {strides = array<i32>} : memref<128x1xf32, #tpu.memory_space<vmem>>, vector<128x1xf32>,
    } else {
    }
    return
  }
  func.func @transform_0(%arg0: i32) -> (i32, i32) {
    %c0_i32 = arith.constant 0 : i32
    %c0_i32_0 = arith.constant 0 : i32
    return %arg0, %c0_i32 : i32, i32
  }
  func.func @transform_1(%arg0: i32) -> (i32, i32) {
    %add3A = arith.constant 40 : i32
    %add3A_0 = arith.addi %add3A, %arg0 : i32
    %c0_i32 = arith.constant 0 : i32
    %c0_i32_1 = arith.constant 0 : i32
    return %add3A_0, %c0_i32 : i32, i32
  }
  func.func @transform_2(%arg0: i32) -> (i32, i32) {
    %c0_i32 = arith.constant 0 : i32
    %c0_i32_0 = arith.constant 0 : i32
    return %arg0, %c0_i32 : i32, i32
  }
  func.func @transform_3(%arg0: i32) -> (i32, i32) {
    %c0_i32 = arith.constant 0 : i32
    %c0_i32_0 = arith.constant 0 : i32
    return %arg0, %c0_i32 : i32, i32
  }
  func.func @transform_4(%arg0: i32) -> (i32, i32) {
    %add3A = arith.constant 40 : i32
    %add3A_0 = arith.addi %add3A, %arg0 : i32
    %c0_i32 = arith.constant 0 : i32
    %c0_i32_1 = arith.constant 0 : i32
    return %add3A_0, %c0_i32 : i32, i32
  }
  func.func @transform_5(%arg0: i32) -> (i32, i32) {
    %c0_i32 = arith.constant 0 : i32
    %c0_i32_0 = arith.constant 0 : i32
    %c0_i32_1 = arith.constant 0 : i32
    return %c0_i32, %c0_i32_0 : i32, i32
  }
  func.func @transform_6(%arg0: i32) -> (i32, i32) {
    %c0_i32 = arith.constant 0 : i32
    %c0_i32_0 = arith.constant 0 : i32
    return %arg0, %c0_i32 : i32, i32
  }
  func.func @transform_7(%arg0: i32) -> (i32, i32) {
    %c0_i32 = arith.constant 0 : i32
    %c0_i32_0 = arith.constant 0 : i32
    %c0_i32_1 = arith.constant 0 : i32
    return %c0_i32, %c0_i32_0 : i32, i32
  }
  func.func @transform_8(%arg0: i32) -> (i32, i32) {
    %c0_i32 = arith.constant 0 : i32
    %c0_i32_0 = arith.constant 0 : i32
    %c0_i32_1 = arith.constant 0 : i32
    return %c0_i32, %c0_i32_0 : i32, i32
  }
  func.func @transform_9(%arg0: i32) -> (i32, i32) {
    %c0_i32 = arith.constant 0 : i32
    %c0_i32_0 = arith.constant 0 : i32
    %c0_i32_1 = arith.constant 0 : i32
    return %c0_i32, %c0_i32_0 : i32, i32
  }
  func.func @transform_10(%arg0: i32) -> (i32, i32) {
    %c0_i32 = arith.constant 0 : i32
    %c0_i32_0 = arith.constant 0 : i32
    %c0_i32_1 = arith.constant 0 : i32
    return %c0_i32, %c0_i32_0 : i32, i32
  }
  func.func @transform_11(%arg0: i32) -> (i32, i32) {
    %c0_i32 = arith.constant 0 : i32
    %c0_i32_0 = arith.constant 0 : i32
    %c0_i32_1 = arith.constant 0 : i32
    return %c0_i32, %c0_i32_0 : i32, i32
  }
  func.func @transform_12(%arg0: i32) -> (i32, i32) {
    %c0_i32 = arith.constant 0 : i32
    %c0_i32_0 = arith.constant 0 : i32
    %c0_i32_1 = arith.constant 0 : i32
    return %c0_i32, %c0_i32_0 : i32, i32
  }
  func.func @transform_13(%arg0: i32) -> (i32, i32) {
    %c0_i32 = arith.constant 0 : i32
    %c0_i32_0 = arith.constant 0 : i32
    %c0_i32_1 = arith.constant 0 : i32
    return %c0_i32, %c0_i32_0 : i32, i32
  }
}

</mosaic_0001>

<sc_bundles>
// kernel: kernel.12.cloned.1.call-start
scs
__scs_entry_jumppad:
0x0: {  	(pc) =	sbr.rel $0x88, $3  }
0x1: {  	(tag) =	ssettag $0x0;
	lr =	simm.s32 $0x1  }
0x2: {  	[smem:$0x3F8F] =	sst lr;
	_ =	strace $0xD0000000  }
0x3: {  	_ = 	snop  }
0x4: {  	_ = 	snop  }
0x5: {  	_ = 	snop  }
0x6: {  	_ = 	snop  }
0x7: {  	_ = 	snop  }
__scs_overlays_trampoline_lowered:
0x8: {  	[smem:$0x3F9E] =	sst s0  }
0x9: {  	[smem:$0x3F9F] =	sst s1  }
0xa: {  	[smem:$0x3FA0] =	sst s2  }
0xb: {  	[smem:$0x3FA1] =	sst s3  }
0xc: {  	[smem:$0x3FA2] =	sst s4  }
0xd: {  	[smem:$0x3FA3] =	sst s5  }
0xe: {  	[smem:$0x3FA4] =	sst s6  }
0xf: {  	[smem:$0x3FA5] =	sst s7  }
0x10: {  	[smem:$0x3FA6] =	sst s8  }
0x11: {  	[smem:$0x3FA7] =	sst s9;
	s0 =	simm.s32 @!p0 $0x0  }
0x12: {  	s1 =	sld [smem:$0x3F8D];
	s0 =	simm.s32 @p0 $0x1  }
0x13: {  	[smem:$0x3FA8] =	sst s0;
	s0 =	simm.s32 @!p1 $0x0  }
0x14: {  	s2 =	sld [smem:$0x3F8C];
	s0 =	simm.s32 @p1 $0x1  }
0x15: {  	[smem:$0x3FA9] =	sst s0;
	s0 =	simm.s32 @!p2 $0x0  }
0x16: {  	s3 =	sld [smem:$0x3FDB];
	s0 =	simm.s32 @p2 $0x1  }
0x17: {  	s4 =	simm.s32 $0x1BF5;
	[smem:$0x3FAB] =	sst s0  }
0x18: {  	s0 =	sld [smem:$0x3F8E];
	_ =	swait.ge [sflag:s4], $0x0  }
0x19: {  	s7 =	sld [smem:$0x3F8F]  }
0x1a: {  	s8 =	sadd.s32 $0xFFFFE003, lr  }
0x1b: {  	s9 =	sadd.s32 $0xFFFFFEF7, lr;
	s5 =	simm.s32 $0xFFFFFFFF;
	p2 =	slt.u32 s8, $0xFFFFF086  }
0x1c: {  	p1 =	slt.u32 s9, $0xF7A;
	s5 =	simm.s32 @!p2 $0x0  }
0x1d: {  	s5 =	simm.s32 @p1 $0x1;
	p0 =	seq.s32 s7, s2  }
0x1e: {  	s7 =	smul.u32 @!p0 $0xF7A, s2;
	p2 =	seq.s32 @!p0 s5, $0x0  }
0x1f: {  	s9 =	smul.u32 $0xF7A, s1;
	s8 =	simm.s32 @!p0 $0x1BF5;
	p2 =	por !p2, p0  }
0x20: {  	[sflag:s8] =	ssyncset.s32 @!p0 $0xFFFFF086;
	s6 =	sadd.s32 @!p0 s3, s7;
	s7 =	simm.s32 @!p0 $0x108  }
0x21: {  	s3 =	sadd.s32 s3, s9;
	s6 =	sadd.s32 @!p0 $0x88, s6;
	s7 =	simm.s32 @p2 $0x1082  }
0x22: {  	[simem:s7], [sflag:s8] =	dma.local @!p0 [hbm:s6], $0xF7A  }
0x23: {  	s9 =	sor.u32 $0xD0000000, s2;
	s6 =	simm.s32 $0x108;
	_ =	swait.ge @!p0 [sflag:s8], $0x0  }
0x24: {  	s3 =	sadd.s32 $0x88, s3;
	s6 =	simm.s32 @!p1 $0x1082;
	[sflag:s4] =	ssyncset.s32 $0xFFFFF086  }
0x25: {  	[simem:s6], [sflag:s4] =	dma.local [hbm:s3], $0xF7A  }
0x26: {  	[smem:$0x3F8F] =	sst s1;
	(tag) =	ssettag s2;
	_ =	strace s9  }
0x27: {  	s1 =	sld [smem:$0x3F9F]  }
0x28: {  	s2 =	sld [smem:$0x3FA0]  }
0x29: {  	s4 =	sld [smem:$0x3FA2]  }
0x2a: {  	p0 =	seq.s32 s5, $0x0;
	s5 =	sld [smem:$0x3FA3]  }
0x2b: {  	s6 =	sld [smem:$0x3FA4]  }
0x2c: {  	s7 =	sld [smem:$0x3FA5]  }
0x2d: {  	s3 =	simm.s32 $0x108;
	s8 =	sld [smem:$0x3FA6]  }
0x2e: {  	s3 =	simm.s32 @!p0 $0x1082;
	s9 =	sld [smem:$0x3FA7]  }
0x2f: {  	lr =	sadd.s32 s0, s3;
	s0 =	sld [smem:$0x3F9E]  }
0x30: {  	s3 =	sld [smem:$0x3FA1]  }
0x31: {  	[smem:$0x3FAA] =	sst s10  }
0x32: {  	s10 =	sld [smem:$0x3FA8];
	_ =	sdelay $0x3  }
0x33: {  	p0 =	seq.s32 s10, $0x1;
	s10 =	sld [smem:$0x3FAA];
	_ =	sdelay $0x3  }
0x34: {  	[smem:$0x3FAA] =	sst s10  }
0x35: {  	s10 =	sld [smem:$0x3FA9];
	_ =	sdelay $0x3  }
0x36: {  	p1 =	seq.s32 s10, $0x1;
	s10 =	sld [smem:$0x3FAA];
	_ =	sdelay $0x3  }
0x37: {  	[smem:$0x3FAA] =	sst s10  }
0x38: {  	s10 =	sld [smem:$0x3FAB]  }
0x39: {  	_ = 	snop;
	(pc) =	sbr.ind lr, $3  }
0x3a: {  	_ = 	snop  }
0x3b: {  	_ = 	snop  }
0x3c: {  	p2 =	seq.s32 s10, $0x1;
	s10 =	sld [smem:$0x3FAA]  }
0x3d: {  	_ =	shalt  }
0x3e: {  	_ =	shalt  }
0x3f: {  	_ =	shalt  }
0x40: {  	_ =	shalt  }
0x41: {  	_ =	shalt  }
0x42: {  	_ =	shalt  }
0x43: {  	_ =	shalt  }
0x44: {  	_ =	shalt  }
0x45: {  	_ =	shalt  }
0x46: {  	_ =	shalt  }
0x47: {  	_ =	shalt  }
0x48: {  	_ =	shalt  }
0x49: {  	_ =	shalt  }
0x4a: {  	_ =	shalt  }
0x4b: {  	_ =	shalt  }
0x4c: {  	_ =	shalt  }
0x4d: {  	_ =	shalt  }
0x4e: {  	_ =	shalt  }
0x4f: {  	_ =	shalt  }
0x50: {  	_ =	shalt  }
0x51: {  	_ =	shalt  }
0x52: {  	_ =	shalt  }
0x53: {  	_ =	shalt  }
0x54: {  	_ =	shalt  }
0x55: {  	_ =	shalt  }
0x56: {  	_ =	shalt  }
0x57: {  	_ =	shalt  }
0x58: {  	_ =	shalt  }
0x59: {  	_ =	shalt  }
0x5a: {  	_ =	shalt  }
0x5b: {  	_ =	shalt  }
0x5c: {  	_ =	shalt  }
0x5d: {  	_ =	shalt  }
0x5e: {  	_ =	shalt  }
0x5f: {  	_ =	shalt  }
0x60: {  	_ =	shalt  }
0x61: {  	_ =	shalt  }
0x62: {  	_ =	shalt  }
0x63: {  	_ =	shalt  }
0x64: {  	_ =	shalt  }
0x65: {  	_ =	shalt  }
0x66: {  	_ =	shalt  }
0x67: {  	_ =	shalt  }
0x68: {  	_ =	shalt  }
0x69: {  	_ =	shalt  }
0x6a: {  	_ =	shalt  }
0x6b: {  	_ =	shalt  }
0x6c: {  	_ =	shalt  }
0x6d: {  	_ =	shalt  }
0x6e: {  	_ =	shalt  }
0x6f: {  	_ =	shalt  }
0x70: {  	_ =	shalt  }
0x71: {  	_ =	shalt  }
0x72: {  	_ =	shalt  }
0x73: {  	_ =	shalt  }
0x74: {  	_ =	shalt  }
0x75: {  	_ =	shalt  }
0x76: {  	_ =	shalt  }
0x77: {  	_ =	shalt  }
0x78: {  	_ =	shalt  }
0x79: {  	_ =	shalt  }
0x7a: {  	_ =	shalt  }
0x7b: {  	_ =	shalt  }
0x7c: {  	_ =	shalt  }
0x7d: {  	_ =	shalt  }
0x7e: {  	_ =	shalt  }
0x7f: {  	_ =	shalt  }
0x80: {  	_ =	shalt  }
0x81: {  	_ =	shalt  }
0x82: {  	_ =	shalt  }
0x83: {  	_ =	shalt  }
0x84: {  	_ =	shalt  }
0x85: {  	_ =	shalt  }
0x86: {  	_ =	shalt  }
0x87: {  	_ =	shalt  }
.Lfunc_end0:
.L_simem_size_0:
called_computation_lowered:
.L_overlay_start_0:
0x88: {  	s2 =	sld [smem:$0x3FD9]  }
0x89: {  	s3 =	sld [smem:$0x3FFE];
	_ =	sdelay $0x1  }
0x8a: {  	s1 =	srdreg.scid  }
0x8b: {  	s0 =	sand.u32 $0x1, s1  }
0x8c: {  	s16 =	sshll.u32 s0, $0xA;
	s2 =	sadd.s32 s3, s2  }
0x8d: {  	s2 =	sadd.s32 s2, s16  }
0x8e: {  	[smem:$0x3FB6] =	sst s2  }
0x8f: {  	_ = 	snop  }
0x90: {  	(tm) =	ssettm $0x1  }
0x91: {  	s17 =	sld [smem:$0x3FFB];
	_ =	sdelay $0x3  }
0x92: {  	_ =	strace s17  }
0x93: {  	s2 =	sld [smem:$0x3FFC];
	_ =	sdelay $0x3  }
0x94: {  	_ =	strace s2  }
0x95: {  	s2 =	sld [smem:$0x3FFD];
	_ =	sdelay $0x3  }
0x96: {  	_ =	strace s2  }
0x97: {  	_ =	strace $0x8FFFFFFF  }
0x98: {  	s18 =	sld [smem:$0x3FDB];
	_ =	sdelay $0x1  }
0x99: {  	s19 =	simm.s32 $_scs_section_size  }
0x9a: {  	s4 =	simm.s32 $_size__tile_overlayer_lowered;
	s5 =	simm.s32 $_tile_overlayer_lowered  }
0x9b: {  	s22 =	simm.s32 $0x1BFF;
	s21 =	sshll.u32 s5, $0x1;
	s2 =	sadd.s32 s19, s18  }
0x9c: {  	s6 =	simm.s32 $0x0;
	s20 =	sshll.u32 s4, $0x1;
	s4 =	sadd.s32 s21, s2  }
0x9d: {  	[timem:s6], [sflag:s22] =	dma.local [hbm:s4], s20  }
0x9e: {  	_ =	swait.ge [sflag:s22], s20  }
0x9f: {  	s3 =	ssub.s32 $0x0, s20;
	[sflag:s22] =	ssyncset.done $0x0  }
0xa0: {  	[sflag:s22] =	ssyncadd.s32 s3;
	_ =	sdelay $0x1  }
0xa1: {  	s23 =	simm.s32 $0x1B8B  }
0xa2: {  	_ =	swait.ge [sflag:s23], $0x1  }
0xa3: {  	[sflag:s23] =	ssyncset.done $0x0  }
0xa4: {  	s25 =	simm.s32 $0x1B8E;
	s24 =	sld [smem:$0x3FFE];
	[sflag:s23] =	ssyncadd.s32 $0xFFFFFFFF  }
0xa5: {  	s26 =	simm.s32 $execute0_lowered;
	[smem:$0x3FD2] =	sst s25  }
0xa6: {  	s4 =	sshll.u32 s26, $0x1;
	_ =	strace $0x80000046;
	[dreg:$0x1] =	wrdreg $0xFFFFFFFF  }
0xa7: {  	s28 =	simm.s32 $_size_execute0_lowered;
	s2 =	sadd.s32 s2, s4;
	[dreg:$0x0] =	wrdreg $0x0  }
0xa8: {  	s4 =	sshll.u32 s28, $0x1;
	[dreg:$0x2] =	wrdreg s2  }
0xa9: {  	[dreg:$0x3] =	wrdreg s4  }
0xaa: {  	[dreg:$0x4] =	wrdreg $0xC0  }
0xab: {  	_ =	task [dreg:s6], $0x5FFFF  }
0xac: {  	[dreg:$0x1] =	wrdreg $0xFFFFFFFF  }
0xad: {  	[dreg:$0x0] =	wrdreg $0x60  }
0xae: {  	[dreg:$0x2] =	wrdreg s24  }
0xaf: {  	[dreg:$0x3] =	wrdreg $0x41000  }
0xb0: {  	[dreg:$0x4] =	wrdreg $0x9  }
0xb1: {  	_ =	task.clear_ibuf [dreg:s6], $0x5FFFF;
	_ =	strace $0x90000046  }
0xb2: {  	s29 =	simm.s32 $0x9;
	_ =	strace $0x80000048  }
0xb3: {  	_ =	swait.ge [sflag:s29], $0x1  }
0xb4: {  	[sflag:s29] =	ssyncadd.s32 $0xFFFFFFFF  }
0xb5: {  	_ =	strace $0x90000048  }
0xb6: {  	_ =	sfence  }
0xb7: {  	s30 =	sld [smem:$0x0];
	_ =	sdelay $0x2  }
0xb8: {  	s31 =	sshll.u32 s1, $0xD;
	s1 =	sshrl.u32 s1, $0x2  }
0xb9: {  	s3 =	sand.u32 $0x4000, s31;
	s1 =	sadd.s32 s1, s30  }
0xba: {  	s0 =	sor.u32 s3, s0;
	s1 =	sshll.u32 s1, $0x11  }
0xbb: {  	s0 =	sor.u32 s1, s0  }
0xbc: {  	s0 =	sadd.s32 $0x8F2B, s0  }
0xbd: {  	[sflag:s0] =	ssyncadd.remote.s32 $0x1  }
0xbe: {  	_ =	sfence.sel $0xFFFF  }
0xbf: {  	[dreg:$0x0] =	wrdreg $0xFFFFFFFF;
	(pc) =	sbr.abs _section_cstart, $3  }
0xc0: {  	[dreg:$0x1] =	wrdreg $0xFFFFFFFF  }
0xc1: {  	_ =	task.clear_ibuf [dreg:s6], $0x2FFFF;
	_ =	strace $0x9FFFFFFF  }
0xc2: {  	(tm) =	ssettm $0x7FFFFFFF  }
0xc3: {  	_ =	shalt  }
tec
execute0_lowered:
.L_overlay_start_1:
0x0: {  	(tag) =	ssettag $0x1  }
0x1: {  	s4 =	rddreg [dreg:$0x0]  }
0x2: {  	s2 =	rddreg [dreg:$0x1]  }
0x3: {  	s0 =	rddreg [dreg:$0x2];
	s3 =	simm.s32 $0x0;
	s5 =	srdreg.scid  }
0x4: {  	s1 =	stileid.u32;
	s16 =	simm.s32 $0x3;
	s17 =	simm.s32 $0x80  }
0x5: {  	s18 =	simm.s32 $0x1;
	s19 =	simm.s32 $0x2;
	s20 =	simm.s32 $0x0  }
0x6: {  	[smem:$0x7FF] =	sst s3;
	s5 =	sand.u32 $0x1, s5;
	s6 =	smul.u32 $0x2800, s1  }
0x7: {  	s14 =	sadd.s32 $0x6600, s4;
	s8 =	smul.u32 $0x50000, s1;
	_ =	strace $0x80000047  }
0x8: {  	s7 =	smul.u32 $0x28000, s5;
	s9 =	sshll.u32 s5, $0x4;
	s5 =	ssub.s32 $0x2, s5  }
0x9: {  	s30 =	sor.u32 s1, s9;
	s31 =	sshrl.u32 s5, $0x1;
	s8 =	sshrl.u32 s8, $0x2  }
0xa: {  	s11 =	sadd.s32 s6, s7;
	s9 =	smul.u32 $0x2800, s30;
	s12 =	ssub.s32 s5, s31  }
0xb: {  	s10 =	sadd.s32 s11, s4;
	s4 =	sadd.s32 s8, s2;
	s13 =	sor.u32 $0x100, s11  }
0xc: {  	s15 =	sor.u32 $0x80, s11;
	s11 =	smax.u32 s12, $0x1;
	s5 =	sadd.s32 $0x4000, s4  }
0xd: {  	s6 =	sadd.s32 $0x8000, s4;
	s9 =	sshrl.u32 s9, $0x3;
	s7 =	sadd.s32 $0xC000, s4  }
0xe: {  	s8 =	sadd.s32 $0x10000, s4;
	s10 =	sadd.s32 $0x10600, s10;
	s13 =	sshrl.u32 s13, $0x3  }
0xf: {  	s15 =	sshrl.u32 s15, $0x3;
	s9 =	sadd.s32 s14, s9;
	s13 =	sadd.s32 s13, s14  }
0x10: {  	v0 =	vimm.f32 $0.0e+00;
	v1 =	vimm.f32 $1.000000000e+00;
	s14 =	sadd.s32 s15, s14;
	s15 =	simm.s32 $0x100;
	s12 =	sadd.s32 $0x4F0, s9  }
.LBB2_1:
0x11: {  	s21 =	simm.s32 $0x0;
	s22 =	simm.s32 $0x200  }
.LBB2_2:
0x12: {  	p0 =	sne.s32 s22, $0xFE00;
	[tilespmem:s21+$0x170] =	vst v0  }
0x13: {  	[tilespmem:s21+$0x100] =	vst v0  }
0x14: {  	[tilespmem:s21+$0x110] =	vst v0  }
.Ltmp0:
0x15: {  	[tilespmem:s21+$0x120] =	vst v0;
	(pc) =	sbr.rel @p0 .LBB2_2-.Ltmp0, $4  }
0x16: {  	[tilespmem:s21+$0x130] =	vst v0  }
0x17: {  	[tilespmem:s21+$0x140] =	vst v0  }
0x18: {  	[tilespmem:s21+$0x150] =	vst v0  }
0x19: {  	[tilespmem:s21+$0x160] =	vst v0;
	s21 =	sshra.s32 s22, $0x2;
	s22 =	sadd.s32 $0x200, s22  }
0x1a: {  	[tilespmem:s21+$0x170] =	vst v0  }
0x1b: {  	[tilespmem:s21+$0x100] =	vst v0  }
0x1c: {  	[tilespmem:s21+$0x110] =	vst v0  }
0x1d: {  	[tilespmem:s21+$0x120] =	vst v0  }
0x1e: {  	[tilespmem:s21+$0x130] =	vst v0  }
0x1f: {  	[tilespmem:s21+$0x140] =	vst v0  }
0x20: {  	[tilespmem:s21+$0x150] =	vst v0  }
0x21: {  	[tilespmem:s21+$0x160] =	vst v0  }
0x22: {  	[spmem:s4] =	stream.linear.scatter [tilespmem:s15], [sflag:$0x3], $0x4000, $0x38;
	[tilespmem:$0x18100] =	vst v63  }
0x23: {  	_ =	swait.ge [sflag:s16], $0x4000  }
0x24: {  	[sflag:s16] =	ssyncset.done $0x0  }
0x25: {  	[sflag:s16] =	ssyncadd.s32 $0xFFFFC000  }
0x26: {  	[spmem:s5] =	stream.linear.scatter [tilespmem:s15], [sflag:$0x3], $0x4000, $0x38;
	[tilespmem:$0x18100] =	vst v63  }
0x27: {  	_ =	swait.ge [sflag:s16], $0x4000  }
0x28: {  	[sflag:s16] =	ssyncset.done $0x0  }
0x29: {  	[sflag:s16] =	ssyncadd.s32 $0xFFFFC000  }
0x2a: {  	[spmem:s6] =	stream.linear.scatter [tilespmem:s15], [sflag:$0x3], $0x4000, $0x38;
	[tilespmem:$0x18100] =	vst v63  }
0x2b: {  	_ =	swait.ge [sflag:s16], $0x4000  }
0x2c: {  	[sflag:s16] =	ssyncset.done $0x0  }
0x2d: {  	[sflag:s16] =	ssyncadd.s32 $0xFFFFC000  }
0x2e: {  	[spmem:s7] =	stream.linear.scatter [tilespmem:s15], [sflag:$0x3], $0x4000, $0x38;
	[tilespmem:$0x18100] =	vst v63  }
0x2f: {  	_ =	swait.ge [sflag:s16], $0x4000  }
0x30: {  	[sflag:s16] =	ssyncset.done $0x0  }
0x31: {  	[sflag:s16] =	ssyncadd.s32 $0xFFFFC000  }
0x32: {  	[spmem:s8] =	stream.linear.scatter [tilespmem:s15], [sflag:$0x3], $0x4000, $0x38;
	[tilespmem:$0x18100] =	vst v63  }
0x33: {  	_ =	swait.ge [sflag:s16], $0x4000  }
0x34: {  	[sflag:s16] =	ssyncset.done $0x0  }
0x35: {  	[sflag:s16] =	ssyncadd.s32 $0xFFFFC000  }
0x36: {  	s21 =	simm.s32 $0x0;
	s22 =	simm.s32 $0x200;
	[bflag:$0x0] =	sbarrier.arrive $0xFFFF  }
.LBB2_4:
0x37: {  	p0 =	sne.s32 s22, $0xFE00;
	[tilespmem:s21+$0x170] =	vst v1  }
0x38: {  	[tilespmem:s21+$0x100] =	vst v1  }
0x39: {  	[tilespmem:s21+$0x110] =	vst v1  }
.Ltmp1:
0x3a: {  	[tilespmem:s21+$0x120] =	vst v1;
	(pc) =	sbr.rel @p0 .LBB2_4-.Ltmp1, $4  }
0x3b: {  	[tilespmem:s21+$0x130] =	vst v1  }
0x3c: {  	[tilespmem:s21+$0x140] =	vst v1  }
0x3d: {  	[tilespmem:s21+$0x150] =	vst v1  }
0x3e: {  	[tilespmem:s21+$0x160] =	vst v1;
	s21 =	sshra.s32 s22, $0x2;
	s22 =	sadd.s32 $0x200, s22  }
0x3f: {  	[tilespmem:s21+$0x170] =	vst v1  }
0x40: {  	[tilespmem:s21+$0x100] =	vst v1  }
0x41: {  	[tilespmem:s21+$0x110] =	vst v1  }
0x42: {  	[tilespmem:s21+$0x120] =	vst v1  }
0x43: {  	[tilespmem:s21+$0x130] =	vst v1  }
0x44: {  	[tilespmem:s21+$0x140] =	vst v1  }
0x45: {  	[tilespmem:s21+$0x150] =	vst v1  }
0x46: {  	[tilespmem:s21+$0x160] =	vst v1;
	s29 =	simm.s32 $0x0  }
0x47: {  	[tilespmem:s29], [sflag:$0x1] =	stream.linear.gather [hbm4b:s9+s29], $0x80, $0x38;
	[tilespmem:$0x18100] =	vst v63  }
0x48: {  	s30 =	sadd.s32 $0x0, s14  }
0x49: {  	[tilespmem:s17], [sflag:$0x2] =	stream.linear.gather [hbm4b:s30+s3], $0x80, $0x38;
	[tilespmem:$0x18100] =	vst v63  }
0x4a: {  	_ =	swait.ge [sflag:s18], $0x80  }
0x4b: {  	[sflag:s18] =	ssyncset.done $0x0  }
0x4c: {  	[sflag:s18] =	ssyncadd.s32 $0xFFFFFF80  }
0x4d: {  	[spmem:s2] =	stream.indirect.scatter.add.f32 [tilespmem:s15], [sflag:$0x3], $0x80, s3, s17, $0xb8;
	[tilespmem:$0x18100] =	vst v63  }
0x4e: {  	_ =	swait.ge [sflag:s16], $0x4000  }
0x4f: {  	[sflag:s16] =	ssyncset.done $0x0  }
0x50: {  	s31 =	sadd.s32 $0x0, s13;
	[sflag:s16] =	ssyncadd.s32 $0xFFFFC000  }
0x51: {  	[tilespmem:s3], [sflag:$0x1] =	stream.linear.gather [hbm4b:s31+s3], $0x80, $0x38;
	[tilespmem:$0x18100] =	vst v63  }
0x52: {  	_ =	swait.ge [sflag:s19], $0x80  }
0x53: {  	[sflag:s19] =	ssyncset.done $0x0  }
0x54: {  	[sflag:s19] =	ssyncadd.s32 $0xFFFFFF80  }
0x55: {  	[spmem:s2] =	stream.indirect.scatter.add.f32 [tilespmem:s15], [sflag:$0x3], $0x80, s17, s17, $0xb8;
	[tilespmem:$0x18100] =	vst v63  }
0x56: {  	_ =	swait.ge [sflag:s16], $0x4000  }
0x57: {  	s21 =	simm.s32 $0x20;
	s22 =	simm.s32 $0x40;
	[sflag:s16] =	ssyncset.done $0x0  }
.LBB2_6:
0x58: {  	s23 =	sadd.s32 s21, s14  }
0x59: {  	[sflag:s16] =	ssyncadd.s32 $0xFFFFC000;
	s24 =	smov.u32 s22;
	s25 =	sadd.s32 $0x20, s22  }
0x5a: {  	[tilespmem:s17], [sflag:$0x2] =	stream.linear.gather [hbm4b:s23+s3], $0x80, $0x38;
	[tilespmem:$0x18100] =	vst v63  }
0x5b: {  	p0 =	sne.s32 s22, $0x4C0;
	_ =	swait.ge [sflag:s18], $0x80  }
0x5c: {  	[sflag:s18] =	ssyncset.done $0x0  }
0x5d: {  	[sflag:s18] =	ssyncadd.s32 $0xFFFFFF80  }
0x5e: {  	[spmem:s2] =	stream.indirect.scatter.add.f32 [tilespmem:s15], [sflag:$0x3], $0x80, s3, s17, $0xb8;
	[tilespmem:$0x18100] =	vst v63  }
0x5f: {  	_ =	swait.ge [sflag:s16], $0x4000  }
0x60: {  	[sflag:s16] =	ssyncset.done $0x0  }
0x61: {  	s22 =	sadd.s32 s21, s13;
	s21 =	smov.u32 s24;
	[sflag:s16] =	ssyncadd.s32 $0xFFFFC000  }
0x62: {  	[tilespmem:s3], [sflag:$0x1] =	stream.linear.gather [hbm4b:s22+s3], $0x80, $0x38;
	[tilespmem:$0x18100] =	vst v63  }
0x63: {  	_ =	swait.ge [sflag:s19], $0x80  }
.Ltmp2:
0x64: {  	[sflag:s19] =	ssyncset.done $0x0;
	(pc) =	sbr.rel @p0 .LBB2_6-.Ltmp2, $4  }
0x65: {  	[sflag:s19] =	ssyncadd.s32 $0xFFFFFF80  }
0x66: {  	[spmem:s2] =	stream.indirect.scatter.add.f32 [tilespmem:s15], [sflag:$0x3], $0x80, s17, s17, $0xb8;
	[tilespmem:$0x18100] =	vst v63  }
0x67: {  	_ =	swait.ge [sflag:s16], $0x4000  }
0x68: {  	s22 =	smov.u32 s25;
	[sflag:s16] =	ssyncset.done $0x0  }
0x69: {  	s22 =	sadd.s32 s21, s14;
	[sflag:s16] =	ssyncadd.s32 $0xFFFFC000  }
0x6a: {  	[tilespmem:s17], [sflag:$0x2] =	stream.linear.gather [hbm4b:s22+s3], $0x80, $0x38;
	[tilespmem:$0x18100] =	vst v63  }
0x6b: {  	_ =	swait.ge [sflag:s18], $0x80  }
0x6c: {  	[sflag:s18] =	ssyncset.done $0x0  }
0x6d: {  	[sflag:s18] =	ssyncadd.s32 $0xFFFFFF80  }
0x6e: {  	[spmem:s2] =	stream.indirect.scatter.add.f32 [tilespmem:s15], [sflag:$0x3], $0x80, s3, s17, $0xb8;
	[tilespmem:$0x18100] =	vst v63  }
0x6f: {  	_ =	swait.ge [sflag:s16], $0x4000  }
0x70: {  	[sflag:s16] =	ssyncset.done $0x0  }
0x71: {  	s29 =	sadd.s32 s21, s13;
	[sflag:s16] =	ssyncadd.s32 $0xFFFFC000  }
0x72: {  	[tilespmem:s3], [sflag:$0x1] =	stream.linear.gather [hbm4b:s29+s3], $0x80, $0x38;
	[tilespmem:$0x18100] =	vst v63  }
0x73: {  	_ =	swait.ge [sflag:s19], $0x80  }
0x74: {  	[sflag:s19] =	ssyncset.done $0x0  }
0x75: {  	[sflag:s19] =	ssyncadd.s32 $0xFFFFFF80  }
0x76: {  	[spmem:s2] =	stream.indirect.scatter.add.f32 [tilespmem:s15], [sflag:$0x3], $0x80, s17, s17, $0xb8;
	[tilespmem:$0x18100] =	vst v63  }
0x77: {  	_ =	swait.ge [sflag:s16], $0x4000  }
0x78: {  	[sflag:s16] =	ssyncset.done $0x0  }
0x79: {  	[sflag:s16] =	ssyncadd.s32 $0xFFFFC000  }
0x7a: {  	[tilespmem:s17], [sflag:$0x2] =	stream.linear.gather [hbm4b:s12+s3], $0x80, $0x38;
	[tilespmem:$0x18100] =	vst v63  }
0x7b: {  	_ =	swait.ge [sflag:s18], $0x80  }
0x7c: {  	[sflag:s18] =	ssyncset.done $0x0  }
0x7d: {  	[sflag:s18] =	ssyncadd.s32 $0xFFFFFF80  }
0x7e: {  	[spmem:s2] =	stream.indirect.scatter.add.f32 [tilespmem:s15], [sflag:$0x3], $0x80, s3, s17, $0xb8;
	[tilespmem:$0x18100] =	vst v63  }
0x7f: {  	_ =	swait.ge [sflag:s16], $0x4000  }
0x80: {  	[sflag:s16] =	ssyncset.done $0x0  }
0x81: {  	[sflag:s16] =	ssyncadd.s32 $0xFFFFC000  }
0x82: {  	_ =	swait.ge [sflag:s19], $0x80  }
0x83: {  	[sflag:s19] =	ssyncset.done $0x0  }
0x84: {  	[sflag:s19] =	ssyncadd.s32 $0xFFFFFF80  }
0x85: {  	[spmem:s2] =	stream.indirect.scatter.add.f32 [tilespmem:s15], [sflag:$0x3], $0x80, s17, s17, $0xb8;
	[tilespmem:$0x18100] =	vst v63  }
0x86: {  	_ =	swait.ge [sflag:s16], $0x4000  }
0x87: {  	s30 =	sshll.u32 s1, $0x6;
	s20 =	sadd.s32 $0x1, s20;
	[sflag:s16] =	ssyncset.done $0x0  }
0x88: {  	s31 =	sshrl.u32 s4, $0x3;
	p0 =	sne.s32 s20, s11;
	[sflag:s16] =	ssyncadd.s32 $0xFFFFC000  }
.Ltmp3:
0x89: {  	s21 =	sor.u32 $0x1C03, s30;
	[bflag:$0x0] =	sbarrier.arrive $0xFFFF;
	(pc) =	sbr.rel @p0 .LBB2_1-.Ltmp3, $4  }
0x8a: {  	[hbm:s10], [sflag:s21] =	dma.local [spmem:s31], $0x2800  }
0x8b: {  	_ =	swait.ge [sflag:s16], $0x2800  }
0x8c: {  	[sflag:s16] =	ssyncset.done $0x0  }
0x8d: {  	[sflag:s16] =	ssyncadd.s32 $0xFFFFD800  }
0x8e: {  	_ =	sfence.sel $0x180000  }
0x8f: {  	[bflag:$0x0] =	sbarrier.arrive $0xFFFF  }
0x90: {  	p0 =	sne.s32 s1, $0x0;
	_ =	strace $0x90000047  }
0x91: {  	s0 =	sadd.s32 @!p0 $0x100000, s0;
	[bflag:$0x2] =	sbarrier.arrive $0xFFFF  }
0x92: {  	[sflag:s0] =	ssyncadd.tile.s32 @!p0 $0x1;
	_ =	shalt  }
.Lfunc_end2:
_tile_overlayer_lowered:
.L_overlay_start_2:
0x93: {  	(tag) =	ssettag $0x2  }
0x94: {  	s0 =	rddreg [dreg:$0x0];
	s2 =	stileid.u32  }
0x95: {  	s1 =	rddreg [dreg:$0x1];
	p0 =	sne.s32 s2, $0x0  }
0x96: {  	s3 =	rddreg [dreg:$0x2];
	[bflag:$0x3] =	sbarrier.arrive $0xFFFF;
	s2 =	simm.s32 @!p0 $0x1C03  }
0x97: {  	[timem:s3], [sflag:s2] =	dma.local @!p0 [hbm:s0], s1  }
0x98: {  	s0 =	simm.s32 @!p0 $0x3  }
0x99: {  	_ =	swait.ge @!p0 [sflag:s0], s1  }
0x9a: {  	s1 =	ssub.s32 @!p0 $0x0, s1;
	[sflag:s0] =	ssyncset.done @!p0 $0x0  }
0x9b: {  	[sflag:s0] =	ssyncadd.s32 @!p0 s1  }
0x9c: {  	[bflag:$0x3] =	sbarrier.arrive $0xFFFF  }
0x9d: {  	_ =	shalt  }

// kernel: kernel.15.cloned.1.call-start
scs
__scs_entry_jumppad:
0x0: {  	(pc) =	sbr.rel $0x88, $3  }
0x1: {  	(tag) =	ssettag $0x0;
	lr =	simm.s32 $0x1  }
0x2: {  	[smem:$0x3F8F] =	sst lr;
	_ =	strace $0xD0000000  }
0x3: {  	_ = 	snop  }
0x4: {  	_ = 	snop  }
0x5: {  	_ = 	snop  }
0x6: {  	_ = 	snop  }
0x7: {  	_ = 	snop  }
__scs_overlays_trampoline_lowered:
0x8: {  	[smem:$0x3F9E] =	sst s0  }
0x9: {  	[smem:$0x3F9F] =	sst s1  }
0xa: {  	[smem:$0x3FA0] =	sst s2  }
0xb: {  	[smem:$0x3FA1] =	sst s3  }
0xc: {  	[smem:$0x3FA2] =	sst s4  }
0xd: {  	[smem:$0x3FA3] =	sst s5  }
0xe: {  	[smem:$0x3FA4] =	sst s6  }
0xf: {  	[smem:$0x3FA5] =	sst s7  }
0x10: {  	[smem:$0x3FA6] =	sst s8  }
0x11: {  	[smem:$0x3FA7] =	sst s9;
	s0 =	simm.s32 @!p0 $0x0  }
0x12: {  	s1 =	sld [smem:$0x3F8D];
	s0 =	simm.s32 @p0 $0x1  }
0x13: {  	[smem:$0x3FA8] =	sst s0;
	s0 =	simm.s32 @!p1 $0x0  }
0x14: {  	s2 =	sld [smem:$0x3F8C];
	s0 =	simm.s32 @p1 $0x1  }
0x15: {  	[smem:$0x3FA9] =	sst s0;
	s0 =	simm.s32 @!p2 $0x0  }
0x16: {  	s3 =	sld [smem:$0x3FDB];
	s0 =	simm.s32 @p2 $0x1  }
0x17: {  	s4 =	simm.s32 $0x1BF5;
	[smem:$0x3FAB] =	sst s0  }
0x18: {  	s0 =	sld [smem:$0x3F8E];
	_ =	swait.ge [sflag:s4], $0x0  }
0x19: {  	s7 =	sld [smem:$0x3F8F]  }
0x1a: {  	s8 =	sadd.s32 $0xFFFFE003, lr  }
0x1b: {  	s9 =	sadd.s32 $0xFFFFFEF7, lr;
	s5 =	simm.s32 $0xFFFFFFFF;
	p2 =	slt.u32 s8, $0xFFFFF086  }
0x1c: {  	p1 =	slt.u32 s9, $0xF7A;
	s5 =	simm.s32 @!p2 $0x0  }
0x1d: {  	s5 =	simm.s32 @p1 $0x1;
	p0 =	seq.s32 s7, s2  }
0x1e: {  	s7 =	smul.u32 @!p0 $0xF7A, s2;
	p2 =	seq.s32 @!p0 s5, $0x0  }
0x1f: {  	s9 =	smul.u32 $0xF7A, s1;
	s8 =	simm.s32 @!p0 $0x1BF5;
	p2 =	por !p2, p0  }
0x20: {  	[sflag:s8] =	ssyncset.s32 @!p0 $0xFFFFF086;
	s6 =	sadd.s32 @!p0 s3, s7;
	s7 =	simm.s32 @!p0 $0x108  }
0x21: {  	s3 =	sadd.s32 s3, s9;
	s6 =	sadd.s32 @!p0 $0x88, s6;
	s7 =	simm.s32 @p2 $0x1082  }
0x22: {  	[simem:s7], [sflag:s8] =	dma.local @!p0 [hbm:s6], $0xF7A  }
0x23: {  	s9 =	sor.u32 $0xD0000000, s2;
	s6 =	simm.s32 $0x108;
	_ =	swait.ge @!p0 [sflag:s8], $0x0  }
0x24: {  	s3 =	sadd.s32 $0x88, s3;
	s6 =	simm.s32 @!p1 $0x1082;
	[sflag:s4] =	ssyncset.s32 $0xFFFFF086  }
0x25: {  	[simem:s6], [sflag:s4] =	dma.local [hbm:s3], $0xF7A  }
0x26: {  	[smem:$0x3F8F] =	sst s1;
	(tag) =	ssettag s2;
	_ =	strace s9  }
0x27: {  	s1 =	sld [smem:$0x3F9F]  }
0x28: {  	s2 =	sld [smem:$0x3FA0]  }
0x29: {  	s4 =	sld [smem:$0x3FA2]  }
0x2a: {  	p0 =	seq.s32 s5, $0x0;
	s5 =	sld [smem:$0x3FA3]  }
0x2b: {  	s6 =	sld [smem:$0x3FA4]  }
0x2c: {  	s7 =	sld [smem:$0x3FA5]  }
0x2d: {  	s3 =	simm.s32 $0x108;
	s8 =	sld [smem:$0x3FA6]  }
0x2e: {  	s3 =	simm.s32 @!p0 $0x1082;
	s9 =	sld [smem:$0x3FA7]  }
0x2f: {  	lr =	sadd.s32 s0, s3;
	s0 =	sld [smem:$0x3F9E]  }
0x30: {  	s3 =	sld [smem:$0x3FA1]  }
0x31: {  	[smem:$0x3FAA] =	sst s10  }
0x32: {  	s10 =	sld [smem:$0x3FA8];
	_ =	sdelay $0x3  }
0x33: {  	p0 =	seq.s32 s10, $0x1;
	s10 =	sld [smem:$0x3FAA];
	_ =	sdelay $0x3  }
0x34: {  	[smem:$0x3FAA] =	sst s10  }
0x35: {  	s10 =	sld [smem:$0x3FA9];
	_ =	sdelay $0x3  }
0x36: {  	p1 =	seq.s32 s10, $0x1;
	s10 =	sld [smem:$0x3FAA];
	_ =	sdelay $0x3  }
0x37: {  	[smem:$0x3FAA] =	sst s10  }
0x38: {  	s10 =	sld [smem:$0x3FAB]  }
0x39: {  	_ = 	snop;
	(pc) =	sbr.ind lr, $3  }
0x3a: {  	_ = 	snop  }
0x3b: {  	_ = 	snop  }
0x3c: {  	p2 =	seq.s32 s10, $0x1;
	s10 =	sld [smem:$0x3FAA]  }
0x3d: {  	_ =	shalt  }
0x3e: {  	_ =	shalt  }
0x3f: {  	_ =	shalt  }
0x40: {  	_ =	shalt  }
0x41: {  	_ =	shalt  }
0x42: {  	_ =	shalt  }
0x43: {  	_ =	shalt  }
0x44: {  	_ =	shalt  }
0x45: {  	_ =	shalt  }
0x46: {  	_ =	shalt  }
0x47: {  	_ =	shalt  }
0x48: {  	_ =	shalt  }
0x49: {  	_ =	shalt  }
0x4a: {  	_ =	shalt  }
0x4b: {  	_ =	shalt  }
0x4c: {  	_ =	shalt  }
0x4d: {  	_ =	shalt  }
0x4e: {  	_ =	shalt  }
0x4f: {  	_ =	shalt  }
0x50: {  	_ =	shalt  }
0x51: {  	_ =	shalt  }
0x52: {  	_ =	shalt  }
0x53: {  	_ =	shalt  }
0x54: {  	_ =	shalt  }
0x55: {  	_ =	shalt  }
0x56: {  	_ =	shalt  }
0x57: {  	_ =	shalt  }
0x58: {  	_ =	shalt  }
0x59: {  	_ =	shalt  }
0x5a: {  	_ =	shalt  }
0x5b: {  	_ =	shalt  }
0x5c: {  	_ =	shalt  }
0x5d: {  	_ =	shalt  }
0x5e: {  	_ =	shalt  }
0x5f: {  	_ =	shalt  }
0x60: {  	_ =	shalt  }
0x61: {  	_ =	shalt  }
0x62: {  	_ =	shalt  }
0x63: {  	_ =	shalt  }
0x64: {  	_ =	shalt  }
0x65: {  	_ =	shalt  }
0x66: {  	_ =	shalt  }
0x67: {  	_ =	shalt  }
0x68: {  	_ =	shalt  }
0x69: {  	_ =	shalt  }
0x6a: {  	_ =	shalt  }
0x6b: {  	_ =	shalt  }
0x6c: {  	_ =	shalt  }
0x6d: {  	_ =	shalt  }
0x6e: {  	_ =	shalt  }
0x6f: {  	_ =	shalt  }
0x70: {  	_ =	shalt  }
0x71: {  	_ =	shalt  }
0x72: {  	_ =	shalt  }
0x73: {  	_ =	shalt  }
0x74: {  	_ =	shalt  }
0x75: {  	_ =	shalt  }
0x76: {  	_ =	shalt  }
0x77: {  	_ =	shalt  }
0x78: {  	_ =	shalt  }
0x79: {  	_ =	shalt  }
0x7a: {  	_ =	shalt  }
0x7b: {  	_ =	shalt  }
0x7c: {  	_ =	shalt  }
0x7d: {  	_ =	shalt  }
0x7e: {  	_ =	shalt  }
0x7f: {  	_ =	shalt  }
0x80: {  	_ =	shalt  }
0x81: {  	_ =	shalt  }
0x82: {  	_ =	shalt  }
0x83: {  	_ =	shalt  }
0x84: {  	_ =	shalt  }
0x85: {  	_ =	shalt  }
0x86: {  	_ =	shalt  }
0x87: {  	_ =	shalt  }
.Lfunc_end0:
.L_simem_size_0:
called_computation.1_lowered:
.L_overlay_start_0:
0x88: {  	s2 =	sld [smem:$0x3FD9]  }
0x89: {  	s3 =	sld [smem:$0x3FFE];
	_ =	sdelay $0x1  }
0x8a: {  	s1 =	srdreg.scid  }
0x8b: {  	s0 =	sand.u32 $0x1, s1  }
0x8c: {  	s16 =	sshll.u32 s0, $0xA;
	s2 =	sadd.s32 s3, s2  }
0x8d: {  	s2 =	sadd.s32 s2, s16  }
0x8e: {  	[smem:$0x3FB6] =	sst s2  }
0x8f: {  	_ = 	snop  }
0x90: {  	(tm) =	ssettm $0x1  }
0x91: {  	s17 =	sld [smem:$0x3FFB];
	_ =	sdelay $0x3  }
0x92: {  	_ =	strace s17  }
0x93: {  	s2 =	sld [smem:$0x3FFC];
	_ =	sdelay $0x3  }
0x94: {  	_ =	strace s2  }
0x95: {  	s2 =	sld [smem:$0x3FFD];
	_ =	sdelay $0x3  }
0x96: {  	_ =	strace s2  }
0x97: {  	_ =	strace $0x8FFFFFFF  }
0x98: {  	s18 =	sld [smem:$0x3FDB];
	_ =	sdelay $0x1  }
0x99: {  	s19 =	simm.s32 $_scs_section_size  }
0x9a: {  	s4 =	simm.s32 $_size__tile_overlayer_lowered;
	s5 =	simm.s32 $_tile_overlayer_lowered  }
0x9b: {  	s22 =	simm.s32 $0x1BFF;
	s21 =	sshll.u32 s5, $0x1;
	s2 =	sadd.s32 s19, s18  }
0x9c: {  	s6 =	simm.s32 $0x0;
	s20 =	sshll.u32 s4, $0x1;
	s4 =	sadd.s32 s21, s2  }
0x9d: {  	[timem:s6], [sflag:s22] =	dma.local [hbm:s4], s20  }
0x9e: {  	_ =	swait.ge [sflag:s22], s20  }
0x9f: {  	s3 =	ssub.s32 $0x0, s20;
	[sflag:s22] =	ssyncset.done $0x0  }
0xa0: {  	[sflag:s22] =	ssyncadd.s32 s3;
	_ =	sdelay $0x1  }
0xa1: {  	s23 =	simm.s32 $0x1B8B  }
0xa2: {  	_ =	swait.ge [sflag:s23], $0x1  }
0xa3: {  	[sflag:s23] =	ssyncset.done $0x0  }
0xa4: {  	s25 =	simm.s32 $0x1B8E;
	s24 =	sld [smem:$0x3FFE];
	[sflag:s23] =	ssyncadd.s32 $0xFFFFFFFF  }
0xa5: {  	s26 =	simm.s32 $execute0_lowered;
	[smem:$0x3FD2] =	sst s25  }
0xa6: {  	s4 =	sshll.u32 s26, $0x1;
	_ =	strace $0x80000049;
	[dreg:$0x1] =	wrdreg $0xFFFFFFFF  }
0xa7: {  	s28 =	simm.s32 $_size_execute0_lowered;
	s2 =	sadd.s32 s2, s4;
	[dreg:$0x0] =	wrdreg $0x0  }
0xa8: {  	s4 =	sshll.u32 s28, $0x1;
	[dreg:$0x2] =	wrdreg s2  }
0xa9: {  	[dreg:$0x3] =	wrdreg s4  }
0xaa: {  	[dreg:$0x4] =	wrdreg $0xC0  }
0xab: {  	_ =	task [dreg:s6], $0x5FFFF  }
0xac: {  	[dreg:$0x1] =	wrdreg $0xFFFFFFFF  }
0xad: {  	[dreg:$0x0] =	wrdreg $0x60  }
0xae: {  	[dreg:$0x2] =	wrdreg s24  }
0xaf: {  	[dreg:$0x3] =	wrdreg $0x82000  }
0xb0: {  	[dreg:$0x4] =	wrdreg $0x9  }
0xb1: {  	_ =	task.clear_ibuf [dreg:s6], $0x5FFFF;
	_ =	strace $0x90000049  }
0xb2: {  	s29 =	simm.s32 $0x9;
	_ =	strace $0x8000004B  }
0xb3: {  	_ =	swait.ge [sflag:s29], $0x1  }
0xb4: {  	[sflag:s29] =	ssyncadd.s32 $0xFFFFFFFF  }
0xb5: {  	_ =	strace $0x9000004B  }
0xb6: {  	_ =	sfence  }
0xb7: {  	s30 =	sld [smem:$0x0];
	_ =	sdelay $0x2  }
0xb8: {  	s31 =	sshll.u32 s1, $0xD;
	s1 =	sshrl.u32 s1, $0x2  }
0xb9: {  	s3 =	sand.u32 $0x4000, s31;
	s1 =	sadd.s32 s1, s30  }
0xba: {  	s0 =	sor.u32 s3, s0;
	s1 =	sshll.u32 s1, $0x11  }
0xbb: {  	s0 =	sor.u32 s1, s0  }
0xbc: {  	s0 =	sadd.s32 $0x8F2B, s0  }
0xbd: {  	[sflag:s0] =	ssyncadd.remote.s32 $0x1  }
0xbe: {  	_ =	sfence.sel $0xFFFF  }
0xbf: {  	[dreg:$0x0] =	wrdreg $0xFFFFFFFF;
	(pc) =	sbr.abs _section_cstart, $3  }
0xc0: {  	[dreg:$0x1] =	wrdreg $0xFFFFFFFF  }
0xc1: {  	_ =	task.clear_ibuf [dreg:s6], $0x2FFFF;
	_ =	strace $0x9FFFFFFF  }
0xc2: {  	(tm) =	ssettm $0x7FFFFFFF  }
0xc3: {  	_ =	shalt  }
tec
execute0_lowered:
.L_overlay_start_1:
0x0: {  	(tag) =	ssettag $0x1  }
0x1: {  	s5 =	rddreg [dreg:$0x0]  }
0x2: {  	s2 =	rddreg [dreg:$0x1]  }
0x3: {  	s0 =	stileid.u32;
	s3 =	simm.s32 $0x0;
	s4 =	srdreg.scid  }
0x4: {  	s17 =	simm.s32 $0x7;
	s18 =	simm.s32 $0x80;
	s19 =	simm.s32 $0x100  }
0x5: {  	s20 =	simm.s32 $0x1;
	s21 =	simm.s32 $0x5;
	s6 =	smul.u32 $0x14, s0  }
0x6: {  	s22 =	simm.s32 $0x2;
	s7 =	sand.u32 $0x1, s4;
	s4 =	smul.u32 $0x8C, s0  }
0x7: {  	s23 =	simm.s32 $0x6;
	s24 =	simm.s32 $0x180;
	s8 =	smul.u32 $0x2800, s0  }
0x8: {  	s25 =	simm.s32 $0x4200;
	[smem:$0x7FF] =	sst s3;
	s10 =	smul.u32 $0x50000, s0  }
0x9: {  	p0 =	seq.s32 s7, $0x0;
	s9 =	smul.u32 $0x28000, s7;
	_ =	strace $0x8000004A  }
0xa: {  	s7 =	ssub.s32 $0x2, s7;
	s6 =	sadd.s32 $0x8C0, s6;
	s30 =	sshrl.u32 s10, $0x2  }
0xb: {  	s31 =	sshrl.u32 s7, $0x1;
	s6 =	smov.u32 @p0 s4;
	s4 =	sadd.s32 $0x6A600, s5  }
0xc: {  	s29 =	sadd.s32 s8, s9;
	s15 =	ssub.s32 s7, s31;
	s6 =	sshll.u32 s6, $0x4  }
0xd: {  	s14 =	sadd.s32 s29, s5;
	s15 =	smax.u32 s15, $0x1;
	s13 =	sadd.s32 s6, s5  }
0xe: {  	s5 =	simm.s32 $0x8C;
	s6 =	sadd.s32 s30, s2;
	s14 =	sadd.s32 $0x92600, s14  }
0xf: {  	s5 =	simm.s32 @!p0 $0x14;
	s7 =	sadd.s32 $0x4000, s6;
	s8 =	sadd.s32 $0x8000, s6  }
0x10: {  	s9 =	sadd.s32 $0xC000, s6;
	s10 =	sadd.s32 $0x10000, s6;
	s16 =	sshll.u32 s5, $0x4  }
0x11: {  	s11 =	sadd.s32 $0x60600, s13;
	s12 =	sadd.s32 $0x60610, s13;
	s16 =	sadd.s32 $0xFFFFFFE0, s16  }
0x12: {  	v0 =	vimm.f32 $0.0e+00;
	s13 =	sadd.s32 $0x6600, s13;
	[dreg:$0x3] =	wrdreg s16;
	s16 =	simm.s32 $0x200  }
.LBB2_1:
0x13: {  	s26 =	simm.s32 $0x0;
	s28 =	simm.s32 $0x200  }
.LBB2_2:
0x14: {  	p0 =	sne.s32 s28, $0xFE00;
	[tilespmem:s26+$0x270] =	vst v0  }
0x15: {  	[tilespmem:s26+$0x200] =	vst v0  }
0x16: {  	[tilespmem:s26+$0x210] =	vst v0  }
.Ltmp0:
0x17: {  	[tilespmem:s26+$0x220] =	vst v0;
	(pc) =	sbr.rel @p0 .LBB2_2-.Ltmp0, $4  }
0x18: {  	[tilespmem:s26+$0x230] =	vst v0  }
0x19: {  	[tilespmem:s26+$0x240] =	vst v0  }
0x1a: {  	[tilespmem:s26+$0x250] =	vst v0  }
0x1b: {  	[tilespmem:s26+$0x260] =	vst v0;
	s26 =	sshra.s32 s28, $0x2;
	s28 =	sadd.s32 $0x200, s28  }
0x1c: {  	[tilespmem:s26+$0x270] =	vst v0  }
0x1d: {  	[tilespmem:s26+$0x200] =	vst v0  }
0x1e: {  	[tilespmem:s26+$0x210] =	vst v0  }
0x1f: {  	[tilespmem:s26+$0x220] =	vst v0  }
0x20: {  	[tilespmem:s26+$0x230] =	vst v0  }
0x21: {  	[tilespmem:s26+$0x240] =	vst v0  }
0x22: {  	[tilespmem:s26+$0x250] =	vst v0  }
0x23: {  	[tilespmem:s26+$0x260] =	vst v0  }
0x24: {  	[spmem:s6] =	stream.linear.scatter [tilespmem:s16], [sflag:$0x7], $0x4000, $0x38;
	[tilespmem:$0x1C200] =	vst v63  }
0x25: {  	_ =	swait.ge [sflag:s17], $0x4000  }
0x26: {  	[sflag:s17] =	ssyncset.done $0x0  }
0x27: {  	[sflag:s17] =	ssyncadd.s32 $0xFFFFC000  }
0x28: {  	[spmem:s7] =	stream.linear.scatter [tilespmem:s16], [sflag:$0x7], $0x4000, $0x38;
	[tilespmem:$0x1C200] =	vst v63  }
0x29: {  	_ =	swait.ge [sflag:s17], $0x4000  }
0x2a: {  	[sflag:s17] =	ssyncset.done $0x0  }
0x2b: {  	[sflag:s17] =	ssyncadd.s32 $0xFFFFC000  }
0x2c: {  	[spmem:s8] =	stream.linear.scatter [tilespmem:s16], [sflag:$0x7], $0x4000, $0x38;
	[tilespmem:$0x1C200] =	vst v63  }
0x2d: {  	_ =	swait.ge [sflag:s17], $0x4000  }
0x2e: {  	[sflag:s17] =	ssyncset.done $0x0  }
0x2f: {  	[sflag:s17] =	ssyncadd.s32 $0xFFFFC000  }
0x30: {  	[spmem:s9] =	stream.linear.scatter [tilespmem:s16], [sflag:$0x7], $0x4000, $0x38;
	[tilespmem:$0x1C200] =	vst v63  }
0x31: {  	_ =	swait.ge [sflag:s17], $0x4000  }
0x32: {  	[sflag:s17] =	ssyncset.done $0x0  }
0x33: {  	[sflag:s17] =	ssyncadd.s32 $0xFFFFC000  }
0x34: {  	[spmem:s10] =	stream.linear.scatter [tilespmem:s16], [sflag:$0x7], $0x4000, $0x38;
	[tilespmem:$0x1C200] =	vst v63  }
0x35: {  	_ =	swait.ge [sflag:s17], $0x4000  }
0x36: {  	[sflag:s17] =	ssyncset.done $0x0  }
0x37: {  	[sflag:s17] =	ssyncadd.s32 $0xFFFFC000  }
0x38: {  	s26 =	simm.s32 $0x0;
	[bflag:$0x0] =	sbarrier.arrive $0xFFFF  }
0x39: {  	[tilespmem:s26], [sflag:$0x7] =	stream.linear.gather [hbm4b:s11+s26], $0x80, $0x38;
	[tilespmem:$0x1C200] =	vst v63  }
0x3a: {  	_ =	swait.ge [sflag:s17], $0x80  }
0x3b: {  	[sflag:s17] =	ssyncset.done $0x0  }
0x3c: {  	[sflag:s17] =	ssyncadd.s32 $0xFFFFFF80  }
0x3d: {  	[tilespmem:s16], [sflag:$0x1] =	stream.indirect.gather [hbm4b:s4+s18], $0x80, s26, s18, $0xb8;
	[tilespmem:$0x1C200] =	vst v63  }
0x3e: {  	_ = 	snop  }
0x3f: {  	[tilespmem:s18], [sflag:$0x4] =	stream.linear.gather [hbm4b:s12+s26], $0x80, $0x38;
	[tilespmem:$0x1C200] =	vst v63  }
0x40: {  	s28 =	simm.s32 $0x3  }
0x41: {  	[tilespmem:s19], [sflag:$0x5] =	stream.linear.gather [hbm4b:s13+s26], $0x80, $0x38;
	[tilespmem:$0x1C200] =	vst v63  }
.LBB2_4:
0x42: {  	s29 =	sadd.s32 $0xFFFFFFFF, s28  }
0x43: {  	_ =	swait.ge [sflag:s20], $0x4000;
	p1 =	sge.u32 s29, s5  }
0x44: {  	[sflag:s20] =	ssyncset.done $0x0;
	s29 =	sadd.s32 @!p1 s26, s11  }
0x45: {  	[sflag:s20] =	ssyncadd.s32 $0xFFFFC000;
	s31 =	simm.s32 @!p1 $0x0;
	s29 =	sadd.s32 @!p1 $0x20, s29  }
0x46: {  	[tilespmem:s31], [sflag:$0x3] =	stream.linear.gather @!p1 [hbm4b:s29+s31], $0x80, $0x38;
	[tilespmem:$0x1C200] =	vst v63  }
0x47: {  	s29 =	sadd.s32 $0xFFFFFFFE, s28  }
0x48: {  	p0 =	sge.u32 s29, s5  }
0x49: {  	s29 =	simm.s32 @!p0 $0x4  }
0x4a: {  	_ =	swait.ge @!p0 [sflag:s29], $0x80  }
0x4b: {  	[sflag:s29] =	ssyncset.done @!p0 $0x0  }
0x4c: {  	s30 =	simm.s32 @!p0 $0x4200;
	[sflag:s29] =	ssyncadd.s32 @!p0 $0xFFFFFF80;
	s29 =	simm.s32 @!p0 $0x80  }
0x4d: {  	[tilespmem:s30], [sflag:$0x2] =	stream.indirect.gather @!p0 [hbm4b:s4+s29], $0x80, s29, s29, $0xb8;
	[tilespmem:$0x1C200] =	vst v63  }
0x4e: {  	s29 =	sadd.s32 @!p0 s26, s13  }
0x4f: {  	s0 =	simm.s32 @!p0 $0x180;
	s30 =	simm.s32 @!p0 $0x0;
	s29 =	sadd.s32 @!p0 $0x10, s29  }
0x50: {  	[tilespmem:s0], [sflag:$0x6] =	stream.linear.gather @!p0 [hbm4b:s29+s30], $0x80, $0x38;
	[tilespmem:$0x1C200] =	vst v63  }
0x51: {  	_ =	swait.ge [sflag:s21], $0x80  }
0x52: {  	[sflag:s21] =	ssyncset.done $0x0  }
0x53: {  	[sflag:s21] =	ssyncadd.s32 $0xFFFFFF80  }
0x54: {  	[spmem:s2] =	stream.indirect.scatter.add.f32 [tilespmem:s16], [sflag:$0x7], $0x80, s19, s18, $0xb8;
	[tilespmem:$0x1C200] =	vst v63  }
0x55: {  	_ =	swait.ge [sflag:s17], $0x4000  }
0x56: {  	[sflag:s17] =	ssyncset.done $0x0  }
0x57: {  	[sflag:s17] =	ssyncadd.s32 $0xFFFFC000  }
0x58: {  	p0 =	sge.u32 s28, s5;
	_ =	swait.ge [sflag:s22], $0x4000  }
0x59: {  	s0 =	sadd.s32 @!p0 s26, s11;
	s29 =	simm.s32 @!p0 $0x0;
	[sflag:s22] =	ssyncset.done $0x0  }
0x5a: {  	s30 =	simm.s32 @!p0 $0x80;
	s0 =	sadd.s32 @!p0 $0x30, s0;
	[sflag:s22] =	ssyncadd.s32 $0xFFFFC000  }
0x5b: {  	[tilespmem:s30], [sflag:$0x4] =	stream.linear.gather @!p0 [hbm4b:s0+s29], $0x80, $0x38;
	[tilespmem:$0x1C200] =	vst v63  }
0x5c: {  	s0 =	simm.s32 @!p1 $0x3  }
0x5d: {  	_ =	swait.ge @!p1 [sflag:s0], $0x80  }
0x5e: {  	[sflag:s0] =	ssyncset.done @!p1 $0x0  }
0x5f: {  	s1 =	simm.s32 @!p1 $0x200;
	[sflag:s0] =	ssyncadd.s32 @!p1 $0xFFFFFF80;
	s0 =	simm.s32 @!p1 $0x80  }
0x60: {  	[tilespmem:s1], [sflag:$0x1] =	stream.indirect.gather @!p1 [hbm4b:s4+s0], $0x80, s31, s0, $0xb8;
	[tilespmem:$0x1C200] =	vst v63  }
0x61: {  	s0 =	sadd.s32 @!p1 s26, s13  }
0x62: {  	s1 =	simm.s32 @!p1 $0x100;
	s0 =	sadd.s32 @!p1 $0x20, s0  }
0x63: {  	[tilespmem:s1], [sflag:$0x5] =	stream.linear.gather @!p1 [hbm4b:s0+s31], $0x80, $0x38;
	[tilespmem:$0x1C200] =	vst v63  }
0x64: {  	_ =	swait.ge [sflag:s23], $0x80  }
0x65: {  	[sflag:s23] =	ssyncset.done $0x0  }
0x66: {  	[sflag:s23] =	ssyncadd.s32 $0xFFFFFF80  }
0x67: {  	[spmem:s2] =	stream.indirect.scatter.add.f32 [tilespmem:s25], [sflag:$0x7], $0x80, s24, s18, $0xb8;
	[tilespmem:$0x1C200] =	vst v63  }
0x68: {  	_ =	swait.ge [sflag:s17], $0x4000  }
0x69: {  	s26 =	sadd.s32 $0x20, s26;
	s31 =	rddreg [dreg:$0x3]  }
0x6a: {  	p1 =	sne.s32 s31, s26  }
.Ltmp1:
0x6b: {  	_ = 	snop;
	(pc) =	sbr.rel @p1 .LBB2_4-.Ltmp1, $3  }
0x6c: {  	_ =	sdelay $0x1  }
0x6d: {  	[sflag:s17] =	ssyncset.done $0x0  }
0x6e: {  	s28 =	sadd.s32 $0x2, s28;
	[sflag:s17] =	ssyncadd.s32 $0xFFFFC000  }
0x6f: {  	s0 =	sadd.s32 $0xFFFFFFFF, s28  }
0x70: {  	_ =	swait.ge [sflag:s20], $0x4000;
	p1 =	sge.u32 s0, s5  }
0x71: {  	[sflag:s20] =	ssyncset.done $0x0;
	s0 =	sadd.s32 @!p1 s26, s11  }
0x72: {  	[sflag:s20] =	ssyncadd.s32 $0xFFFFC000;
	s1 =	simm.s32 @!p1 $0x0;
	s0 =	sadd.s32 @!p1 $0x20, s0  }
0x73: {  	[tilespmem:s1], [sflag:$0x3] =	stream.linear.gather @!p1 [hbm4b:s0+s1], $0x80, $0x38;
	[tilespmem:$0x1C200] =	vst v63  }
0x74: {  	s0 =	simm.s32 @!p0 $0x4  }
0x75: {  	_ =	swait.ge @!p0 [sflag:s0], $0x80  }
0x76: {  	[sflag:s0] =	ssyncset.done @!p0 $0x0  }
0x77: {  	[sflag:s0] =	ssyncadd.s32 @!p0 $0xFFFFFF80;
	s0 =	simm.s32 @!p0 $0x4200  }
0x78: {  	[tilespmem:s0], [sflag:$0x2] =	stream.indirect.gather @!p0 [hbm4b:s4+s30], $0x80, s30, s30, $0xb8;
	[tilespmem:$0x1C200] =	vst v63  }
0x79: {  	s0 =	sadd.s32 @!p0 s26, s13  }
0x7a: {  	s30 =	simm.s32 @!p0 $0x180;
	s0 =	sadd.s32 @!p0 $0x10, s0  }
0x7b: {  	[tilespmem:s30], [sflag:$0x6] =	stream.linear.gather @!p0 [hbm4b:s0+s29], $0x80, $0x38;
	[tilespmem:$0x1C200] =	vst v63  }
0x7c: {  	_ =	swait.ge [sflag:s21], $0x80  }
0x7d: {  	[sflag:s21] =	ssyncset.done $0x0  }
0x7e: {  	[sflag:s21] =	ssyncadd.s32 $0xFFFFFF80  }
0x7f: {  	[spmem:s2] =	stream.indirect.scatter.add.f32 [tilespmem:s16], [sflag:$0x7], $0x80, s19, s18, $0xb8;
	[tilespmem:$0x1C200] =	vst v63  }
0x80: {  	_ =	swait.ge [sflag:s17], $0x4000  }
0x81: {  	[sflag:s17] =	ssyncset.done $0x0  }
0x82: {  	[sflag:s17] =	ssyncadd.s32 $0xFFFFC000  }
0x83: {  	p0 =	sge.u32 s28, s5;
	_ =	swait.ge [sflag:s22], $0x4000  }
0x84: {  	s0 =	sadd.s32 @!p0 s26, s11;
	s28 =	simm.s32 @!p0 $0x0;
	[sflag:s22] =	ssyncset.done $0x0  }
0x85: {  	s29 =	simm.s32 @!p0 $0x80;
	s0 =	sadd.s32 @!p0 $0x30, s0;
	[sflag:s22] =	ssyncadd.s32 $0xFFFFC000  }
0x86: {  	[tilespmem:s29], [sflag:$0x4] =	stream.linear.gather @!p0 [hbm4b:s0+s28], $0x80, $0x38;
	[tilespmem:$0x1C200] =	vst v63  }
0x87: {  	s0 =	simm.s32 @!p1 $0x3  }
0x88: {  	_ =	swait.ge @!p1 [sflag:s0], $0x80  }
0x89: {  	[sflag:s0] =	ssyncset.done @!p1 $0x0  }
0x8a: {  	s28 =	simm.s32 @!p1 $0x200;
	[sflag:s0] =	ssyncadd.s32 @!p1 $0xFFFFFF80;
	s0 =	simm.s32 @!p1 $0x80  }
0x8b: {  	[tilespmem:s28], [sflag:$0x1] =	stream.indirect.gather @!p1 [hbm4b:s4+s0], $0x80, s1, s0, $0xb8;
	[tilespmem:$0x1C200] =	vst v63  }
0x8c: {  	s0 =	sadd.s32 @!p1 s26, s13  }
0x8d: {  	s26 =	simm.s32 @!p1 $0x100;
	s0 =	sadd.s32 @!p1 $0x20, s0  }
0x8e: {  	[tilespmem:s26], [sflag:$0x5] =	stream.linear.gather @!p1 [hbm4b:s0+s1], $0x80, $0x38;
	[tilespmem:$0x1C200] =	vst v63  }
0x8f: {  	_ =	swait.ge [sflag:s23], $0x80  }
0x90: {  	[sflag:s23] =	ssyncset.done $0x0  }
0x91: {  	[sflag:s23] =	ssyncadd.s32 $0xFFFFFF80  }
0x92: {  	[spmem:s2] =	stream.indirect.scatter.add.f32 [tilespmem:s25], [sflag:$0x7], $0x80, s24, s18, $0xb8;
	[tilespmem:$0x1C200] =	vst v63  }
0x93: {  	s31 =	sshrl.u32 s6, $0x3;
	_ =	swait.ge [sflag:s17], $0x4000  }
0x94: {  	s3 =	sadd.s32 $0x1, s3;
	s30 =	stileid.u32;
	[sflag:s17] =	ssyncset.done $0x0  }
0x95: {  	p0 =	sne.s32 s3, s15;
	s0 =	sshll.u32 s30, $0x6;
	[sflag:s17] =	ssyncadd.s32 $0xFFFFC000  }
.Ltmp2:
0x96: {  	s0 =	sor.u32 $0x1C07, s0;
	[bflag:$0x0] =	sbarrier.arrive $0xFFFF;
	(pc) =	sbr.rel @p0 .LBB2_1-.Ltmp2, $4  }
0x97: {  	[hbm:s14], [sflag:s0] =	dma.local [spmem:s31], $0x2800  }
0x98: {  	_ =	swait.ge [sflag:s17], $0x2800  }
0x99: {  	[sflag:s17] =	ssyncset.done $0x0  }
0x9a: {  	[sflag:s17] =	ssyncadd.s32 $0xFFFFD800  }
0x9b: {  	_ =	sfence.sel $0x180000  }
0x9c: {  	[bflag:$0x0] =	sbarrier.arrive $0xFFFF  }
0x9d: {  	_ =	strace $0x9000004A  }
0x9e: {  	s0 =	stileid.u32;
	[bflag:$0x2] =	sbarrier.arrive $0xFFFF  }
0x9f: {  	p0 =	sne.s32 s0, $0x0;
	s0 =	rddreg [dreg:$0x2]  }
0xa0: {  	s0 =	sadd.s32 @!p0 $0x100000, s0  }
0xa1: {  	[sflag:s0] =	ssyncadd.tile.s32 @!p0 $0x1;
	_ =	shalt  }
.Lfunc_end2:
_tile_overlayer_lowered:
.L_overlay_start_2:
0xa2: {  	(tag) =	ssettag $0x2  }
0xa3: {  	s0 =	rddreg [dreg:$0x0];
	s2 =	stileid.u32  }
0xa4: {  	s1 =	rddreg [dreg:$0x1];
	p0 =	sne.s32 s2, $0x0  }
0xa5: {  	s3 =	rddreg [dreg:$0x2];
	[bflag:$0x3] =	sbarrier.arrive $0xFFFF;
	s2 =	simm.s32 @!p0 $0x1C07  }
0xa6: {  	[timem:s3], [sflag:s2] =	dma.local @!p0 [hbm:s0], s1  }
0xa7: {  	s0 =	simm.s32 @!p0 $0x7  }
0xa8: {  	_ =	swait.ge @!p0 [sflag:s0], s1  }
0xa9: {  	s1 =	ssub.s32 @!p0 $0x0, s1;
	[sflag:s0] =	ssyncset.done @!p0 $0x0  }
0xaa: {  	[sflag:s0] =	ssyncadd.s32 @!p0 s1  }
0xab: {  	[bflag:$0x3] =	sbarrier.arrive $0xFFFF  }
0xac: {  	_ =	shalt  }

// kernel: kernel.18.cloned.1.call-start
scs
__scs_entry_jumppad:
0x0: {  	(pc) =	sbr.rel $0x88, $3  }
0x1: {  	(tag) =	ssettag $0x0;
	lr =	simm.s32 $0x1  }
0x2: {  	[smem:$0x3F8F] =	sst lr;
	_ =	strace $0xD0000000  }
0x3: {  	_ = 	snop  }
0x4: {  	_ = 	snop  }
0x5: {  	_ = 	snop  }
0x6: {  	_ = 	snop  }
0x7: {  	_ = 	snop  }
__scs_overlays_trampoline_lowered:
0x8: {  	[smem:$0x3F9E] =	sst s0  }
0x9: {  	[smem:$0x3F9F] =	sst s1  }
0xa: {  	[smem:$0x3FA0] =	sst s2  }
0xb: {  	[smem:$0x3FA1] =	sst s3  }
0xc: {  	[smem:$0x3FA2] =	sst s4  }
0xd: {  	[smem:$0x3FA3] =	sst s5  }
0xe: {  	[smem:$0x3FA4] =	sst s6  }
0xf: {  	[smem:$0x3FA5] =	sst s7  }
0x10: {  	[smem:$0x3FA6] =	sst s8  }
0x11: {  	[smem:$0x3FA7] =	sst s9;
	s0 =	simm.s32 @!p0 $0x0  }
0x12: {  	s1 =	sld [smem:$0x3F8D];
	s0 =	simm.s32 @p0 $0x1  }
0x13: {  	[smem:$0x3FA8] =	sst s0;
	s0 =	simm.s32 @!p1 $0x0  }
0x14: {  	s2 =	sld [smem:$0x3F8C];
	s0 =	simm.s32 @p1 $0x1  }
0x15: {  	[smem:$0x3FA9] =	sst s0;
	s0 =	simm.s32 @!p2 $0x0  }
0x16: {  	s3 =	sld [smem:$0x3FDB];
	s0 =	simm.s32 @p2 $0x1  }
0x17: {  	s4 =	simm.s32 $0x1BF5;
	[smem:$0x3FAB] =	sst s0  }
0x18: {  	s0 =	sld [smem:$0x3F8E];
	_ =	swait.ge [sflag:s4], $0x0  }
0x19: {  	s7 =	sld [smem:$0x3F8F]  }
0x1a: {  	s8 =	sadd.s32 $0xFFFFE003, lr  }
0x1b: {  	s9 =	sadd.s32 $0xFFFFFEF7, lr;
	s5 =	simm.s32 $0xFFFFFFFF;
	p2 =	slt.u32 s8, $0xFFFFF086  }
0x1c: {  	p1 =	slt.u32 s9, $0xF7A;
	s5 =	simm.s32 @!p2 $0x0  }
0x1d: {  	s5 =	simm.s32 @p1 $0x1;
	p0 =	seq.s32 s7, s2  }
0x1e: {  	s7 =	smul.u32 @!p0 $0xF7A, s2;
	p2 =	seq.s32 @!p0 s5, $0x0  }
0x1f: {  	s9 =	smul.u32 $0xF7A, s1;
	s8 =	simm.s32 @!p0 $0x1BF5;
	p2 =	por !p2, p0  }
0x20: {  	[sflag:s8] =	ssyncset.s32 @!p0 $0xFFFFF086;
	s6 =	sadd.s32 @!p0 s3, s7;
	s7 =	simm.s32 @!p0 $0x108  }
0x21: {  	s3 =	sadd.s32 s3, s9;
	s6 =	sadd.s32 @!p0 $0x88, s6;
	s7 =	simm.s32 @p2 $0x1082  }
0x22: {  	[simem:s7], [sflag:s8] =	dma.local @!p0 [hbm:s6], $0xF7A  }
0x23: {  	s9 =	sor.u32 $0xD0000000, s2;
	s6 =	simm.s32 $0x108;
	_ =	swait.ge @!p0 [sflag:s8], $0x0  }
0x24: {  	s3 =	sadd.s32 $0x88, s3;
	s6 =	simm.s32 @!p1 $0x1082;
	[sflag:s4] =	ssyncset.s32 $0xFFFFF086  }
0x25: {  	[simem:s6], [sflag:s4] =	dma.local [hbm:s3], $0xF7A  }
0x26: {  	[smem:$0x3F8F] =	sst s1;
	(tag) =	ssettag s2;
	_ =	strace s9  }
0x27: {  	s1 =	sld [smem:$0x3F9F]  }
0x28: {  	s2 =	sld [smem:$0x3FA0]  }
0x29: {  	s4 =	sld [smem:$0x3FA2]  }
0x2a: {  	p0 =	seq.s32 s5, $0x0;
	s5 =	sld [smem:$0x3FA3]  }
0x2b: {  	s6 =	sld [smem:$0x3FA4]  }
0x2c: {  	s7 =	sld [smem:$0x3FA5]  }
0x2d: {  	s3 =	simm.s32 $0x108;
	s8 =	sld [smem:$0x3FA6]  }
0x2e: {  	s3 =	simm.s32 @!p0 $0x1082;
	s9 =	sld [smem:$0x3FA7]  }
0x2f: {  	lr =	sadd.s32 s0, s3;
	s0 =	sld [smem:$0x3F9E]  }
0x30: {  	s3 =	sld [smem:$0x3FA1]  }
0x31: {  	[smem:$0x3FAA] =	sst s10  }
0x32: {  	s10 =	sld [smem:$0x3FA8];
	_ =	sdelay $0x3  }
0x33: {  	p0 =	seq.s32 s10, $0x1;
	s10 =	sld [smem:$0x3FAA];
	_ =	sdelay $0x3  }
0x34: {  	[smem:$0x3FAA] =	sst s10  }
0x35: {  	s10 =	sld [smem:$0x3FA9];
	_ =	sdelay $0x3  }
0x36: {  	p1 =	seq.s32 s10, $0x1;
	s10 =	sld [smem:$0x3FAA];
	_ =	sdelay $0x3  }
0x37: {  	[smem:$0x3FAA] =	sst s10  }
0x38: {  	s10 =	sld [smem:$0x3FAB]  }
0x39: {  	_ = 	snop;
	(pc) =	sbr.ind lr, $3  }
0x3a: {  	_ = 	snop  }
0x3b: {  	_ = 	snop  }
0x3c: {  	p2 =	seq.s32 s10, $0x1;
	s10 =	sld [smem:$0x3FAA]  }
0x3d: {  	_ =	shalt  }
0x3e: {  	_ =	shalt  }
0x3f: {  	_ =	shalt  }
0x40: {  	_ =	shalt  }
0x41: {  	_ =	shalt  }
0x42: {  	_ =	shalt  }
0x43: {  	_ =	shalt  }
0x44: {  	_ =	shalt  }
0x45: {  	_ =	shalt  }
0x46: {  	_ =	shalt  }
0x47: {  	_ =	shalt  }
0x48: {  	_ =	shalt  }
0x49: {  	_ =	shalt  }
0x4a: {  	_ =	shalt  }
0x4b: {  	_ =	shalt  }
0x4c: {  	_ =	shalt  }
0x4d: {  	_ =	shalt  }
0x4e: {  	_ =	shalt  }
0x4f: {  	_ =	shalt  }
0x50: {  	_ =	shalt  }
0x51: {  	_ =	shalt  }
0x52: {  	_ =	shalt  }
0x53: {  	_ =	shalt  }
0x54: {  	_ =	shalt  }
0x55: {  	_ =	shalt  }
0x56: {  	_ =	shalt  }
0x57: {  	_ =	shalt  }
0x58: {  	_ =	shalt  }
0x59: {  	_ =	shalt  }
0x5a: {  	_ =	shalt  }
0x5b: {  	_ =	shalt  }
0x5c: {  	_ =	shalt  }
0x5d: {  	_ =	shalt  }
0x5e: {  	_ =	shalt  }
0x5f: {  	_ =	shalt  }
0x60: {  	_ =	shalt  }
0x61: {  	_ =	shalt  }
0x62: {  	_ =	shalt  }
0x63: {  	_ =	shalt  }
0x64: {  	_ =	shalt  }
0x65: {  	_ =	shalt  }
0x66: {  	_ =	shalt  }
0x67: {  	_ =	shalt  }
0x68: {  	_ =	shalt  }
0x69: {  	_ =	shalt  }
0x6a: {  	_ =	shalt  }
0x6b: {  	_ =	shalt  }
0x6c: {  	_ =	shalt  }
0x6d: {  	_ =	shalt  }
0x6e: {  	_ =	shalt  }
0x6f: {  	_ =	shalt  }
0x70: {  	_ =	shalt  }
0x71: {  	_ =	shalt  }
0x72: {  	_ =	shalt  }
0x73: {  	_ =	shalt  }
0x74: {  	_ =	shalt  }
0x75: {  	_ =	shalt  }
0x76: {  	_ =	shalt  }
0x77: {  	_ =	shalt  }
0x78: {  	_ =	shalt  }
0x79: {  	_ =	shalt  }
0x7a: {  	_ =	shalt  }
0x7b: {  	_ =	shalt  }
0x7c: {  	_ =	shalt  }
0x7d: {  	_ =	shalt  }
0x7e: {  	_ =	shalt  }
0x7f: {  	_ =	shalt  }
0x80: {  	_ =	shalt  }
0x81: {  	_ =	shalt  }
0x82: {  	_ =	shalt  }
0x83: {  	_ =	shalt  }
0x84: {  	_ =	shalt  }
0x85: {  	_ =	shalt  }
0x86: {  	_ =	shalt  }
0x87: {  	_ =	shalt  }
.Lfunc_end0:
.L_simem_size_0:
called_computation.2_lowered:
.L_overlay_start_0:
0x88: {  	s2 =	sld [smem:$0x3FD9]  }
0x89: {  	s3 =	sld [smem:$0x3FFE];
	_ =	sdelay $0x1  }
0x8a: {  	s1 =	srdreg.scid  }
0x8b: {  	s0 =	sand.u32 $0x1, s1  }
0x8c: {  	s16 =	sshll.u32 s0, $0xA;
	s2 =	sadd.s32 s3, s2  }
0x8d: {  	s2 =	sadd.s32 s2, s16  }
0x8e: {  	[smem:$0x3FB6] =	sst s2  }
0x8f: {  	_ = 	snop  }
0x90: {  	(tm) =	ssettm $0x1  }
0x91: {  	s17 =	sld [smem:$0x3FFB];
	_ =	sdelay $0x3  }
0x92: {  	_ =	strace s17  }
0x93: {  	s2 =	sld [smem:$0x3FFC];
	_ =	sdelay $0x3  }
0x94: {  	_ =	strace s2  }
0x95: {  	s2 =	sld [smem:$0x3FFD];
	_ =	sdelay $0x3  }
0x96: {  	_ =	strace s2  }
0x97: {  	_ =	strace $0x8FFFFFFF  }
0x98: {  	s18 =	sld [smem:$0x3FDB];
	_ =	sdelay $0x1  }
0x99: {  	s19 =	simm.s32 $_scs_section_size  }
0x9a: {  	s4 =	simm.s32 $_size__tile_overlayer_lowered;
	s5 =	simm.s32 $_tile_overlayer_lowered  }
0x9b: {  	s22 =	simm.s32 $0x1BFF;
	s21 =	sshll.u32 s5, $0x1;
	s2 =	sadd.s32 s19, s18  }
0x9c: {  	s6 =	simm.s32 $0x0;
	s20 =	sshll.u32 s4, $0x1;
	s4 =	sadd.s32 s21, s2  }
0x9d: {  	[timem:s6], [sflag:s22] =	dma.local [hbm:s4], s20  }
0x9e: {  	_ =	swait.ge [sflag:s22], s20  }
0x9f: {  	s3 =	ssub.s32 $0x0, s20;
	[sflag:s22] =	ssyncset.done $0x0  }
0xa0: {  	[sflag:s22] =	ssyncadd.s32 s3;
	_ =	sdelay $0x1  }
0xa1: {  	s23 =	simm.s32 $0x1B8B  }
0xa2: {  	_ =	swait.ge [sflag:s23], $0x1  }
0xa3: {  	[sflag:s23] =	ssyncset.done $0x0  }
0xa4: {  	s25 =	simm.s32 $0x1B8E;
	s24 =	sld [smem:$0x3FFE];
	[sflag:s23] =	ssyncadd.s32 $0xFFFFFFFF  }
0xa5: {  	s26 =	simm.s32 $execute0_lowered;
	[smem:$0x3FD2] =	sst s25  }
0xa6: {  	s4 =	sshll.u32 s26, $0x1;
	_ =	strace $0x8000004C;
	[dreg:$0x1] =	wrdreg $0xFFFFFFFF  }
0xa7: {  	s28 =	simm.s32 $_size_execute0_lowered;
	s2 =	sadd.s32 s2, s4;
	[dreg:$0x0] =	wrdreg $0x0  }
0xa8: {  	s4 =	sshll.u32 s28, $0x1;
	[dreg:$0x2] =	wrdreg s2  }
0xa9: {  	[dreg:$0x3] =	wrdreg s4  }
0xaa: {  	[dreg:$0x4] =	wrdreg $0xC0  }
0xab: {  	_ =	task [dreg:s6], $0x5FFFF  }
0xac: {  	[dreg:$0x1] =	wrdreg $0xFFFFFFFF  }
0xad: {  	[dreg:$0x0] =	wrdreg $0x60  }
0xae: {  	[dreg:$0x2] =	wrdreg s24  }
0xaf: {  	[dreg:$0x3] =	wrdreg $0x82000  }
0xb0: {  	[dreg:$0x4] =	wrdreg $0x9  }
0xb1: {  	_ =	task.clear_ibuf [dreg:s6], $0x5FFFF;
	_ =	strace $0x9000004C  }
0xb2: {  	s29 =	simm.s32 $0x9;
	_ =	strace $0x8000004E  }
0xb3: {  	_ =	swait.ge [sflag:s29], $0x1  }
0xb4: {  	[sflag:s29] =	ssyncadd.s32 $0xFFFFFFFF  }
0xb5: {  	_ =	strace $0x9000004E  }
0xb6: {  	_ =	sfence  }
0xb7: {  	s30 =	sld [smem:$0x0];
	_ =	sdelay $0x2  }
0xb8: {  	s31 =	sshll.u32 s1, $0xD;
	s1 =	sshrl.u32 s1, $0x2  }
0xb9: {  	s3 =	sand.u32 $0x4000, s31;
	s1 =	sadd.s32 s1, s30  }
0xba: {  	s0 =	sor.u32 s3, s0;
	s1 =	sshll.u32 s1, $0x11  }
0xbb: {  	s0 =	sor.u32 s1, s0  }
0xbc: {  	s0 =	sadd.s32 $0x8F2B, s0  }
0xbd: {  	[sflag:s0] =	ssyncadd.remote.s32 $0x1  }
0xbe: {  	_ =	sfence.sel $0xFFFF  }
0xbf: {  	[dreg:$0x0] =	wrdreg $0xFFFFFFFF;
	(pc) =	sbr.abs _section_cstart, $3  }
0xc0: {  	[dreg:$0x1] =	wrdreg $0xFFFFFFFF  }
0xc1: {  	_ =	task.clear_ibuf [dreg:s6], $0x2FFFF;
	_ =	strace $0x9FFFFFFF  }
0xc2: {  	(tm) =	ssettm $0x7FFFFFFF  }
0xc3: {  	_ =	shalt  }
tec
execute0_lowered:
.L_overlay_start_1:
0x0: {  	(tag) =	ssettag $0x1  }
0x1: {  	s5 =	rddreg [dreg:$0x0]  }
0x2: {  	s2 =	rddreg [dreg:$0x1]  }
0x3: {  	s0 =	stileid.u32;
	s3 =	simm.s32 $0x0;
	s4 =	srdreg.scid  }
0x4: {  	s17 =	simm.s32 $0x7;
	s18 =	simm.s32 $0x80;
	s19 =	simm.s32 $0x100  }
0x5: {  	s20 =	simm.s32 $0x1;
	s21 =	simm.s32 $0x5;
	s6 =	smul.u32 $0x14, s0  }
0x6: {  	s22 =	simm.s32 $0x2;
	s7 =	sand.u32 $0x1, s4;
	s4 =	smul.u32 $0x8C, s0  }
0x7: {  	s23 =	simm.s32 $0x6;
	s24 =	simm.s32 $0x180;
	s8 =	smul.u32 $0x2800, s0  }
0x8: {  	s25 =	simm.s32 $0x4200;
	[smem:$0x7FF] =	sst s3;
	s10 =	smul.u32 $0x50000, s0  }
0x9: {  	p0 =	seq.s32 s7, $0x0;
	s9 =	smul.u32 $0x28000, s7;
	_ =	strace $0x8000004D  }
0xa: {  	s7 =	ssub.s32 $0x2, s7;
	s6 =	sadd.s32 $0x8C0, s6;
	s30 =	sshrl.u32 s10, $0x2  }
0xb: {  	s31 =	sshrl.u32 s7, $0x1;
	s6 =	smov.u32 @p0 s4;
	s4 =	sadd.s32 $0x6A600, s5  }
0xc: {  	s29 =	sadd.s32 s8, s9;
	s15 =	ssub.s32 s7, s31;
	s6 =	sshll.u32 s6, $0x4  }
0xd: {  	s14 =	sadd.s32 s29, s5;
	s15 =	smax.u32 s15, $0x1;
	s13 =	sadd.s32 s6, s5  }
0xe: {  	s5 =	simm.s32 $0x8C;
	s6 =	sadd.s32 s30, s2;
	s14 =	sadd.s32 $0x92600, s14  }
0xf: {  	s5 =	simm.s32 @!p0 $0x14;
	s7 =	sadd.s32 $0x4000, s6;
	s8 =	sadd.s32 $0x8000, s6  }
0x10: {  	s9 =	sadd.s32 $0xC000, s6;
	s10 =	sadd.s32 $0x10000, s6;
	s16 =	sshll.u32 s5, $0x4  }
0x11: {  	s11 =	sadd.s32 $0x60600, s13;
	s12 =	sadd.s32 $0x60610, s13;
	s16 =	sadd.s32 $0xFFFFFFE0, s16  }
0x12: {  	v0 =	vimm.f32 $0.0e+00;
	s13 =	sadd.s32 $0x6600, s13;
	[dreg:$0x3] =	wrdreg s16;
	s16 =	simm.s32 $0x200  }
.LBB2_1:
0x13: {  	s26 =	simm.s32 $0x0;
	s28 =	simm.s32 $0x200  }
.LBB2_2:
0x14: {  	p0 =	sne.s32 s28, $0xFE00;
	[tilespmem:s26+$0x270] =	vst v0  }
0x15: {  	[tilespmem:s26+$0x200] =	vst v0  }
0x16: {  	[tilespmem:s26+$0x210] =	vst v0  }
.Ltmp0:
0x17: {  	[tilespmem:s26+$0x220] =	vst v0;
	(pc) =	sbr.rel @p0 .LBB2_2-.Ltmp0, $4  }
0x18: {  	[tilespmem:s26+$0x230] =	vst v0  }
0x19: {  	[tilespmem:s26+$0x240] =	vst v0  }
0x1a: {  	[tilespmem:s26+$0x250] =	vst v0  }
0x1b: {  	[tilespmem:s26+$0x260] =	vst v0;
	s26 =	sshra.s32 s28, $0x2;
	s28 =	sadd.s32 $0x200, s28  }
0x1c: {  	[tilespmem:s26+$0x270] =	vst v0  }
0x1d: {  	[tilespmem:s26+$0x200] =	vst v0  }
0x1e: {  	[tilespmem:s26+$0x210] =	vst v0  }
0x1f: {  	[tilespmem:s26+$0x220] =	vst v0  }
0x20: {  	[tilespmem:s26+$0x230] =	vst v0  }
0x21: {  	[tilespmem:s26+$0x240] =	vst v0  }
0x22: {  	[tilespmem:s26+$0x250] =	vst v0  }
0x23: {  	[tilespmem:s26+$0x260] =	vst v0  }
0x24: {  	[spmem:s6] =	stream.linear.scatter [tilespmem:s16], [sflag:$0x7], $0x4000, $0x38;
	[tilespmem:$0x1C200] =	vst v63  }
0x25: {  	_ =	swait.ge [sflag:s17], $0x4000  }
0x26: {  	[sflag:s17] =	ssyncset.done $0x0  }
0x27: {  	[sflag:s17] =	ssyncadd.s32 $0xFFFFC000  }
0x28: {  	[spmem:s7] =	stream.linear.scatter [tilespmem:s16], [sflag:$0x7], $0x4000, $0x38;
	[tilespmem:$0x1C200] =	vst v63  }
0x29: {  	_ =	swait.ge [sflag:s17], $0x4000  }
0x2a: {  	[sflag:s17] =	ssyncset.done $0x0  }
0x2b: {  	[sflag:s17] =	ssyncadd.s32 $0xFFFFC000  }
0x2c: {  	[spmem:s8] =	stream.linear.scatter [tilespmem:s16], [sflag:$0x7], $0x4000, $0x38;
	[tilespmem:$0x1C200] =	vst v63  }
0x2d: {  	_ =	swait.ge [sflag:s17], $0x4000  }
0x2e: {  	[sflag:s17] =	ssyncset.done $0x0  }
0x2f: {  	[sflag:s17] =	ssyncadd.s32 $0xFFFFC000  }
0x30: {  	[spmem:s9] =	stream.linear.scatter [tilespmem:s16], [sflag:$0x7], $0x4000, $0x38;
	[tilespmem:$0x1C200] =	vst v63  }
0x31: {  	_ =	swait.ge [sflag:s17], $0x4000  }
0x32: {  	[sflag:s17] =	ssyncset.done $0x0  }
0x33: {  	[sflag:s17] =	ssyncadd.s32 $0xFFFFC000  }
0x34: {  	[spmem:s10] =	stream.linear.scatter [tilespmem:s16], [sflag:$0x7], $0x4000, $0x38;
	[tilespmem:$0x1C200] =	vst v63  }
0x35: {  	_ =	swait.ge [sflag:s17], $0x4000  }
0x36: {  	[sflag:s17] =	ssyncset.done $0x0  }
0x37: {  	[sflag:s17] =	ssyncadd.s32 $0xFFFFC000  }
0x38: {  	s26 =	simm.s32 $0x0;
	[bflag:$0x0] =	sbarrier.arrive $0xFFFF  }
0x39: {  	[tilespmem:s26], [sflag:$0x7] =	stream.linear.gather [hbm4b:s11+s26], $0x80, $0x38;
	[tilespmem:$0x1C200] =	vst v63  }
0x3a: {  	_ =	swait.ge [sflag:s17], $0x80  }
0x3b: {  	[sflag:s17] =	ssyncset.done $0x0  }
0x3c: {  	[sflag:s17] =	ssyncadd.s32 $0xFFFFFF80  }
0x3d: {  	[tilespmem:s16], [sflag:$0x1] =	stream.indirect.gather [hbm4b:s4+s18], $0x80, s26, s18, $0xb8;
	[tilespmem:$0x1C200] =	vst v63  }
0x3e: {  	_ = 	snop  }
0x3f: {  	[tilespmem:s18], [sflag:$0x4] =	stream.linear.gather [hbm4b:s12+s26], $0x80, $0x38;
	[tilespmem:$0x1C200] =	vst v63  }
0x40: {  	s28 =	simm.s32 $0x3  }
0x41: {  	[tilespmem:s19], [sflag:$0x5] =	stream.linear.gather [hbm4b:s13+s26], $0x80, $0x38;
	[tilespmem:$0x1C200] =	vst v63  }
.LBB2_4:
0x42: {  	s29 =	sadd.s32 $0xFFFFFFFF, s28  }
0x43: {  	_ =	swait.ge [sflag:s20], $0x4000;
	p1 =	sge.u32 s29, s5  }
0x44: {  	[sflag:s20] =	ssyncset.done $0x0;
	s29 =	sadd.s32 @!p1 s26, s11  }
0x45: {  	[sflag:s20] =	ssyncadd.s32 $0xFFFFC000;
	s31 =	simm.s32 @!p1 $0x0;
	s29 =	sadd.s32 @!p1 $0x20, s29  }
0x46: {  	[tilespmem:s31], [sflag:$0x3] =	stream.linear.gather @!p1 [hbm4b:s29+s31], $0x80, $0x38;
	[tilespmem:$0x1C200] =	vst v63  }
0x47: {  	s29 =	sadd.s32 $0xFFFFFFFE, s28  }
0x48: {  	p0 =	sge.u32 s29, s5  }
0x49: {  	s29 =	simm.s32 @!p0 $0x4  }
0x4a: {  	_ =	swait.ge @!p0 [sflag:s29], $0x80  }
0x4b: {  	[sflag:s29] =	ssyncset.done @!p0 $0x0  }
0x4c: {  	s30 =	simm.s32 @!p0 $0x4200;
	[sflag:s29] =	ssyncadd.s32 @!p0 $0xFFFFFF80;
	s29 =	simm.s32 @!p0 $0x80  }
0x4d: {  	[tilespmem:s30], [sflag:$0x2] =	stream.indirect.gather @!p0 [hbm4b:s4+s29], $0x80, s29, s29, $0xb8;
	[tilespmem:$0x1C200] =	vst v63  }
0x4e: {  	s29 =	sadd.s32 @!p0 s26, s13  }
0x4f: {  	s0 =	simm.s32 @!p0 $0x180;
	s30 =	simm.s32 @!p0 $0x0;
	s29 =	sadd.s32 @!p0 $0x10, s29  }
0x50: {  	[tilespmem:s0], [sflag:$0x6] =	stream.linear.gather @!p0 [hbm4b:s29+s30], $0x80, $0x38;
	[tilespmem:$0x1C200] =	vst v63  }
0x51: {  	_ =	swait.ge [sflag:s21], $0x80  }
0x52: {  	[sflag:s21] =	ssyncset.done $0x0  }
0x53: {  	[sflag:s21] =	ssyncadd.s32 $0xFFFFFF80  }
0x54: {  	[spmem:s2] =	stream.indirect.scatter.add.f32 [tilespmem:s16], [sflag:$0x7], $0x80, s19, s18, $0xb8;
	[tilespmem:$0x1C200] =	vst v63  }
0x55: {  	_ =	swait.ge [sflag:s17], $0x4000  }
0x56: {  	[sflag:s17] =	ssyncset.done $0x0  }
0x57: {  	[sflag:s17] =	ssyncadd.s32 $0xFFFFC000  }
0x58: {  	p0 =	sge.u32 s28, s5;
	_ =	swait.ge [sflag:s22], $0x4000  }
0x59: {  	s0 =	sadd.s32 @!p0 s26, s11;
	s29 =	simm.s32 @!p0 $0x0;
	[sflag:s22] =	ssyncset.done $0x0  }
0x5a: {  	s30 =	simm.s32 @!p0 $0x80;
	s0 =	sadd.s32 @!p0 $0x30, s0;
	[sflag:s22] =	ssyncadd.s32 $0xFFFFC000  }
0x5b: {  	[tilespmem:s30], [sflag:$0x4] =	stream.linear.gather @!p0 [hbm4b:s0+s29], $0x80, $0x38;
	[tilespmem:$0x1C200] =	vst v63  }
0x5c: {  	s0 =	simm.s32 @!p1 $0x3  }
0x5d: {  	_ =	swait.ge @!p1 [sflag:s0], $0x80  }
0x5e: {  	[sflag:s0] =	ssyncset.done @!p1 $0x0  }
0x5f: {  	s1 =	simm.s32 @!p1 $0x200;
	[sflag:s0] =	ssyncadd.s32 @!p1 $0xFFFFFF80;
	s0 =	simm.s32 @!p1 $0x80  }
0x60: {  	[tilespmem:s1], [sflag:$0x1] =	stream.indirect.gather @!p1 [hbm4b:s4+s0], $0x80, s31, s0, $0xb8;
	[tilespmem:$0x1C200] =	vst v63  }
0x61: {  	s0 =	sadd.s32 @!p1 s26, s13  }
0x62: {  	s1 =	simm.s32 @!p1 $0x100;
	s0 =	sadd.s32 @!p1 $0x20, s0  }
0x63: {  	[tilespmem:s1], [sflag:$0x5] =	stream.linear.gather @!p1 [hbm4b:s0+s31], $0x80, $0x38;
	[tilespmem:$0x1C200] =	vst v63  }
0x64: {  	_ =	swait.ge [sflag:s23], $0x80  }
0x65: {  	[sflag:s23] =	ssyncset.done $0x0  }
0x66: {  	[sflag:s23] =	ssyncadd.s32 $0xFFFFFF80  }
0x67: {  	[spmem:s2] =	stream.indirect.scatter.add.f32 [tilespmem:s25], [sflag:$0x7], $0x80, s24, s18, $0xb8;
	[tilespmem:$0x1C200] =	vst v63  }
0x68: {  	_ =	swait.ge [sflag:s17], $0x4000  }
0x69: {  	s26 =	sadd.s32 $0x20, s26;
	s31 =	rddreg [dreg:$0x3]  }
0x6a: {  	p1 =	sne.s32 s31, s26  }
.Ltmp1:
0x6b: {  	_ = 	snop;
	(pc) =	sbr.rel @p1 .LBB2_4-.Ltmp1, $3  }
0x6c: {  	_ =	sdelay $0x1  }
0x6d: {  	[sflag:s17] =	ssyncset.done $0x0  }
0x6e: {  	s28 =	sadd.s32 $0x2, s28;
	[sflag:s17] =	ssyncadd.s32 $0xFFFFC000  }
0x6f: {  	s0 =	sadd.s32 $0xFFFFFFFF, s28  }
0x70: {  	_ =	swait.ge [sflag:s20], $0x4000;
	p1 =	sge.u32 s0, s5  }
0x71: {  	[sflag:s20] =	ssyncset.done $0x0;
	s0 =	sadd.s32 @!p1 s26, s11  }
0x72: {  	[sflag:s20] =	ssyncadd.s32 $0xFFFFC000;
	s1 =	simm.s32 @!p1 $0x0;
	s0 =	sadd.s32 @!p1 $0x20, s0  }
0x73: {  	[tilespmem:s1], [sflag:$0x3] =	stream.linear.gather @!p1 [hbm4b:s0+s1], $0x80, $0x38;
	[tilespmem:$0x1C200] =	vst v63  }
0x74: {  	s0 =	simm.s32 @!p0 $0x4  }
0x75: {  	_ =	swait.ge @!p0 [sflag:s0], $0x80  }
0x76: {  	[sflag:s0] =	ssyncset.done @!p0 $0x0  }
0x77: {  	[sflag:s0] =	ssyncadd.s32 @!p0 $0xFFFFFF80;
	s0 =	simm.s32 @!p0 $0x4200  }
0x78: {  	[tilespmem:s0], [sflag:$0x2] =	stream.indirect.gather @!p0 [hbm4b:s4+s30], $0x80, s30, s30, $0xb8;
	[tilespmem:$0x1C200] =	vst v63  }
0x79: {  	s0 =	sadd.s32 @!p0 s26, s13  }
0x7a: {  	s30 =	simm.s32 @!p0 $0x180;
	s0 =	sadd.s32 @!p0 $0x10, s0  }
0x7b: {  	[tilespmem:s30], [sflag:$0x6] =	stream.linear.gather @!p0 [hbm4b:s0+s29], $0x80, $0x38;
	[tilespmem:$0x1C200] =	vst v63  }
0x7c: {  	_ =	swait.ge [sflag:s21], $0x80  }
0x7d: {  	[sflag:s21] =	ssyncset.done $0x0  }
0x7e: {  	[sflag:s21] =	ssyncadd.s32 $0xFFFFFF80  }
0x7f: {  	[spmem:s2] =	stream.indirect.scatter.add.f32 [tilespmem:s16], [sflag:$0x7], $0x80, s19, s18, $0xb8;
	[tilespmem:$0x1C200] =	vst v63  }
0x80: {  	_ =	swait.ge [sflag:s17], $0x4000  }
0x81: {  	[sflag:s17] =	ssyncset.done $0x0  }
0x82: {  	[sflag:s17] =	ssyncadd.s32 $0xFFFFC000  }
0x83: {  	p0 =	sge.u32 s28, s5;
	_ =	swait.ge [sflag:s22], $0x4000  }
0x84: {  	s0 =	sadd.s32 @!p0 s26, s11;
	s28 =	simm.s32 @!p0 $0x0;
	[sflag:s22] =	ssyncset.done $0x0  }
0x85: {  	s29 =	simm.s32 @!p0 $0x80;
	s0 =	sadd.s32 @!p0 $0x30, s0;
	[sflag:s22] =	ssyncadd.s32 $0xFFFFC000  }
0x86: {  	[tilespmem:s29], [sflag:$0x4] =	stream.linear.gather @!p0 [hbm4b:s0+s28], $0x80, $0x38;
	[tilespmem:$0x1C200] =	vst v63  }
0x87: {  	s0 =	simm.s32 @!p1 $0x3  }
0x88: {  	_ =	swait.ge @!p1 [sflag:s0], $0x80  }
0x89: {  	[sflag:s0] =	ssyncset.done @!p1 $0x0  }
0x8a: {  	s28 =	simm.s32 @!p1 $0x200;
	[sflag:s0] =	ssyncadd.s32 @!p1 $0xFFFFFF80;
	s0 =	simm.s32 @!p1 $0x80  }
0x8b: {  	[tilespmem:s28], [sflag:$0x1] =	stream.indirect.gather @!p1 [hbm4b:s4+s0], $0x80, s1, s0, $0xb8;
	[tilespmem:$0x1C200] =	vst v63  }
0x8c: {  	s0 =	sadd.s32 @!p1 s26, s13  }
0x8d: {  	s26 =	simm.s32 @!p1 $0x100;
	s0 =	sadd.s32 @!p1 $0x20, s0  }
0x8e: {  	[tilespmem:s26], [sflag:$0x5] =	stream.linear.gather @!p1 [hbm4b:s0+s1], $0x80, $0x38;
	[tilespmem:$0x1C200] =	vst v63  }
0x8f: {  	_ =	swait.ge [sflag:s23], $0x80  }
0x90: {  	[sflag:s23] =	ssyncset.done $0x0  }
0x91: {  	[sflag:s23] =	ssyncadd.s32 $0xFFFFFF80  }
0x92: {  	[spmem:s2] =	stream.indirect.scatter.add.f32 [tilespmem:s25], [sflag:$0x7], $0x80, s24, s18, $0xb8;
	[tilespmem:$0x1C200] =	vst v63  }
0x93: {  	s31 =	sshrl.u32 s6, $0x3;
	_ =	swait.ge [sflag:s17], $0x4000  }
0x94: {  	s3 =	sadd.s32 $0x1, s3;
	s30 =	stileid.u32;
	[sflag:s17] =	ssyncset.done $0x0  }
0x95: {  	p0 =	sne.s32 s3, s15;
	s0 =	sshll.u32 s30, $0x6;
	[sflag:s17] =	ssyncadd.s32 $0xFFFFC000  }
.Ltmp2:
0x96: {  	s0 =	sor.u32 $0x1C07, s0;
	[bflag:$0x0] =	sbarrier.arrive $0xFFFF;
	(pc) =	sbr.rel @p0 .LBB2_1-.Ltmp2, $4  }
0x97: {  	[hbm:s14], [sflag:s0] =	dma.local [spmem:s31], $0x2800  }
0x98: {  	_ =	swait.ge [sflag:s17], $0x2800  }
0x99: {  	[sflag:s17] =	ssyncset.done $0x0  }
0x9a: {  	[sflag:s17] =	ssyncadd.s32 $0xFFFFD800  }
0x9b: {  	_ =	sfence.sel $0x180000  }
0x9c: {  	[bflag:$0x0] =	sbarrier.arrive $0xFFFF  }
0x9d: {  	_ =	strace $0x9000004D  }
0x9e: {  	s0 =	stileid.u32;
	[bflag:$0x2] =	sbarrier.arrive $0xFFFF  }
0x9f: {  	p0 =	sne.s32 s0, $0x0;
	s0 =	rddreg [dreg:$0x2]  }
0xa0: {  	s0 =	sadd.s32 @!p0 $0x100000, s0  }
0xa1: {  	[sflag:s0] =	ssyncadd.tile.s32 @!p0 $0x1;
	_ =	shalt  }
.Lfunc_end2:
_tile_overlayer_lowered:
.L_overlay_start_2:
0xa2: {  	(tag) =	ssettag $0x2  }
0xa3: {  	s0 =	rddreg [dreg:$0x0];
	s2 =	stileid.u32  }
0xa4: {  	s1 =	rddreg [dreg:$0x1];
	p0 =	sne.s32 s2, $0x0  }
0xa5: {  	s3 =	rddreg [dreg:$0x2];
	[bflag:$0x3] =	sbarrier.arrive $0xFFFF;
	s2 =	simm.s32 @!p0 $0x1C07  }
0xa6: {  	[timem:s3], [sflag:s2] =	dma.local @!p0 [hbm:s0], s1  }
0xa7: {  	s0 =	simm.s32 @!p0 $0x7  }
0xa8: {  	_ =	swait.ge @!p0 [sflag:s0], s1  }
0xa9: {  	s1 =	ssub.s32 @!p0 $0x0, s1;
	[sflag:s0] =	ssyncset.done @!p0 $0x0  }
0xaa: {  	[sflag:s0] =	ssyncadd.s32 @!p0 s1  }
0xab: {  	[bflag:$0x3] =	sbarrier.arrive $0xFFFF  }
0xac: {  	_ =	shalt  }

// kernel: kernel.21.cloned.1.call-start
scs
__scs_entry_jumppad:
0x0: {  	(pc) =	sbr.rel $0x88, $3  }
0x1: {  	(tag) =	ssettag $0x0;
	lr =	simm.s32 $0x1  }
0x2: {  	[smem:$0x3F8F] =	sst lr;
	_ =	strace $0xD0000000  }
0x3: {  	_ = 	snop  }
0x4: {  	_ = 	snop  }
0x5: {  	_ = 	snop  }
0x6: {  	_ = 	snop  }
0x7: {  	_ = 	snop  }
__scs_overlays_trampoline_lowered:
0x8: {  	[smem:$0x3F9E] =	sst s0  }
0x9: {  	[smem:$0x3F9F] =	sst s1  }
0xa: {  	[smem:$0x3FA0] =	sst s2  }
0xb: {  	[smem:$0x3FA1] =	sst s3  }
0xc: {  	[smem:$0x3FA2] =	sst s4  }
0xd: {  	[smem:$0x3FA3] =	sst s5  }
0xe: {  	[smem:$0x3FA4] =	sst s6  }
0xf: {  	[smem:$0x3FA5] =	sst s7  }
0x10: {  	[smem:$0x3FA6] =	sst s8  }
0x11: {  	[smem:$0x3FA7] =	sst s9;
	s0 =	simm.s32 @!p0 $0x0  }
0x12: {  	s1 =	sld [smem:$0x3F8D];
	s0 =	simm.s32 @p0 $0x1  }
0x13: {  	[smem:$0x3FA8] =	sst s0;
	s0 =	simm.s32 @!p1 $0x0  }
0x14: {  	s2 =	sld [smem:$0x3F8C];
	s0 =	simm.s32 @p1 $0x1  }
0x15: {  	[smem:$0x3FA9] =	sst s0;
	s0 =	simm.s32 @!p2 $0x0  }
0x16: {  	s3 =	sld [smem:$0x3FDB];
	s0 =	simm.s32 @p2 $0x1  }
0x17: {  	s4 =	simm.s32 $0x1BF5;
	[smem:$0x3FAB] =	sst s0  }
0x18: {  	s0 =	sld [smem:$0x3F8E];
	_ =	swait.ge [sflag:s4], $0x0  }
0x19: {  	s7 =	sld [smem:$0x3F8F]  }
0x1a: {  	s8 =	sadd.s32 $0xFFFFE003, lr  }
0x1b: {  	s9 =	sadd.s32 $0xFFFFFEF7, lr;
	s5 =	simm.s32 $0xFFFFFFFF;
	p2 =	slt.u32 s8, $0xFFFFF086  }
0x1c: {  	p1 =	slt.u32 s9, $0xF7A;
	s5 =	simm.s32 @!p2 $0x0  }
0x1d: {  	s5 =	simm.s32 @p1 $0x1;
	p0 =	seq.s32 s7, s2  }
0x1e: {  	s7 =	smul.u32 @!p0 $0xF7A, s2;
	p2 =	seq.s32 @!p0 s5, $0x0  }
0x1f: {  	s9 =	smul.u32 $0xF7A, s1;
	s8 =	simm.s32 @!p0 $0x1BF5;
	p2 =	por !p2, p0  }
0x20: {  	[sflag:s8] =	ssyncset.s32 @!p0 $0xFFFFF086;
	s6 =	sadd.s32 @!p0 s3, s7;
	s7 =	simm.s32 @!p0 $0x108  }
0x21: {  	s3 =	sadd.s32 s3, s9;
	s6 =	sadd.s32 @!p0 $0x88, s6;
	s7 =	simm.s32 @p2 $0x1082  }
0x22: {  	[simem:s7], [sflag:s8] =	dma.local @!p0 [hbm:s6], $0xF7A  }
0x23: {  	s9 =	sor.u32 $0xD0000000, s2;
	s6 =	simm.s32 $0x108;
	_ =	swait.ge @!p0 [sflag:s8], $0x0  }
0x24: {  	s3 =	sadd.s32 $0x88, s3;
	s6 =	simm.s32 @!p1 $0x1082;
	[sflag:s4] =	ssyncset.s32 $0xFFFFF086  }
0x25: {  	[simem:s6], [sflag:s4] =	dma.local [hbm:s3], $0xF7A  }
0x26: {  	[smem:$0x3F8F] =	sst s1;
	(tag) =	ssettag s2;
	_ =	strace s9  }
0x27: {  	s1 =	sld [smem:$0x3F9F]  }
0x28: {  	s2 =	sld [smem:$0x3FA0]  }
0x29: {  	s4 =	sld [smem:$0x3FA2]  }
0x2a: {  	p0 =	seq.s32 s5, $0x0;
	s5 =	sld [smem:$0x3FA3]  }
0x2b: {  	s6 =	sld [smem:$0x3FA4]  }
0x2c: {  	s7 =	sld [smem:$0x3FA5]  }
0x2d: {  	s3 =	simm.s32 $0x108;
	s8 =	sld [smem:$0x3FA6]  }
0x2e: {  	s3 =	simm.s32 @!p0 $0x1082;
	s9 =	sld [smem:$0x3FA7]  }
0x2f: {  	lr =	sadd.s32 s0, s3;
	s0 =	sld [smem:$0x3F9E]  }
0x30: {  	s3 =	sld [smem:$0x3FA1]  }
0x31: {  	[smem:$0x3FAA] =	sst s10  }
0x32: {  	s10 =	sld [smem:$0x3FA8];
	_ =	sdelay $0x3  }
0x33: {  	p0 =	seq.s32 s10, $0x1;
	s10 =	sld [smem:$0x3FAA];
	_ =	sdelay $0x3  }
0x34: {  	[smem:$0x3FAA] =	sst s10  }
0x35: {  	s10 =	sld [smem:$0x3FA9];
	_ =	sdelay $0x3  }
0x36: {  	p1 =	seq.s32 s10, $0x1;
	s10 =	sld [smem:$0x3FAA];
	_ =	sdelay $0x3  }
0x37: {  	[smem:$0x3FAA] =	sst s10  }
0x38: {  	s10 =	sld [smem:$0x3FAB]  }
0x39: {  	_ = 	snop;
	(pc) =	sbr.ind lr, $3  }
0x3a: {  	_ = 	snop  }
0x3b: {  	_ = 	snop  }
0x3c: {  	p2 =	seq.s32 s10, $0x1;
	s10 =	sld [smem:$0x3FAA]  }
0x3d: {  	_ =	shalt  }
0x3e: {  	_ =	shalt  }
0x3f: {  	_ =	shalt  }
0x40: {  	_ =	shalt  }
0x41: {  	_ =	shalt  }
0x42: {  	_ =	shalt  }
0x43: {  	_ =	shalt  }
0x44: {  	_ =	shalt  }
0x45: {  	_ =	shalt  }
0x46: {  	_ =	shalt  }
0x47: {  	_ =	shalt  }
0x48: {  	_ =	shalt  }
0x49: {  	_ =	shalt  }
0x4a: {  	_ =	shalt  }
0x4b: {  	_ =	shalt  }
0x4c: {  	_ =	shalt  }
0x4d: {  	_ =	shalt  }
0x4e: {  	_ =	shalt  }
0x4f: {  	_ =	shalt  }
0x50: {  	_ =	shalt  }
0x51: {  	_ =	shalt  }
0x52: {  	_ =	shalt  }
0x53: {  	_ =	shalt  }
0x54: {  	_ =	shalt  }
0x55: {  	_ =	shalt  }
0x56: {  	_ =	shalt  }
0x57: {  	_ =	shalt  }
0x58: {  	_ =	shalt  }
0x59: {  	_ =	shalt  }
0x5a: {  	_ =	shalt  }
0x5b: {  	_ =	shalt  }
0x5c: {  	_ =	shalt  }
0x5d: {  	_ =	shalt  }
0x5e: {  	_ =	shalt  }
0x5f: {  	_ =	shalt  }
0x60: {  	_ =	shalt  }
0x61: {  	_ =	shalt  }
0x62: {  	_ =	shalt  }
0x63: {  	_ =	shalt  }
0x64: {  	_ =	shalt  }
0x65: {  	_ =	shalt  }
0x66: {  	_ =	shalt  }
0x67: {  	_ =	shalt  }
0x68: {  	_ =	shalt  }
0x69: {  	_ =	shalt  }
0x6a: {  	_ =	shalt  }
0x6b: {  	_ =	shalt  }
0x6c: {  	_ =	shalt  }
0x6d: {  	_ =	shalt  }
0x6e: {  	_ =	shalt  }
0x6f: {  	_ =	shalt  }
0x70: {  	_ =	shalt  }
0x71: {  	_ =	shalt  }
0x72: {  	_ =	shalt  }
0x73: {  	_ =	shalt  }
0x74: {  	_ =	shalt  }
0x75: {  	_ =	shalt  }
0x76: {  	_ =	shalt  }
0x77: {  	_ =	shalt  }
0x78: {  	_ =	shalt  }
0x79: {  	_ =	shalt  }
0x7a: {  	_ =	shalt  }
0x7b: {  	_ =	shalt  }
0x7c: {  	_ =	shalt  }
0x7d: {  	_ =	shalt  }
0x7e: {  	_ =	shalt  }
0x7f: {  	_ =	shalt  }
0x80: {  	_ =	shalt  }
0x81: {  	_ =	shalt  }
0x82: {  	_ =	shalt  }
0x83: {  	_ =	shalt  }
0x84: {  	_ =	shalt  }
0x85: {  	_ =	shalt  }
0x86: {  	_ =	shalt  }
0x87: {  	_ =	shalt  }
.Lfunc_end0:
.L_simem_size_0:
called_computation.3_lowered:
.L_overlay_start_0:
0x88: {  	s2 =	sld [smem:$0x3FD9]  }
0x89: {  	s3 =	sld [smem:$0x3FFE];
	_ =	sdelay $0x1  }
0x8a: {  	s1 =	srdreg.scid  }
0x8b: {  	s0 =	sand.u32 $0x1, s1  }
0x8c: {  	s16 =	sshll.u32 s0, $0xA;
	s2 =	sadd.s32 s3, s2  }
0x8d: {  	s2 =	sadd.s32 s2, s16  }
0x8e: {  	[smem:$0x3FB6] =	sst s2  }
0x8f: {  	_ = 	snop  }
0x90: {  	(tm) =	ssettm $0x1  }
0x91: {  	s17 =	sld [smem:$0x3FFB];
	_ =	sdelay $0x3  }
0x92: {  	_ =	strace s17  }
0x93: {  	s2 =	sld [smem:$0x3FFC];
	_ =	sdelay $0x3  }
0x94: {  	_ =	strace s2  }
0x95: {  	s2 =	sld [smem:$0x3FFD];
	_ =	sdelay $0x3  }
0x96: {  	_ =	strace s2  }
0x97: {  	_ =	strace $0x8FFFFFFF  }
0x98: {  	s18 =	sld [smem:$0x3FDB];
	_ =	sdelay $0x1  }
0x99: {  	s19 =	simm.s32 $_scs_section_size  }
0x9a: {  	s4 =	simm.s32 $_size__tile_overlayer_lowered;
	s5 =	simm.s32 $_tile_overlayer_lowered  }
0x9b: {  	s22 =	simm.s32 $0x1BFF;
	s21 =	sshll.u32 s5, $0x1;
	s2 =	sadd.s32 s19, s18  }
0x9c: {  	s6 =	simm.s32 $0x0;
	s20 =	sshll.u32 s4, $0x1;
	s4 =	sadd.s32 s21, s2  }
0x9d: {  	[timem:s6], [sflag:s22] =	dma.local [hbm:s4], s20  }
0x9e: {  	_ =	swait.ge [sflag:s22], s20  }
0x9f: {  	s3 =	ssub.s32 $0x0, s20;
	[sflag:s22] =	ssyncset.done $0x0  }
0xa0: {  	[sflag:s22] =	ssyncadd.s32 s3;
	_ =	sdelay $0x1  }
0xa1: {  	s23 =	simm.s32 $0x1B8B  }
0xa2: {  	_ =	swait.ge [sflag:s23], $0x1  }
0xa3: {  	[sflag:s23] =	ssyncset.done $0x0  }
0xa4: {  	s25 =	simm.s32 $0x1B8E;
	s24 =	sld [smem:$0x3FFE];
	[sflag:s23] =	ssyncadd.s32 $0xFFFFFFFF  }
0xa5: {  	s26 =	simm.s32 $execute0_lowered;
	[smem:$0x3FD2] =	sst s25  }
0xa6: {  	s4 =	sshll.u32 s26, $0x1;
	_ =	strace $0x8000004F;
	[dreg:$0x1] =	wrdreg $0xFFFFFFFF  }
0xa7: {  	s28 =	simm.s32 $_size_execute0_lowered;
	s2 =	sadd.s32 s2, s4;
	[dreg:$0x0] =	wrdreg $0x0  }
0xa8: {  	s4 =	sshll.u32 s28, $0x1;
	[dreg:$0x2] =	wrdreg s2  }
0xa9: {  	[dreg:$0x3] =	wrdreg s4  }
0xaa: {  	[dreg:$0x4] =	wrdreg $0xC0  }
0xab: {  	_ =	task [dreg:s6], $0x5FFFF  }
0xac: {  	[dreg:$0x1] =	wrdreg $0xFFFFFFFF  }
0xad: {  	[dreg:$0x0] =	wrdreg $0x60  }
0xae: {  	[dreg:$0x2] =	wrdreg s24  }
0xaf: {  	[dreg:$0x3] =	wrdreg $0x82000  }
0xb0: {  	[dreg:$0x4] =	wrdreg $0x9  }
0xb1: {  	_ =	task.clear_ibuf [dreg:s6], $0x5FFFF;
	_ =	strace $0x9000004F  }
0xb2: {  	s29 =	simm.s32 $0x9;
	_ =	strace $0x80000051  }
0xb3: {  	_ =	swait.ge [sflag:s29], $0x1  }
0xb4: {  	[sflag:s29] =	ssyncadd.s32 $0xFFFFFFFF  }
0xb5: {  	_ =	strace $0x90000051  }
0xb6: {  	_ =	sfence  }
0xb7: {  	s30 =	sld [smem:$0x0];
	_ =	sdelay $0x2  }
0xb8: {  	s31 =	sshll.u32 s1, $0xD;
	s1 =	sshrl.u32 s1, $0x2  }
0xb9: {  	s3 =	sand.u32 $0x4000, s31;
	s1 =	sadd.s32 s1, s30  }
0xba: {  	s0 =	sor.u32 s3, s0;
	s1 =	sshll.u32 s1, $0x11  }
0xbb: {  	s0 =	sor.u32 s1, s0  }
0xbc: {  	s0 =	sadd.s32 $0x8F2B, s0  }
0xbd: {  	[sflag:s0] =	ssyncadd.remote.s32 $0x1  }
0xbe: {  	_ =	sfence.sel $0xFFFF  }
0xbf: {  	[dreg:$0x0] =	wrdreg $0xFFFFFFFF;
	(pc) =	sbr.abs _section_cstart, $3  }
0xc0: {  	[dreg:$0x1] =	wrdreg $0xFFFFFFFF  }
0xc1: {  	_ =	task.clear_ibuf [dreg:s6], $0x2FFFF;
	_ =	strace $0x9FFFFFFF  }
0xc2: {  	(tm) =	ssettm $0x7FFFFFFF  }
0xc3: {  	_ =	shalt  }
tec
execute0_lowered:
.L_overlay_start_1:
0x0: {  	(tag) =	ssettag $0x1  }
0x1: {  	s5 =	rddreg [dreg:$0x0]  }
0x2: {  	s2 =	rddreg [dreg:$0x1]  }
0x3: {  	s0 =	stileid.u32;
	s3 =	simm.s32 $0x0;
	s4 =	srdreg.scid  }
0x4: {  	s17 =	simm.s32 $0x7;
	s18 =	simm.s32 $0x80;
	s19 =	simm.s32 $0x100  }
0x5: {  	s20 =	simm.s32 $0x1;
	s21 =	simm.s32 $0x5;
	s6 =	smul.u32 $0x14, s0  }
0x6: {  	s22 =	simm.s32 $0x2;
	s7 =	sand.u32 $0x1, s4;
	s4 =	smul.u32 $0x8C, s0  }
0x7: {  	s23 =	simm.s32 $0x6;
	s24 =	simm.s32 $0x180;
	s8 =	smul.u32 $0x2800, s0  }
0x8: {  	s25 =	simm.s32 $0x4200;
	[smem:$0x7FF] =	sst s3;
	s10 =	smul.u32 $0x50000, s0  }
0x9: {  	p0 =	seq.s32 s7, $0x0;
	s9 =	smul.u32 $0x28000, s7;
	_ =	strace $0x80000050  }
0xa: {  	s7 =	ssub.s32 $0x2, s7;
	s6 =	sadd.s32 $0x8C0, s6;
	s30 =	sshrl.u32 s10, $0x2  }
0xb: {  	s31 =	sshrl.u32 s7, $0x1;
	s6 =	smov.u32 @p0 s4;
	s4 =	sadd.s32 $0x6A600, s5  }
0xc: {  	s29 =	sadd.s32 s8, s9;
	s15 =	ssub.s32 s7, s31;
	s6 =	sshll.u32 s6, $0x4  }
0xd: {  	s14 =	sadd.s32 s29, s5;
	s15 =	smax.u32 s15, $0x1;
	s13 =	sadd.s32 s6, s5  }
0xe: {  	s5 =	simm.s32 $0x8C;
	s6 =	sadd.s32 s30, s2;
	s14 =	sadd.s32 $0x92600, s14  }
0xf: {  	s5 =	simm.s32 @!p0 $0x14;
	s7 =	sadd.s32 $0x4000, s6;
	s8 =	sadd.s32 $0x8000, s6  }
0x10: {  	s9 =	sadd.s32 $0xC000, s6;
	s10 =	sadd.s32 $0x10000, s6;
	s16 =	sshll.u32 s5, $0x4  }
0x11: {  	s11 =	sadd.s32 $0x60600, s13;
	s12 =	sadd.s32 $0x60610, s13;
	s16 =	sadd.s32 $0xFFFFFFE0, s16  }
0x12: {  	v0 =	vimm.f32 $0.0e+00;
	s13 =	sadd.s32 $0x6600, s13;
	[dreg:$0x3] =	wrdreg s16;
	s16 =	simm.s32 $0x200  }
.LBB2_1:
0x13: {  	s26 =	simm.s32 $0x0;
	s28 =	simm.s32 $0x200  }
.LBB2_2:
0x14: {  	p0 =	sne.s32 s28, $0xFE00;
	[tilespmem:s26+$0x270] =	vst v0  }
0x15: {  	[tilespmem:s26+$0x200] =	vst v0  }
0x16: {  	[tilespmem:s26+$0x210] =	vst v0  }
.Ltmp0:
0x17: {  	[tilespmem:s26+$0x220] =	vst v0;
	(pc) =	sbr.rel @p0 .LBB2_2-.Ltmp0, $4  }
0x18: {  	[tilespmem:s26+$0x230] =	vst v0  }
0x19: {  	[tilespmem:s26+$0x240] =	vst v0  }
0x1a: {  	[tilespmem:s26+$0x250] =	vst v0  }
0x1b: {  	[tilespmem:s26+$0x260] =	vst v0;
	s26 =	sshra.s32 s28, $0x2;
	s28 =	sadd.s32 $0x200, s28  }
0x1c: {  	[tilespmem:s26+$0x270] =	vst v0  }
0x1d: {  	[tilespmem:s26+$0x200] =	vst v0  }
0x1e: {  	[tilespmem:s26+$0x210] =	vst v0  }
0x1f: {  	[tilespmem:s26+$0x220] =	vst v0  }
0x20: {  	[tilespmem:s26+$0x230] =	vst v0  }
0x21: {  	[tilespmem:s26+$0x240] =	vst v0  }
0x22: {  	[tilespmem:s26+$0x250] =	vst v0  }
0x23: {  	[tilespmem:s26+$0x260] =	vst v0  }
0x24: {  	[spmem:s6] =	stream.linear.scatter [tilespmem:s16], [sflag:$0x7], $0x4000, $0x38;
	[tilespmem:$0x1C200] =	vst v63  }
0x25: {  	_ =	swait.ge [sflag:s17], $0x4000  }
0x26: {  	[sflag:s17] =	ssyncset.done $0x0  }
0x27: {  	[sflag:s17] =	ssyncadd.s32 $0xFFFFC000  }
0x28: {  	[spmem:s7] =	stream.linear.scatter [tilespmem:s16], [sflag:$0x7], $0x4000, $0x38;
	[tilespmem:$0x1C200] =	vst v63  }
0x29: {  	_ =	swait.ge [sflag:s17], $0x4000  }
0x2a: {  	[sflag:s17] =	ssyncset.done $0x0  }
0x2b: {  	[sflag:s17] =	ssyncadd.s32 $0xFFFFC000  }
0x2c: {  	[spmem:s8] =	stream.linear.scatter [tilespmem:s16], [sflag:$0x7], $0x4000, $0x38;
	[tilespmem:$0x1C200] =	vst v63  }
0x2d: {  	_ =	swait.ge [sflag:s17], $0x4000  }
0x2e: {  	[sflag:s17] =	ssyncset.done $0x0  }
0x2f: {  	[sflag:s17] =	ssyncadd.s32 $0xFFFFC000  }
0x30: {  	[spmem:s9] =	stream.linear.scatter [tilespmem:s16], [sflag:$0x7], $0x4000, $0x38;
	[tilespmem:$0x1C200] =	vst v63  }
0x31: {  	_ =	swait.ge [sflag:s17], $0x4000  }
0x32: {  	[sflag:s17] =	ssyncset.done $0x0  }
0x33: {  	[sflag:s17] =	ssyncadd.s32 $0xFFFFC000  }
0x34: {  	[spmem:s10] =	stream.linear.scatter [tilespmem:s16], [sflag:$0x7], $0x4000, $0x38;
	[tilespmem:$0x1C200] =	vst v63  }
0x35: {  	_ =	swait.ge [sflag:s17], $0x4000  }
0x36: {  	[sflag:s17] =	ssyncset.done $0x0  }
0x37: {  	[sflag:s17] =	ssyncadd.s32 $0xFFFFC000  }
0x38: {  	s26 =	simm.s32 $0x0;
	[bflag:$0x0] =	sbarrier.arrive $0xFFFF  }
0x39: {  	[tilespmem:s26], [sflag:$0x7] =	stream.linear.gather [hbm4b:s11+s26], $0x80, $0x38;
	[tilespmem:$0x1C200] =	vst v63  }
0x3a: {  	_ =	swait.ge [sflag:s17], $0x80  }
0x3b: {  	[sflag:s17] =	ssyncset.done $0x0  }
0x3c: {  	[sflag:s17] =	ssyncadd.s32 $0xFFFFFF80  }
0x3d: {  	[tilespmem:s16], [sflag:$0x1] =	stream.indirect.gather [hbm4b:s4+s18], $0x80, s26, s18, $0xb8;
	[tilespmem:$0x1C200] =	vst v63  }
0x3e: {  	_ = 	snop  }
0x3f: {  	[tilespmem:s18], [sflag:$0x4] =	stream.linear.gather [hbm4b:s12+s26], $0x80, $0x38;
	[tilespmem:$0x1C200] =	vst v63  }
0x40: {  	s28 =	simm.s32 $0x3  }
0x41: {  	[tilespmem:s19], [sflag:$0x5] =	stream.linear.gather [hbm4b:s13+s26], $0x80, $0x38;
	[tilespmem:$0x1C200] =	vst v63  }
.LBB2_4:
0x42: {  	s29 =	sadd.s32 $0xFFFFFFFF, s28  }
0x43: {  	_ =	swait.ge [sflag:s20], $0x4000;
	p1 =	sge.u32 s29, s5  }
0x44: {  	[sflag:s20] =	ssyncset.done $0x0;
	s29 =	sadd.s32 @!p1 s26, s11  }
0x45: {  	[sflag:s20] =	ssyncadd.s32 $0xFFFFC000;
	s31 =	simm.s32 @!p1 $0x0;
	s29 =	sadd.s32 @!p1 $0x20, s29  }
0x46: {  	[tilespmem:s31], [sflag:$0x3] =	stream.linear.gather @!p1 [hbm4b:s29+s31], $0x80, $0x38;
	[tilespmem:$0x1C200] =	vst v63  }
0x47: {  	s29 =	sadd.s32 $0xFFFFFFFE, s28  }
0x48: {  	p0 =	sge.u32 s29, s5  }
0x49: {  	s29 =	simm.s32 @!p0 $0x4  }
0x4a: {  	_ =	swait.ge @!p0 [sflag:s29], $0x80  }
0x4b: {  	[sflag:s29] =	ssyncset.done @!p0 $0x0  }
0x4c: {  	s30 =	simm.s32 @!p0 $0x4200;
	[sflag:s29] =	ssyncadd.s32 @!p0 $0xFFFFFF80;
	s29 =	simm.s32 @!p0 $0x80  }
0x4d: {  	[tilespmem:s30], [sflag:$0x2] =	stream.indirect.gather @!p0 [hbm4b:s4+s29], $0x80, s29, s29, $0xb8;
	[tilespmem:$0x1C200] =	vst v63  }
0x4e: {  	s29 =	sadd.s32 @!p0 s26, s13  }
0x4f: {  	s0 =	simm.s32 @!p0 $0x180;
	s30 =	simm.s32 @!p0 $0x0;
	s29 =	sadd.s32 @!p0 $0x10, s29  }
0x50: {  	[tilespmem:s0], [sflag:$0x6] =	stream.linear.gather @!p0 [hbm4b:s29+s30], $0x80, $0x38;
	[tilespmem:$0x1C200] =	vst v63  }
0x51: {  	_ =	swait.ge [sflag:s21], $0x80  }
0x52: {  	[sflag:s21] =	ssyncset.done $0x0  }
0x53: {  	[sflag:s21] =	ssyncadd.s32 $0xFFFFFF80  }
0x54: {  	[spmem:s2] =	stream.indirect.scatter.add.f32 [tilespmem:s16], [sflag:$0x7], $0x80, s19, s18, $0xb8;
	[tilespmem:$0x1C200] =	vst v63  }
0x55: {  	_ =	swait.ge [sflag:s17], $0x4000  }
0x56: {  	[sflag:s17] =	ssyncset.done $0x0  }
0x57: {  	[sflag:s17] =	ssyncadd.s32 $0xFFFFC000  }
0x58: {  	p0 =	sge.u32 s28, s5;
	_ =	swait.ge [sflag:s22], $0x4000  }
0x59: {  	s0 =	sadd.s32 @!p0 s26, s11;
	s29 =	simm.s32 @!p0 $0x0;
	[sflag:s22] =	ssyncset.done $0x0  }
0x5a: {  	s30 =	simm.s32 @!p0 $0x80;
	s0 =	sadd.s32 @!p0 $0x30, s0;
	[sflag:s22] =	ssyncadd.s32 $0xFFFFC000  }
0x5b: {  	[tilespmem:s30], [sflag:$0x4] =	stream.linear.gather @!p0 [hbm4b:s0+s29], $0x80, $0x38;
	[tilespmem:$0x1C200] =	vst v63  }
0x5c: {  	s0 =	simm.s32 @!p1 $0x3  }
0x5d: {  	_ =	swait.ge @!p1 [sflag:s0], $0x80  }
0x5e: {  	[sflag:s0] =	ssyncset.done @!p1 $0x0  }
0x5f: {  	s1 =	simm.s32 @!p1 $0x200;
	[sflag:s0] =	ssyncadd.s32 @!p1 $0xFFFFFF80;
	s0 =	simm.s32 @!p1 $0x80  }
0x60: {  	[tilespmem:s1], [sflag:$0x1] =	stream.indirect.gather @!p1 [hbm4b:s4+s0], $0x80, s31, s0, $0xb8;
	[tilespmem:$0x1C200] =	vst v63  }
0x61: {  	s0 =	sadd.s32 @!p1 s26, s13  }
0x62: {  	s1 =	simm.s32 @!p1 $0x100;
	s0 =	sadd.s32 @!p1 $0x20, s0  }
0x63: {  	[tilespmem:s1], [sflag:$0x5] =	stream.linear.gather @!p1 [hbm4b:s0+s31], $0x80, $0x38;
	[tilespmem:$0x1C200] =	vst v63  }
0x64: {  	_ =	swait.ge [sflag:s23], $0x80  }
0x65: {  	[sflag:s23] =	ssyncset.done $0x0  }
0x66: {  	[sflag:s23] =	ssyncadd.s32 $0xFFFFFF80  }
0x67: {  	[spmem:s2] =	stream.indirect.scatter.add.f32 [tilespmem:s25], [sflag:$0x7], $0x80, s24, s18, $0xb8;
	[tilespmem:$0x1C200] =	vst v63  }
0x68: {  	_ =	swait.ge [sflag:s17], $0x4000  }
0x69: {  	s26 =	sadd.s32 $0x20, s26;
	s31 =	rddreg [dreg:$0x3]  }
0x6a: {  	p1 =	sne.s32 s31, s26  }
.Ltmp1:
0x6b: {  	_ = 	snop;
	(pc) =	sbr.rel @p1 .LBB2_4-.Ltmp1, $3  }
0x6c: {  	_ =	sdelay $0x1  }
0x6d: {  	[sflag:s17] =	ssyncset.done $0x0  }
0x6e: {  	s28 =	sadd.s32 $0x2, s28;
	[sflag:s17] =	ssyncadd.s32 $0xFFFFC000  }
0x6f: {  	s0 =	sadd.s32 $0xFFFFFFFF, s28  }
0x70: {  	_ =	swait.ge [sflag:s20], $0x4000;
	p1 =	sge.u32 s0, s5  }
0x71: {  	[sflag:s20] =	ssyncset.done $0x0;
	s0 =	sadd.s32 @!p1 s26, s11  }
0x72: {  	[sflag:s20] =	ssyncadd.s32 $0xFFFFC000;
	s1 =	simm.s32 @!p1 $0x0;
	s0 =	sadd.s32 @!p1 $0x20, s0  }
0x73: {  	[tilespmem:s1], [sflag:$0x3] =	stream.linear.gather @!p1 [hbm4b:s0+s1], $0x80, $0x38;
	[tilespmem:$0x1C200] =	vst v63  }
0x74: {  	s0 =	simm.s32 @!p0 $0x4  }
0x75: {  	_ =	swait.ge @!p0 [sflag:s0], $0x80  }
0x76: {  	[sflag:s0] =	ssyncset.done @!p0 $0x0  }
0x77: {  	[sflag:s0] =	ssyncadd.s32 @!p0 $0xFFFFFF80;
	s0 =	simm.s32 @!p0 $0x4200  }
0x78: {  	[tilespmem:s0], [sflag:$0x2] =	stream.indirect.gather @!p0 [hbm4b:s4+s30], $0x80, s30, s30, $0xb8;
	[tilespmem:$0x1C200] =	vst v63  }
0x79: {  	s0 =	sadd.s32 @!p0 s26, s13  }
0x7a: {  	s30 =	simm.s32 @!p0 $0x180;
	s0 =	sadd.s32 @!p0 $0x10, s0  }
0x7b: {  	[tilespmem:s30], [sflag:$0x6] =	stream.linear.gather @!p0 [hbm4b:s0+s29], $0x80, $0x38;
	[tilespmem:$0x1C200] =	vst v63  }
0x7c: {  	_ =	swait.ge [sflag:s21], $0x80  }
0x7d: {  	[sflag:s21] =	ssyncset.done $0x0  }
0x7e: {  	[sflag:s21] =	ssyncadd.s32 $0xFFFFFF80  }
0x7f: {  	[spmem:s2] =	stream.indirect.scatter.add.f32 [tilespmem:s16], [sflag:$0x7], $0x80, s19, s18, $0xb8;
	[tilespmem:$0x1C200] =	vst v63  }
0x80: {  	_ =	swait.ge [sflag:s17], $0x4000  }
0x81: {  	[sflag:s17] =	ssyncset.done $0x0  }
0x82: {  	[sflag:s17] =	ssyncadd.s32 $0xFFFFC000  }
0x83: {  	p0 =	sge.u32 s28, s5;
	_ =	swait.ge [sflag:s22], $0x4000  }
0x84: {  	s0 =	sadd.s32 @!p0 s26, s11;
	s28 =	simm.s32 @!p0 $0x0;
	[sflag:s22] =	ssyncset.done $0x0  }
0x85: {  	s29 =	simm.s32 @!p0 $0x80;
	s0 =	sadd.s32 @!p0 $0x30, s0;
	[sflag:s22] =	ssyncadd.s32 $0xFFFFC000  }
0x86: {  	[tilespmem:s29], [sflag:$0x4] =	stream.linear.gather @!p0 [hbm4b:s0+s28], $0x80, $0x38;
	[tilespmem:$0x1C200] =	vst v63  }
0x87: {  	s0 =	simm.s32 @!p1 $0x3  }
0x88: {  	_ =	swait.ge @!p1 [sflag:s0], $0x80  }
0x89: {  	[sflag:s0] =	ssyncset.done @!p1 $0x0  }
0x8a: {  	s28 =	simm.s32 @!p1 $0x200;
	[sflag:s0] =	ssyncadd.s32 @!p1 $0xFFFFFF80;
	s0 =	simm.s32 @!p1 $0x80  }
0x8b: {  	[tilespmem:s28], [sflag:$0x1] =	stream.indirect.gather @!p1 [hbm4b:s4+s0], $0x80, s1, s0, $0xb8;
	[tilespmem:$0x1C200] =	vst v63  }
0x8c: {  	s0 =	sadd.s32 @!p1 s26, s13  }
0x8d: {  	s26 =	simm.s32 @!p1 $0x100;
	s0 =	sadd.s32 @!p1 $0x20, s0  }
0x8e: {  	[tilespmem:s26], [sflag:$0x5] =	stream.linear.gather @!p1 [hbm4b:s0+s1], $0x80, $0x38;
	[tilespmem:$0x1C200] =	vst v63  }
0x8f: {  	_ =	swait.ge [sflag:s23], $0x80  }
0x90: {  	[sflag:s23] =	ssyncset.done $0x0  }
0x91: {  	[sflag:s23] =	ssyncadd.s32 $0xFFFFFF80  }
0x92: {  	[spmem:s2] =	stream.indirect.scatter.add.f32 [tilespmem:s25], [sflag:$0x7], $0x80, s24, s18, $0xb8;
	[tilespmem:$0x1C200] =	vst v63  }
0x93: {  	s31 =	sshrl.u32 s6, $0x3;
	_ =	swait.ge [sflag:s17], $0x4000  }
0x94: {  	s3 =	sadd.s32 $0x1, s3;
	s30 =	stileid.u32;
	[sflag:s17] =	ssyncset.done $0x0  }
0x95: {  	p0 =	sne.s32 s3, s15;
	s0 =	sshll.u32 s30, $0x6;
	[sflag:s17] =	ssyncadd.s32 $0xFFFFC000  }
.Ltmp2:
0x96: {  	s0 =	sor.u32 $0x1C07, s0;
	[bflag:$0x0] =	sbarrier.arrive $0xFFFF;
	(pc) =	sbr.rel @p0 .LBB2_1-.Ltmp2, $4  }
0x97: {  	[hbm:s14], [sflag:s0] =	dma.local [spmem:s31], $0x2800  }
0x98: {  	_ =	swait.ge [sflag:s17], $0x2800  }
0x99: {  	[sflag:s17] =	ssyncset.done $0x0  }
0x9a: {  	[sflag:s17] =	ssyncadd.s32 $0xFFFFD800  }
0x9b: {  	_ =	sfence.sel $0x180000  }
0x9c: {  	[bflag:$0x0] =	sbarrier.arrive $0xFFFF  }
0x9d: {  	_ =	strace $0x90000050  }
0x9e: {  	s0 =	stileid.u32;
	[bflag:$0x2] =	sbarrier.arrive $0xFFFF  }
0x9f: {  	p0 =	sne.s32 s0, $0x0;
	s0 =	rddreg [dreg:$0x2]  }
0xa0: {  	s0 =	sadd.s32 @!p0 $0x100000, s0  }
0xa1: {  	[sflag:s0] =	ssyncadd.tile.s32 @!p0 $0x1;
	_ =	shalt  }
.Lfunc_end2:
_tile_overlayer_lowered:
.L_overlay_start_2:
0xa2: {  	(tag) =	ssettag $0x2  }
0xa3: {  	s0 =	rddreg [dreg:$0x0];
	s2 =	stileid.u32  }
0xa4: {  	s1 =	rddreg [dreg:$0x1];
	p0 =	sne.s32 s2, $0x0  }
0xa5: {  	s3 =	rddreg [dreg:$0x2];
	[bflag:$0x3] =	sbarrier.arrive $0xFFFF;
	s2 =	simm.s32 @!p0 $0x1C07  }
0xa6: {  	[timem:s3], [sflag:s2] =	dma.local @!p0 [hbm:s0], s1  }
0xa7: {  	s0 =	simm.s32 @!p0 $0x7  }
0xa8: {  	_ =	swait.ge @!p0 [sflag:s0], s1  }
0xa9: {  	s1 =	ssub.s32 @!p0 $0x0, s1;
	[sflag:s0] =	ssyncset.done @!p0 $0x0  }
0xaa: {  	[sflag:s0] =	ssyncadd.s32 @!p0 s1  }
0xab: {  	[bflag:$0x3] =	sbarrier.arrive $0xFFFF  }
0xac: {  	_ =	shalt  }

</sc_bundles>
